<compile_context>
chip_gen: v7x
topology: tpu7x:2x2x1
jax: 0.10.2.dev20260603
libtpu: 0.0.44.dev20260713+nightly
codegen_flags: <defaults>
</compile_context>

<pallas_src>
import jax
import jax.numpy as jnp
from jax import lax
from jax.experimental import pallas as pl
from jax.experimental.pallas import tpu as pltpu
from jax.experimental.pallas import tpu_sc as plsc

_N = 10000
_E = 320000
_F = 128
_G = 64
_C = 10

_NC, _NS = 2, 16
_NW = _NC * _NS
_CHUNK = 128
_CPT = 80
_HCPT = _CPT // 2
_EPW = _CPT * _CHUNK
_EREAL = _E // _NW
_EDUM = _EPW - _EREAL
_NPAD = 10240
_RPT = _NPAD // _NS
_BLK = 1024
_NBLK = _NPAD // _BLK

_f32 = jnp.float32



def _sc_mesh():
    return plsc.VectorSubcoreMesh(
        core_axis_name="c", subcore_axis_name="s",
        num_cores=_NC, num_subcores=_NS)


def _sc_deg_body(dsts, ones_h, zeros_h, out, dst_v, ones_v, acc):
    cid = lax.axis_index("c")
    sid = lax.axis_index("s")
    wid = cid * _NS + sid
    pltpu.sync_copy(zeros_h, acc.at[pl.ds(sid * _RPT, _RPT)])
    pltpu.sync_copy(dsts.at[wid], dst_v)
    pltpu.sync_copy(ones_h, ones_v)
    plsc.subcore_barrier()

    def step(k, carry):
        pltpu.sync_copy(ones_v, acc.at[dst_v.at[k]], add=True)
        return carry

    lax.fori_loop(0, _CPT, step, 0)
    plsc.subcore_barrier()
    pltpu.sync_copy(acc.at[pl.ds(sid * _RPT, _RPT)],
                    out.at[cid, pl.ds(sid * _RPT, _RPT)])


def _sc_scatter_body(hs, srcs, dsts, zeros_h, out,
                     src_v, dst_v, rows_a, rows_b, sem_ga, sem_gb, acc):
    cid = lax.axis_index("c")
    sid = lax.axis_index("s")
    wid = cid * _NS + sid
    pltpu.sync_copy(zeros_h, acc.at[pl.ds(sid * _RPT, _RPT)])
    plsc.subcore_barrier()

    def step(k, carry):
        j0 = 2 * k
        j1 = j0 + 1
        pltpu.make_async_copy(hs.at[src_v.at[j0]], rows_a, sem_ga).wait()
        pltpu.sync_copy(rows_a, acc.at[dst_v.at[j0]], add=True)

        @pl.when(j1 + 1 < _HCPT)
        def _refill_a():
            pltpu.async_copy(hs.at[src_v.at[j1 + 1]], rows_a, sem_ga)

        pltpu.make_async_copy(hs.at[src_v.at[j1]], rows_b, sem_gb).wait()
        pltpu.sync_copy(rows_b, acc.at[dst_v.at[j1]], add=True)

        @pl.when(j1 + 2 < _HCPT)
        def _refill_b():
            pltpu.async_copy(hs.at[src_v.at[j1 + 2]], rows_b, sem_gb)

        return carry

    for h in range(_CPT // _HCPT):
        pltpu.sync_copy(srcs.at[wid, pl.ds(h * _HCPT, _HCPT)], src_v)
        pltpu.sync_copy(dsts.at[wid, pl.ds(h * _HCPT, _HCPT)], dst_v)
        pltpu.async_copy(hs.at[src_v.at[0]], rows_a, sem_ga)
        pltpu.async_copy(hs.at[src_v.at[1]], rows_b, sem_gb)
        lax.fori_loop(0, _HCPT // 2, step, 0)
    plsc.subcore_barrier()
    pltpu.sync_copy(acc.at[pl.ds(sid * _RPT, _RPT)],
                    out.at[cid, pl.ds(sid * _RPT, _RPT)])


def _sc_deg(dst3, ones_rows, zrows):
    return pl.kernel(
        _sc_deg_body,
        out_type=jax.ShapeDtypeStruct((_NC, _NPAD, _F), _f32),
        mesh=_sc_mesh(),
        scratch_types=[
            pltpu.VMEM((_CPT, _CHUNK), jnp.int32),
            pltpu.VMEM((_CHUNK, _F), _f32),
            pltpu.VMEM_SHARED((_NPAD, _F), _f32),
        ],
    )(dst3, ones_rows, zrows)


def _sc_scatter(hs, src3, dst3, zrows):
    return pl.kernel(
        _sc_scatter_body,
        out_type=jax.ShapeDtypeStruct((_NC, _NPAD, _F), _f32),
        mesh=_sc_mesh(),
        scratch_types=[
            pltpu.VMEM((_HCPT, _CHUNK), jnp.int32),
            pltpu.VMEM((_HCPT, _CHUNK), jnp.int32),
            pltpu.VMEM((_CHUNK, _F), _f32),
            pltpu.VMEM((_CHUNK, _F), _f32),
            pltpu.SemaphoreType.DMA,
            pltpu.SemaphoreType.DMA,
            pltpu.VMEM_SHARED((_NPAD, _F), _f32),
        ],
    )(hs, src3, dst3, zrows)



def _tc_first_body(x_ref, w_ref, deg_ref, hs_ref, dv_ref):
    deg = deg_ref[...]
    dv = lax.rsqrt(deg[0] + deg[1] + 1.0)
    dv_ref[...] = dv[:, :16]
    hs_ref[...] = jnp.dot(x_ref[...], w_ref[...],
                          preferred_element_type=_f32) * dv[:, 0:1]


def _tc_first(xp, W1, deg2):
    return pl.pallas_call(
        _tc_first_body,
        grid=(_NBLK,),
        in_specs=[
            pl.BlockSpec((_BLK, _F), lambda i: (i, 0)),
            pl.BlockSpec((_F, _F), lambda i: (0, 0)),
            pl.BlockSpec((_NC, _BLK, _F), lambda i: (0, i, 0)),
        ],
        out_specs=[
            pl.BlockSpec((_BLK, _F), lambda i: (i, 0)),
            pl.BlockSpec((_BLK, 16), lambda i: (i, 0)),
        ],
        out_shape=[
            jax.ShapeDtypeStruct((_NPAD, _F), _f32),
            jax.ShapeDtypeStruct((_NPAD, 16), _f32),
        ],
    )(xp, W1, deg2)


def _tc_mid_body(acc_ref, hs_ref, dv_ref, b_ref, w_ref, out_ref):
    acc = acc_ref[...]
    dv = dv_ref[:, 0:1]
    h = (acc[0] + acc[1] + hs_ref[...]) * dv + b_ref[...]
    out_ref[...] = jnp.dot(h, w_ref[...], preferred_element_type=_f32) * dv


def _tc_mid(acc2, hs, dv, b_prev, W_next):
    return pl.pallas_call(
        _tc_mid_body,
        grid=(_NBLK,),
        in_specs=[
            pl.BlockSpec((_NC, _BLK, _F), lambda i: (0, i, 0)),
            pl.BlockSpec((_BLK, _F), lambda i: (i, 0)),
            pl.BlockSpec((_BLK, 16), lambda i: (i, 0)),
            pl.BlockSpec((1, _F), lambda i: (0, 0)),
            pl.BlockSpec((_F, _F), lambda i: (0, 0)),
        ],
        out_specs=pl.BlockSpec((_BLK, _F), lambda i: (i, 0)),
        out_shape=jax.ShapeDtypeStruct((_NPAD, _F), _f32),
    )(acc2, hs, dv, b_prev, W_next)


def _tc_final_body(acc_ref, hs_ref, dv_ref, b_ref, bat_ref, wl_ref, bl_ref,
                   out_ref, pooled, cnt):
    i = pl.program_id(0)

    @pl.when(i == 0)
    def _init():
        pooled[...] = jnp.zeros_like(pooled)
        cnt[...] = jnp.zeros_like(cnt)

    acc = acc_ref[...]
    dv = dv_ref[:, 0:1]
    h = (acc[0] + acc[1] + hs_ref[...]) * dv + b_ref[...]
    bb = bat_ref[...]
    cls = lax.broadcasted_iota(jnp.int32, (_BLK, _G), 1)
    m = (bb == cls).astype(_f32)
    dn = (((0,), (0,)), ((), ()))
    pooled[...] += lax.dot_general(m, h, dn, preferred_element_type=_f32)
    cnt[...] += lax.dot_general(m, jnp.ones((_BLK, _F), _f32), dn,
                                preferred_element_type=_f32)

    @pl.when(i == pl.num_programs(0) - 1)
    def _finish():
        pm = pooled[...] / jnp.maximum(cnt[...], 1.0)
        out_ref[...] = jnp.dot(pm, wl_ref[...],
                               preferred_element_type=_f32) + bl_ref[...]


def _tc_final(acc2, hs, dv, b5, batp, Wl, bl):
    return pl.pallas_call(
        _tc_final_body,
        grid=(_NBLK,),
        in_specs=[
            pl.BlockSpec((_NC, _BLK, _F), lambda i: (0, i, 0)),
            pl.BlockSpec((_BLK, _F), lambda i: (i, 0)),
            pl.BlockSpec((_BLK, 16), lambda i: (i, 0)),
            pl.BlockSpec((1, _F), lambda i: (0, 0)),
            pl.BlockSpec((_BLK, 1), lambda i: (i, 0)),
            pl.BlockSpec((_F, _C), lambda i: (0, 0)),
            pl.BlockSpec((1, _C), lambda i: (0, 0)),
        ],
        out_specs=pl.BlockSpec((_G, _C), lambda i: (0, 0)),
        out_shape=jax.ShapeDtypeStruct((_G, _C), _f32),
        scratch_shapes=[
            pltpu.VMEM((_G, _F), _f32),
            pltpu.VMEM((_G, _F), _f32),
        ],
    )(acc2, hs, dv, b5, batp, Wl, bl)



def kernel(x, edge_index, batch, W1, b1, W2, b2, W3, b3, W4, b4, W5, b5,
           Wl, bl):
    fill = jnp.broadcast_to(_N + jnp.arange(_EDUM, dtype=jnp.int32),
                            (_NW, _EDUM))
    src3 = jnp.concatenate(
        [edge_index[0].reshape(_NW, _EREAL), fill], axis=1
    ).reshape(_NW, _CPT, _CHUNK)
    dst3 = jnp.concatenate(
        [edge_index[1].reshape(_NW, _EREAL), fill], axis=1
    ).reshape(_NW, _CPT, _CHUNK)
    xp = jnp.zeros((_NPAD, _F), _f32).at[:_N].set(x)
    batp = jnp.full((_NPAD, 1), _G, jnp.int32).at[:_N, 0].set(batch)
    zrows = jnp.zeros((_RPT, _F), _f32)
    ones_rows = jnp.ones((_CHUNK, _F), _f32)

    deg2 = _sc_deg(dst3, ones_rows, zrows)
    hs, dv = _tc_first(xp, W1, deg2)
    for b_prev, W_next in ((b1, W2), (b2, W3), (b3, W4), (b4, W5)):
        acc2 = _sc_scatter(hs, src3, dst3, zrows)
        hs = _tc_mid(acc2, hs, dv, b_prev.reshape(1, _F), W_next)
    acc2 = _sc_scatter(hs, src3, dst3, zrows)
    return _tc_final(acc2, hs, dv, b5.reshape(1, _F), batp, Wl,
                     bl.reshape(1, _C))

# --- scband reference (transcript-rebuilt; emitter-appended) ---
"""Pipeline reference for scband-gcn-82136954569184 (READ-ONLY COPY).

The authoritative reference and input builder live on the scoring server;
editing this copy changes nothing except your own understanding.
"""

import jax, jax.numpy as jnp
import numpy as np

N = 10000
E = 320000
F_IN = 128
H = 128
C = 10
G = 64


def setup_inputs(seed: int = 0) -> dict:
    key = jax.random.key(seed)
    ks = jax.random.split(key, 16)
    x = jax.random.normal(ks[0], (N, F_IN), dtype=jnp.float32)
    edge_index = jax.random.randint(ks[1], (2, E), 0, N, dtype=jnp.int32)
    batch = jnp.sort(jax.random.randint(ks[2], (N,), 0, G, dtype=jnp.int32))
    s = 0.05
    W1 = jax.random.normal(ks[3], (F_IN, H), dtype=jnp.float32) * s
    b1 = jnp.zeros((H,), dtype=jnp.float32)
    W2 = jax.random.normal(ks[4], (H, H), dtype=jnp.float32) * s
    b2 = jnp.zeros((H,), dtype=jnp.float32)
    W3 = jax.random.normal(ks[5], (H, H), dtype=jnp.float32) * s
    b3 = jnp.zeros((H,), dtype=jnp.float32)
    W4 = jax.random.normal(ks[6], (H, H), dtype=jnp.float32) * s
    b4 = jnp.zeros((H,), dtype=jnp.float32)
    W5 = jax.random.normal(ks[7], (H, H), dtype=jnp.float32) * s
    b5 = jnp.zeros((H,), dtype=jnp.float32)
    Wl = jax.random.normal(ks[8], (H, C), dtype=jnp.float32) * s
    bl = jnp.zeros((C,), dtype=jnp.float32)
    return {"x": x, "edge_index": edge_index, "batch": batch,
            "W1": W1, "b1": b1, "W2": W2, "b2": b2, "W3": W3, "b3": b3,
            "W4": W4, "b4": b4, "W5": W5, "b5": b5, "Wl": Wl, "bl": bl}


def _gcn_conv(h, src, dst, W, b):
    hw = h @ W
    ones = jnp.ones(src.shape[0], dtype=hw.dtype)
    deg = jax.ops.segment_sum(ones, dst, num_segments=N)
    dinv = jnp.where(deg > 0, jax.lax.rsqrt(jnp.maximum(deg, 1e-12)), 0.0)
    norm = dinv[src] * dinv[dst]
    msg = hw[src] * norm[:, None]
    out = jax.ops.segment_sum(msg, dst, num_segments=N)
    return out + b


def reference(x, edge_index, batch, W1, b1, W2, b2, W3, b3, W4, b4, W5, b5, Wl, bl):
    loop = jnp.arange(N, dtype=edge_index.dtype)
    src = jnp.concatenate([edge_index[0], loop])
    dst = jnp.concatenate([edge_index[1], loop])
    h = _gcn_conv(x, src, dst, W1, b1)
    h = _gcn_conv(h, src, dst, W2, b2)
    h = _gcn_conv(h, src, dst, W3, b3)
    h = _gcn_conv(h, src, dst, W4, b4)
    h = _gcn_conv(h, src, dst, W5, b5)
    sums = jax.ops.segment_sum(h, batch, num_segments=G)
    cnt = jax.ops.segment_sum(jnp.ones(N, dtype=h.dtype), batch, num_segments=G)
    pooled = sums / jnp.maximum(cnt, 1.0)[:, None]
    # dropout is identity in eval mode
    return pooled @ Wl + bl

if __name__ == "__main__":
    import jax
    _d = setup_inputs()
    print(jax.jit(kernel)(*tuple(_d.values())))

</pallas_src>

<mosaic_0001>
#map = affine_map<(d0, d1) -> (0, 0)>
#map1 = affine_map<(d0, d1) -> (0, 0, 0)>
module attributes {stable_mosaic.version = 14 : i64} {
  func.func @_sc_scatter_body(%arg0: i32, %arg1: i32, %arg2: memref<10240x128xf32, #tpu.memory_space<hbm>>, %arg3: memref<32x80x128xi32, #tpu.memory_space<hbm>>, %arg4: memref<32x80x128xi32, #tpu.memory_space<hbm>>, %arg5: memref<640x128xf32, #tpu.memory_space<hbm>>, %arg6: memref<2x10240x128xf32, #tpu.memory_space<hbm>>, %arg7: memref<40x128xi32, #tpu.memory_space<vmem>>, %arg8: memref<40x128xi32, #tpu.memory_space<vmem>>, %arg9: memref<128x128xf32, #tpu.memory_space<vmem>>, %arg10: memref<128x128xf32, #tpu.memory_space<vmem>>, %arg11: memref<!tpu.dma_semaphore, #tpu.memory_space<semaphore_mem>>, %arg12: memref<!tpu.dma_semaphore, #tpu.memory_space<semaphore_mem>>, %arg13: memref<10240x128xf32, #tpu.memory_space<vmem_shared>>) attributes {dimension_semantics = [#tpu.dimension_semantics<core_parallel>, #tpu.dimension_semantics<subcore_parallel>], iteration_bounds = array<i64: 2, 16>, scalar_prefetch = 0 : i64, scratch_operands = 7 : i64, tpu.core_type = #tpu.core_type<sc_vector_subcore>, window_params = [{transform_indices = #map}, {transform_indices = #map1}, {transform_indices = #map1}, {transform_indices = #map}, {transform_indices = #map1}]} {
    %mul3A = arith.constant 16 : i32
    %mul3A_0 = arith.muli %arg0, %mul3A : i32
    %add3A = arith.addi %mul3A_0, %arg1 : i32
    %mul3A_1 = arith.constant 640 : i32
    %mul3A_2 = arith.muli %arg1, %mul3A_1 : i32
    "tpu.region"() ({
      %run_scoped3A = tpu.sem_alloc : memref<!tpu.dma_semaphore, #tpu.memory_space<semaphore_mem>>
      %dma_start3A_46 = arith.constant 0 : i32
      %dma_start3A_47 = tpu.memref_slice %arg13[%mul3A_2, %dma_start3A_46] : memref<10240x128xf32, #tpu.memory_space<vmem_shared>> -> memref<640x128xf32, #tpu.memory_space<vmem_shared>>
      tpu.enqueue_dma source(%arg5 : memref<640x128xf32, #tpu.memory_space<hbm>>) target(%dma_start3A_47 : memref<640x128xf32, #tpu.memory_space<vmem_shared>>) target_semaphore(%run_scoped3A : memref<!tpu.dma_semaphore, #tpu.memory_space<semaphore_mem>>)
      %dma_wait3A = arith.constant 0 : i32
      %dma_wait3A_48 = tpu.memref_slice %arg13[%mul3A_2, %dma_wait3A] : memref<10240x128xf32, #tpu.memory_space<vmem_shared>> -> memref<640x128xf32, #tpu.memory_space<vmem_shared>>
      tpu.wait_dma2 semaphore(%run_scoped3A : memref<!tpu.dma_semaphore, #tpu.memory_space<semaphore_mem>>) src(%arg5 : memref<640x128xf32, #tpu.memory_space<hbm>>) dst(%dma_wait3A_48 : memref<640x128xf32, #tpu.memory_space<vmem_shared>>)
      tpu.yield
    }) : () -> ()
    %barrier3A = arith.constant 0 : index
    tpu.barrier barrier_id(%barrier3A)
    "tpu.region"() ({
      %run_scoped3A = tpu.sem_alloc : memref<!tpu.dma_semaphore, #tpu.memory_space<semaphore_mem>>
      %dma_start3A_46 = arith.constant 0 : i32
      %dma_start3A_47 = arith.constant 0 : i32
      %dma_start3A_48 = tpu.memref_slice %arg3[%add3A, %dma_start3A_46, %dma_start3A_47] : memref<32x80x128xi32, #tpu.memory_space<hbm>> -> memref<1x40x128xi32, #tpu.memory_space<hbm>>
      %dma_start3A_49 = tpu.memref_squeeze %dma_start3A_48 : memref<1x40x128xi32, #tpu.memory_space<hbm>> -> memref<40x128xi32, #tpu.memory_space<hbm>>
      %dma_start3A_50 = arith.constant 0 : i32
      %dma_start3A_51 = arith.constant 0 : i32
      %dma_start3A_52 = tpu.memref_slice %arg3[%add3A, %dma_start3A_50, %dma_start3A_51] : memref<32x80x128xi32, #tpu.memory_space<hbm>> -> memref<1x40x128xi32, #tpu.memory_space<hbm>>
      %dma_start3A_53 = tpu.memref_squeeze %dma_start3A_52 : memref<1x40x128xi32, #tpu.memory_space<hbm>> -> memref<40x128xi32, #tpu.memory_space<hbm>>
      tpu.enqueue_dma source(%dma_start3A_53 : memref<40x128xi32, #tpu.memory_space<hbm>>) target(%arg7 : memref<40x128xi32, #tpu.memory_space<vmem>>) target_semaphore(%run_scoped3A : memref<!tpu.dma_semaphore, #tpu.memory_space<semaphore_mem>>)
      %dma_wait3A = arith.constant 0 : i32
      %dma_wait3A_54 = arith.constant 0 : i32
      %dma_wait3A_55 = tpu.memref_slice %arg3[%add3A, %dma_wait3A, %dma_wait3A_54] : memref<32x80x128xi32, #tpu.memory_space<hbm>> -> memref<1x40x128xi32, #tpu.memory_space<hbm>>
      %dma_wait3A_56 = tpu.memref_squeeze %dma_wait3A_55 : memref<1x40x128xi32, #tpu.memory_space<hbm>> -> memref<40x128xi32, #tpu.memory_space<hbm>>
      %dma_wait3A_57 = arith.constant 0 : i32
      %dma_wait3A_58 = arith.constant 0 : i32
      %dma_wait3A_59 = tpu.memref_slice %arg3[%add3A, %dma_wait3A_57, %dma_wait3A_58] : memref<32x80x128xi32, #tpu.memory_space<hbm>> -> memref<1x40x128xi32, #tpu.memory_space<hbm>>
      %dma_wait3A_60 = tpu.memref_squeeze %dma_wait3A_59 : memref<1x40x128xi32, #tpu.memory_space<hbm>> -> memref<40x128xi32, #tpu.memory_space<hbm>>
      tpu.wait_dma2 semaphore(%run_scoped3A : memref<!tpu.dma_semaphore, #tpu.memory_space<semaphore_mem>>) src(%dma_wait3A_60 : memref<40x128xi32, #tpu.memory_space<hbm>>) dst(%arg7 : memref<40x128xi32, #tpu.memory_space<vmem>>)
      tpu.yield
    }) : () -> ()
    "tpu.region"() ({
      %run_scoped3A = tpu.sem_alloc : memref<!tpu.dma_semaphore, #tpu.memory_space<semaphore_mem>>
      %dma_start3A_46 = arith.constant 0 : i32
      %dma_start3A_47 = arith.constant 0 : i32
      %dma_start3A_48 = tpu.memref_slice %arg4[%add3A, %dma_start3A_46, %dma_start3A_47] : memref<32x80x128xi32, #tpu.memory_space<hbm>> -> memref<1x40x128xi32, #tpu.memory_space<hbm>>
      %dma_start3A_49 = tpu.memref_squeeze %dma_start3A_48 : memref<1x40x128xi32, #tpu.memory_space<hbm>> -> memref<40x128xi32, #tpu.memory_space<hbm>>
      %dma_start3A_50 = arith.constant 0 : i32
      %dma_start3A_51 = arith.constant 0 : i32
      %dma_start3A_52 = tpu.memref_slice %arg4[%add3A, %dma_start3A_50, %dma_start3A_51] : memref<32x80x128xi32, #tpu.memory_space<hbm>> -> memref<1x40x128xi32, #tpu.memory_space<hbm>>
      %dma_start3A_53 = tpu.memref_squeeze %dma_start3A_52 : memref<1x40x128xi32, #tpu.memory_space<hbm>> -> memref<40x128xi32, #tpu.memory_space<hbm>>
      tpu.enqueue_dma source(%dma_start3A_53 : memref<40x128xi32, #tpu.memory_space<hbm>>) target(%arg8 : memref<40x128xi32, #tpu.memory_space<vmem>>) target_semaphore(%run_scoped3A : memref<!tpu.dma_semaphore, #tpu.memory_space<semaphore_mem>>)
      %dma_wait3A = arith.constant 0 : i32
      %dma_wait3A_54 = arith.constant 0 : i32
      %dma_wait3A_55 = tpu.memref_slice %arg4[%add3A, %dma_wait3A, %dma_wait3A_54] : memref<32x80x128xi32, #tpu.memory_space<hbm>> -> memref<1x40x128xi32, #tpu.memory_space<hbm>>
      %dma_wait3A_56 = tpu.memref_squeeze %dma_wait3A_55 : memref<1x40x128xi32, #tpu.memory_space<hbm>> -> memref<40x128xi32, #tpu.memory_space<hbm>>
      %dma_wait3A_57 = arith.constant 0 : i32
      %dma_wait3A_58 = arith.constant 0 : i32
      %dma_wait3A_59 = tpu.memref_slice %arg4[%add3A, %dma_wait3A_57, %dma_wait3A_58] : memref<32x80x128xi32, #tpu.memory_space<hbm>> -> memref<1x40x128xi32, #tpu.memory_space<hbm>>
      %dma_wait3A_60 = tpu.memref_squeeze %dma_wait3A_59 : memref<1x40x128xi32, #tpu.memory_space<hbm>> -> memref<40x128xi32, #tpu.memory_space<hbm>>
      tpu.wait_dma2 semaphore(%run_scoped3A : memref<!tpu.dma_semaphore, #tpu.memory_space<semaphore_mem>>) src(%dma_wait3A_60 : memref<40x128xi32, #tpu.memory_space<hbm>>) dst(%arg8 : memref<40x128xi32, #tpu.memory_space<vmem>>)
      tpu.yield
    }) : () -> ()
    %dma_start3A = arith.constant 0 : i32
    %dma_start3A_3 = arith.constant 0 : i32
    %dma_start3A_4 = tpu.memref_slice %arg7[%dma_start3A, %dma_start3A_3] : memref<40x128xi32, #tpu.memory_space<vmem>> -> memref<1x128xi32, #tpu.memory_space<vmem>>
    %dma_start3A_5 = tpu.memref_squeeze %dma_start3A_4 : memref<1x128xi32, #tpu.memory_space<vmem>> -> memref<128xi32, #tpu.memory_space<vmem>>
    %dma_start3A_6 = arith.constant 0 : i32
    %dma_start3A_7 = arith.constant 0 : i32
    %dma_start3A_8 = tpu.memref_slice %arg2[%dma_start3A_6, %dma_start3A_7] : memref<10240x128xf32, #tpu.memory_space<hbm>> -> memref<10240x128xf32, #tpu.memory_space<hbm>>
    tpu.enqueue_indirect_dma source(%dma_start3A_8 : memref<10240x128xf32, #tpu.memory_space<hbm>>) target(%arg9 : memref<128x128xf32, #tpu.memory_space<vmem>>) offsets(%dma_start3A_5 : memref<128xi32, #tpu.memory_space<vmem>>) semaphore(%arg11 : memref<!tpu.dma_semaphore, #tpu.memory_space<semaphore_mem>>)
    %dma_start3A_9 = arith.constant 1 : i32
    %dma_start3A_10 = arith.constant 0 : i32
    %dma_start3A_11 = tpu.memref_slice %arg7[%dma_start3A_9, %dma_start3A_10] : memref<40x128xi32, #tpu.memory_space<vmem>> -> memref<1x128xi32, #tpu.memory_space<vmem>>
    %dma_start3A_12 = tpu.memref_squeeze %dma_start3A_11 : memref<1x128xi32, #tpu.memory_space<vmem>> -> memref<128xi32, #tpu.memory_space<vmem>>
    %dma_start3A_13 = arith.constant 0 : i32
    %dma_start3A_14 = arith.constant 0 : i32
    %dma_start3A_15 = tpu.memref_slice %arg2[%dma_start3A_13, %dma_start3A_14] : memref<10240x128xf32, #tpu.memory_space<hbm>> -> memref<10240x128xf32, #tpu.memory_space<hbm>>
    tpu.enqueue_indirect_dma source(%dma_start3A_15 : memref<10240x128xf32, #tpu.memory_space<hbm>>) target(%arg10 : memref<128x128xf32, #tpu.memory_space<vmem>>) offsets(%dma_start3A_12 : memref<128xi32, #tpu.memory_space<vmem>>) semaphore(%arg12 : memref<!tpu.dma_semaphore, #tpu.memory_space<semaphore_mem>>)
    %scan3A = arith.constant 0 : i32
    %scan3A_16 = arith.constant 0 : i32
    %scan3A_17 = arith.constant 20 : i32
    %scan3A_18 = arith.addi %scan3A_16, %scan3A_17 : i32
    %scan3A_19 = arith.constant 1 : i32
    scf.for %scan3A_46 = %scan3A_16 to %scan3A_18 step %scan3A_19  : i32 {
      %mul3A_47 = arith.constant 2 : i32
      %mul3A_48 = arith.muli %mul3A_47, %scan3A_46 : i32
      %add3A_49 = arith.constant 1 : i32
      %add3A_50 = arith.addi %mul3A_48, %add3A_49 : i32
      %dma_wait3A = arith.constant 0 : i32
      %dma_wait3A_51 = tpu.memref_slice %arg7[%mul3A_48, %dma_wait3A] : memref<40x128xi32, #tpu.memory_space<vmem>> -> memref<1x128xi32, #tpu.memory_space<vmem>>
      %dma_wait3A_52 = tpu.memref_squeeze %dma_wait3A_51 : memref<1x128xi32, #tpu.memory_space<vmem>> -> memref<128xi32, #tpu.memory_space<vmem>>
      %dma_wait3A_53 = arith.constant 0 : i32
      %dma_wait3A_54 = arith.constant 0 : i32
      %dma_wait3A_55 = tpu.memref_slice %arg2[%dma_wait3A_53, %dma_wait3A_54] : memref<10240x128xf32, #tpu.memory_space<hbm>> -> memref<10240x128xf32, #tpu.memory_space<hbm>>
      tpu.wait_indirect_dma semaphore(%arg11 : memref<!tpu.dma_semaphore, #tpu.memory_space<semaphore_mem>>) src(%dma_wait3A_55 : memref<10240x128xf32, #tpu.memory_space<hbm>>) dst(%arg9 : memref<128x128xf32, #tpu.memory_space<vmem>>)
      "tpu.region"() ({
        %run_scoped3A = tpu.sem_alloc : memref<!tpu.dma_semaphore, #tpu.memory_space<semaphore_mem>>
        %dma_start3A_73 = arith.constant 0 : i32
        %dma_start3A_74 = tpu.memref_slice %arg8[%mul3A_48, %dma_start3A_73] : memref<40x128xi32, #tpu.memory_space<vmem>> -> memref<1x128xi32, #tpu.memory_space<vmem>>
        %dma_start3A_75 = tpu.memref_squeeze %dma_start3A_74 : memref<1x128xi32, #tpu.memory_space<vmem>> -> memref<128xi32, #tpu.memory_space<vmem>>
        %dma_start3A_76 = arith.constant 0 : i32
        %dma_start3A_77 = arith.constant 0 : i32
        %dma_start3A_78 = tpu.memref_slice %arg13[%dma_start3A_76, %dma_start3A_77] : memref<10240x128xf32, #tpu.memory_space<vmem_shared>> -> memref<10240x128xf32, #tpu.memory_space<vmem_shared>>
        tpu.enqueue_indirect_dma source(%arg9 : memref<128x128xf32, #tpu.memory_space<vmem>>) target(%dma_start3A_78 : memref<10240x128xf32, #tpu.memory_space<vmem_shared>>) offsets(%dma_start3A_75 : memref<128xi32, #tpu.memory_space<vmem>>) semaphore(%run_scoped3A : memref<!tpu.dma_semaphore, #tpu.memory_space<semaphore_mem>>) {add = true}
        %dma_wait3A_79 = arith.constant 0 : i32
        %dma_wait3A_80 = tpu.memref_slice %arg8[%mul3A_48, %dma_wait3A_79] : memref<40x128xi32, #tpu.memory_space<vmem>> -> memref<1x128xi32, #tpu.memory_space<vmem>>
        %dma_wait3A_81 = tpu.memref_squeeze %dma_wait3A_80 : memref<1x128xi32, #tpu.memory_space<vmem>> -> memref<128xi32, #tpu.memory_space<vmem>>
        %dma_wait3A_82 = arith.constant 0 : i32
        %dma_wait3A_83 = arith.constant 0 : i32
        %dma_wait3A_84 = tpu.memref_slice %arg13[%dma_wait3A_82, %dma_wait3A_83] : memref<10240x128xf32, #tpu.memory_space<vmem_shared>> -> memref<10240x128xf32, #tpu.memory_space<vmem_shared>>
        tpu.wait_indirect_dma semaphore(%run_scoped3A : memref<!tpu.dma_semaphore, #tpu.memory_space<semaphore_mem>>) src(%arg9 : memref<128x128xf32, #tpu.memory_space<vmem>>) dst(%dma_wait3A_84 : memref<10240x128xf32, #tpu.memory_space<vmem_shared>>)
        tpu.yield
      }) : () -> ()
      %add3A_56 = arith.constant 1 : i32
      %add3A_57 = arith.addi %add3A_50, %add3A_56 : i32
      %lt3A = arith.constant 40 : i32
      %lt3A_58 = arith.cmpi slt, %add3A_57, %lt3A : i32
      %convert_element_type3A = arith.extui %lt3A_58 : i1 to i32
      %cond3A = arith.constant 0 : i32
      %cond3A_59 = arith.cmpi ne, %convert_element_type3A, %cond3A : i32
      scf.if %cond3A_59 {
        %add3A_73 = arith.constant 1 : i32
        %add3A_74 = arith.addi %add3A_50, %add3A_73 : i32
        %dma_start3A_75 = arith.constant 0 : i32
        %dma_start3A_76 = tpu.memref_slice %arg7[%add3A_74, %dma_start3A_75] : memref<40x128xi32, #tpu.memory_space<vmem>> -> memref<1x128xi32, #tpu.memory_space<vmem>>
        %dma_start3A_77 = tpu.memref_squeeze %dma_start3A_76 : memref<1x128xi32, #tpu.memory_space<vmem>> -> memref<128xi32, #tpu.memory_space<vmem>>
        %dma_start3A_78 = arith.constant 0 : i32
        %dma_start3A_79 = arith.constant 0 : i32
        %dma_start3A_80 = tpu.memref_slice %arg2[%dma_start3A_78, %dma_start3A_79] : memref<10240x128xf32, #tpu.memory_space<hbm>> -> memref<10240x128xf32, #tpu.memory_space<hbm>>
        tpu.enqueue_indirect_dma source(%dma_start3A_80 : memref<10240x128xf32, #tpu.memory_space<hbm>>) target(%arg9 : memref<128x128xf32, #tpu.memory_space<vmem>>) offsets(%dma_start3A_77 : memref<128xi32, #tpu.memory_space<vmem>>) semaphore(%arg11 : memref<!tpu.dma_semaphore, #tpu.memory_space<semaphore_mem>>)
      } else {
      }
      %dma_wait3A_60 = arith.constant 0 : i32
      %dma_wait3A_61 = tpu.memref_slice %arg7[%add3A_50, %dma_wait3A_60] : memref<40x128xi32, #tpu.memory_space<vmem>> -> memref<1x128xi32, #tpu.memory_space<vmem>>
      %dma_wait3A_62 = tpu.memref_squeeze %dma_wait3A_61 : memref<1x128xi32, #tpu.memory_space<vmem>> -> memref<128xi32, #tpu.memory_space<vmem>>
      %dma_wait3A_63 = arith.constant 0 : i32
      %dma_wait3A_64 = arith.constant 0 : i32
      %dma_wait3A_65 = tpu.memref_slice %arg2[%dma_wait3A_63, %dma_wait3A_64] : memref<10240x128xf32, #tpu.memory_space<hbm>> -> memref<10240x128xf32, #tpu.memory_space<hbm>>
      tpu.wait_indirect_dma semaphore(%arg12 : memref<!tpu.dma_semaphore, #tpu.memory_space<semaphore_mem>>) src(%dma_wait3A_65 : memref<10240x128xf32, #tpu.memory_space<hbm>>) dst(%arg10 : memref<128x128xf32, #tpu.memory_space<vmem>>)
      "tpu.region"() ({
        %run_scoped3A = tpu.sem_alloc : memref<!tpu.dma_semaphore, #tpu.memory_space<semaphore_mem>>
        %dma_start3A_73 = arith.constant 0 : i32
        %dma_start3A_74 = tpu.memref_slice %arg8[%add3A_50, %dma_start3A_73] : memref<40x128xi32, #tpu.memory_space<vmem>> -> memref<1x128xi32, #tpu.memory_space<vmem>>
        %dma_start3A_75 = tpu.memref_squeeze %dma_start3A_74 : memref<1x128xi32, #tpu.memory_space<vmem>> -> memref<128xi32, #tpu.memory_space<vmem>>
        %dma_start3A_76 = arith.constant 0 : i32
        %dma_start3A_77 = arith.constant 0 : i32
        %dma_start3A_78 = tpu.memref_slice %arg13[%dma_start3A_76, %dma_start3A_77] : memref<10240x128xf32, #tpu.memory_space<vmem_shared>> -> memref<10240x128xf32, #tpu.memory_space<vmem_shared>>
        tpu.enqueue_indirect_dma source(%arg10 : memref<128x128xf32, #tpu.memory_space<vmem>>) target(%dma_start3A_78 : memref<10240x128xf32, #tpu.memory_space<vmem_shared>>) offsets(%dma_start3A_75 : memref<128xi32, #tpu.memory_space<vmem>>) semaphore(%run_scoped3A : memref<!tpu.dma_semaphore, #tpu.memory_space<semaphore_mem>>) {add = true}
        %dma_wait3A_79 = arith.constant 0 : i32
        %dma_wait3A_80 = tpu.memref_slice %arg8[%add3A_50, %dma_wait3A_79] : memref<40x128xi32, #tpu.memory_space<vmem>> -> memref<1x128xi32, #tpu.memory_space<vmem>>
        %dma_wait3A_81 = tpu.memref_squeeze %dma_wait3A_80 : memref<1x128xi32, #tpu.memory_space<vmem>> -> memref<128xi32, #tpu.memory_space<vmem>>
        %dma_wait3A_82 = arith.constant 0 : i32
        %dma_wait3A_83 = arith.constant 0 : i32
        %dma_wait3A_84 = tpu.memref_slice %arg13[%dma_wait3A_82, %dma_wait3A_83] : memref<10240x128xf32, #tpu.memory_space<vmem_shared>> -> memref<10240x128xf32, #tpu.memory_space<vmem_shared>>
        tpu.wait_indirect_dma semaphore(%run_scoped3A : memref<!tpu.dma_semaphore, #tpu.memory_space<semaphore_mem>>) src(%arg10 : memref<128x128xf32, #tpu.memory_space<vmem>>) dst(%dma_wait3A_84 : memref<10240x128xf32, #tpu.memory_space<vmem_shared>>)
        tpu.yield
      }) : () -> ()
      %add3A_66 = arith.constant 2 : i32
      %add3A_67 = arith.addi %add3A_50, %add3A_66 : i32
      %lt3A_68 = arith.constant 40 : i32
      %lt3A_69 = arith.cmpi slt, %add3A_67, %lt3A_68 : i32
      %convert_element_type3A_70 = arith.extui %lt3A_69 : i1 to i32
      %cond3A_71 = arith.constant 0 : i32
      %cond3A_72 = arith.cmpi ne, %convert_element_type3A_70, %cond3A_71 : i32
      scf.if %cond3A_72 {
        %add3A_73 = arith.constant 2 : i32
        %add3A_74 = arith.addi %add3A_50, %add3A_73 : i32
        %dma_start3A_75 = arith.constant 0 : i32
        %dma_start3A_76 = tpu.memref_slice %arg7[%add3A_74, %dma_start3A_75] : memref<40x128xi32, #tpu.memory_space<vmem>> -> memref<1x128xi32, #tpu.memory_space<vmem>>
        %dma_start3A_77 = tpu.memref_squeeze %dma_start3A_76 : memref<1x128xi32, #tpu.memory_space<vmem>> -> memref<128xi32, #tpu.memory_space<vmem>>
        %dma_start3A_78 = arith.constant 0 : i32
        %dma_start3A_79 = arith.constant 0 : i32
        %dma_start3A_80 = tpu.memref_slice %arg2[%dma_start3A_78, %dma_start3A_79] : memref<10240x128xf32, #tpu.memory_space<hbm>> -> memref<10240x128xf32, #tpu.memory_space<hbm>>
        tpu.enqueue_indirect_dma source(%dma_start3A_80 : memref<10240x128xf32, #tpu.memory_space<hbm>>) target(%arg10 : memref<128x128xf32, #tpu.memory_space<vmem>>) offsets(%dma_start3A_77 : memref<128xi32, #tpu.memory_space<vmem>>) semaphore(%arg12 : memref<!tpu.dma_semaphore, #tpu.memory_space<semaphore_mem>>)
      } else {
      }
    }
    %scan3A_20 = arith.constant 20 : i32
    "tpu.region"() ({
      %run_scoped3A = tpu.sem_alloc : memref<!tpu.dma_semaphore, #tpu.memory_space<semaphore_mem>>
      %dma_start3A_46 = arith.constant 40 : i32
      %dma_start3A_47 = arith.constant 0 : i32
      %dma_start3A_48 = tpu.memref_slice %arg3[%add3A, %dma_start3A_46, %dma_start3A_47] : memref<32x80x128xi32, #tpu.memory_space<hbm>> -> memref<1x40x128xi32, #tpu.memory_space<hbm>>
      %dma_start3A_49 = tpu.memref_squeeze %dma_start3A_48 : memref<1x40x128xi32, #tpu.memory_space<hbm>> -> memref<40x128xi32, #tpu.memory_space<hbm>>
      %dma_start3A_50 = arith.constant 40 : i32
      %dma_start3A_51 = arith.constant 0 : i32
      %dma_start3A_52 = tpu.memref_slice %arg3[%add3A, %dma_start3A_50, %dma_start3A_51] : memref<32x80x128xi32, #tpu.memory_space<hbm>> -> memref<1x40x128xi32, #tpu.memory_space<hbm>>
      %dma_start3A_53 = tpu.memref_squeeze %dma_start3A_52 : memref<1x40x128xi32, #tpu.memory_space<hbm>> -> memref<40x128xi32, #tpu.memory_space<hbm>>
      tpu.enqueue_dma source(%dma_start3A_53 : memref<40x128xi32, #tpu.memory_space<hbm>>) target(%arg7 : memref<40x128xi32, #tpu.memory_space<vmem>>) target_semaphore(%run_scoped3A : memref<!tpu.dma_semaphore, #tpu.memory_space<semaphore_mem>>)
      %dma_wait3A = arith.constant 40 : i32
      %dma_wait3A_54 = arith.constant 0 : i32
      %dma_wait3A_55 = tpu.memref_slice %arg3[%add3A, %dma_wait3A, %dma_wait3A_54] : memref<32x80x128xi32, #tpu.memory_space<hbm>> -> memref<1x40x128xi32, #tpu.memory_space<hbm>>
      %dma_wait3A_56 = tpu.memref_squeeze %dma_wait3A_55 : memref<1x40x128xi32, #tpu.memory_space<hbm>> -> memref<40x128xi32, #tpu.memory_space<hbm>>
      %dma_wait3A_57 = arith.constant 40 : i32
      %dma_wait3A_58 = arith.constant 0 : i32
      %dma_wait3A_59 = tpu.memref_slice %arg3[%add3A, %dma_wait3A_57, %dma_wait3A_58] : memref<32x80x128xi32, #tpu.memory_space<hbm>> -> memref<1x40x128xi32, #tpu.memory_space<hbm>>
      %dma_wait3A_60 = tpu.memref_squeeze %dma_wait3A_59 : memref<1x40x128xi32, #tpu.memory_space<hbm>> -> memref<40x128xi32, #tpu.memory_space<hbm>>
      tpu.wait_dma2 semaphore(%run_scoped3A : memref<!tpu.dma_semaphore, #tpu.memory_space<semaphore_mem>>) src(%dma_wait3A_60 : memref<40x128xi32, #tpu.memory_space<hbm>>) dst(%arg7 : memref<40x128xi32, #tpu.memory_space<vmem>>)
      tpu.yield
    }) : () -> ()
    "tpu.region"() ({
      %run_scoped3A = tpu.sem_alloc : memref<!tpu.dma_semaphore, #tpu.memory_space<semaphore_mem>>
      %dma_start3A_46 = arith.constant 40 : i32
      %dma_start3A_47 = arith.constant 0 : i32
      %dma_start3A_48 = tpu.memref_slice %arg4[%add3A, %dma_start3A_46, %dma_start3A_47] : memref<32x80x128xi32, #tpu.memory_space<hbm>> -> memref<1x40x128xi32, #tpu.memory_space<hbm>>
      %dma_start3A_49 = tpu.memref_squeeze %dma_start3A_48 : memref<1x40x128xi32, #tpu.memory_space<hbm>> -> memref<40x128xi32, #tpu.memory_space<hbm>>
      %dma_start3A_50 = arith.constant 40 : i32
      %dma_start3A_51 = arith.constant 0 : i32
      %dma_start3A_52 = tpu.memref_slice %arg4[%add3A, %dma_start3A_50, %dma_start3A_51] : memref<32x80x128xi32, #tpu.memory_space<hbm>> -> memref<1x40x128xi32, #tpu.memory_space<hbm>>
      %dma_start3A_53 = tpu.memref_squeeze %dma_start3A_52 : memref<1x40x128xi32, #tpu.memory_space<hbm>> -> memref<40x128xi32, #tpu.memory_space<hbm>>
      tpu.enqueue_dma source(%dma_start3A_53 : memref<40x128xi32, #tpu.memory_space<hbm>>) target(%arg8 : memref<40x128xi32, #tpu.memory_space<vmem>>) target_semaphore(%run_scoped3A : memref<!tpu.dma_semaphore, #tpu.memory_space<semaphore_mem>>)
      %dma_wait3A = arith.constant 40 : i32
      %dma_wait3A_54 = arith.constant 0 : i32
      %dma_wait3A_55 = tpu.memref_slice %arg4[%add3A, %dma_wait3A, %dma_wait3A_54] : memref<32x80x128xi32, #tpu.memory_space<hbm>> -> memref<1x40x128xi32, #tpu.memory_space<hbm>>
      %dma_wait3A_56 = tpu.memref_squeeze %dma_wait3A_55 : memref<1x40x128xi32, #tpu.memory_space<hbm>> -> memref<40x128xi32, #tpu.memory_space<hbm>>
      %dma_wait3A_57 = arith.constant 40 : i32
      %dma_wait3A_58 = arith.constant 0 : i32
      %dma_wait3A_59 = tpu.memref_slice %arg4[%add3A, %dma_wait3A_57, %dma_wait3A_58] : memref<32x80x128xi32, #tpu.memory_space<hbm>> -> memref<1x40x128xi32, #tpu.memory_space<hbm>>
      %dma_wait3A_60 = tpu.memref_squeeze %dma_wait3A_59 : memref<1x40x128xi32, #tpu.memory_space<hbm>> -> memref<40x128xi32, #tpu.memory_space<hbm>>
      tpu.wait_dma2 semaphore(%run_scoped3A : memref<!tpu.dma_semaphore, #tpu.memory_space<semaphore_mem>>) src(%dma_wait3A_60 : memref<40x128xi32, #tpu.memory_space<hbm>>) dst(%arg8 : memref<40x128xi32, #tpu.memory_space<vmem>>)
      tpu.yield
    }) : () -> ()
    %dma_start3A_21 = arith.constant 0 : i32
    %dma_start3A_22 = arith.constant 0 : i32
    %dma_start3A_23 = tpu.memref_slice %arg7[%dma_start3A_21, %dma_start3A_22] : memref<40x128xi32, #tpu.memory_space<vmem>> -> memref<1x128xi32, #tpu.memory_space<vmem>>
    %dma_start3A_24 = tpu.memref_squeeze %dma_start3A_23 : memref<1x128xi32, #tpu.memory_space<vmem>> -> memref<128xi32, #tpu.memory_space<vmem>>
    %dma_start3A_25 = arith.constant 0 : i32
    %dma_start3A_26 = arith.constant 0 : i32
    %dma_start3A_27 = tpu.memref_slice %arg2[%dma_start3A_25, %dma_start3A_26] : memref<10240x128xf32, #tpu.memory_space<hbm>> -> memref<10240x128xf32, #tpu.memory_space<hbm>>
    tpu.enqueue_indirect_dma source(%dma_start3A_27 : memref<10240x128xf32, #tpu.memory_space<hbm>>) target(%arg9 : memref<128x128xf32, #tpu.memory_space<vmem>>) offsets(%dma_start3A_24 : memref<128xi32, #tpu.memory_space<vmem>>) semaphore(%arg11 : memref<!tpu.dma_semaphore, #tpu.memory_space<semaphore_mem>>)
    %dma_start3A_28 = arith.constant 1 : i32
    %dma_start3A_29 = arith.constant 0 : i32
    %dma_start3A_30 = tpu.memref_slice %arg7[%dma_start3A_28, %dma_start3A_29] : memref<40x128xi32, #tpu.memory_space<vmem>> -> memref<1x128xi32, #tpu.memory_space<vmem>>
    %dma_start3A_31 = tpu.memref_squeeze %dma_start3A_30 : memref<1x128xi32, #tpu.memory_space<vmem>> -> memref<128xi32, #tpu.memory_space<vmem>>
    %dma_start3A_32 = arith.constant 0 : i32
    %dma_start3A_33 = arith.constant 0 : i32
    %dma_start3A_34 = tpu.memref_slice %arg2[%dma_start3A_32, %dma_start3A_33] : memref<10240x128xf32, #tpu.memory_space<hbm>> -> memref<10240x128xf32, #tpu.memory_space<hbm>>
    tpu.enqueue_indirect_dma source(%dma_start3A_34 : memref<10240x128xf32, #tpu.memory_space<hbm>>) target(%arg10 : memref<128x128xf32, #tpu.memory_space<vmem>>) offsets(%dma_start3A_31 : memref<128xi32, #tpu.memory_space<vmem>>) semaphore(%arg12 : memref<!tpu.dma_semaphore, #tpu.memory_space<semaphore_mem>>)
    %scan3A_35 = arith.constant 0 : i32
    %scan3A_36 = arith.constant 0 : i32
    %scan3A_37 = arith.constant 20 : i32
    %scan3A_38 = arith.addi %scan3A_36, %scan3A_37 : i32
    %scan3A_39 = arith.constant 1 : i32
    scf.for %scan3A_46 = %scan3A_36 to %scan3A_38 step %scan3A_39  : i32 {
      %mul3A_47 = arith.constant 2 : i32
      %mul3A_48 = arith.muli %mul3A_47, %scan3A_46 : i32
      %add3A_49 = arith.constant 1 : i32
      %add3A_50 = arith.addi %mul3A_48, %add3A_49 : i32
      %dma_wait3A = arith.constant 0 : i32
      %dma_wait3A_51 = tpu.memref_slice %arg7[%mul3A_48, %dma_wait3A] : memref<40x128xi32, #tpu.memory_space<vmem>> -> memref<1x128xi32, #tpu.memory_space<vmem>>
      %dma_wait3A_52 = tpu.memref_squeeze %dma_wait3A_51 : memref<1x128xi32, #tpu.memory_space<vmem>> -> memref<128xi32, #tpu.memory_space<vmem>>
      %dma_wait3A_53 = arith.constant 0 : i32
      %dma_wait3A_54 = arith.constant 0 : i32
      %dma_wait3A_55 = tpu.memref_slice %arg2[%dma_wait3A_53, %dma_wait3A_54] : memref<10240x128xf32, #tpu.memory_space<hbm>> -> memref<10240x128xf32, #tpu.memory_space<hbm>>
      tpu.wait_indirect_dma semaphore(%arg11 : memref<!tpu.dma_semaphore, #tpu.memory_space<semaphore_mem>>) src(%dma_wait3A_55 : memref<10240x128xf32, #tpu.memory_space<hbm>>) dst(%arg9 : memref<128x128xf32, #tpu.memory_space<vmem>>)
      "tpu.region"() ({
        %run_scoped3A = tpu.sem_alloc : memref<!tpu.dma_semaphore, #tpu.memory_space<semaphore_mem>>
        %dma_start3A_73 = arith.constant 0 : i32
        %dma_start3A_74 = tpu.memref_slice %arg8[%mul3A_48, %dma_start3A_73] : memref<40x128xi32, #tpu.memory_space<vmem>> -> memref<1x128xi32, #tpu.memory_space<vmem>>
        %dma_start3A_75 = tpu.memref_squeeze %dma_start3A_74 : memref<1x128xi32, #tpu.memory_space<vmem>> -> memref<128xi32, #tpu.memory_space<vmem>>
        %dma_start3A_76 = arith.constant 0 : i32
        %dma_start3A_77 = arith.constant 0 : i32
        %dma_start3A_78 = tpu.memref_slice %arg13[%dma_start3A_76, %dma_start3A_77] : memref<10240x128xf32, #tpu.memory_space<vmem_shared>> -> memref<10240x128xf32, #tpu.memory_space<vmem_shared>>
        tpu.enqueue_indirect_dma source(%arg9 : memref<128x128xf32, #tpu.memory_space<vmem>>) target(%dma_start3A_78 : memref<10240x128xf32, #tpu.memory_space<vmem_shared>>) offsets(%dma_start3A_75 : memref<128xi32, #tpu.memory_space<vmem>>) semaphore(%run_scoped3A : memref<!tpu.dma_semaphore, #tpu.memory_space<semaphore_mem>>) {add = true}
        %dma_wait3A_79 = arith.constant 0 : i32
        %dma_wait3A_80 = tpu.memref_slice %arg8[%mul3A_48, %dma_wait3A_79] : memref<40x128xi32, #tpu.memory_space<vmem>> -> memref<1x128xi32, #tpu.memory_space<vmem>>
        %dma_wait3A_81 = tpu.memref_squeeze %dma_wait3A_80 : memref<1x128xi32, #tpu.memory_space<vmem>> -> memref<128xi32, #tpu.memory_space<vmem>>
        %dma_wait3A_82 = arith.constant 0 : i32
        %dma_wait3A_83 = arith.constant 0 : i32
        %dma_wait3A_84 = tpu.memref_slice %arg13[%dma_wait3A_82, %dma_wait3A_83] : memref<10240x128xf32, #tpu.memory_space<vmem_shared>> -> memref<10240x128xf32, #tpu.memory_space<vmem_shared>>
        tpu.wait_indirect_dma semaphore(%run_scoped3A : memref<!tpu.dma_semaphore, #tpu.memory_space<semaphore_mem>>) src(%arg9 : memref<128x128xf32, #tpu.memory_space<vmem>>) dst(%dma_wait3A_84 : memref<10240x128xf32, #tpu.memory_space<vmem_shared>>)
        tpu.yield
      }) : () -> ()
      %add3A_56 = arith.constant 1 : i32
      %add3A_57 = arith.addi %add3A_50, %add3A_56 : i32
      %lt3A = arith.constant 40 : i32
      %lt3A_58 = arith.cmpi slt, %add3A_57, %lt3A : i32
      %convert_element_type3A = arith.extui %lt3A_58 : i1 to i32
      %cond3A = arith.constant 0 : i32
      %cond3A_59 = arith.cmpi ne, %convert_element_type3A, %cond3A : i32
      scf.if %cond3A_59 {
        %add3A_73 = arith.constant 1 : i32
        %add3A_74 = arith.addi %add3A_50, %add3A_73 : i32
        %dma_start3A_75 = arith.constant 0 : i32
        %dma_start3A_76 = tpu.memref_slice %arg7[%add3A_74, %dma_start3A_75] : memref<40x128xi32, #tpu.memory_space<vmem>> -> memref<1x128xi32, #tpu.memory_space<vmem>>
        %dma_start3A_77 = tpu.memref_squeeze %dma_start3A_76 : memref<1x128xi32, #tpu.memory_space<vmem>> -> memref<128xi32, #tpu.memory_space<vmem>>
        %dma_start3A_78 = arith.constant 0 : i32
        %dma_start3A_79 = arith.constant 0 : i32
        %dma_start3A_80 = tpu.memref_slice %arg2[%dma_start3A_78, %dma_start3A_79] : memref<10240x128xf32, #tpu.memory_space<hbm>> -> memref<10240x128xf32, #tpu.memory_space<hbm>>
        tpu.enqueue_indirect_dma source(%dma_start3A_80 : memref<10240x128xf32, #tpu.memory_space<hbm>>) target(%arg9 : memref<128x128xf32, #tpu.memory_space<vmem>>) offsets(%dma_start3A_77 : memref<128xi32, #tpu.memory_space<vmem>>) semaphore(%arg11 : memref<!tpu.dma_semaphore, #tpu.memory_space<semaphore_mem>>)
      } else {
      }
      %dma_wait3A_60 = arith.constant 0 : i32
      %dma_wait3A_61 = tpu.memref_slice %arg7[%add3A_50, %dma_wait3A_60] : memref<40x128xi32, #tpu.memory_space<vmem>> -> memref<1x128xi32, #tpu.memory_space<vmem>>
      %dma_wait3A_62 = tpu.memref_squeeze %dma_wait3A_61 : memref<1x128xi32, #tpu.memory_space<vmem>> -> memref<128xi32, #tpu.memory_space<vmem>>
      %dma_wait3A_63 = arith.constant 0 : i32
      %dma_wait3A_64 = arith.constant 0 : i32
      %dma_wait3A_65 = tpu.memref_slice %arg2[%dma_wait3A_63, %dma_wait3A_64] : memref<10240x128xf32, #tpu.memory_space<hbm>> -> memref<10240x128xf32, #tpu.memory_space<hbm>>
      tpu.wait_indirect_dma semaphore(%arg12 : memref<!tpu.dma_semaphore, #tpu.memory_space<semaphore_mem>>) src(%dma_wait3A_65 : memref<10240x128xf32, #tpu.memory_space<hbm>>) dst(%arg10 : memref<128x128xf32, #tpu.memory_space<vmem>>)
      "tpu.region"() ({
        %run_scoped3A = tpu.sem_alloc : memref<!tpu.dma_semaphore, #tpu.memory_space<semaphore_mem>>
        %dma_start3A_73 = arith.constant 0 : i32
        %dma_start3A_74 = tpu.memref_slice %arg8[%add3A_50, %dma_start3A_73] : memref<40x128xi32, #tpu.memory_space<vmem>> -> memref<1x128xi32, #tpu.memory_space<vmem>>
        %dma_start3A_75 = tpu.memref_squeeze %dma_start3A_74 : memref<1x128xi32, #tpu.memory_space<vmem>> -> memref<128xi32, #tpu.memory_space<vmem>>
        %dma_start3A_76 = arith.constant 0 : i32
        %dma_start3A_77 = arith.constant 0 : i32
        %dma_start3A_78 = tpu.memref_slice %arg13[%dma_start3A_76, %dma_start3A_77] : memref<10240x128xf32, #tpu.memory_space<vmem_shared>> -> memref<10240x128xf32, #tpu.memory_space<vmem_shared>>
        tpu.enqueue_indirect_dma source(%arg10 : memref<128x128xf32, #tpu.memory_space<vmem>>) target(%dma_start3A_78 : memref<10240x128xf32, #tpu.memory_space<vmem_shared>>) offsets(%dma_start3A_75 : memref<128xi32, #tpu.memory_space<vmem>>) semaphore(%run_scoped3A : memref<!tpu.dma_semaphore, #tpu.memory_space<semaphore_mem>>) {add = true}
        %dma_wait3A_79 = arith.constant 0 : i32
        %dma_wait3A_80 = tpu.memref_slice %arg8[%add3A_50, %dma_wait3A_79] : memref<40x128xi32, #tpu.memory_space<vmem>> -> memref<1x128xi32, #tpu.memory_space<vmem>>
        %dma_wait3A_81 = tpu.memref_squeeze %dma_wait3A_80 : memref<1x128xi32, #tpu.memory_space<vmem>> -> memref<128xi32, #tpu.memory_space<vmem>>
        %dma_wait3A_82 = arith.constant 0 : i32
        %dma_wait3A_83 = arith.constant 0 : i32
        %dma_wait3A_84 = tpu.memref_slice %arg13[%dma_wait3A_82, %dma_wait3A_83] : memref<10240x128xf32, #tpu.memory_space<vmem_shared>> -> memref<10240x128xf32, #tpu.memory_space<vmem_shared>>
        tpu.wait_indirect_dma semaphore(%run_scoped3A : memref<!tpu.dma_semaphore, #tpu.memory_space<semaphore_mem>>) src(%arg10 : memref<128x128xf32, #tpu.memory_space<vmem>>) dst(%dma_wait3A_84 : memref<10240x128xf32, #tpu.memory_space<vmem_shared>>)
        tpu.yield
      }) : () -> ()
      %add3A_66 = arith.constant 2 : i32
      %add3A_67 = arith.addi %add3A_50, %add3A_66 : i32
      %lt3A_68 = arith.constant 40 : i32
      %lt3A_69 = arith.cmpi slt, %add3A_67, %lt3A_68 : i32
      %convert_element_type3A_70 = arith.extui %lt3A_69 : i1 to i32
      %cond3A_71 = arith.constant 0 : i32
      %cond3A_72 = arith.cmpi ne, %convert_element_type3A_70, %cond3A_71 : i32
      scf.if %cond3A_72 {
        %add3A_73 = arith.constant 2 : i32
        %add3A_74 = arith.addi %add3A_50, %add3A_73 : i32
        %dma_start3A_75 = arith.constant 0 : i32
        %dma_start3A_76 = tpu.memref_slice %arg7[%add3A_74, %dma_start3A_75] : memref<40x128xi32, #tpu.memory_space<vmem>> -> memref<1x128xi32, #tpu.memory_space<vmem>>
        %dma_start3A_77 = tpu.memref_squeeze %dma_start3A_76 : memref<1x128xi32, #tpu.memory_space<vmem>> -> memref<128xi32, #tpu.memory_space<vmem>>
        %dma_start3A_78 = arith.constant 0 : i32
        %dma_start3A_79 = arith.constant 0 : i32
        %dma_start3A_80 = tpu.memref_slice %arg2[%dma_start3A_78, %dma_start3A_79] : memref<10240x128xf32, #tpu.memory_space<hbm>> -> memref<10240x128xf32, #tpu.memory_space<hbm>>
        tpu.enqueue_indirect_dma source(%dma_start3A_80 : memref<10240x128xf32, #tpu.memory_space<hbm>>) target(%arg10 : memref<128x128xf32, #tpu.memory_space<vmem>>) offsets(%dma_start3A_77 : memref<128xi32, #tpu.memory_space<vmem>>) semaphore(%arg12 : memref<!tpu.dma_semaphore, #tpu.memory_space<semaphore_mem>>)
      } else {
      }
    }
    %scan3A_40 = arith.constant 20 : i32
    %barrier3A_41 = arith.constant 0 : index
    tpu.barrier barrier_id(%barrier3A_41)
    %mul3A_42 = arith.constant 640 : i32
    %mul3A_43 = arith.muli %arg1, %mul3A_42 : i32
    %mul3A_44 = arith.constant 640 : i32
    %mul3A_45 = arith.muli %arg1, %mul3A_44 : i32
    "tpu.region"() ({
      %run_scoped3A = tpu.sem_alloc : memref<!tpu.dma_semaphore, #tpu.memory_space<semaphore_mem>>
      %dma_start3A_46 = arith.constant 0 : i32
      %dma_start3A_47 = tpu.memref_slice %arg6[%arg0, %mul3A_45, %dma_start3A_46] : memref<2x10240x128xf32, #tpu.memory_space<hbm>> -> memref<1x640x128xf32, #tpu.memory_space<hbm>>
      %dma_start3A_48 = tpu.memref_squeeze %dma_start3A_47 : memref<1x640x128xf32, #tpu.memory_space<hbm>> -> memref<640x128xf32, #tpu.memory_space<hbm>>
      %dma_start3A_49 = arith.constant 0 : i32
      %dma_start3A_50 = tpu.memref_slice %arg13[%mul3A_43, %dma_start3A_49] : memref<10240x128xf32, #tpu.memory_space<vmem_shared>> -> memref<640x128xf32, #tpu.memory_space<vmem_shared>>
      tpu.enqueue_dma source(%dma_start3A_50 : memref<640x128xf32, #tpu.memory_space<vmem_shared>>) target(%dma_start3A_48 : memref<640x128xf32, #tpu.memory_space<hbm>>) target_semaphore(%run_scoped3A : memref<!tpu.dma_semaphore, #tpu.memory_space<semaphore_mem>>)
      %dma_wait3A = arith.constant 0 : i32
      %dma_wait3A_51 = tpu.memref_slice %arg6[%arg0, %mul3A_45, %dma_wait3A] : memref<2x10240x128xf32, #tpu.memory_space<hbm>> -> memref<1x640x128xf32, #tpu.memory_space<hbm>>
      %dma_wait3A_52 = tpu.memref_squeeze %dma_wait3A_51 : memref<1x640x128xf32, #tpu.memory_space<hbm>> -> memref<640x128xf32, #tpu.memory_space<hbm>>
      %dma_wait3A_53 = arith.constant 0 : i32
      %dma_wait3A_54 = tpu.memref_slice %arg13[%mul3A_43, %dma_wait3A_53] : memref<10240x128xf32, #tpu.memory_space<vmem_shared>> -> memref<640x128xf32, #tpu.memory_space<vmem_shared>>
      tpu.wait_dma2 semaphore(%run_scoped3A : memref<!tpu.dma_semaphore, #tpu.memory_space<semaphore_mem>>) src(%dma_wait3A_54 : memref<640x128xf32, #tpu.memory_space<vmem_shared>>) dst(%dma_wait3A_52 : memref<640x128xf32, #tpu.memory_space<hbm>>)
      tpu.yield
    }) : () -> ()
    return
  }
}

#map = affine_map<(d0, d1) -> (0, 0)>
#map1 = affine_map<(d0, d1) -> (0, 0, 0)>
module attributes {stable_mosaic.version = 14 : i64} {
  func.func @_sc_scatter_body(%arg0: i32, %arg1: i32, %arg2: memref<10240x128xf32, #tpu.memory_space<hbm>>, %arg3: memref<32x80x128xi32, #tpu.memory_space<hbm>>, %arg4: memref<32x80x128xi32, #tpu.memory_space<hbm>>, %arg5: memref<640x128xf32, #tpu.memory_space<hbm>>, %arg6: memref<2x10240x128xf32, #tpu.memory_space<hbm>>, %arg7: memref<40x128xi32, #tpu.memory_space<vmem>>, %arg8: memref<40x128xi32, #tpu.memory_space<vmem>>, %arg9: memref<128x128xf32, #tpu.memory_space<vmem>>, %arg10: memref<128x128xf32, #tpu.memory_space<vmem>>, %arg11: memref<!tpu.dma_semaphore, #tpu.memory_space<semaphore_mem>>, %arg12: memref<!tpu.dma_semaphore, #tpu.memory_space<semaphore_mem>>, %arg13: memref<10240x128xf32, #tpu.memory_space<vmem_shared>>) attributes {dimension_semantics = [#tpu.dimension_semantics<core_parallel>, #tpu.dimension_semantics<subcore_parallel>], iteration_bounds = array<i64: 2, 16>, scalar_prefetch = 0 : i64, scratch_operands = 7 : i64, tpu.core_type = #tpu.core_type<sc_vector_subcore>, window_params = [{transform_indices = #map}, {transform_indices = #map1}, {transform_indices = #map1}, {transform_indices = #map}, {transform_indices = #map1}]} {
    %mul3A = arith.constant 16 : i32
    %mul3A_0 = arith.muli %arg0, %mul3A : i32
    %add3A = arith.addi %mul3A_0, %arg1 : i32
    %mul3A_1 = arith.constant 640 : i32
    %mul3A_2 = arith.muli %arg1, %mul3A_1 : i32
    "tpu.region"() ({
      %run_scoped3A = tpu.sem_alloc : memref<!tpu.dma_semaphore, #tpu.memory_space<semaphore_mem>>
      %dma_start3A_46 = arith.constant 0 : i32
      %dma_start3A_47 = tpu.memref_slice %arg13[%mul3A_2, %dma_start3A_46] : memref<10240x128xf32, #tpu.memory_space<vmem_shared>> -> memref<640x128xf32, #tpu.memory_space<vmem_shared>>
      tpu.enqueue_dma source(%arg5 : memref<640x128xf32, #tpu.memory_space<hbm>>) target(%dma_start3A_47 : memref<640x128xf32, #tpu.memory_space<vmem_shared>>) target_semaphore(%run_scoped3A : memref<!tpu.dma_semaphore, #tpu.memory_space<semaphore_mem>>)
      %dma_wait3A = arith.constant 0 : i32
      %dma_wait3A_48 = tpu.memref_slice %arg13[%mul3A_2, %dma_wait3A] : memref<10240x128xf32, #tpu.memory_space<vmem_shared>> -> memref<640x128xf32, #tpu.memory_space<vmem_shared>>
      tpu.wait_dma2 semaphore(%run_scoped3A : memref<!tpu.dma_semaphore, #tpu.memory_space<semaphore_mem>>) src(%arg5 : memref<640x128xf32, #tpu.memory_space<hbm>>) dst(%dma_wait3A_48 : memref<640x128xf32, #tpu.memory_space<vmem_shared>>)
      tpu.yield
    }) : () -> ()
    %barrier3A = arith.constant 0 : index
    tpu.barrier barrier_id(%barrier3A)
    "tpu.region"() ({
      %run_scoped3A = tpu.sem_alloc : memref<!tpu.dma_semaphore, #tpu.memory_space<semaphore_mem>>
      %dma_start3A_46 = arith.constant 0 : i32
      %dma_start3A_47 = arith.constant 0 : i32
      %dma_start3A_48 = tpu.memref_slice %arg3[%add3A, %dma_start3A_46, %dma_start3A_47] : memref<32x80x128xi32, #tpu.memory_space<hbm>> -> memref<1x40x128xi32, #tpu.memory_space<hbm>>
      %dma_start3A_49 = tpu.memref_squeeze %dma_start3A_48 : memref<1x40x128xi32, #tpu.memory_space<hbm>> -> memref<40x128xi32, #tpu.memory_space<hbm>>
      %dma_start3A_50 = arith.constant 0 : i32
      %dma_start3A_51 = arith.constant 0 : i32
      %dma_start3A_52 = tpu.memref_slice %arg3[%add3A, %dma_start3A_50, %dma_start3A_51] : memref<32x80x128xi32, #tpu.memory_space<hbm>> -> memref<1x40x128xi32, #tpu.memory_space<hbm>>
      %dma_start3A_53 = tpu.memref_squeeze %dma_start3A_52 : memref<1x40x128xi32, #tpu.memory_space<hbm>> -> memref<40x128xi32, #tpu.memory_space<hbm>>
      tpu.enqueue_dma source(%dma_start3A_53 : memref<40x128xi32, #tpu.memory_space<hbm>>) target(%arg7 : memref<40x128xi32, #tpu.memory_space<vmem>>) target_semaphore(%run_scoped3A : memref<!tpu.dma_semaphore, #tpu.memory_space<semaphore_mem>>)
      %dma_wait3A = arith.constant 0 : i32
      %dma_wait3A_54 = arith.constant 0 : i32
      %dma_wait3A_55 = tpu.memref_slice %arg3[%add3A, %dma_wait3A, %dma_wait3A_54] : memref<32x80x128xi32, #tpu.memory_space<hbm>> -> memref<1x40x128xi32, #tpu.memory_space<hbm>>
      %dma_wait3A_56 = tpu.memref_squeeze %dma_wait3A_55 : memref<1x40x128xi32, #tpu.memory_space<hbm>> -> memref<40x128xi32, #tpu.memory_space<hbm>>
      %dma_wait3A_57 = arith.constant 0 : i32
      %dma_wait3A_58 = arith.constant 0 : i32
      %dma_wait3A_59 = tpu.memref_slice %arg3[%add3A, %dma_wait3A_57, %dma_wait3A_58] : memref<32x80x128xi32, #tpu.memory_space<hbm>> -> memref<1x40x128xi32, #tpu.memory_space<hbm>>
      %dma_wait3A_60 = tpu.memref_squeeze %dma_wait3A_59 : memref<1x40x128xi32, #tpu.memory_space<hbm>> -> memref<40x128xi32, #tpu.memory_space<hbm>>
      tpu.wait_dma2 semaphore(%run_scoped3A : memref<!tpu.dma_semaphore, #tpu.memory_space<semaphore_mem>>) src(%dma_wait3A_60 : memref<40x128xi32, #tpu.memory_space<hbm>>) dst(%arg7 : memref<40x128xi32, #tpu.memory_space<vmem>>)
      tpu.yield
    }) : () -> ()
    "tpu.region"() ({
      %run_scoped3A = tpu.sem_alloc : memref<!tpu.dma_semaphore, #tpu.memory_space<semaphore_mem>>
      %dma_start3A_46 = arith.constant 0 : i32
      %dma_start3A_47 = arith.constant 0 : i32
      %dma_start3A_48 = tpu.memref_slice %arg4[%add3A, %dma_start3A_46, %dma_start3A_47] : memref<32x80x128xi32, #tpu.memory_space<hbm>> -> memref<1x40x128xi32, #tpu.memory_space<hbm>>
      %dma_start3A_49 = tpu.memref_squeeze %dma_start3A_48 : memref<1x40x128xi32, #tpu.memory_space<hbm>> -> memref<40x128xi32, #tpu.memory_space<hbm>>
      %dma_start3A_50 = arith.constant 0 : i32
      %dma_start3A_51 = arith.constant 0 : i32
      %dma_start3A_52 = tpu.memref_slice %arg4[%add3A, %dma_start3A_50, %dma_start3A_51] : memref<32x80x128xi32, #tpu.memory_space<hbm>> -> memref<1x40x128xi32, #tpu.memory_space<hbm>>
      %dma_start3A_53 = tpu.memref_squeeze %dma_start3A_52 : memref<1x40x128xi32, #tpu.memory_space<hbm>> -> memref<40x128xi32, #tpu.memory_space<hbm>>
      tpu.enqueue_dma source(%dma_start3A_53 : memref<40x128xi32, #tpu.memory_space<hbm>>) target(%arg8 : memref<40x128xi32, #tpu.memory_space<vmem>>) target_semaphore(%run_scoped3A : memref<!tpu.dma_semaphore, #tpu.memory_space<semaphore_mem>>)
      %dma_wait3A = arith.constant 0 : i32
      %dma_wait3A_54 = arith.constant 0 : i32
      %dma_wait3A_55 = tpu.memref_slice %arg4[%add3A, %dma_wait3A, %dma_wait3A_54] : memref<32x80x128xi32, #tpu.memory_space<hbm>> -> memref<1x40x128xi32, #tpu.memory_space<hbm>>
      %dma_wait3A_56 = tpu.memref_squeeze %dma_wait3A_55 : memref<1x40x128xi32, #tpu.memory_space<hbm>> -> memref<40x128xi32, #tpu.memory_space<hbm>>
      %dma_wait3A_57 = arith.constant 0 : i32
      %dma_wait3A_58 = arith.constant 0 : i32
      %dma_wait3A_59 = tpu.memref_slice %arg4[%add3A, %dma_wait3A_57, %dma_wait3A_58] : memref<32x80x128xi32, #tpu.memory_space<hbm>> -> memref<1x40x128xi32, #tpu.memory_space<hbm>>
      %dma_wait3A_60 = tpu.memref_squeeze %dma_wait3A_59 : memref<1x40x128xi32, #tpu.memory_space<hbm>> -> memref<40x128xi32, #tpu.memory_space<hbm>>
      tpu.wait_dma2 semaphore(%run_scoped3A : memref<!tpu.dma_semaphore, #tpu.memory_space<semaphore_mem>>) src(%dma_wait3A_60 : memref<40x128xi32, #tpu.memory_space<hbm>>) dst(%arg8 : memref<40x128xi32, #tpu.memory_space<vmem>>)
      tpu.yield
    }) : () -> ()
    %dma_start3A = arith.constant 0 : i32
    %dma_start3A_3 = arith.constant 0 : i32
    %dma_start3A_4 = tpu.memref_slice %arg7[%dma_start3A, %dma_start3A_3] : memref<40x128xi32, #tpu.memory_space<vmem>> -> memref<1x128xi32, #tpu.memory_space<vmem>>
    %dma_start3A_5 = tpu.memref_squeeze %dma_start3A_4 : memref<1x128xi32, #tpu.memory_space<vmem>> -> memref<128xi32, #tpu.memory_space<vmem>>
    %dma_start3A_6 = arith.constant 0 : i32
    %dma_start3A_7 = arith.constant 0 : i32
    %dma_start3A_8 = tpu.memref_slice %arg2[%dma_start3A_6, %dma_start3A_7] : memref<10240x128xf32, #tpu.memory_space<hbm>> -> memref<10240x128xf32, #tpu.memory_space<hbm>>
    tpu.enqueue_indirect_dma source(%dma_start3A_8 : memref<10240x128xf32, #tpu.memory_space<hbm>>) target(%arg9 : memref<128x128xf32, #tpu.memory_space<vmem>>) offsets(%dma_start3A_5 : memref<128xi32, #tpu.memory_space<vmem>>) semaphore(%arg11 : memref<!tpu.dma_semaphore, #tpu.memory_space<semaphore_mem>>)
    %dma_start3A_9 = arith.constant 1 : i32
    %dma_start3A_10 = arith.constant 0 : i32
    %dma_start3A_11 = tpu.memref_slice %arg7[%dma_start3A_9, %dma_start3A_10] : memref<40x128xi32, #tpu.memory_space<vmem>> -> memref<1x128xi32, #tpu.memory_space<vmem>>
    %dma_start3A_12 = tpu.memref_squeeze %dma_start3A_11 : memref<1x128xi32, #tpu.memory_space<vmem>> -> memref<128xi32, #tpu.memory_space<vmem>>
    %dma_start3A_13 = arith.constant 0 : i32
    %dma_start3A_14 = arith.constant 0 : i32
    %dma_start3A_15 = tpu.memref_slice %arg2[%dma_start3A_13, %dma_start3A_14] : memref<10240x128xf32, #tpu.memory_space<hbm>> -> memref<10240x128xf32, #tpu.memory_space<hbm>>
    tpu.enqueue_indirect_dma source(%dma_start3A_15 : memref<10240x128xf32, #tpu.memory_space<hbm>>) target(%arg10 : memref<128x128xf32, #tpu.memory_space<vmem>>) offsets(%dma_start3A_12 : memref<128xi32, #tpu.memory_space<vmem>>) semaphore(%arg12 : memref<!tpu.dma_semaphore, #tpu.memory_space<semaphore_mem>>)
    %scan3A = arith.constant 0 : i32
    %scan3A_16 = arith.constant 0 : i32
    %scan3A_17 = arith.constant 20 : i32
    %scan3A_18 = arith.addi %scan3A_16, %scan3A_17 : i32
    %scan3A_19 = arith.constant 1 : i32
    scf.for %scan3A_46 = %scan3A_16 to %scan3A_18 step %scan3A_19  : i32 {
      %mul3A_47 = arith.constant 2 : i32
      %mul3A_48 = arith.muli %mul3A_47, %scan3A_46 : i32
      %add3A_49 = arith.constant 1 : i32
      %add3A_50 = arith.addi %mul3A_48, %add3A_49 : i32
      %dma_wait3A = arith.constant 0 : i32
      %dma_wait3A_51 = tpu.memref_slice %arg7[%mul3A_48, %dma_wait3A] : memref<40x128xi32, #tpu.memory_space<vmem>> -> memref<1x128xi32, #tpu.memory_space<vmem>>
      %dma_wait3A_52 = tpu.memref_squeeze %dma_wait3A_51 : memref<1x128xi32, #tpu.memory_space<vmem>> -> memref<128xi32, #tpu.memory_space<vmem>>
      %dma_wait3A_53 = arith.constant 0 : i32
      %dma_wait3A_54 = arith.constant 0 : i32
      %dma_wait3A_55 = tpu.memref_slice %arg2[%dma_wait3A_53, %dma_wait3A_54] : memref<10240x128xf32, #tpu.memory_space<hbm>> -> memref<10240x128xf32, #tpu.memory_space<hbm>>
      tpu.wait_indirect_dma semaphore(%arg11 : memref<!tpu.dma_semaphore, #tpu.memory_space<semaphore_mem>>) src(%dma_wait3A_55 : memref<10240x128xf32, #tpu.memory_space<hbm>>) dst(%arg9 : memref<128x128xf32, #tpu.memory_space<vmem>>)
      "tpu.region"() ({
        %run_scoped3A = tpu.sem_alloc : memref<!tpu.dma_semaphore, #tpu.memory_space<semaphore_mem>>
        %dma_start3A_73 = arith.constant 0 : i32
        %dma_start3A_74 = tpu.memref_slice %arg8[%mul3A_48, %dma_start3A_73] : memref<40x128xi32, #tpu.memory_space<vmem>> -> memref<1x128xi32, #tpu.memory_space<vmem>>
        %dma_start3A_75 = tpu.memref_squeeze %dma_start3A_74 : memref<1x128xi32, #tpu.memory_space<vmem>> -> memref<128xi32, #tpu.memory_space<vmem>>
        %dma_start3A_76 = arith.constant 0 : i32
        %dma_start3A_77 = arith.constant 0 : i32
        %dma_start3A_78 = tpu.memref_slice %arg13[%dma_start3A_76, %dma_start3A_77] : memref<10240x128xf32, #tpu.memory_space<vmem_shared>> -> memref<10240x128xf32, #tpu.memory_space<vmem_shared>>
        tpu.enqueue_indirect_dma source(%arg9 : memref<128x128xf32, #tpu.memory_space<vmem>>) target(%dma_start3A_78 : memref<10240x128xf32, #tpu.memory_space<vmem_shared>>) offsets(%dma_start3A_75 : memref<128xi32, #tpu.memory_space<vmem>>) semaphore(%run_scoped3A : memref<!tpu.dma_semaphore, #tpu.memory_space<semaphore_mem>>) {add = true}
        %dma_wait3A_79 = arith.constant 0 : i32
        %dma_wait3A_80 = tpu.memref_slice %arg8[%mul3A_48, %dma_wait3A_79] : memref<40x128xi32, #tpu.memory_space<vmem>> -> memref<1x128xi32, #tpu.memory_space<vmem>>
        %dma_wait3A_81 = tpu.memref_squeeze %dma_wait3A_80 : memref<1x128xi32, #tpu.memory_space<vmem>> -> memref<128xi32, #tpu.memory_space<vmem>>
        %dma_wait3A_82 = arith.constant 0 : i32
        %dma_wait3A_83 = arith.constant 0 : i32
        %dma_wait3A_84 = tpu.memref_slice %arg13[%dma_wait3A_82, %dma_wait3A_83] : memref<10240x128xf32, #tpu.memory_space<vmem_shared>> -> memref<10240x128xf32, #tpu.memory_space<vmem_shared>>
        tpu.wait_indirect_dma semaphore(%run_scoped3A : memref<!tpu.dma_semaphore, #tpu.memory_space<semaphore_mem>>) src(%arg9 : memref<128x128xf32, #tpu.memory_space<vmem>>) dst(%dma_wait3A_84 : memref<10240x128xf32, #tpu.memory_space<vmem_shared>>)
        tpu.yield
      }) : () -> ()
      %add3A_56 = arith.constant 1 : i32
      %add3A_57 = arith.addi %add3A_50, %add3A_56 : i32
      %lt3A = arith.constant 40 : i32
      %lt3A_58 = arith.cmpi slt, %add3A_57, %lt3A : i32
      %convert_element_type3A = arith.extui %lt3A_58 : i1 to i32
      %cond3A = arith.constant 0 : i32
      %cond3A_59 = arith.cmpi ne, %convert_element_type3A, %cond3A : i32
      scf.if %cond3A_59 {
        %add3A_73 = arith.constant 1 : i32
        %add3A_74 = arith.addi %add3A_50, %add3A_73 : i32
        %dma_start3A_75 = arith.constant 0 : i32
        %dma_start3A_76 = tpu.memref_slice %arg7[%add3A_74, %dma_start3A_75] : memref<40x128xi32, #tpu.memory_space<vmem>> -> memref<1x128xi32, #tpu.memory_space<vmem>>
        %dma_start3A_77 = tpu.memref_squeeze %dma_start3A_76 : memref<1x128xi32, #tpu.memory_space<vmem>> -> memref<128xi32, #tpu.memory_space<vmem>>
        %dma_start3A_78 = arith.constant 0 : i32
        %dma_start3A_79 = arith.constant 0 : i32
        %dma_start3A_80 = tpu.memref_slice %arg2[%dma_start3A_78, %dma_start3A_79] : memref<10240x128xf32, #tpu.memory_space<hbm>> -> memref<10240x128xf32, #tpu.memory_space<hbm>>
        tpu.enqueue_indirect_dma source(%dma_start3A_80 : memref<10240x128xf32, #tpu.memory_space<hbm>>) target(%arg9 : memref<128x128xf32, #tpu.memory_space<vmem>>) offsets(%dma_start3A_77 : memref<128xi32, #tpu.memory_space<vmem>>) semaphore(%arg11 : memref<!tpu.dma_semaphore, #tpu.memory_space<semaphore_mem>>)
      } else {
      }
      %dma_wait3A_60 = arith.constant 0 : i32
      %dma_wait3A_61 = tpu.memref_slice %arg7[%add3A_50, %dma_wait3A_60] : memref<40x128xi32, #tpu.memory_space<vmem>> -> memref<1x128xi32, #tpu.memory_space<vmem>>
      %dma_wait3A_62 = tpu.memref_squeeze %dma_wait3A_61 : memref<1x128xi32, #tpu.memory_space<vmem>> -> memref<128xi32, #tpu.memory_space<vmem>>
      %dma_wait3A_63 = arith.constant 0 : i32
      %dma_wait3A_64 = arith.constant 0 : i32
      %dma_wait3A_65 = tpu.memref_slice %arg2[%dma_wait3A_63, %dma_wait3A_64] : memref<10240x128xf32, #tpu.memory_space<hbm>> -> memref<10240x128xf32, #tpu.memory_space<hbm>>
      tpu.wait_indirect_dma semaphore(%arg12 : memref<!tpu.dma_semaphore, #tpu.memory_space<semaphore_mem>>) src(%dma_wait3A_65 : memref<10240x128xf32, #tpu.memory_space<hbm>>) dst(%arg10 : memref<128x128xf32, #tpu.memory_space<vmem>>)
      "tpu.region"() ({
        %run_scoped3A = tpu.sem_alloc : memref<!tpu.dma_semaphore, #tpu.memory_space<semaphore_mem>>
        %dma_start3A_73 = arith.constant 0 : i32
        %dma_start3A_74 = tpu.memref_slice %arg8[%add3A_50, %dma_start3A_73] : memref<40x128xi32, #tpu.memory_space<vmem>> -> memref<1x128xi32, #tpu.memory_space<vmem>>
        %dma_start3A_75 = tpu.memref_squeeze %dma_start3A_74 : memref<1x128xi32, #tpu.memory_space<vmem>> -> memref<128xi32, #tpu.memory_space<vmem>>
        %dma_start3A_76 = arith.constant 0 : i32
        %dma_start3A_77 = arith.constant 0 : i32
        %dma_start3A_78 = tpu.memref_slice %arg13[%dma_start3A_76, %dma_start3A_77] : memref<10240x128xf32, #tpu.memory_space<vmem_shared>> -> memref<10240x128xf32, #tpu.memory_space<vmem_shared>>
        tpu.enqueue_indirect_dma source(%arg10 : memref<128x128xf32, #tpu.memory_space<vmem>>) target(%dma_start3A_78 : memref<10240x128xf32, #tpu.memory_space<vmem_shared>>) offsets(%dma_start3A_75 : memref<128xi32, #tpu.memory_space<vmem>>) semaphore(%run_scoped3A : memref<!tpu.dma_semaphore, #tpu.memory_space<semaphore_mem>>) {add = true}
        %dma_wait3A_79 = arith.constant 0 : i32
        %dma_wait3A_80 = tpu.memref_slice %arg8[%add3A_50, %dma_wait3A_79] : memref<40x128xi32, #tpu.memory_space<vmem>> -> memref<1x128xi32, #tpu.memory_space<vmem>>
        %dma_wait3A_81 = tpu.memref_squeeze %dma_wait3A_80 : memref<1x128xi32, #tpu.memory_space<vmem>> -> memref<128xi32, #tpu.memory_space<vmem>>
        %dma_wait3A_82 = arith.constant 0 : i32
        %dma_wait3A_83 = arith.constant 0 : i32
        %dma_wait3A_84 = tpu.memref_slice %arg13[%dma_wait3A_82, %dma_wait3A_83] : memref<10240x128xf32, #tpu.memory_space<vmem_shared>> -> memref<10240x128xf32, #tpu.memory_space<vmem_shared>>
        tpu.wait_indirect_dma semaphore(%run_scoped3A : memref<!tpu.dma_semaphore, #tpu.memory_space<semaphore_mem>>) src(%arg10 : memref<128x128xf32, #tpu.memory_space<vmem>>) dst(%dma_wait3A_84 : memref<10240x128xf32, #tpu.memory_space<vmem_shared>>)
        tpu.yield
      }) : () -> ()
      %add3A_66 = arith.constant 2 : i32
      %add3A_67 = arith.addi %add3A_50, %add3A_66 : i32
      %lt3A_68 = arith.constant 40 : i32
      %lt3A_69 = arith.cmpi slt, %add3A_67, %lt3A_68 : i32
      %convert_element_type3A_70 = arith.extui %lt3A_69 : i1 to i32
      %cond3A_71 = arith.constant 0 : i32
      %cond3A_72 = arith.cmpi ne, %convert_element_type3A_70, %cond3A_71 : i32
      scf.if %cond3A_72 {
        %add3A_73 = arith.constant 2 : i32
        %add3A_74 = arith.addi %add3A_50, %add3A_73 : i32
        %dma_start3A_75 = arith.constant 0 : i32
        %dma_start3A_76 = tpu.memref_slice %arg7[%add3A_74, %dma_start3A_75] : memref<40x128xi32, #tpu.memory_space<vmem>> -> memref<1x128xi32, #tpu.memory_space<vmem>>
        %dma_start3A_77 = tpu.memref_squeeze %dma_start3A_76 : memref<1x128xi32, #tpu.memory_space<vmem>> -> memref<128xi32, #tpu.memory_space<vmem>>
        %dma_start3A_78 = arith.constant 0 : i32
        %dma_start3A_79 = arith.constant 0 : i32
        %dma_start3A_80 = tpu.memref_slice %arg2[%dma_start3A_78, %dma_start3A_79] : memref<10240x128xf32, #tpu.memory_space<hbm>> -> memref<10240x128xf32, #tpu.memory_space<hbm>>
        tpu.enqueue_indirect_dma source(%dma_start3A_80 : memref<10240x128xf32, #tpu.memory_space<hbm>>) target(%arg10 : memref<128x128xf32, #tpu.memory_space<vmem>>) offsets(%dma_start3A_77 : memref<128xi32, #tpu.memory_space<vmem>>) semaphore(%arg12 : memref<!tpu.dma_semaphore, #tpu.memory_space<semaphore_mem>>)
      } else {
      }
    }
    %scan3A_20 = arith.constant 20 : i32
    "tpu.region"() ({
      %run_scoped3A = tpu.sem_alloc : memref<!tpu.dma_semaphore, #tpu.memory_space<semaphore_mem>>
      %dma_start3A_46 = arith.constant 40 : i32
      %dma_start3A_47 = arith.constant 0 : i32
      %dma_start3A_48 = tpu.memref_slice %arg3[%add3A, %dma_start3A_46, %dma_start3A_47] : memref<32x80x128xi32, #tpu.memory_space<hbm>> -> memref<1x40x128xi32, #tpu.memory_space<hbm>>
      %dma_start3A_49 = tpu.memref_squeeze %dma_start3A_48 : memref<1x40x128xi32, #tpu.memory_space<hbm>> -> memref<40x128xi32, #tpu.memory_space<hbm>>
      %dma_start3A_50 = arith.constant 40 : i32
      %dma_start3A_51 = arith.constant 0 : i32
      %dma_start3A_52 = tpu.memref_slice %arg3[%add3A, %dma_start3A_50, %dma_start3A_51] : memref<32x80x128xi32, #tpu.memory_space<hbm>> -> memref<1x40x128xi32, #tpu.memory_space<hbm>>
      %dma_start3A_53 = tpu.memref_squeeze %dma_start3A_52 : memref<1x40x128xi32, #tpu.memory_space<hbm>> -> memref<40x128xi32, #tpu.memory_space<hbm>>
      tpu.enqueue_dma source(%dma_start3A_53 : memref<40x128xi32, #tpu.memory_space<hbm>>) target(%arg7 : memref<40x128xi32, #tpu.memory_space<vmem>>) target_semaphore(%run_scoped3A : memref<!tpu.dma_semaphore, #tpu.memory_space<semaphore_mem>>)
      %dma_wait3A = arith.constant 40 : i32
      %dma_wait3A_54 = arith.constant 0 : i32
      %dma_wait3A_55 = tpu.memref_slice %arg3[%add3A, %dma_wait3A, %dma_wait3A_54] : memref<32x80x128xi32, #tpu.memory_space<hbm>> -> memref<1x40x128xi32, #tpu.memory_space<hbm>>
      %dma_wait3A_56 = tpu.memref_squeeze %dma_wait3A_55 : memref<1x40x128xi32, #tpu.memory_space<hbm>> -> memref<40x128xi32, #tpu.memory_space<hbm>>
      %dma_wait3A_57 = arith.constant 40 : i32
      %dma_wait3A_58 = arith.constant 0 : i32
      %dma_wait3A_59 = tpu.memref_slice %arg3[%add3A, %dma_wait3A_57, %dma_wait3A_58] : memref<32x80x128xi32, #tpu.memory_space<hbm>> -> memref<1x40x128xi32, #tpu.memory_space<hbm>>
      %dma_wait3A_60 = tpu.memref_squeeze %dma_wait3A_59 : memref<1x40x128xi32, #tpu.memory_space<hbm>> -> memref<40x128xi32, #tpu.memory_space<hbm>>
      tpu.wait_dma2 semaphore(%run_scoped3A : memref<!tpu.dma_semaphore, #tpu.memory_space<semaphore_mem>>) src(%dma_wait3A_60 : memref<40x128xi32, #tpu.memory_space<hbm>>) dst(%arg7 : memref<40x128xi32, #tpu.memory_space<vmem>>)
      tpu.yield
    }) : () -> ()
    "tpu.region"() ({
      %run_scoped3A = tpu.sem_alloc : memref<!tpu.dma_semaphore, #tpu.memory_space<semaphore_mem>>
      %dma_start3A_46 = arith.constant 40 : i32
      %dma_start3A_47 = arith.constant 0 : i32
      %dma_start3A_48 = tpu.memref_slice %arg4[%add3A, %dma_start3A_46, %dma_start3A_47] : memref<32x80x128xi32, #tpu.memory_space<hbm>> -> memref<1x40x128xi32, #tpu.memory_space<hbm>>
      %dma_start3A_49 = tpu.memref_squeeze %dma_start3A_48 : memref<1x40x128xi32, #tpu.memory_space<hbm>> -> memref<40x128xi32, #tpu.memory_space<hbm>>
      %dma_start3A_50 = arith.constant 40 : i32
      %dma_start3A_51 = arith.constant 0 : i32
      %dma_start3A_52 = tpu.memref_slice %arg4[%add3A, %dma_start3A_50, %dma_start3A_51] : memref<32x80x128xi32, #tpu.memory_space<hbm>> -> memref<1x40x128xi32, #tpu.memory_space<hbm>>
      %dma_start3A_53 = tpu.memref_squeeze %dma_start3A_52 : memref<1x40x128xi32, #tpu.memory_space<hbm>> -> memref<40x128xi32, #tpu.memory_space<hbm>>
      tpu.enqueue_dma source(%dma_start3A_53 : memref<40x128xi32, #tpu.memory_space<hbm>>) target(%arg8 : memref<40x128xi32, #tpu.memory_space<vmem>>) target_semaphore(%run_scoped3A : memref<!tpu.dma_semaphore, #tpu.memory_space<semaphore_mem>>)
      %dma_wait3A = arith.constant 40 : i32
      %dma_wait3A_54 = arith.constant 0 : i32
      %dma_wait3A_55 = tpu.memref_slice %arg4[%add3A, %dma_wait3A, %dma_wait3A_54] : memref<32x80x128xi32, #tpu.memory_space<hbm>> -> memref<1x40x128xi32, #tpu.memory_space<hbm>>
      %dma_wait3A_56 = tpu.memref_squeeze %dma_wait3A_55 : memref<1x40x128xi32, #tpu.memory_space<hbm>> -> memref<40x128xi32, #tpu.memory_space<hbm>>
      %dma_wait3A_57 = arith.constant 40 : i32
      %dma_wait3A_58 = arith.constant 0 : i32
      %dma_wait3A_59 = tpu.memref_slice %arg4[%add3A, %dma_wait3A_57, %dma_wait3A_58] : memref<32x80x128xi32, #tpu.memory_space<hbm>> -> memref<1x40x128xi32, #tpu.memory_space<hbm>>
      %dma_wait3A_60 = tpu.memref_squeeze %dma_wait3A_59 : memref<1x40x128xi32, #tpu.memory_space<hbm>> -> memref<40x128xi32, #tpu.memory_space<hbm>>
      tpu.wait_dma2 semaphore(%run_scoped3A : memref<!tpu.dma_semaphore, #tpu.memory_space<semaphore_mem>>) src(%dma_wait3A_60 : memref<40x128xi32, #tpu.memory_space<hbm>>) dst(%arg8 : memref<40x128xi32, #tpu.memory_space<vmem>>)
      tpu.yield
    }) : () -> ()
    %dma_start3A_21 = arith.constant 0 : i32
    %dma_start3A_22 = arith.constant 0 : i32
    %dma_start3A_23 = tpu.memref_slice %arg7[%dma_start3A_21, %dma_start3A_22] : memref<40x128xi32, #tpu.memory_space<vmem>> -> memref<1x128xi32, #tpu.memory_space<vmem>>
    %dma_start3A_24 = tpu.memref_squeeze %dma_start3A_23 : memref<1x128xi32, #tpu.memory_space<vmem>> -> memref<128xi32, #tpu.memory_space<vmem>>
    %dma_start3A_25 = arith.constant 0 : i32
    %dma_start3A_26 = arith.constant 0 : i32
    %dma_start3A_27 = tpu.memref_slice %arg2[%dma_start3A_25, %dma_start3A_26] : memref<10240x128xf32, #tpu.memory_space<hbm>> -> memref<10240x128xf32, #tpu.memory_space<hbm>>
    tpu.enqueue_indirect_dma source(%dma_start3A_27 : memref<10240x128xf32, #tpu.memory_space<hbm>>) target(%arg9 : memref<128x128xf32, #tpu.memory_space<vmem>>) offsets(%dma_start3A_24 : memref<128xi32, #tpu.memory_space<vmem>>) semaphore(%arg11 : memref<!tpu.dma_semaphore, #tpu.memory_space<semaphore_mem>>)
    %dma_start3A_28 = arith.constant 1 : i32
    %dma_start3A_29 = arith.constant 0 : i32
    %dma_start3A_30 = tpu.memref_slice %arg7[%dma_start3A_28, %dma_start3A_29] : memref<40x128xi32, #tpu.memory_space<vmem>> -> memref<1x128xi32, #tpu.memory_space<vmem>>
    %dma_start3A_31 = tpu.memref_squeeze %dma_start3A_30 : memref<1x128xi32, #tpu.memory_space<vmem>> -> memref<128xi32, #tpu.memory_space<vmem>>
    %dma_start3A_32 = arith.constant 0 : i32
    %dma_start3A_33 = arith.constant 0 : i32
    %dma_start3A_34 = tpu.memref_slice %arg2[%dma_start3A_32, %dma_start3A_33] : memref<10240x128xf32, #tpu.memory_space<hbm>> -> memref<10240x128xf32, #tpu.memory_space<hbm>>
    tpu.enqueue_indirect_dma source(%dma_start3A_34 : memref<10240x128xf32, #tpu.memory_space<hbm>>) target(%arg10 : memref<128x128xf32, #tpu.memory_space<vmem>>) offsets(%dma_start3A_31 : memref<128xi32, #tpu.memory_space<vmem>>) semaphore(%arg12 : memref<!tpu.dma_semaphore, #tpu.memory_space<semaphore_mem>>)
    %scan3A_35 = arith.constant 0 : i32
    %scan3A_36 = arith.constant 0 : i32
    %scan3A_37 = arith.constant 20 : i32
    %scan3A_38 = arith.addi %scan3A_36, %scan3A_37 : i32
    %scan3A_39 = arith.constant 1 : i32
    scf.for %scan3A_46 = %scan3A_36 to %scan3A_38 step %scan3A_39  : i32 {
      %mul3A_47 = arith.constant 2 : i32
      %mul3A_48 = arith.muli %mul3A_47, %scan3A_46 : i32
      %add3A_49 = arith.constant 1 : i32
      %add3A_50 = arith.addi %mul3A_48, %add3A_49 : i32
      %dma_wait3A = arith.constant 0 : i32
      %dma_wait3A_51 = tpu.memref_slice %arg7[%mul3A_48, %dma_wait3A] : memref<40x128xi32, #tpu.memory_space<vmem>> -> memref<1x128xi32, #tpu.memory_space<vmem>>
      %dma_wait3A_52 = tpu.memref_squeeze %dma_wait3A_51 : memref<1x128xi32, #tpu.memory_space<vmem>> -> memref<128xi32, #tpu.memory_space<vmem>>
      %dma_wait3A_53 = arith.constant 0 : i32
      %dma_wait3A_54 = arith.constant 0 : i32
      %dma_wait3A_55 = tpu.memref_slice %arg2[%dma_wait3A_53, %dma_wait3A_54] : memref<10240x128xf32, #tpu.memory_space<hbm>> -> memref<10240x128xf32, #tpu.memory_space<hbm>>
      tpu.wait_indirect_dma semaphore(%arg11 : memref<!tpu.dma_semaphore, #tpu.memory_space<semaphore_mem>>) src(%dma_wait3A_55 : memref<10240x128xf32, #tpu.memory_space<hbm>>) dst(%arg9 : memref<128x128xf32, #tpu.memory_space<vmem>>)
      "tpu.region"() ({
        %run_scoped3A = tpu.sem_alloc : memref<!tpu.dma_semaphore, #tpu.memory_space<semaphore_mem>>
        %dma_start3A_73 = arith.constant 0 : i32
        %dma_start3A_74 = tpu.memref_slice %arg8[%mul3A_48, %dma_start3A_73] : memref<40x128xi32, #tpu.memory_space<vmem>> -> memref<1x128xi32, #tpu.memory_space<vmem>>
        %dma_start3A_75 = tpu.memref_squeeze %dma_start3A_74 : memref<1x128xi32, #tpu.memory_space<vmem>> -> memref<128xi32, #tpu.memory_space<vmem>>
        %dma_start3A_76 = arith.constant 0 : i32
        %dma_start3A_77 = arith.constant 0 : i32
        %dma_start3A_78 = tpu.memref_slice %arg13[%dma_start3A_76, %dma_start3A_77] : memref<10240x128xf32, #tpu.memory_space<vmem_shared>> -> memref<10240x128xf32, #tpu.memory_space<vmem_shared>>
        tpu.enqueue_indirect_dma source(%arg9 : memref<128x128xf32, #tpu.memory_space<vmem>>) target(%dma_start3A_78 : memref<10240x128xf32, #tpu.memory_space<vmem_shared>>) offsets(%dma_start3A_75 : memref<128xi32, #tpu.memory_space<vmem>>) semaphore(%run_scoped3A : memref<!tpu.dma_semaphore, #tpu.memory_space<semaphore_mem>>) {add = true}
        %dma_wait3A_79 = arith.constant 0 : i32
        %dma_wait3A_80 = tpu.memref_slice %arg8[%mul3A_48, %dma_wait3A_79] : memref<40x128xi32, #tpu.memory_space<vmem>> -> memref<1x128xi32, #tpu.memory_space<vmem>>
        %dma_wait3A_81 = tpu.memref_squeeze %dma_wait3A_80 : memref<1x128xi32, #tpu.memory_space<vmem>> -> memref<128xi32, #tpu.memory_space<vmem>>
        %dma_wait3A_82 = arith.constant 0 : i32
        %dma_wait3A_83 = arith.constant 0 : i32
        %dma_wait3A_84 = tpu.memref_slice %arg13[%dma_wait3A_82, %dma_wait3A_83] : memref<10240x128xf32, #tpu.memory_space<vmem_shared>> -> memref<10240x128xf32, #tpu.memory_space<vmem_shared>>
        tpu.wait_indirect_dma semaphore(%run_scoped3A : memref<!tpu.dma_semaphore, #tpu.memory_space<semaphore_mem>>) src(%arg9 : memref<128x128xf32, #tpu.memory_space<vmem>>) dst(%dma_wait3A_84 : memref<10240x128xf32, #tpu.memory_space<vmem_shared>>)
        tpu.yield
      }) : () -> ()
      %add3A_56 = arith.constant 1 : i32
      %add3A_57 = arith.addi %add3A_50, %add3A_56 : i32
      %lt3A = arith.constant 40 : i32
      %lt3A_58 = arith.cmpi slt, %add3A_57, %lt3A : i32
      %convert_element_type3A = arith.extui %lt3A_58 : i1 to i32
      %cond3A = arith.constant 0 : i32
      %cond3A_59 = arith.cmpi ne, %convert_element_type3A, %cond3A : i32
      scf.if %cond3A_59 {
        %add3A_73 = arith.constant 1 : i32
        %add3A_74 = arith.addi %add3A_50, %add3A_73 : i32
        %dma_start3A_75 = arith.constant 0 : i32
        %dma_start3A_76 = tpu.memref_slice %arg7[%add3A_74, %dma_start3A_75] : memref<40x128xi32, #tpu.memory_space<vmem>> -> memref<1x128xi32, #tpu.memory_space<vmem>>
        %dma_start3A_77 = tpu.memref_squeeze %dma_start3A_76 : memref<1x128xi32, #tpu.memory_space<vmem>> -> memref<128xi32, #tpu.memory_space<vmem>>
        %dma_start3A_78 = arith.constant 0 : i32
        %dma_start3A_79 = arith.constant 0 : i32
        %dma_start3A_80 = tpu.memref_slice %arg2[%dma_start3A_78, %dma_start3A_79] : memref<10240x128xf32, #tpu.memory_space<hbm>> -> memref<10240x128xf32, #tpu.memory_space<hbm>>
        tpu.enqueue_indirect_dma source(%dma_start3A_80 : memref<10240x128xf32, #tpu.memory_space<hbm>>) target(%arg9 : memref<128x128xf32, #tpu.memory_space<vmem>>) offsets(%dma_start3A_77 : memref<128xi32, #tpu.memory_space<vmem>>) semaphore(%arg11 : memref<!tpu.dma_semaphore, #tpu.memory_space<semaphore_mem>>)
      } else {
      }
      %dma_wait3A_60 = arith.constant 0 : i32
      %dma_wait3A_61 = tpu.memref_slice %arg7[%add3A_50, %dma_wait3A_60] : memref<40x128xi32, #tpu.memory_space<vmem>> -> memref<1x128xi32, #tpu.memory_space<vmem>>
      %dma_wait3A_62 = tpu.memref_squeeze %dma_wait3A_61 : memref<1x128xi32, #tpu.memory_space<vmem>> -> memref<128xi32, #tpu.memory_space<vmem>>
      %dma_wait3A_63 = arith.constant 0 : i32
      %dma_wait3A_64 = arith.constant 0 : i32
      %dma_wait3A_65 = tpu.memref_slice %arg2[%dma_wait3A_63, %dma_wait3A_64] : memref<10240x128xf32, #tpu.memory_space<hbm>> -> memref<10240x128xf32, #tpu.memory_space<hbm>>
      tpu.wait_indirect_dma semaphore(%arg12 : memref<!tpu.dma_semaphore, #tpu.memory_space<semaphore_mem>>) src(%dma_wait3A_65 : memref<10240x128xf32, #tpu.memory_space<hbm>>) dst(%arg10 : memref<128x128xf32, #tpu.memory_space<vmem>>)
      "tpu.region"() ({
        %run_scoped3A = tpu.sem_alloc : memref<!tpu.dma_semaphore, #tpu.memory_space<semaphore_mem>>
        %dma_start3A_73 = arith.constant 0 : i32
        %dma_start3A_74 = tpu.memref_slice %arg8[%add3A_50, %dma_start3A_73] : memref<40x128xi32, #tpu.memory_space<vmem>> -> memref<1x128xi32, #tpu.memory_space<vmem>>
        %dma_start3A_75 = tpu.memref_squeeze %dma_start3A_74 : memref<1x128xi32, #tpu.memory_space<vmem>> -> memref<128xi32, #tpu.memory_space<vmem>>
        %dma_start3A_76 = arith.constant 0 : i32
        %dma_start3A_77 = arith.constant 0 : i32
        %dma_start3A_78 = tpu.memref_slice %arg13[%dma_start3A_76, %dma_start3A_77] : memref<10240x128xf32, #tpu.memory_space<vmem_shared>> -> memref<10240x128xf32, #tpu.memory_space<vmem_shared>>
        tpu.enqueue_indirect_dma source(%arg10 : memref<128x128xf32, #tpu.memory_space<vmem>>) target(%dma_start3A_78 : memref<10240x128xf32, #tpu.memory_space<vmem_shared>>) offsets(%dma_start3A_75 : memref<128xi32, #tpu.memory_space<vmem>>) semaphore(%run_scoped3A : memref<!tpu.dma_semaphore, #tpu.memory_space<semaphore_mem>>) {add = true}
        %dma_wait3A_79 = arith.constant 0 : i32
        %dma_wait3A_80 = tpu.memref_slice %arg8[%add3A_50, %dma_wait3A_79] : memref<40x128xi32, #tpu.memory_space<vmem>> -> memref<1x128xi32, #tpu.memory_space<vmem>>
        %dma_wait3A_81 = tpu.memref_squeeze %dma_wait3A_80 : memref<1x128xi32, #tpu.memory_space<vmem>> -> memref<128xi32, #tpu.memory_space<vmem>>
        %dma_wait3A_82 = arith.constant 0 : i32
        %dma_wait3A_83 = arith.constant 0 : i32
        %dma_wait3A_84 = tpu.memref_slice %arg13[%dma_wait3A_82, %dma_wait3A_83] : memref<10240x128xf32, #tpu.memory_space<vmem_shared>> -> memref<10240x128xf32, #tpu.memory_space<vmem_shared>>
        tpu.wait_indirect_dma semaphore(%run_scoped3A : memref<!tpu.dma_semaphore, #tpu.memory_space<semaphore_mem>>) src(%arg10 : memref<128x128xf32, #tpu.memory_space<vmem>>) dst(%dma_wait3A_84 : memref<10240x128xf32, #tpu.memory_space<vmem_shared>>)
        tpu.yield
      }) : () -> ()
      %add3A_66 = arith.constant 2 : i32
      %add3A_67 = arith.addi %add3A_50, %add3A_66 : i32
      %lt3A_68 = arith.constant 40 : i32
      %lt3A_69 = arith.cmpi slt, %add3A_67, %lt3A_68 : i32
      %convert_element_type3A_70 = arith.extui %lt3A_69 : i1 to i32
      %cond3A_71 = arith.constant 0 : i32
      %cond3A_72 = arith.cmpi ne, %convert_element_type3A_70, %cond3A_71 : i32
      scf.if %cond3A_72 {
        %add3A_73 = arith.constant 2 : i32
        %add3A_74 = arith.addi %add3A_50, %add3A_73 : i32
        %dma_start3A_75 = arith.constant 0 : i32
        %dma_start3A_76 = tpu.memref_slice %arg7[%add3A_74, %dma_start3A_75] : memref<40x128xi32, #tpu.memory_space<vmem>> -> memref<1x128xi32, #tpu.memory_space<vmem>>
        %dma_start3A_77 = tpu.memref_squeeze %dma_start3A_76 : memref<1x128xi32, #tpu.memory_space<vmem>> -> memref<128xi32, #tpu.memory_space<vmem>>
        %dma_start3A_78 = arith.constant 0 : i32
        %dma_start3A_79 = arith.constant 0 : i32
        %dma_start3A_80 = tpu.memref_slice %arg2[%dma_start3A_78, %dma_start3A_79] : memref<10240x128xf32, #tpu.memory_space<hbm>> -> memref<10240x128xf32, #tpu.memory_space<hbm>>
        tpu.enqueue_indirect_dma source(%dma_start3A_80 : memref<10240x128xf32, #tpu.memory_space<hbm>>) target(%arg10 : memref<128x128xf32, #tpu.memory_space<vmem>>) offsets(%dma_start3A_77 : memref<128xi32, #tpu.memory_space<vmem>>) semaphore(%arg12 : memref<!tpu.dma_semaphore, #tpu.memory_space<semaphore_mem>>)
      } else {
      }
    }
    %scan3A_40 = arith.constant 20 : i32
    %barrier3A_41 = arith.constant 0 : index
    tpu.barrier barrier_id(%barrier3A_41)
    %mul3A_42 = arith.constant 640 : i32
    %mul3A_43 = arith.muli %arg1, %mul3A_42 : i32
    %mul3A_44 = arith.constant 640 : i32
    %mul3A_45 = arith.muli %arg1, %mul3A_44 : i32
    "tpu.region"() ({
      %run_scoped3A = tpu.sem_alloc : memref<!tpu.dma_semaphore, #tpu.memory_space<semaphore_mem>>
      %dma_start3A_46 = arith.constant 0 : i32
      %dma_start3A_47 = tpu.memref_slice %arg6[%arg0, %mul3A_45, %dma_start3A_46] : memref<2x10240x128xf32, #tpu.memory_space<hbm>> -> memref<1x640x128xf32, #tpu.memory_space<hbm>>
      %dma_start3A_48 = tpu.memref_squeeze %dma_start3A_47 : memref<1x640x128xf32, #tpu.memory_space<hbm>> -> memref<640x128xf32, #tpu.memory_space<hbm>>
      %dma_start3A_49 = arith.constant 0 : i32
      %dma_start3A_50 = tpu.memref_slice %arg13[%mul3A_43, %dma_start3A_49] : memref<10240x128xf32, #tpu.memory_space<vmem_shared>> -> memref<640x128xf32, #tpu.memory_space<vmem_shared>>
      tpu.enqueue_dma source(%dma_start3A_50 : memref<640x128xf32, #tpu.memory_space<vmem_shared>>) target(%dma_start3A_48 : memref<640x128xf32, #tpu.memory_space<hbm>>) target_semaphore(%run_scoped3A : memref<!tpu.dma_semaphore, #tpu.memory_space<semaphore_mem>>)
      %dma_wait3A = arith.constant 0 : i32
      %dma_wait3A_51 = tpu.memref_slice %arg6[%arg0, %mul3A_45, %dma_wait3A] : memref<2x10240x128xf32, #tpu.memory_space<hbm>> -> memref<1x640x128xf32, #tpu.memory_space<hbm>>
      %dma_wait3A_52 = tpu.memref_squeeze %dma_wait3A_51 : memref<1x640x128xf32, #tpu.memory_space<hbm>> -> memref<640x128xf32, #tpu.memory_space<hbm>>
      %dma_wait3A_53 = arith.constant 0 : i32
      %dma_wait3A_54 = tpu.memref_slice %arg13[%mul3A_43, %dma_wait3A_53] : memref<10240x128xf32, #tpu.memory_space<vmem_shared>> -> memref<640x128xf32, #tpu.memory_space<vmem_shared>>
      tpu.wait_dma2 semaphore(%run_scoped3A : memref<!tpu.dma_semaphore, #tpu.memory_space<semaphore_mem>>) src(%dma_wait3A_54 : memref<640x128xf32, #tpu.memory_space<vmem_shared>>) dst(%dma_wait3A_52 : memref<640x128xf32, #tpu.memory_space<hbm>>)
      tpu.yield
    }) : () -> ()
    return
  }
}

#map = affine_map<(d0, d1) -> (0, 0, 0)>
#map1 = affine_map<(d0, d1) -> (0, 0)>
module attributes {stable_mosaic.version = 14 : i64} {
  func.func @_sc_deg_body(%arg0: i32, %arg1: i32, %arg2: memref<32x80x128xi32, #tpu.memory_space<hbm>>, %arg3: memref<128x128xf32, #tpu.memory_space<hbm>>, %arg4: memref<640x128xf32, #tpu.memory_space<hbm>>, %arg5: memref<2x10240x128xf32, #tpu.memory_space<hbm>>, %arg6: memref<80x128xi32, #tpu.memory_space<vmem>>, %arg7: memref<128x128xf32, #tpu.memory_space<vmem>>, %arg8: memref<10240x128xf32, #tpu.memory_space<vmem_shared>>) attributes {dimension_semantics = [#tpu.dimension_semantics<core_parallel>, #tpu.dimension_semantics<subcore_parallel>], iteration_bounds = array<i64: 2, 16>, scalar_prefetch = 0 : i64, scratch_operands = 3 : i64, tpu.core_type = #tpu.core_type<sc_vector_subcore>, window_params = [{transform_indices = #map}, {transform_indices = #map1}, {transform_indices = #map1}, {transform_indices = #map}]} {
    %mul3A = arith.constant 16 : i32
    %mul3A_0 = arith.muli %arg0, %mul3A : i32
    %add3A = arith.addi %mul3A_0, %arg1 : i32
    %mul3A_1 = arith.constant 640 : i32
    %mul3A_2 = arith.muli %arg1, %mul3A_1 : i32
    "tpu.region"() ({
      %run_scoped3A = tpu.sem_alloc : memref<!tpu.dma_semaphore, #tpu.memory_space<semaphore_mem>>
      %dma_start3A = arith.constant 0 : i32
      %dma_start3A_13 = tpu.memref_slice %arg8[%mul3A_2, %dma_start3A] : memref<10240x128xf32, #tpu.memory_space<vmem_shared>> -> memref<640x128xf32, #tpu.memory_space<vmem_shared>>
      tpu.enqueue_dma source(%arg4 : memref<640x128xf32, #tpu.memory_space<hbm>>) target(%dma_start3A_13 : memref<640x128xf32, #tpu.memory_space<vmem_shared>>) target_semaphore(%run_scoped3A : memref<!tpu.dma_semaphore, #tpu.memory_space<semaphore_mem>>)
      %dma_wait3A = arith.constant 0 : i32
      %dma_wait3A_14 = tpu.memref_slice %arg8[%mul3A_2, %dma_wait3A] : memref<10240x128xf32, #tpu.memory_space<vmem_shared>> -> memref<640x128xf32, #tpu.memory_space<vmem_shared>>
      tpu.wait_dma2 semaphore(%run_scoped3A : memref<!tpu.dma_semaphore, #tpu.memory_space<semaphore_mem>>) src(%arg4 : memref<640x128xf32, #tpu.memory_space<hbm>>) dst(%dma_wait3A_14 : memref<640x128xf32, #tpu.memory_space<vmem_shared>>)
      tpu.yield
    }) : () -> ()
    "tpu.region"() ({
      %run_scoped3A = tpu.sem_alloc : memref<!tpu.dma_semaphore, #tpu.memory_space<semaphore_mem>>
      %dma_start3A = arith.constant 0 : i32
      %dma_start3A_13 = arith.constant 0 : i32
      %dma_start3A_14 = tpu.memref_slice %arg2[%add3A, %dma_start3A, %dma_start3A_13] : memref<32x80x128xi32, #tpu.memory_space<hbm>> -> memref<1x80x128xi32, #tpu.memory_space<hbm>>
      %dma_start3A_15 = tpu.memref_squeeze %dma_start3A_14 : memref<1x80x128xi32, #tpu.memory_space<hbm>> -> memref<80x128xi32, #tpu.memory_space<hbm>>
      %dma_start3A_16 = arith.constant 0 : i32
      %dma_start3A_17 = arith.constant 0 : i32
      %dma_start3A_18 = tpu.memref_slice %arg2[%add3A, %dma_start3A_16, %dma_start3A_17] : memref<32x80x128xi32, #tpu.memory_space<hbm>> -> memref<1x80x128xi32, #tpu.memory_space<hbm>>
      %dma_start3A_19 = tpu.memref_squeeze %dma_start3A_18 : memref<1x80x128xi32, #tpu.memory_space<hbm>> -> memref<80x128xi32, #tpu.memory_space<hbm>>
      tpu.enqueue_dma source(%dma_start3A_19 : memref<80x128xi32, #tpu.memory_space<hbm>>) target(%arg6 : memref<80x128xi32, #tpu.memory_space<vmem>>) target_semaphore(%run_scoped3A : memref<!tpu.dma_semaphore, #tpu.memory_space<semaphore_mem>>)
      %dma_wait3A = arith.constant 0 : i32
      %dma_wait3A_20 = arith.constant 0 : i32
      %dma_wait3A_21 = tpu.memref_slice %arg2[%add3A, %dma_wait3A, %dma_wait3A_20] : memref<32x80x128xi32, #tpu.memory_space<hbm>> -> memref<1x80x128xi32, #tpu.memory_space<hbm>>
      %dma_wait3A_22 = tpu.memref_squeeze %dma_wait3A_21 : memref<1x80x128xi32, #tpu.memory_space<hbm>> -> memref<80x128xi32, #tpu.memory_space<hbm>>
      %dma_wait3A_23 = arith.constant 0 : i32
      %dma_wait3A_24 = arith.constant 0 : i32
      %dma_wait3A_25 = tpu.memref_slice %arg2[%add3A, %dma_wait3A_23, %dma_wait3A_24] : memref<32x80x128xi32, #tpu.memory_space<hbm>> -> memref<1x80x128xi32, #tpu.memory_space<hbm>>
      %dma_wait3A_26 = tpu.memref_squeeze %dma_wait3A_25 : memref<1x80x128xi32, #tpu.memory_space<hbm>> -> memref<80x128xi32, #tpu.memory_space<hbm>>
      tpu.wait_dma2 semaphore(%run_scoped3A : memref<!tpu.dma_semaphore, #tpu.memory_space<semaphore_mem>>) src(%dma_wait3A_26 : memref<80x128xi32, #tpu.memory_space<hbm>>) dst(%arg6 : memref<80x128xi32, #tpu.memory_space<vmem>>)
      tpu.yield
    }) : () -> ()
    "tpu.region"() ({
      %run_scoped3A = tpu.sem_alloc : memref<!tpu.dma_semaphore, #tpu.memory_space<semaphore_mem>>
      tpu.enqueue_dma source(%arg3 : memref<128x128xf32, #tpu.memory_space<hbm>>) target(%arg7 : memref<128x128xf32, #tpu.memory_space<vmem>>) target_semaphore(%run_scoped3A : memref<!tpu.dma_semaphore, #tpu.memory_space<semaphore_mem>>)
      tpu.wait_dma2 semaphore(%run_scoped3A : memref<!tpu.dma_semaphore, #tpu.memory_space<semaphore_mem>>) src(%arg3 : memref<128x128xf32, #tpu.memory_space<hbm>>) dst(%arg7 : memref<128x128xf32, #tpu.memory_space<vmem>>)
      tpu.yield
    }) : () -> ()
    %barrier3A = arith.constant 0 : index
    tpu.barrier barrier_id(%barrier3A)
    %scan3A = arith.constant 0 : i32
    %scan3A_3 = arith.constant 0 : i32
    %scan3A_4 = arith.constant 80 : i32
    %scan3A_5 = arith.addi %scan3A_3, %scan3A_4 : i32
    %scan3A_6 = arith.constant 1 : i32
    scf.for %scan3A_13 = %scan3A_3 to %scan3A_5 step %scan3A_6  : i32 {
      "tpu.region"() ({
        %run_scoped3A = tpu.sem_alloc : memref<!tpu.dma_semaphore, #tpu.memory_space<semaphore_mem>>
        %dma_start3A = arith.constant 0 : i32
        %dma_start3A_14 = tpu.memref_slice %arg6[%scan3A_13, %dma_start3A] : memref<80x128xi32, #tpu.memory_space<vmem>> -> memref<1x128xi32, #tpu.memory_space<vmem>>
        %dma_start3A_15 = tpu.memref_squeeze %dma_start3A_14 : memref<1x128xi32, #tpu.memory_space<vmem>> -> memref<128xi32, #tpu.memory_space<vmem>>
        %dma_start3A_16 = arith.constant 0 : i32
        %dma_start3A_17 = arith.constant 0 : i32
        %dma_start3A_18 = tpu.memref_slice %arg8[%dma_start3A_16, %dma_start3A_17] : memref<10240x128xf32, #tpu.memory_space<vmem_shared>> -> memref<10240x128xf32, #tpu.memory_space<vmem_shared>>
        tpu.enqueue_indirect_dma source(%arg7 : memref<128x128xf32, #tpu.memory_space<vmem>>) target(%dma_start3A_18 : memref<10240x128xf32, #tpu.memory_space<vmem_shared>>) offsets(%dma_start3A_15 : memref<128xi32, #tpu.memory_space<vmem>>) semaphore(%run_scoped3A : memref<!tpu.dma_semaphore, #tpu.memory_space<semaphore_mem>>) {add = true}
        %dma_wait3A = arith.constant 0 : i32
        %dma_wait3A_19 = tpu.memref_slice %arg6[%scan3A_13, %dma_wait3A] : memref<80x128xi32, #tpu.memory_space<vmem>> -> memref<1x128xi32, #tpu.memory_space<vmem>>
        %dma_wait3A_20 = tpu.memref_squeeze %dma_wait3A_19 : memref<1x128xi32, #tpu.memory_space<vmem>> -> memref<128xi32, #tpu.memory_space<vmem>>
        %dma_wait3A_21 = arith.constant 0 : i32
        %dma_wait3A_22 = arith.constant 0 : i32
        %dma_wait3A_23 = tpu.memref_slice %arg8[%dma_wait3A_21, %dma_wait3A_22] : memref<10240x128xf32, #tpu.memory_space<vmem_shared>> -> memref<10240x128xf32, #tpu.memory_space<vmem_shared>>
        tpu.wait_indirect_dma semaphore(%run_scoped3A : memref<!tpu.dma_semaphore, #tpu.memory_space<semaphore_mem>>) src(%arg7 : memref<128x128xf32, #tpu.memory_space<vmem>>) dst(%dma_wait3A_23 : memref<10240x128xf32, #tpu.memory_space<vmem_shared>>)
        tpu.yield
      }) : () -> ()
    }
    %scan3A_7 = arith.constant 80 : i32
    %barrier3A_8 = arith.constant 0 : index
    tpu.barrier barrier_id(%barrier3A_8)
    %mul3A_9 = arith.constant 640 : i32
    %mul3A_10 = arith.muli %arg1, %mul3A_9 : i32
    %mul3A_11 = arith.constant 640 : i32
    %mul3A_12 = arith.muli %arg1, %mul3A_11 : i32
    "tpu.region"() ({
      %run_scoped3A = tpu.sem_alloc : memref<!tpu.dma_semaphore, #tpu.memory_space<semaphore_mem>>
      %dma_start3A = arith.constant 0 : i32
      %dma_start3A_13 = tpu.memref_slice %arg5[%arg0, %mul3A_12, %dma_start3A] : memref<2x10240x128xf32, #tpu.memory_space<hbm>> -> memref<1x640x128xf32, #tpu.memory_space<hbm>>
      %dma_start3A_14 = tpu.memref_squeeze %dma_start3A_13 : memref<1x640x128xf32, #tpu.memory_space<hbm>> -> memref<640x128xf32, #tpu.memory_space<hbm>>
      %dma_start3A_15 = arith.constant 0 : i32
      %dma_start3A_16 = tpu.memref_slice %arg8[%mul3A_10, %dma_start3A_15] : memref<10240x128xf32, #tpu.memory_space<vmem_shared>> -> memref<640x128xf32, #tpu.memory_space<vmem_shared>>
      tpu.enqueue_dma source(%dma_start3A_16 : memref<640x128xf32, #tpu.memory_space<vmem_shared>>) target(%dma_start3A_14 : memref<640x128xf32, #tpu.memory_space<hbm>>) target_semaphore(%run_scoped3A : memref<!tpu.dma_semaphore, #tpu.memory_space<semaphore_mem>>)
      %dma_wait3A = arith.constant 0 : i32
      %dma_wait3A_17 = tpu.memref_slice %arg5[%arg0, %mul3A_12, %dma_wait3A] : memref<2x10240x128xf32, #tpu.memory_space<hbm>> -> memref<1x640x128xf32, #tpu.memory_space<hbm>>
      %dma_wait3A_18 = tpu.memref_squeeze %dma_wait3A_17 : memref<1x640x128xf32, #tpu.memory_space<hbm>> -> memref<640x128xf32, #tpu.memory_space<hbm>>
      %dma_wait3A_19 = arith.constant 0 : i32
      %dma_wait3A_20 = tpu.memref_slice %arg8[%mul3A_10, %dma_wait3A_19] : memref<10240x128xf32, #tpu.memory_space<vmem_shared>> -> memref<640x128xf32, #tpu.memory_space<vmem_shared>>
      tpu.wait_dma2 semaphore(%run_scoped3A : memref<!tpu.dma_semaphore, #tpu.memory_space<semaphore_mem>>) src(%dma_wait3A_20 : memref<640x128xf32, #tpu.memory_space<vmem_shared>>) dst(%dma_wait3A_18 : memref<640x128xf32, #tpu.memory_space<hbm>>)
      tpu.yield
    }) : () -> ()
    return
  }
}

#map = affine_map<(d0, d1) -> (0, 0)>
#map1 = affine_map<(d0, d1) -> (0, 0, 0)>
module attributes {stable_mosaic.version = 14 : i64} {
  func.func @_sc_scatter_body(%arg0: i32, %arg1: i32, %arg2: memref<10240x128xf32, #tpu.memory_space<hbm>>, %arg3: memref<32x80x128xi32, #tpu.memory_space<hbm>>, %arg4: memref<32x80x128xi32, #tpu.memory_space<hbm>>, %arg5: memref<640x128xf32, #tpu.memory_space<hbm>>, %arg6: memref<2x10240x128xf32, #tpu.memory_space<hbm>>, %arg7: memref<40x128xi32, #tpu.memory_space<vmem>>, %arg8: memref<40x128xi32, #tpu.memory_space<vmem>>, %arg9: memref<128x128xf32, #tpu.memory_space<vmem>>, %arg10: memref<128x128xf32, #tpu.memory_space<vmem>>, %arg11: memref<!tpu.dma_semaphore, #tpu.memory_space<semaphore_mem>>, %arg12: memref<!tpu.dma_semaphore, #tpu.memory_space<semaphore_mem>>, %arg13: memref<10240x128xf32, #tpu.memory_space<vmem_shared>>) attributes {dimension_semantics = [#tpu.dimension_semantics<core_parallel>, #tpu.dimension_semantics<subcore_parallel>], iteration_bounds = array<i64: 2, 16>, scalar_prefetch = 0 : i64, scratch_operands = 7 : i64, tpu.core_type = #tpu.core_type<sc_vector_subcore>, window_params = [{transform_indices = #map}, {transform_indices = #map1}, {transform_indices = #map1}, {transform_indices = #map}, {transform_indices = #map1}]} {
    %mul3A = arith.constant 16 : i32
    %mul3A_0 = arith.muli %arg0, %mul3A : i32
    %add3A = arith.addi %mul3A_0, %arg1 : i32
    %mul3A_1 = arith.constant 640 : i32
    %mul3A_2 = arith.muli %arg1, %mul3A_1 : i32
    "tpu.region"() ({
      %run_scoped3A = tpu.sem_alloc : memref<!tpu.dma_semaphore, #tpu.memory_space<semaphore_mem>>
      %dma_start3A_46 = arith.constant 0 : i32
      %dma_start3A_47 = tpu.memref_slice %arg13[%mul3A_2, %dma_start3A_46] : memref<10240x128xf32, #tpu.memory_space<vmem_shared>> -> memref<640x128xf32, #tpu.memory_space<vmem_shared>>
      tpu.enqueue_dma source(%arg5 : memref<640x128xf32, #tpu.memory_space<hbm>>) target(%dma_start3A_47 : memref<640x128xf32, #tpu.memory_space<vmem_shared>>) target_semaphore(%run_scoped3A : memref<!tpu.dma_semaphore, #tpu.memory_space<semaphore_mem>>)
      %dma_wait3A = arith.constant 0 : i32
      %dma_wait3A_48 = tpu.memref_slice %arg13[%mul3A_2, %dma_wait3A] : memref<10240x128xf32, #tpu.memory_space<vmem_shared>> -> memref<640x128xf32, #tpu.memory_space<vmem_shared>>
      tpu.wait_dma2 semaphore(%run_scoped3A : memref<!tpu.dma_semaphore, #tpu.memory_space<semaphore_mem>>) src(%arg5 : memref<640x128xf32, #tpu.memory_space<hbm>>) dst(%dma_wait3A_48 : memref<640x128xf32, #tpu.memory_space<vmem_shared>>)
      tpu.yield
    }) : () -> ()
    %barrier3A = arith.constant 0 : index
    tpu.barrier barrier_id(%barrier3A)
    "tpu.region"() ({
      %run_scoped3A = tpu.sem_alloc : memref<!tpu.dma_semaphore, #tpu.memory_space<semaphore_mem>>
      %dma_start3A_46 = arith.constant 0 : i32
      %dma_start3A_47 = arith.constant 0 : i32
      %dma_start3A_48 = tpu.memref_slice %arg3[%add3A, %dma_start3A_46, %dma_start3A_47] : memref<32x80x128xi32, #tpu.memory_space<hbm>> -> memref<1x40x128xi32, #tpu.memory_space<hbm>>
      %dma_start3A_49 = tpu.memref_squeeze %dma_start3A_48 : memref<1x40x128xi32, #tpu.memory_space<hbm>> -> memref<40x128xi32, #tpu.memory_space<hbm>>
      %dma_start3A_50 = arith.constant 0 : i32
      %dma_start3A_51 = arith.constant 0 : i32
      %dma_start3A_52 = tpu.memref_slice %arg3[%add3A, %dma_start3A_50, %dma_start3A_51] : memref<32x80x128xi32, #tpu.memory_space<hbm>> -> memref<1x40x128xi32, #tpu.memory_space<hbm>>
      %dma_start3A_53 = tpu.memref_squeeze %dma_start3A_52 : memref<1x40x128xi32, #tpu.memory_space<hbm>> -> memref<40x128xi32, #tpu.memory_space<hbm>>
      tpu.enqueue_dma source(%dma_start3A_53 : memref<40x128xi32, #tpu.memory_space<hbm>>) target(%arg7 : memref<40x128xi32, #tpu.memory_space<vmem>>) target_semaphore(%run_scoped3A : memref<!tpu.dma_semaphore, #tpu.memory_space<semaphore_mem>>)
      %dma_wait3A = arith.constant 0 : i32
      %dma_wait3A_54 = arith.constant 0 : i32
      %dma_wait3A_55 = tpu.memref_slice %arg3[%add3A, %dma_wait3A, %dma_wait3A_54] : memref<32x80x128xi32, #tpu.memory_space<hbm>> -> memref<1x40x128xi32, #tpu.memory_space<hbm>>
      %dma_wait3A_56 = tpu.memref_squeeze %dma_wait3A_55 : memref<1x40x128xi32, #tpu.memory_space<hbm>> -> memref<40x128xi32, #tpu.memory_space<hbm>>
      %dma_wait3A_57 = arith.constant 0 : i32
      %dma_wait3A_58 = arith.constant 0 : i32
      %dma_wait3A_59 = tpu.memref_slice %arg3[%add3A, %dma_wait3A_57, %dma_wait3A_58] : memref<32x80x128xi32, #tpu.memory_space<hbm>> -> memref<1x40x128xi32, #tpu.memory_space<hbm>>
      %dma_wait3A_60 = tpu.memref_squeeze %dma_wait3A_59 : memref<1x40x128xi32, #tpu.memory_space<hbm>> -> memref<40x128xi32, #tpu.memory_space<hbm>>
      tpu.wait_dma2 semaphore(%run_scoped3A : memref<!tpu.dma_semaphore, #tpu.memory_space<semaphore_mem>>) src(%dma_wait3A_60 : memref<40x128xi32, #tpu.memory_space<hbm>>) dst(%arg7 : memref<40x128xi32, #tpu.memory_space<vmem>>)
      tpu.yield
    }) : () -> ()
    "tpu.region"() ({
      %run_scoped3A = tpu.sem_alloc : memref<!tpu.dma_semaphore, #tpu.memory_space<semaphore_mem>>
      %dma_start3A_46 = arith.constant 0 : i32
      %dma_start3A_47 = arith.constant 0 : i32
      %dma_start3A_48 = tpu.memref_slice %arg4[%add3A, %dma_start3A_46, %dma_start3A_47] : memref<32x80x128xi32, #tpu.memory_space<hbm>> -> memref<1x40x128xi32, #tpu.memory_space<hbm>>
      %dma_start3A_49 = tpu.memref_squeeze %dma_start3A_48 : memref<1x40x128xi32, #tpu.memory_space<hbm>> -> memref<40x128xi32, #tpu.memory_space<hbm>>
      %dma_start3A_50 = arith.constant 0 : i32
      %dma_start3A_51 = arith.constant 0 : i32
      %dma_start3A_52 = tpu.memref_slice %arg4[%add3A, %dma_start3A_50, %dma_start3A_51] : memref<32x80x128xi32, #tpu.memory_space<hbm>> -> memref<1x40x128xi32, #tpu.memory_space<hbm>>
      %dma_start3A_53 = tpu.memref_squeeze %dma_start3A_52 : memref<1x40x128xi32, #tpu.memory_space<hbm>> -> memref<40x128xi32, #tpu.memory_space<hbm>>
      tpu.enqueue_dma source(%dma_start3A_53 : memref<40x128xi32, #tpu.memory_space<hbm>>) target(%arg8 : memref<40x128xi32, #tpu.memory_space<vmem>>) target_semaphore(%run_scoped3A : memref<!tpu.dma_semaphore, #tpu.memory_space<semaphore_mem>>)
      %dma_wait3A = arith.constant 0 : i32
      %dma_wait3A_54 = arith.constant 0 : i32
      %dma_wait3A_55 = tpu.memref_slice %arg4[%add3A, %dma_wait3A, %dma_wait3A_54] : memref<32x80x128xi32, #tpu.memory_space<hbm>> -> memref<1x40x128xi32, #tpu.memory_space<hbm>>
      %dma_wait3A_56 = tpu.memref_squeeze %dma_wait3A_55 : memref<1x40x128xi32, #tpu.memory_space<hbm>> -> memref<40x128xi32, #tpu.memory_space<hbm>>
      %dma_wait3A_57 = arith.constant 0 : i32
      %dma_wait3A_58 = arith.constant 0 : i32
      %dma_wait3A_59 = tpu.memref_slice %arg4[%add3A, %dma_wait3A_57, %dma_wait3A_58] : memref<32x80x128xi32, #tpu.memory_space<hbm>> -> memref<1x40x128xi32, #tpu.memory_space<hbm>>
      %dma_wait3A_60 = tpu.memref_squeeze %dma_wait3A_59 : memref<1x40x128xi32, #tpu.memory_space<hbm>> -> memref<40x128xi32, #tpu.memory_space<hbm>>
      tpu.wait_dma2 semaphore(%run_scoped3A : memref<!tpu.dma_semaphore, #tpu.memory_space<semaphore_mem>>) src(%dma_wait3A_60 : memref<40x128xi32, #tpu.memory_space<hbm>>) dst(%arg8 : memref<40x128xi32, #tpu.memory_space<vmem>>)
      tpu.yield
    }) : () -> ()
    %dma_start3A = arith.constant 0 : i32
    %dma_start3A_3 = arith.constant 0 : i32
    %dma_start3A_4 = tpu.memref_slice %arg7[%dma_start3A, %dma_start3A_3] : memref<40x128xi32, #tpu.memory_space<vmem>> -> memref<1x128xi32, #tpu.memory_space<vmem>>
    %dma_start3A_5 = tpu.memref_squeeze %dma_start3A_4 : memref<1x128xi32, #tpu.memory_space<vmem>> -> memref<128xi32, #tpu.memory_space<vmem>>
    %dma_start3A_6 = arith.constant 0 : i32
    %dma_start3A_7 = arith.constant 0 : i32
    %dma_start3A_8 = tpu.memref_slice %arg2[%dma_start3A_6, %dma_start3A_7] : memref<10240x128xf32, #tpu.memory_space<hbm>> -> memref<10240x128xf32, #tpu.memory_space<hbm>>
    tpu.enqueue_indirect_dma source(%dma_start3A_8 : memref<10240x128xf32, #tpu.memory_space<hbm>>) target(%arg9 : memref<128x128xf32, #tpu.memory_space<vmem>>) offsets(%dma_start3A_5 : memref<128xi32, #tpu.memory_space<vmem>>) semaphore(%arg11 : memref<!tpu.dma_semaphore, #tpu.memory_space<semaphore_mem>>)
    %dma_start3A_9 = arith.constant 1 : i32
    %dma_start3A_10 = arith.constant 0 : i32
    %dma_start3A_11 = tpu.memref_slice %arg7[%dma_start3A_9, %dma_start3A_10] : memref<40x128xi32, #tpu.memory_space<vmem>> -> memref<1x128xi32, #tpu.memory_space<vmem>>
    %dma_start3A_12 = tpu.memref_squeeze %dma_start3A_11 : memref<1x128xi32, #tpu.memory_space<vmem>> -> memref<128xi32, #tpu.memory_space<vmem>>
    %dma_start3A_13 = arith.constant 0 : i32
    %dma_start3A_14 = arith.constant 0 : i32
    %dma_start3A_15 = tpu.memref_slice %arg2[%dma_start3A_13, %dma_start3A_14] : memref<10240x128xf32, #tpu.memory_space<hbm>> -> memref<10240x128xf32, #tpu.memory_space<hbm>>
    tpu.enqueue_indirect_dma source(%dma_start3A_15 : memref<10240x128xf32, #tpu.memory_space<hbm>>) target(%arg10 : memref<128x128xf32, #tpu.memory_space<vmem>>) offsets(%dma_start3A_12 : memref<128xi32, #tpu.memory_space<vmem>>) semaphore(%arg12 : memref<!tpu.dma_semaphore, #tpu.memory_space<semaphore_mem>>)
    %scan3A = arith.constant 0 : i32
    %scan3A_16 = arith.constant 0 : i32
    %scan3A_17 = arith.constant 20 : i32
    %scan3A_18 = arith.addi %scan3A_16, %scan3A_17 : i32
    %scan3A_19 = arith.constant 1 : i32
    scf.for %scan3A_46 = %scan3A_16 to %scan3A_18 step %scan3A_19  : i32 {
      %mul3A_47 = arith.constant 2 : i32
      %mul3A_48 = arith.muli %mul3A_47, %scan3A_46 : i32
      %add3A_49 = arith.constant 1 : i32
      %add3A_50 = arith.addi %mul3A_48, %add3A_49 : i32
      %dma_wait3A = arith.constant 0 : i32
      %dma_wait3A_51 = tpu.memref_slice %arg7[%mul3A_48, %dma_wait3A] : memref<40x128xi32, #tpu.memory_space<vmem>> -> memref<1x128xi32, #tpu.memory_space<vmem>>
      %dma_wait3A_52 = tpu.memref_squeeze %dma_wait3A_51 : memref<1x128xi32, #tpu.memory_space<vmem>> -> memref<128xi32, #tpu.memory_space<vmem>>
      %dma_wait3A_53 = arith.constant 0 : i32
      %dma_wait3A_54 = arith.constant 0 : i32
      %dma_wait3A_55 = tpu.memref_slice %arg2[%dma_wait3A_53, %dma_wait3A_54] : memref<10240x128xf32, #tpu.memory_space<hbm>> -> memref<10240x128xf32, #tpu.memory_space<hbm>>
      tpu.wait_indirect_dma semaphore(%arg11 : memref<!tpu.dma_semaphore, #tpu.memory_space<semaphore_mem>>) src(%dma_wait3A_55 : memref<10240x128xf32, #tpu.memory_space<hbm>>) dst(%arg9 : memref<128x128xf32, #tpu.memory_space<vmem>>)
      "tpu.region"() ({
        %run_scoped3A = tpu.sem_alloc : memref<!tpu.dma_semaphore, #tpu.memory_space<semaphore_mem>>
        %dma_start3A_73 = arith.constant 0 : i32
        %dma_start3A_74 = tpu.memref_slice %arg8[%mul3A_48, %dma_start3A_73] : memref<40x128xi32, #tpu.memory_space<vmem>> -> memref<1x128xi32, #tpu.memory_space<vmem>>
        %dma_start3A_75 = tpu.memref_squeeze %dma_start3A_74 : memref<1x128xi32, #tpu.memory_space<vmem>> -> memref<128xi32, #tpu.memory_space<vmem>>
        %dma_start3A_76 = arith.constant 0 : i32
        %dma_start3A_77 = arith.constant 0 : i32
        %dma_start3A_78 = tpu.memref_slice %arg13[%dma_start3A_76, %dma_start3A_77] : memref<10240x128xf32, #tpu.memory_space<vmem_shared>> -> memref<10240x128xf32, #tpu.memory_space<vmem_shared>>
        tpu.enqueue_indirect_dma source(%arg9 : memref<128x128xf32, #tpu.memory_space<vmem>>) target(%dma_start3A_78 : memref<10240x128xf32, #tpu.memory_space<vmem_shared>>) offsets(%dma_start3A_75 : memref<128xi32, #tpu.memory_space<vmem>>) semaphore(%run_scoped3A : memref<!tpu.dma_semaphore, #tpu.memory_space<semaphore_mem>>) {add = true}
        %dma_wait3A_79 = arith.constant 0 : i32
        %dma_wait3A_80 = tpu.memref_slice %arg8[%mul3A_48, %dma_wait3A_79] : memref<40x128xi32, #tpu.memory_space<vmem>> -> memref<1x128xi32, #tpu.memory_space<vmem>>
        %dma_wait3A_81 = tpu.memref_squeeze %dma_wait3A_80 : memref<1x128xi32, #tpu.memory_space<vmem>> -> memref<128xi32, #tpu.memory_space<vmem>>
        %dma_wait3A_82 = arith.constant 0 : i32
        %dma_wait3A_83 = arith.constant 0 : i32
        %dma_wait3A_84 = tpu.memref_slice %arg13[%dma_wait3A_82, %dma_wait3A_83] : memref<10240x128xf32, #tpu.memory_space<vmem_shared>> -> memref<10240x128xf32, #tpu.memory_space<vmem_shared>>
        tpu.wait_indirect_dma semaphore(%run_scoped3A : memref<!tpu.dma_semaphore, #tpu.memory_space<semaphore_mem>>) src(%arg9 : memref<128x128xf32, #tpu.memory_space<vmem>>) dst(%dma_wait3A_84 : memref<10240x128xf32, #tpu.memory_space<vmem_shared>>)
        tpu.yield
      }) : () -> ()
      %add3A_56 = arith.constant 1 : i32
      %add3A_57 = arith.addi %add3A_50, %add3A_56 : i32
      %lt3A = arith.constant 40 : i32
      %lt3A_58 = arith.cmpi slt, %add3A_57, %lt3A : i32
      %convert_element_type3A = arith.extui %lt3A_58 : i1 to i32
      %cond3A = arith.constant 0 : i32
      %cond3A_59 = arith.cmpi ne, %convert_element_type3A, %cond3A : i32
      scf.if %cond3A_59 {
        %add3A_73 = arith.constant 1 : i32
        %add3A_74 = arith.addi %add3A_50, %add3A_73 : i32
        %dma_start3A_75 = arith.constant 0 : i32
        %dma_start3A_76 = tpu.memref_slice %arg7[%add3A_74, %dma_start3A_75] : memref<40x128xi32, #tpu.memory_space<vmem>> -> memref<1x128xi32, #tpu.memory_space<vmem>>
        %dma_start3A_77 = tpu.memref_squeeze %dma_start3A_76 : memref<1x128xi32, #tpu.memory_space<vmem>> -> memref<128xi32, #tpu.memory_space<vmem>>
        %dma_start3A_78 = arith.constant 0 : i32
        %dma_start3A_79 = arith.constant 0 : i32
        %dma_start3A_80 = tpu.memref_slice %arg2[%dma_start3A_78, %dma_start3A_79] : memref<10240x128xf32, #tpu.memory_space<hbm>> -> memref<10240x128xf32, #tpu.memory_space<hbm>>
        tpu.enqueue_indirect_dma source(%dma_start3A_80 : memref<10240x128xf32, #tpu.memory_space<hbm>>) target(%arg9 : memref<128x128xf32, #tpu.memory_space<vmem>>) offsets(%dma_start3A_77 : memref<128xi32, #tpu.memory_space<vmem>>) semaphore(%arg11 : memref<!tpu.dma_semaphore, #tpu.memory_space<semaphore_mem>>)
      } else {
      }
      %dma_wait3A_60 = arith.constant 0 : i32
      %dma_wait3A_61 = tpu.memref_slice %arg7[%add3A_50, %dma_wait3A_60] : memref<40x128xi32, #tpu.memory_space<vmem>> -> memref<1x128xi32, #tpu.memory_space<vmem>>
      %dma_wait3A_62 = tpu.memref_squeeze %dma_wait3A_61 : memref<1x128xi32, #tpu.memory_space<vmem>> -> memref<128xi32, #tpu.memory_space<vmem>>
      %dma_wait3A_63 = arith.constant 0 : i32
      %dma_wait3A_64 = arith.constant 0 : i32
      %dma_wait3A_65 = tpu.memref_slice %arg2[%dma_wait3A_63, %dma_wait3A_64] : memref<10240x128xf32, #tpu.memory_space<hbm>> -> memref<10240x128xf32, #tpu.memory_space<hbm>>
      tpu.wait_indirect_dma semaphore(%arg12 : memref<!tpu.dma_semaphore, #tpu.memory_space<semaphore_mem>>) src(%dma_wait3A_65 : memref<10240x128xf32, #tpu.memory_space<hbm>>) dst(%arg10 : memref<128x128xf32, #tpu.memory_space<vmem>>)
      "tpu.region"() ({
        %run_scoped3A = tpu.sem_alloc : memref<!tpu.dma_semaphore, #tpu.memory_space<semaphore_mem>>
        %dma_start3A_73 = arith.constant 0 : i32
        %dma_start3A_74 = tpu.memref_slice %arg8[%add3A_50, %dma_start3A_73] : memref<40x128xi32, #tpu.memory_space<vmem>> -> memref<1x128xi32, #tpu.memory_space<vmem>>
        %dma_start3A_75 = tpu.memref_squeeze %dma_start3A_74 : memref<1x128xi32, #tpu.memory_space<vmem>> -> memref<128xi32, #tpu.memory_space<vmem>>
        %dma_start3A_76 = arith.constant 0 : i32
        %dma_start3A_77 = arith.constant 0 : i32
        %dma_start3A_78 = tpu.memref_slice %arg13[%dma_start3A_76, %dma_start3A_77] : memref<10240x128xf32, #tpu.memory_space<vmem_shared>> -> memref<10240x128xf32, #tpu.memory_space<vmem_shared>>
        tpu.enqueue_indirect_dma source(%arg10 : memref<128x128xf32, #tpu.memory_space<vmem>>) target(%dma_start3A_78 : memref<10240x128xf32, #tpu.memory_space<vmem_shared>>) offsets(%dma_start3A_75 : memref<128xi32, #tpu.memory_space<vmem>>) semaphore(%run_scoped3A : memref<!tpu.dma_semaphore, #tpu.memory_space<semaphore_mem>>) {add = true}
        %dma_wait3A_79 = arith.constant 0 : i32
        %dma_wait3A_80 = tpu.memref_slice %arg8[%add3A_50, %dma_wait3A_79] : memref<40x128xi32, #tpu.memory_space<vmem>> -> memref<1x128xi32, #tpu.memory_space<vmem>>
        %dma_wait3A_81 = tpu.memref_squeeze %dma_wait3A_80 : memref<1x128xi32, #tpu.memory_space<vmem>> -> memref<128xi32, #tpu.memory_space<vmem>>
        %dma_wait3A_82 = arith.constant 0 : i32
        %dma_wait3A_83 = arith.constant 0 : i32
        %dma_wait3A_84 = tpu.memref_slice %arg13[%dma_wait3A_82, %dma_wait3A_83] : memref<10240x128xf32, #tpu.memory_space<vmem_shared>> -> memref<10240x128xf32, #tpu.memory_space<vmem_shared>>
        tpu.wait_indirect_dma semaphore(%run_scoped3A : memref<!tpu.dma_semaphore, #tpu.memory_space<semaphore_mem>>) src(%arg10 : memref<128x128xf32, #tpu.memory_space<vmem>>) dst(%dma_wait3A_84 : memref<10240x128xf32, #tpu.memory_space<vmem_shared>>)
        tpu.yield
      }) : () -> ()
      %add3A_66 = arith.constant 2 : i32
      %add3A_67 = arith.addi %add3A_50, %add3A_66 : i32
      %lt3A_68 = arith.constant 40 : i32
      %lt3A_69 = arith.cmpi slt, %add3A_67, %lt3A_68 : i32
      %convert_element_type3A_70 = arith.extui %lt3A_69 : i1 to i32
      %cond3A_71 = arith.constant 0 : i32
      %cond3A_72 = arith.cmpi ne, %convert_element_type3A_70, %cond3A_71 : i32
      scf.if %cond3A_72 {
        %add3A_73 = arith.constant 2 : i32
        %add3A_74 = arith.addi %add3A_50, %add3A_73 : i32
        %dma_start3A_75 = arith.constant 0 : i32
        %dma_start3A_76 = tpu.memref_slice %arg7[%add3A_74, %dma_start3A_75] : memref<40x128xi32, #tpu.memory_space<vmem>> -> memref<1x128xi32, #tpu.memory_space<vmem>>
        %dma_start3A_77 = tpu.memref_squeeze %dma_start3A_76 : memref<1x128xi32, #tpu.memory_space<vmem>> -> memref<128xi32, #tpu.memory_space<vmem>>
        %dma_start3A_78 = arith.constant 0 : i32
        %dma_start3A_79 = arith.constant 0 : i32
        %dma_start3A_80 = tpu.memref_slice %arg2[%dma_start3A_78, %dma_start3A_79] : memref<10240x128xf32, #tpu.memory_space<hbm>> -> memref<10240x128xf32, #tpu.memory_space<hbm>>
        tpu.enqueue_indirect_dma source(%dma_start3A_80 : memref<10240x128xf32, #tpu.memory_space<hbm>>) target(%arg10 : memref<128x128xf32, #tpu.memory_space<vmem>>) offsets(%dma_start3A_77 : memref<128xi32, #tpu.memory_space<vmem>>) semaphore(%arg12 : memref<!tpu.dma_semaphore, #tpu.memory_space<semaphore_mem>>)
      } else {
      }
    }
    %scan3A_20 = arith.constant 20 : i32
    "tpu.region"() ({
      %run_scoped3A = tpu.sem_alloc : memref<!tpu.dma_semaphore, #tpu.memory_space<semaphore_mem>>
      %dma_start3A_46 = arith.constant 40 : i32
      %dma_start3A_47 = arith.constant 0 : i32
      %dma_start3A_48 = tpu.memref_slice %arg3[%add3A, %dma_start3A_46, %dma_start3A_47] : memref<32x80x128xi32, #tpu.memory_space<hbm>> -> memref<1x40x128xi32, #tpu.memory_space<hbm>>
      %dma_start3A_49 = tpu.memref_squeeze %dma_start3A_48 : memref<1x40x128xi32, #tpu.memory_space<hbm>> -> memref<40x128xi32, #tpu.memory_space<hbm>>
      %dma_start3A_50 = arith.constant 40 : i32
      %dma_start3A_51 = arith.constant 0 : i32
      %dma_start3A_52 = tpu.memref_slice %arg3[%add3A, %dma_start3A_50, %dma_start3A_51] : memref<32x80x128xi32, #tpu.memory_space<hbm>> -> memref<1x40x128xi32, #tpu.memory_space<hbm>>
      %dma_start3A_53 = tpu.memref_squeeze %dma_start3A_52 : memref<1x40x128xi32, #tpu.memory_space<hbm>> -> memref<40x128xi32, #tpu.memory_space<hbm>>
      tpu.enqueue_dma source(%dma_start3A_53 : memref<40x128xi32, #tpu.memory_space<hbm>>) target(%arg7 : memref<40x128xi32, #tpu.memory_space<vmem>>) target_semaphore(%run_scoped3A : memref<!tpu.dma_semaphore, #tpu.memory_space<semaphore_mem>>)
      %dma_wait3A = arith.constant 40 : i32
      %dma_wait3A_54 = arith.constant 0 : i32
      %dma_wait3A_55 = tpu.memref_slice %arg3[%add3A, %dma_wait3A, %dma_wait3A_54] : memref<32x80x128xi32, #tpu.memory_space<hbm>> -> memref<1x40x128xi32, #tpu.memory_space<hbm>>
      %dma_wait3A_56 = tpu.memref_squeeze %dma_wait3A_55 : memref<1x40x128xi32, #tpu.memory_space<hbm>> -> memref<40x128xi32, #tpu.memory_space<hbm>>
      %dma_wait3A_57 = arith.constant 40 : i32
      %dma_wait3A_58 = arith.constant 0 : i32
      %dma_wait3A_59 = tpu.memref_slice %arg3[%add3A, %dma_wait3A_57, %dma_wait3A_58] : memref<32x80x128xi32, #tpu.memory_space<hbm>> -> memref<1x40x128xi32, #tpu.memory_space<hbm>>
      %dma_wait3A_60 = tpu.memref_squeeze %dma_wait3A_59 : memref<1x40x128xi32, #tpu.memory_space<hbm>> -> memref<40x128xi32, #tpu.memory_space<hbm>>
      tpu.wait_dma2 semaphore(%run_scoped3A : memref<!tpu.dma_semaphore, #tpu.memory_space<semaphore_mem>>) src(%dma_wait3A_60 : memref<40x128xi32, #tpu.memory_space<hbm>>) dst(%arg7 : memref<40x128xi32, #tpu.memory_space<vmem>>)
      tpu.yield
    }) : () -> ()
    "tpu.region"() ({
      %run_scoped3A = tpu.sem_alloc : memref<!tpu.dma_semaphore, #tpu.memory_space<semaphore_mem>>
      %dma_start3A_46 = arith.constant 40 : i32
      %dma_start3A_47 = arith.constant 0 : i32
      %dma_start3A_48 = tpu.memref_slice %arg4[%add3A, %dma_start3A_46, %dma_start3A_47] : memref<32x80x128xi32, #tpu.memory_space<hbm>> -> memref<1x40x128xi32, #tpu.memory_space<hbm>>
      %dma_start3A_49 = tpu.memref_squeeze %dma_start3A_48 : memref<1x40x128xi32, #tpu.memory_space<hbm>> -> memref<40x128xi32, #tpu.memory_space<hbm>>
      %dma_start3A_50 = arith.constant 40 : i32
      %dma_start3A_51 = arith.constant 0 : i32
      %dma_start3A_52 = tpu.memref_slice %arg4[%add3A, %dma_start3A_50, %dma_start3A_51] : memref<32x80x128xi32, #tpu.memory_space<hbm>> -> memref<1x40x128xi32, #tpu.memory_space<hbm>>
      %dma_start3A_53 = tpu.memref_squeeze %dma_start3A_52 : memref<1x40x128xi32, #tpu.memory_space<hbm>> -> memref<40x128xi32, #tpu.memory_space<hbm>>
      tpu.enqueue_dma source(%dma_start3A_53 : memref<40x128xi32, #tpu.memory_space<hbm>>) target(%arg8 : memref<40x128xi32, #tpu.memory_space<vmem>>) target_semaphore(%run_scoped3A : memref<!tpu.dma_semaphore, #tpu.memory_space<semaphore_mem>>)
      %dma_wait3A = arith.constant 40 : i32
      %dma_wait3A_54 = arith.constant 0 : i32
      %dma_wait3A_55 = tpu.memref_slice %arg4[%add3A, %dma_wait3A, %dma_wait3A_54] : memref<32x80x128xi32, #tpu.memory_space<hbm>> -> memref<1x40x128xi32, #tpu.memory_space<hbm>>
      %dma_wait3A_56 = tpu.memref_squeeze %dma_wait3A_55 : memref<1x40x128xi32, #tpu.memory_space<hbm>> -> memref<40x128xi32, #tpu.memory_space<hbm>>
      %dma_wait3A_57 = arith.constant 40 : i32
      %dma_wait3A_58 = arith.constant 0 : i32
      %dma_wait3A_59 = tpu.memref_slice %arg4[%add3A, %dma_wait3A_57, %dma_wait3A_58] : memref<32x80x128xi32, #tpu.memory_space<hbm>> -> memref<1x40x128xi32, #tpu.memory_space<hbm>>
      %dma_wait3A_60 = tpu.memref_squeeze %dma_wait3A_59 : memref<1x40x128xi32, #tpu.memory_space<hbm>> -> memref<40x128xi32, #tpu.memory_space<hbm>>
      tpu.wait_dma2 semaphore(%run_scoped3A : memref<!tpu.dma_semaphore, #tpu.memory_space<semaphore_mem>>) src(%dma_wait3A_60 : memref<40x128xi32, #tpu.memory_space<hbm>>) dst(%arg8 : memref<40x128xi32, #tpu.memory_space<vmem>>)
      tpu.yield
    }) : () -> ()
    %dma_start3A_21 = arith.constant 0 : i32
    %dma_start3A_22 = arith.constant 0 : i32
    %dma_start3A_23 = tpu.memref_slice %arg7[%dma_start3A_21, %dma_start3A_22] : memref<40x128xi32, #tpu.memory_space<vmem>> -> memref<1x128xi32, #tpu.memory_space<vmem>>
    %dma_start3A_24 = tpu.memref_squeeze %dma_start3A_23 : memref<1x128xi32, #tpu.memory_space<vmem>> -> memref<128xi32, #tpu.memory_space<vmem>>
    %dma_start3A_25 = arith.constant 0 : i32
    %dma_start3A_26 = arith.constant 0 : i32
    %dma_start3A_27 = tpu.memref_slice %arg2[%dma_start3A_25, %dma_start3A_26] : memref<10240x128xf32, #tpu.memory_space<hbm>> -> memref<10240x128xf32, #tpu.memory_space<hbm>>
    tpu.enqueue_indirect_dma source(%dma_start3A_27 : memref<10240x128xf32, #tpu.memory_space<hbm>>) target(%arg9 : memref<128x128xf32, #tpu.memory_space<vmem>>) offsets(%dma_start3A_24 : memref<128xi32, #tpu.memory_space<vmem>>) semaphore(%arg11 : memref<!tpu.dma_semaphore, #tpu.memory_space<semaphore_mem>>)
    %dma_start3A_28 = arith.constant 1 : i32
    %dma_start3A_29 = arith.constant 0 : i32
    %dma_start3A_30 = tpu.memref_slice %arg7[%dma_start3A_28, %dma_start3A_29] : memref<40x128xi32, #tpu.memory_space<vmem>> -> memref<1x128xi32, #tpu.memory_space<vmem>>
    %dma_start3A_31 = tpu.memref_squeeze %dma_start3A_30 : memref<1x128xi32, #tpu.memory_space<vmem>> -> memref<128xi32, #tpu.memory_space<vmem>>
    %dma_start3A_32 = arith.constant 0 : i32
    %dma_start3A_33 = arith.constant 0 : i32
    %dma_start3A_34 = tpu.memref_slice %arg2[%dma_start3A_32, %dma_start3A_33] : memref<10240x128xf32, #tpu.memory_space<hbm>> -> memref<10240x128xf32, #tpu.memory_space<hbm>>
    tpu.enqueue_indirect_dma source(%dma_start3A_34 : memref<10240x128xf32, #tpu.memory_space<hbm>>) target(%arg10 : memref<128x128xf32, #tpu.memory_space<vmem>>) offsets(%dma_start3A_31 : memref<128xi32, #tpu.memory_space<vmem>>) semaphore(%arg12 : memref<!tpu.dma_semaphore, #tpu.memory_space<semaphore_mem>>)
    %scan3A_35 = arith.constant 0 : i32
    %scan3A_36 = arith.constant 0 : i32
    %scan3A_37 = arith.constant 20 : i32
    %scan3A_38 = arith.addi %scan3A_36, %scan3A_37 : i32
    %scan3A_39 = arith.constant 1 : i32
    scf.for %scan3A_46 = %scan3A_36 to %scan3A_38 step %scan3A_39  : i32 {
      %mul3A_47 = arith.constant 2 : i32
      %mul3A_48 = arith.muli %mul3A_47, %scan3A_46 : i32
      %add3A_49 = arith.constant 1 : i32
      %add3A_50 = arith.addi %mul3A_48, %add3A_49 : i32
      %dma_wait3A = arith.constant 0 : i32
      %dma_wait3A_51 = tpu.memref_slice %arg7[%mul3A_48, %dma_wait3A] : memref<40x128xi32, #tpu.memory_space<vmem>> -> memref<1x128xi32, #tpu.memory_space<vmem>>
      %dma_wait3A_52 = tpu.memref_squeeze %dma_wait3A_51 : memref<1x128xi32, #tpu.memory_space<vmem>> -> memref<128xi32, #tpu.memory_space<vmem>>
      %dma_wait3A_53 = arith.constant 0 : i32
      %dma_wait3A_54 = arith.constant 0 : i32
      %dma_wait3A_55 = tpu.memref_slice %arg2[%dma_wait3A_53, %dma_wait3A_54] : memref<10240x128xf32, #tpu.memory_space<hbm>> -> memref<10240x128xf32, #tpu.memory_space<hbm>>
      tpu.wait_indirect_dma semaphore(%arg11 : memref<!tpu.dma_semaphore, #tpu.memory_space<semaphore_mem>>) src(%dma_wait3A_55 : memref<10240x128xf32, #tpu.memory_space<hbm>>) dst(%arg9 : memref<128x128xf32, #tpu.memory_space<vmem>>)
      "tpu.region"() ({
        %run_scoped3A = tpu.sem_alloc : memref<!tpu.dma_semaphore, #tpu.memory_space<semaphore_mem>>
        %dma_start3A_73 = arith.constant 0 : i32
        %dma_start3A_74 = tpu.memref_slice %arg8[%mul3A_48, %dma_start3A_73] : memref<40x128xi32, #tpu.memory_space<vmem>> -> memref<1x128xi32, #tpu.memory_space<vmem>>
        %dma_start3A_75 = tpu.memref_squeeze %dma_start3A_74 : memref<1x128xi32, #tpu.memory_space<vmem>> -> memref<128xi32, #tpu.memory_space<vmem>>
        %dma_start3A_76 = arith.constant 0 : i32
        %dma_start3A_77 = arith.constant 0 : i32
        %dma_start3A_78 = tpu.memref_slice %arg13[%dma_start3A_76, %dma_start3A_77] : memref<10240x128xf32, #tpu.memory_space<vmem_shared>> -> memref<10240x128xf32, #tpu.memory_space<vmem_shared>>
        tpu.enqueue_indirect_dma source(%arg9 : memref<128x128xf32, #tpu.memory_space<vmem>>) target(%dma_start3A_78 : memref<10240x128xf32, #tpu.memory_space<vmem_shared>>) offsets(%dma_start3A_75 : memref<128xi32, #tpu.memory_space<vmem>>) semaphore(%run_scoped3A : memref<!tpu.dma_semaphore, #tpu.memory_space<semaphore_mem>>) {add = true}
        %dma_wait3A_79 = arith.constant 0 : i32
        %dma_wait3A_80 = tpu.memref_slice %arg8[%mul3A_48, %dma_wait3A_79] : memref<40x128xi32, #tpu.memory_space<vmem>> -> memref<1x128xi32, #tpu.memory_space<vmem>>
        %dma_wait3A_81 = tpu.memref_squeeze %dma_wait3A_80 : memref<1x128xi32, #tpu.memory_space<vmem>> -> memref<128xi32, #tpu.memory_space<vmem>>
        %dma_wait3A_82 = arith.constant 0 : i32
        %dma_wait3A_83 = arith.constant 0 : i32
        %dma_wait3A_84 = tpu.memref_slice %arg13[%dma_wait3A_82, %dma_wait3A_83] : memref<10240x128xf32, #tpu.memory_space<vmem_shared>> -> memref<10240x128xf32, #tpu.memory_space<vmem_shared>>
        tpu.wait_indirect_dma semaphore(%run_scoped3A : memref<!tpu.dma_semaphore, #tpu.memory_space<semaphore_mem>>) src(%arg9 : memref<128x128xf32, #tpu.memory_space<vmem>>) dst(%dma_wait3A_84 : memref<10240x128xf32, #tpu.memory_space<vmem_shared>>)
        tpu.yield
      }) : () -> ()
      %add3A_56 = arith.constant 1 : i32
      %add3A_57 = arith.addi %add3A_50, %add3A_56 : i32
      %lt3A = arith.constant 40 : i32
      %lt3A_58 = arith.cmpi slt, %add3A_57, %lt3A : i32
      %convert_element_type3A = arith.extui %lt3A_58 : i1 to i32
      %cond3A = arith.constant 0 : i32
      %cond3A_59 = arith.cmpi ne, %convert_element_type3A, %cond3A : i32
      scf.if %cond3A_59 {
        %add3A_73 = arith.constant 1 : i32
        %add3A_74 = arith.addi %add3A_50, %add3A_73 : i32
        %dma_start3A_75 = arith.constant 0 : i32
        %dma_start3A_76 = tpu.memref_slice %arg7[%add3A_74, %dma_start3A_75] : memref<40x128xi32, #tpu.memory_space<vmem>> -> memref<1x128xi32, #tpu.memory_space<vmem>>
        %dma_start3A_77 = tpu.memref_squeeze %dma_start3A_76 : memref<1x128xi32, #tpu.memory_space<vmem>> -> memref<128xi32, #tpu.memory_space<vmem>>
        %dma_start3A_78 = arith.constant 0 : i32
        %dma_start3A_79 = arith.constant 0 : i32
        %dma_start3A_80 = tpu.memref_slice %arg2[%dma_start3A_78, %dma_start3A_79] : memref<10240x128xf32, #tpu.memory_space<hbm>> -> memref<10240x128xf32, #tpu.memory_space<hbm>>
        tpu.enqueue_indirect_dma source(%dma_start3A_80 : memref<10240x128xf32, #tpu.memory_space<hbm>>) target(%arg9 : memref<128x128xf32, #tpu.memory_space<vmem>>) offsets(%dma_start3A_77 : memref<128xi32, #tpu.memory_space<vmem>>) semaphore(%arg11 : memref<!tpu.dma_semaphore, #tpu.memory_space<semaphore_mem>>)
      } else {
      }
      %dma_wait3A_60 = arith.constant 0 : i32
      %dma_wait3A_61 = tpu.memref_slice %arg7[%add3A_50, %dma_wait3A_60] : memref<40x128xi32, #tpu.memory_space<vmem>> -> memref<1x128xi32, #tpu.memory_space<vmem>>
      %dma_wait3A_62 = tpu.memref_squeeze %dma_wait3A_61 : memref<1x128xi32, #tpu.memory_space<vmem>> -> memref<128xi32, #tpu.memory_space<vmem>>
      %dma_wait3A_63 = arith.constant 0 : i32
      %dma_wait3A_64 = arith.constant 0 : i32
      %dma_wait3A_65 = tpu.memref_slice %arg2[%dma_wait3A_63, %dma_wait3A_64] : memref<10240x128xf32, #tpu.memory_space<hbm>> -> memref<10240x128xf32, #tpu.memory_space<hbm>>
      tpu.wait_indirect_dma semaphore(%arg12 : memref<!tpu.dma_semaphore, #tpu.memory_space<semaphore_mem>>) src(%dma_wait3A_65 : memref<10240x128xf32, #tpu.memory_space<hbm>>) dst(%arg10 : memref<128x128xf32, #tpu.memory_space<vmem>>)
      "tpu.region"() ({
        %run_scoped3A = tpu.sem_alloc : memref<!tpu.dma_semaphore, #tpu.memory_space<semaphore_mem>>
        %dma_start3A_73 = arith.constant 0 : i32
        %dma_start3A_74 = tpu.memref_slice %arg8[%add3A_50, %dma_start3A_73] : memref<40x128xi32, #tpu.memory_space<vmem>> -> memref<1x128xi32, #tpu.memory_space<vmem>>
        %dma_start3A_75 = tpu.memref_squeeze %dma_start3A_74 : memref<1x128xi32, #tpu.memory_space<vmem>> -> memref<128xi32, #tpu.memory_space<vmem>>
        %dma_start3A_76 = arith.constant 0 : i32
        %dma_start3A_77 = arith.constant 0 : i32
        %dma_start3A_78 = tpu.memref_slice %arg13[%dma_start3A_76, %dma_start3A_77] : memref<10240x128xf32, #tpu.memory_space<vmem_shared>> -> memref<10240x128xf32, #tpu.memory_space<vmem_shared>>
        tpu.enqueue_indirect_dma source(%arg10 : memref<128x128xf32, #tpu.memory_space<vmem>>) target(%dma_start3A_78 : memref<10240x128xf32, #tpu.memory_space<vmem_shared>>) offsets(%dma_start3A_75 : memref<128xi32, #tpu.memory_space<vmem>>) semaphore(%run_scoped3A : memref<!tpu.dma_semaphore, #tpu.memory_space<semaphore_mem>>) {add = true}
        %dma_wait3A_79 = arith.constant 0 : i32
        %dma_wait3A_80 = tpu.memref_slice %arg8[%add3A_50, %dma_wait3A_79] : memref<40x128xi32, #tpu.memory_space<vmem>> -> memref<1x128xi32, #tpu.memory_space<vmem>>
        %dma_wait3A_81 = tpu.memref_squeeze %dma_wait3A_80 : memref<1x128xi32, #tpu.memory_space<vmem>> -> memref<128xi32, #tpu.memory_space<vmem>>
        %dma_wait3A_82 = arith.constant 0 : i32
        %dma_wait3A_83 = arith.constant 0 : i32
        %dma_wait3A_84 = tpu.memref_slice %arg13[%dma_wait3A_82, %dma_wait3A_83] : memref<10240x128xf32, #tpu.memory_space<vmem_shared>> -> memref<10240x128xf32, #tpu.memory_space<vmem_shared>>
        tpu.wait_indirect_dma semaphore(%run_scoped3A : memref<!tpu.dma_semaphore, #tpu.memory_space<semaphore_mem>>) src(%arg10 : memref<128x128xf32, #tpu.memory_space<vmem>>) dst(%dma_wait3A_84 : memref<10240x128xf32, #tpu.memory_space<vmem_shared>>)
        tpu.yield
      }) : () -> ()
      %add3A_66 = arith.constant 2 : i32
      %add3A_67 = arith.addi %add3A_50, %add3A_66 : i32
      %lt3A_68 = arith.constant 40 : i32
      %lt3A_69 = arith.cmpi slt, %add3A_67, %lt3A_68 : i32
      %convert_element_type3A_70 = arith.extui %lt3A_69 : i1 to i32
      %cond3A_71 = arith.constant 0 : i32
      %cond3A_72 = arith.cmpi ne, %convert_element_type3A_70, %cond3A_71 : i32
      scf.if %cond3A_72 {
        %add3A_73 = arith.constant 2 : i32
        %add3A_74 = arith.addi %add3A_50, %add3A_73 : i32
        %dma_start3A_75 = arith.constant 0 : i32
        %dma_start3A_76 = tpu.memref_slice %arg7[%add3A_74, %dma_start3A_75] : memref<40x128xi32, #tpu.memory_space<vmem>> -> memref<1x128xi32, #tpu.memory_space<vmem>>
        %dma_start3A_77 = tpu.memref_squeeze %dma_start3A_76 : memref<1x128xi32, #tpu.memory_space<vmem>> -> memref<128xi32, #tpu.memory_space<vmem>>
        %dma_start3A_78 = arith.constant 0 : i32
        %dma_start3A_79 = arith.constant 0 : i32
        %dma_start3A_80 = tpu.memref_slice %arg2[%dma_start3A_78, %dma_start3A_79] : memref<10240x128xf32, #tpu.memory_space<hbm>> -> memref<10240x128xf32, #tpu.memory_space<hbm>>
        tpu.enqueue_indirect_dma source(%dma_start3A_80 : memref<10240x128xf32, #tpu.memory_space<hbm>>) target(%arg10 : memref<128x128xf32, #tpu.memory_space<vmem>>) offsets(%dma_start3A_77 : memref<128xi32, #tpu.memory_space<vmem>>) semaphore(%arg12 : memref<!tpu.dma_semaphore, #tpu.memory_space<semaphore_mem>>)
      } else {
      }
    }
    %scan3A_40 = arith.constant 20 : i32
    %barrier3A_41 = arith.constant 0 : index
    tpu.barrier barrier_id(%barrier3A_41)
    %mul3A_42 = arith.constant 640 : i32
    %mul3A_43 = arith.muli %arg1, %mul3A_42 : i32
    %mul3A_44 = arith.constant 640 : i32
    %mul3A_45 = arith.muli %arg1, %mul3A_44 : i32
    "tpu.region"() ({
      %run_scoped3A = tpu.sem_alloc : memref<!tpu.dma_semaphore, #tpu.memory_space<semaphore_mem>>
      %dma_start3A_46 = arith.constant 0 : i32
      %dma_start3A_47 = tpu.memref_slice %arg6[%arg0, %mul3A_45, %dma_start3A_46] : memref<2x10240x128xf32, #tpu.memory_space<hbm>> -> memref<1x640x128xf32, #tpu.memory_space<hbm>>
      %dma_start3A_48 = tpu.memref_squeeze %dma_start3A_47 : memref<1x640x128xf32, #tpu.memory_space<hbm>> -> memref<640x128xf32, #tpu.memory_space<hbm>>
      %dma_start3A_49 = arith.constant 0 : i32
      %dma_start3A_50 = tpu.memref_slice %arg13[%mul3A_43, %dma_start3A_49] : memref<10240x128xf32, #tpu.memory_space<vmem_shared>> -> memref<640x128xf32, #tpu.memory_space<vmem_shared>>
      tpu.enqueue_dma source(%dma_start3A_50 : memref<640x128xf32, #tpu.memory_space<vmem_shared>>) target(%dma_start3A_48 : memref<640x128xf32, #tpu.memory_space<hbm>>) target_semaphore(%run_scoped3A : memref<!tpu.dma_semaphore, #tpu.memory_space<semaphore_mem>>)
      %dma_wait3A = arith.constant 0 : i32
      %dma_wait3A_51 = tpu.memref_slice %arg6[%arg0, %mul3A_45, %dma_wait3A] : memref<2x10240x128xf32, #tpu.memory_space<hbm>> -> memref<1x640x128xf32, #tpu.memory_space<hbm>>
      %dma_wait3A_52 = tpu.memref_squeeze %dma_wait3A_51 : memref<1x640x128xf32, #tpu.memory_space<hbm>> -> memref<640x128xf32, #tpu.memory_space<hbm>>
      %dma_wait3A_53 = arith.constant 0 : i32
      %dma_wait3A_54 = tpu.memref_slice %arg13[%mul3A_43, %dma_wait3A_53] : memref<10240x128xf32, #tpu.memory_space<vmem_shared>> -> memref<640x128xf32, #tpu.memory_space<vmem_shared>>
      tpu.wait_dma2 semaphore(%run_scoped3A : memref<!tpu.dma_semaphore, #tpu.memory_space<semaphore_mem>>) src(%dma_wait3A_54 : memref<640x128xf32, #tpu.memory_space<vmem_shared>>) dst(%dma_wait3A_52 : memref<640x128xf32, #tpu.memory_space<hbm>>)
      tpu.yield
    }) : () -> ()
    return
  }
}

#map = affine_map<(d0, d1) -> (0, 0)>
#map1 = affine_map<(d0, d1) -> (0, 0, 0)>
module attributes {stable_mosaic.version = 14 : i64} {
  func.func @_sc_scatter_body(%arg0: i32, %arg1: i32, %arg2: memref<10240x128xf32, #tpu.memory_space<hbm>>, %arg3: memref<32x80x128xi32, #tpu.memory_space<hbm>>, %arg4: memref<32x80x128xi32, #tpu.memory_space<hbm>>, %arg5: memref<640x128xf32, #tpu.memory_space<hbm>>, %arg6: memref<2x10240x128xf32, #tpu.memory_space<hbm>>, %arg7: memref<40x128xi32, #tpu.memory_space<vmem>>, %arg8: memref<40x128xi32, #tpu.memory_space<vmem>>, %arg9: memref<128x128xf32, #tpu.memory_space<vmem>>, %arg10: memref<128x128xf32, #tpu.memory_space<vmem>>, %arg11: memref<!tpu.dma_semaphore, #tpu.memory_space<semaphore_mem>>, %arg12: memref<!tpu.dma_semaphore, #tpu.memory_space<semaphore_mem>>, %arg13: memref<10240x128xf32, #tpu.memory_space<vmem_shared>>) attributes {dimension_semantics = [#tpu.dimension_semantics<core_parallel>, #tpu.dimension_semantics<subcore_parallel>], iteration_bounds = array<i64: 2, 16>, scalar_prefetch = 0 : i64, scratch_operands = 7 : i64, tpu.core_type = #tpu.core_type<sc_vector_subcore>, window_params = [{transform_indices = #map}, {transform_indices = #map1}, {transform_indices = #map1}, {transform_indices = #map}, {transform_indices = #map1}]} {
    %mul3A = arith.constant 16 : i32
    %mul3A_0 = arith.muli %arg0, %mul3A : i32
    %add3A = arith.addi %mul3A_0, %arg1 : i32
    %mul3A_1 = arith.constant 640 : i32
    %mul3A_2 = arith.muli %arg1, %mul3A_1 : i32
    "tpu.region"() ({
      %run_scoped3A = tpu.sem_alloc : memref<!tpu.dma_semaphore, #tpu.memory_space<semaphore_mem>>
      %dma_start3A_46 = arith.constant 0 : i32
      %dma_start3A_47 = tpu.memref_slice %arg13[%mul3A_2, %dma_start3A_46] : memref<10240x128xf32, #tpu.memory_space<vmem_shared>> -> memref<640x128xf32, #tpu.memory_space<vmem_shared>>
      tpu.enqueue_dma source(%arg5 : memref<640x128xf32, #tpu.memory_space<hbm>>) target(%dma_start3A_47 : memref<640x128xf32, #tpu.memory_space<vmem_shared>>) target_semaphore(%run_scoped3A : memref<!tpu.dma_semaphore, #tpu.memory_space<semaphore_mem>>)
      %dma_wait3A = arith.constant 0 : i32
      %dma_wait3A_48 = tpu.memref_slice %arg13[%mul3A_2, %dma_wait3A] : memref<10240x128xf32, #tpu.memory_space<vmem_shared>> -> memref<640x128xf32, #tpu.memory_space<vmem_shared>>
      tpu.wait_dma2 semaphore(%run_scoped3A : memref<!tpu.dma_semaphore, #tpu.memory_space<semaphore_mem>>) src(%arg5 : memref<640x128xf32, #tpu.memory_space<hbm>>) dst(%dma_wait3A_48 : memref<640x128xf32, #tpu.memory_space<vmem_shared>>)
      tpu.yield
    }) : () -> ()
    %barrier3A = arith.constant 0 : index
    tpu.barrier barrier_id(%barrier3A)
    "tpu.region"() ({
      %run_scoped3A = tpu.sem_alloc : memref<!tpu.dma_semaphore, #tpu.memory_space<semaphore_mem>>
      %dma_start3A_46 = arith.constant 0 : i32
      %dma_start3A_47 = arith.constant 0 : i32
      %dma_start3A_48 = tpu.memref_slice %arg3[%add3A, %dma_start3A_46, %dma_start3A_47] : memref<32x80x128xi32, #tpu.memory_space<hbm>> -> memref<1x40x128xi32, #tpu.memory_space<hbm>>
      %dma_start3A_49 = tpu.memref_squeeze %dma_start3A_48 : memref<1x40x128xi32, #tpu.memory_space<hbm>> -> memref<40x128xi32, #tpu.memory_space<hbm>>
      %dma_start3A_50 = arith.constant 0 : i32
      %dma_start3A_51 = arith.constant 0 : i32
      %dma_start3A_52 = tpu.memref_slice %arg3[%add3A, %dma_start3A_50, %dma_start3A_51] : memref<32x80x128xi32, #tpu.memory_space<hbm>> -> memref<1x40x128xi32, #tpu.memory_space<hbm>>
      %dma_start3A_53 = tpu.memref_squeeze %dma_start3A_52 : memref<1x40x128xi32, #tpu.memory_space<hbm>> -> memref<40x128xi32, #tpu.memory_space<hbm>>
      tpu.enqueue_dma source(%dma_start3A_53 : memref<40x128xi32, #tpu.memory_space<hbm>>) target(%arg7 : memref<40x128xi32, #tpu.memory_space<vmem>>) target_semaphore(%run_scoped3A : memref<!tpu.dma_semaphore, #tpu.memory_space<semaphore_mem>>)
      %dma_wait3A = arith.constant 0 : i32
      %dma_wait3A_54 = arith.constant 0 : i32
      %dma_wait3A_55 = tpu.memref_slice %arg3[%add3A, %dma_wait3A, %dma_wait3A_54] : memref<32x80x128xi32, #tpu.memory_space<hbm>> -> memref<1x40x128xi32, #tpu.memory_space<hbm>>
      %dma_wait3A_56 = tpu.memref_squeeze %dma_wait3A_55 : memref<1x40x128xi32, #tpu.memory_space<hbm>> -> memref<40x128xi32, #tpu.memory_space<hbm>>
      %dma_wait3A_57 = arith.constant 0 : i32
      %dma_wait3A_58 = arith.constant 0 : i32
      %dma_wait3A_59 = tpu.memref_slice %arg3[%add3A, %dma_wait3A_57, %dma_wait3A_58] : memref<32x80x128xi32, #tpu.memory_space<hbm>> -> memref<1x40x128xi32, #tpu.memory_space<hbm>>
      %dma_wait3A_60 = tpu.memref_squeeze %dma_wait3A_59 : memref<1x40x128xi32, #tpu.memory_space<hbm>> -> memref<40x128xi32, #tpu.memory_space<hbm>>
      tpu.wait_dma2 semaphore(%run_scoped3A : memref<!tpu.dma_semaphore, #tpu.memory_space<semaphore_mem>>) src(%dma_wait3A_60 : memref<40x128xi32, #tpu.memory_space<hbm>>) dst(%arg7 : memref<40x128xi32, #tpu.memory_space<vmem>>)
      tpu.yield
    }) : () -> ()
    "tpu.region"() ({
      %run_scoped3A = tpu.sem_alloc : memref<!tpu.dma_semaphore, #tpu.memory_space<semaphore_mem>>
      %dma_start3A_46 = arith.constant 0 : i32
      %dma_start3A_47 = arith.constant 0 : i32
      %dma_start3A_48 = tpu.memref_slice %arg4[%add3A, %dma_start3A_46, %dma_start3A_47] : memref<32x80x128xi32, #tpu.memory_space<hbm>> -> memref<1x40x128xi32, #tpu.memory_space<hbm>>
      %dma_start3A_49 = tpu.memref_squeeze %dma_start3A_48 : memref<1x40x128xi32, #tpu.memory_space<hbm>> -> memref<40x128xi32, #tpu.memory_space<hbm>>
      %dma_start3A_50 = arith.constant 0 : i32
      %dma_start3A_51 = arith.constant 0 : i32
      %dma_start3A_52 = tpu.memref_slice %arg4[%add3A, %dma_start3A_50, %dma_start3A_51] : memref<32x80x128xi32, #tpu.memory_space<hbm>> -> memref<1x40x128xi32, #tpu.memory_space<hbm>>
      %dma_start3A_53 = tpu.memref_squeeze %dma_start3A_52 : memref<1x40x128xi32, #tpu.memory_space<hbm>> -> memref<40x128xi32, #tpu.memory_space<hbm>>
      tpu.enqueue_dma source(%dma_start3A_53 : memref<40x128xi32, #tpu.memory_space<hbm>>) target(%arg8 : memref<40x128xi32, #tpu.memory_space<vmem>>) target_semaphore(%run_scoped3A : memref<!tpu.dma_semaphore, #tpu.memory_space<semaphore_mem>>)
      %dma_wait3A = arith.constant 0 : i32
      %dma_wait3A_54 = arith.constant 0 : i32
      %dma_wait3A_55 = tpu.memref_slice %arg4[%add3A, %dma_wait3A, %dma_wait3A_54] : memref<32x80x128xi32, #tpu.memory_space<hbm>> -> memref<1x40x128xi32, #tpu.memory_space<hbm>>
      %dma_wait3A_56 = tpu.memref_squeeze %dma_wait3A_55 : memref<1x40x128xi32, #tpu.memory_space<hbm>> -> memref<40x128xi32, #tpu.memory_space<hbm>>
      %dma_wait3A_57 = arith.constant 0 : i32
      %dma_wait3A_58 = arith.constant 0 : i32
      %dma_wait3A_59 = tpu.memref_slice %arg4[%add3A, %dma_wait3A_57, %dma_wait3A_58] : memref<32x80x128xi32, #tpu.memory_space<hbm>> -> memref<1x40x128xi32, #tpu.memory_space<hbm>>
      %dma_wait3A_60 = tpu.memref_squeeze %dma_wait3A_59 : memref<1x40x128xi32, #tpu.memory_space<hbm>> -> memref<40x128xi32, #tpu.memory_space<hbm>>
      tpu.wait_dma2 semaphore(%run_scoped3A : memref<!tpu.dma_semaphore, #tpu.memory_space<semaphore_mem>>) src(%dma_wait3A_60 : memref<40x128xi32, #tpu.memory_space<hbm>>) dst(%arg8 : memref<40x128xi32, #tpu.memory_space<vmem>>)
      tpu.yield
    }) : () -> ()
    %dma_start3A = arith.constant 0 : i32
    %dma_start3A_3 = arith.constant 0 : i32
    %dma_start3A_4 = tpu.memref_slice %arg7[%dma_start3A, %dma_start3A_3] : memref<40x128xi32, #tpu.memory_space<vmem>> -> memref<1x128xi32, #tpu.memory_space<vmem>>
    %dma_start3A_5 = tpu.memref_squeeze %dma_start3A_4 : memref<1x128xi32, #tpu.memory_space<vmem>> -> memref<128xi32, #tpu.memory_space<vmem>>
    %dma_start3A_6 = arith.constant 0 : i32
    %dma_start3A_7 = arith.constant 0 : i32
    %dma_start3A_8 = tpu.memref_slice %arg2[%dma_start3A_6, %dma_start3A_7] : memref<10240x128xf32, #tpu.memory_space<hbm>> -> memref<10240x128xf32, #tpu.memory_space<hbm>>
    tpu.enqueue_indirect_dma source(%dma_start3A_8 : memref<10240x128xf32, #tpu.memory_space<hbm>>) target(%arg9 : memref<128x128xf32, #tpu.memory_space<vmem>>) offsets(%dma_start3A_5 : memref<128xi32, #tpu.memory_space<vmem>>) semaphore(%arg11 : memref<!tpu.dma_semaphore, #tpu.memory_space<semaphore_mem>>)
    %dma_start3A_9 = arith.constant 1 : i32
    %dma_start3A_10 = arith.constant 0 : i32
    %dma_start3A_11 = tpu.memref_slice %arg7[%dma_start3A_9, %dma_start3A_10] : memref<40x128xi32, #tpu.memory_space<vmem>> -> memref<1x128xi32, #tpu.memory_space<vmem>>
    %dma_start3A_12 = tpu.memref_squeeze %dma_start3A_11 : memref<1x128xi32, #tpu.memory_space<vmem>> -> memref<128xi32, #tpu.memory_space<vmem>>
    %dma_start3A_13 = arith.constant 0 : i32
    %dma_start3A_14 = arith.constant 0 : i32
    %dma_start3A_15 = tpu.memref_slice %arg2[%dma_start3A_13, %dma_start3A_14] : memref<10240x128xf32, #tpu.memory_space<hbm>> -> memref<10240x128xf32, #tpu.memory_space<hbm>>
    tpu.enqueue_indirect_dma source(%dma_start3A_15 : memref<10240x128xf32, #tpu.memory_space<hbm>>) target(%arg10 : memref<128x128xf32, #tpu.memory_space<vmem>>) offsets(%dma_start3A_12 : memref<128xi32, #tpu.memory_space<vmem>>) semaphore(%arg12 : memref<!tpu.dma_semaphore, #tpu.memory_space<semaphore_mem>>)
    %scan3A = arith.constant 0 : i32
    %scan3A_16 = arith.constant 0 : i32
    %scan3A_17 = arith.constant 20 : i32
    %scan3A_18 = arith.addi %scan3A_16, %scan3A_17 : i32
    %scan3A_19 = arith.constant 1 : i32
    scf.for %scan3A_46 = %scan3A_16 to %scan3A_18 step %scan3A_19  : i32 {
      %mul3A_47 = arith.constant 2 : i32
      %mul3A_48 = arith.muli %mul3A_47, %scan3A_46 : i32
      %add3A_49 = arith.constant 1 : i32
      %add3A_50 = arith.addi %mul3A_48, %add3A_49 : i32
      %dma_wait3A = arith.constant 0 : i32
      %dma_wait3A_51 = tpu.memref_slice %arg7[%mul3A_48, %dma_wait3A] : memref<40x128xi32, #tpu.memory_space<vmem>> -> memref<1x128xi32, #tpu.memory_space<vmem>>
      %dma_wait3A_52 = tpu.memref_squeeze %dma_wait3A_51 : memref<1x128xi32, #tpu.memory_space<vmem>> -> memref<128xi32, #tpu.memory_space<vmem>>
      %dma_wait3A_53 = arith.constant 0 : i32
      %dma_wait3A_54 = arith.constant 0 : i32
      %dma_wait3A_55 = tpu.memref_slice %arg2[%dma_wait3A_53, %dma_wait3A_54] : memref<10240x128xf32, #tpu.memory_space<hbm>> -> memref<10240x128xf32, #tpu.memory_space<hbm>>
      tpu.wait_indirect_dma semaphore(%arg11 : memref<!tpu.dma_semaphore, #tpu.memory_space<semaphore_mem>>) src(%dma_wait3A_55 : memref<10240x128xf32, #tpu.memory_space<hbm>>) dst(%arg9 : memref<128x128xf32, #tpu.memory_space<vmem>>)
      "tpu.region"() ({
        %run_scoped3A = tpu.sem_alloc : memref<!tpu.dma_semaphore, #tpu.memory_space<semaphore_mem>>
        %dma_start3A_73 = arith.constant 0 : i32
        %dma_start3A_74 = tpu.memref_slice %arg8[%mul3A_48, %dma_start3A_73] : memref<40x128xi32, #tpu.memory_space<vmem>> -> memref<1x128xi32, #tpu.memory_space<vmem>>
        %dma_start3A_75 = tpu.memref_squeeze %dma_start3A_74 : memref<1x128xi32, #tpu.memory_space<vmem>> -> memref<128xi32, #tpu.memory_space<vmem>>
        %dma_start3A_76 = arith.constant 0 : i32
        %dma_start3A_77 = arith.constant 0 : i32
        %dma_start3A_78 = tpu.memref_slice %arg13[%dma_start3A_76, %dma_start3A_77] : memref<10240x128xf32, #tpu.memory_space<vmem_shared>> -> memref<10240x128xf32, #tpu.memory_space<vmem_shared>>
        tpu.enqueue_indirect_dma source(%arg9 : memref<128x128xf32, #tpu.memory_space<vmem>>) target(%dma_start3A_78 : memref<10240x128xf32, #tpu.memory_space<vmem_shared>>) offsets(%dma_start3A_75 : memref<128xi32, #tpu.memory_space<vmem>>) semaphore(%run_scoped3A : memref<!tpu.dma_semaphore, #tpu.memory_space<semaphore_mem>>) {add = true}
        %dma_wait3A_79 = arith.constant 0 : i32
        %dma_wait3A_80 = tpu.memref_slice %arg8[%mul3A_48, %dma_wait3A_79] : memref<40x128xi32, #tpu.memory_space<vmem>> -> memref<1x128xi32, #tpu.memory_space<vmem>>
        %dma_wait3A_81 = tpu.memref_squeeze %dma_wait3A_80 : memref<1x128xi32, #tpu.memory_space<vmem>> -> memref<128xi32, #tpu.memory_space<vmem>>
        %dma_wait3A_82 = arith.constant 0 : i32
        %dma_wait3A_83 = arith.constant 0 : i32
        %dma_wait3A_84 = tpu.memref_slice %arg13[%dma_wait3A_82, %dma_wait3A_83] : memref<10240x128xf32, #tpu.memory_space<vmem_shared>> -> memref<10240x128xf32, #tpu.memory_space<vmem_shared>>
        tpu.wait_indirect_dma semaphore(%run_scoped3A : memref<!tpu.dma_semaphore, #tpu.memory_space<semaphore_mem>>) src(%arg9 : memref<128x128xf32, #tpu.memory_space<vmem>>) dst(%dma_wait3A_84 : memref<10240x128xf32, #tpu.memory_space<vmem_shared>>)
        tpu.yield
      }) : () -> ()
      %add3A_56 = arith.constant 1 : i32
      %add3A_57 = arith.addi %add3A_50, %add3A_56 : i32
      %lt3A = arith.constant 40 : i32
      %lt3A_58 = arith.cmpi slt, %add3A_57, %lt3A : i32
      %convert_element_type3A = arith.extui %lt3A_58 : i1 to i32
      %cond3A = arith.constant 0 : i32
      %cond3A_59 = arith.cmpi ne, %convert_element_type3A, %cond3A : i32
      scf.if %cond3A_59 {
        %add3A_73 = arith.constant 1 : i32
        %add3A_74 = arith.addi %add3A_50, %add3A_73 : i32
        %dma_start3A_75 = arith.constant 0 : i32
        %dma_start3A_76 = tpu.memref_slice %arg7[%add3A_74, %dma_start3A_75] : memref<40x128xi32, #tpu.memory_space<vmem>> -> memref<1x128xi32, #tpu.memory_space<vmem>>
        %dma_start3A_77 = tpu.memref_squeeze %dma_start3A_76 : memref<1x128xi32, #tpu.memory_space<vmem>> -> memref<128xi32, #tpu.memory_space<vmem>>
        %dma_start3A_78 = arith.constant 0 : i32
        %dma_start3A_79 = arith.constant 0 : i32
        %dma_start3A_80 = tpu.memref_slice %arg2[%dma_start3A_78, %dma_start3A_79] : memref<10240x128xf32, #tpu.memory_space<hbm>> -> memref<10240x128xf32, #tpu.memory_space<hbm>>
        tpu.enqueue_indirect_dma source(%dma_start3A_80 : memref<10240x128xf32, #tpu.memory_space<hbm>>) target(%arg9 : memref<128x128xf32, #tpu.memory_space<vmem>>) offsets(%dma_start3A_77 : memref<128xi32, #tpu.memory_space<vmem>>) semaphore(%arg11 : memref<!tpu.dma_semaphore, #tpu.memory_space<semaphore_mem>>)
      } else {
      }
      %dma_wait3A_60 = arith.constant 0 : i32
      %dma_wait3A_61 = tpu.memref_slice %arg7[%add3A_50, %dma_wait3A_60] : memref<40x128xi32, #tpu.memory_space<vmem>> -> memref<1x128xi32, #tpu.memory_space<vmem>>
      %dma_wait3A_62 = tpu.memref_squeeze %dma_wait3A_61 : memref<1x128xi32, #tpu.memory_space<vmem>> -> memref<128xi32, #tpu.memory_space<vmem>>
      %dma_wait3A_63 = arith.constant 0 : i32
      %dma_wait3A_64 = arith.constant 0 : i32
      %dma_wait3A_65 = tpu.memref_slice %arg2[%dma_wait3A_63, %dma_wait3A_64] : memref<10240x128xf32, #tpu.memory_space<hbm>> -> memref<10240x128xf32, #tpu.memory_space<hbm>>
      tpu.wait_indirect_dma semaphore(%arg12 : memref<!tpu.dma_semaphore, #tpu.memory_space<semaphore_mem>>) src(%dma_wait3A_65 : memref<10240x128xf32, #tpu.memory_space<hbm>>) dst(%arg10 : memref<128x128xf32, #tpu.memory_space<vmem>>)
      "tpu.region"() ({
        %run_scoped3A = tpu.sem_alloc : memref<!tpu.dma_semaphore, #tpu.memory_space<semaphore_mem>>
        %dma_start3A_73 = arith.constant 0 : i32
        %dma_start3A_74 = tpu.memref_slice %arg8[%add3A_50, %dma_start3A_73] : memref<40x128xi32, #tpu.memory_space<vmem>> -> memref<1x128xi32, #tpu.memory_space<vmem>>
        %dma_start3A_75 = tpu.memref_squeeze %dma_start3A_74 : memref<1x128xi32, #tpu.memory_space<vmem>> -> memref<128xi32, #tpu.memory_space<vmem>>
        %dma_start3A_76 = arith.constant 0 : i32
        %dma_start3A_77 = arith.constant 0 : i32
        %dma_start3A_78 = tpu.memref_slice %arg13[%dma_start3A_76, %dma_start3A_77] : memref<10240x128xf32, #tpu.memory_space<vmem_shared>> -> memref<10240x128xf32, #tpu.memory_space<vmem_shared>>
        tpu.enqueue_indirect_dma source(%arg10 : memref<128x128xf32, #tpu.memory_space<vmem>>) target(%dma_start3A_78 : memref<10240x128xf32, #tpu.memory_space<vmem_shared>>) offsets(%dma_start3A_75 : memref<128xi32, #tpu.memory_space<vmem>>) semaphore(%run_scoped3A : memref<!tpu.dma_semaphore, #tpu.memory_space<semaphore_mem>>) {add = true}
        %dma_wait3A_79 = arith.constant 0 : i32
        %dma_wait3A_80 = tpu.memref_slice %arg8[%add3A_50, %dma_wait3A_79] : memref<40x128xi32, #tpu.memory_space<vmem>> -> memref<1x128xi32, #tpu.memory_space<vmem>>
        %dma_wait3A_81 = tpu.memref_squeeze %dma_wait3A_80 : memref<1x128xi32, #tpu.memory_space<vmem>> -> memref<128xi32, #tpu.memory_space<vmem>>
        %dma_wait3A_82 = arith.constant 0 : i32
        %dma_wait3A_83 = arith.constant 0 : i32
        %dma_wait3A_84 = tpu.memref_slice %arg13[%dma_wait3A_82, %dma_wait3A_83] : memref<10240x128xf32, #tpu.memory_space<vmem_shared>> -> memref<10240x128xf32, #tpu.memory_space<vmem_shared>>
        tpu.wait_indirect_dma semaphore(%run_scoped3A : memref<!tpu.dma_semaphore, #tpu.memory_space<semaphore_mem>>) src(%arg10 : memref<128x128xf32, #tpu.memory_space<vmem>>) dst(%dma_wait3A_84 : memref<10240x128xf32, #tpu.memory_space<vmem_shared>>)
        tpu.yield
      }) : () -> ()
      %add3A_66 = arith.constant 2 : i32
      %add3A_67 = arith.addi %add3A_50, %add3A_66 : i32
      %lt3A_68 = arith.constant 40 : i32
      %lt3A_69 = arith.cmpi slt, %add3A_67, %lt3A_68 : i32
      %convert_element_type3A_70 = arith.extui %lt3A_69 : i1 to i32
      %cond3A_71 = arith.constant 0 : i32
      %cond3A_72 = arith.cmpi ne, %convert_element_type3A_70, %cond3A_71 : i32
      scf.if %cond3A_72 {
        %add3A_73 = arith.constant 2 : i32
        %add3A_74 = arith.addi %add3A_50, %add3A_73 : i32
        %dma_start3A_75 = arith.constant 0 : i32
        %dma_start3A_76 = tpu.memref_slice %arg7[%add3A_74, %dma_start3A_75] : memref<40x128xi32, #tpu.memory_space<vmem>> -> memref<1x128xi32, #tpu.memory_space<vmem>>
        %dma_start3A_77 = tpu.memref_squeeze %dma_start3A_76 : memref<1x128xi32, #tpu.memory_space<vmem>> -> memref<128xi32, #tpu.memory_space<vmem>>
        %dma_start3A_78 = arith.constant 0 : i32
        %dma_start3A_79 = arith.constant 0 : i32
        %dma_start3A_80 = tpu.memref_slice %arg2[%dma_start3A_78, %dma_start3A_79] : memref<10240x128xf32, #tpu.memory_space<hbm>> -> memref<10240x128xf32, #tpu.memory_space<hbm>>
        tpu.enqueue_indirect_dma source(%dma_start3A_80 : memref<10240x128xf32, #tpu.memory_space<hbm>>) target(%arg10 : memref<128x128xf32, #tpu.memory_space<vmem>>) offsets(%dma_start3A_77 : memref<128xi32, #tpu.memory_space<vmem>>) semaphore(%arg12 : memref<!tpu.dma_semaphore, #tpu.memory_space<semaphore_mem>>)
      } else {
      }
    }
    %scan3A_20 = arith.constant 20 : i32
    "tpu.region"() ({
      %run_scoped3A = tpu.sem_alloc : memref<!tpu.dma_semaphore, #tpu.memory_space<semaphore_mem>>
      %dma_start3A_46 = arith.constant 40 : i32
      %dma_start3A_47 = arith.constant 0 : i32
      %dma_start3A_48 = tpu.memref_slice %arg3[%add3A, %dma_start3A_46, %dma_start3A_47] : memref<32x80x128xi32, #tpu.memory_space<hbm>> -> memref<1x40x128xi32, #tpu.memory_space<hbm>>
      %dma_start3A_49 = tpu.memref_squeeze %dma_start3A_48 : memref<1x40x128xi32, #tpu.memory_space<hbm>> -> memref<40x128xi32, #tpu.memory_space<hbm>>
      %dma_start3A_50 = arith.constant 40 : i32
      %dma_start3A_51 = arith.constant 0 : i32
      %dma_start3A_52 = tpu.memref_slice %arg3[%add3A, %dma_start3A_50, %dma_start3A_51] : memref<32x80x128xi32, #tpu.memory_space<hbm>> -> memref<1x40x128xi32, #tpu.memory_space<hbm>>
      %dma_start3A_53 = tpu.memref_squeeze %dma_start3A_52 : memref<1x40x128xi32, #tpu.memory_space<hbm>> -> memref<40x128xi32, #tpu.memory_space<hbm>>
      tpu.enqueue_dma source(%dma_start3A_53 : memref<40x128xi32, #tpu.memory_space<hbm>>) target(%arg7 : memref<40x128xi32, #tpu.memory_space<vmem>>) target_semaphore(%run_scoped3A : memref<!tpu.dma_semaphore, #tpu.memory_space<semaphore_mem>>)
      %dma_wait3A = arith.constant 40 : i32
      %dma_wait3A_54 = arith.constant 0 : i32
      %dma_wait3A_55 = tpu.memref_slice %arg3[%add3A, %dma_wait3A, %dma_wait3A_54] : memref<32x80x128xi32, #tpu.memory_space<hbm>> -> memref<1x40x128xi32, #tpu.memory_space<hbm>>
      %dma_wait3A_56 = tpu.memref_squeeze %dma_wait3A_55 : memref<1x40x128xi32, #tpu.memory_space<hbm>> -> memref<40x128xi32, #tpu.memory_space<hbm>>
      %dma_wait3A_57 = arith.constant 40 : i32
      %dma_wait3A_58 = arith.constant 0 : i32
      %dma_wait3A_59 = tpu.memref_slice %arg3[%add3A, %dma_wait3A_57, %dma_wait3A_58] : memref<32x80x128xi32, #tpu.memory_space<hbm>> -> memref<1x40x128xi32, #tpu.memory_space<hbm>>
      %dma_wait3A_60 = tpu.memref_squeeze %dma_wait3A_59 : memref<1x40x128xi32, #tpu.memory_space<hbm>> -> memref<40x128xi32, #tpu.memory_space<hbm>>
      tpu.wait_dma2 semaphore(%run_scoped3A : memref<!tpu.dma_semaphore, #tpu.memory_space<semaphore_mem>>) src(%dma_wait3A_60 : memref<40x128xi32, #tpu.memory_space<hbm>>) dst(%arg7 : memref<40x128xi32, #tpu.memory_space<vmem>>)
      tpu.yield
    }) : () -> ()
    "tpu.region"() ({
      %run_scoped3A = tpu.sem_alloc : memref<!tpu.dma_semaphore, #tpu.memory_space<semaphore_mem>>
      %dma_start3A_46 = arith.constant 40 : i32
      %dma_start3A_47 = arith.constant 0 : i32
      %dma_start3A_48 = tpu.memref_slice %arg4[%add3A, %dma_start3A_46, %dma_start3A_47] : memref<32x80x128xi32, #tpu.memory_space<hbm>> -> memref<1x40x128xi32, #tpu.memory_space<hbm>>
      %dma_start3A_49 = tpu.memref_squeeze %dma_start3A_48 : memref<1x40x128xi32, #tpu.memory_space<hbm>> -> memref<40x128xi32, #tpu.memory_space<hbm>>
      %dma_start3A_50 = arith.constant 40 : i32
      %dma_start3A_51 = arith.constant 0 : i32
      %dma_start3A_52 = tpu.memref_slice %arg4[%add3A, %dma_start3A_50, %dma_start3A_51] : memref<32x80x128xi32, #tpu.memory_space<hbm>> -> memref<1x40x128xi32, #tpu.memory_space<hbm>>
      %dma_start3A_53 = tpu.memref_squeeze %dma_start3A_52 : memref<1x40x128xi32, #tpu.memory_space<hbm>> -> memref<40x128xi32, #tpu.memory_space<hbm>>
      tpu.enqueue_dma source(%dma_start3A_53 : memref<40x128xi32, #tpu.memory_space<hbm>>) target(%arg8 : memref<40x128xi32, #tpu.memory_space<vmem>>) target_semaphore(%run_scoped3A : memref<!tpu.dma_semaphore, #tpu.memory_space<semaphore_mem>>)
      %dma_wait3A = arith.constant 40 : i32
      %dma_wait3A_54 = arith.constant 0 : i32
      %dma_wait3A_55 = tpu.memref_slice %arg4[%add3A, %dma_wait3A, %dma_wait3A_54] : memref<32x80x128xi32, #tpu.memory_space<hbm>> -> memref<1x40x128xi32, #tpu.memory_space<hbm>>
      %dma_wait3A_56 = tpu.memref_squeeze %dma_wait3A_55 : memref<1x40x128xi32, #tpu.memory_space<hbm>> -> memref<40x128xi32, #tpu.memory_space<hbm>>
      %dma_wait3A_57 = arith.constant 40 : i32
      %dma_wait3A_58 = arith.constant 0 : i32
      %dma_wait3A_59 = tpu.memref_slice %arg4[%add3A, %dma_wait3A_57, %dma_wait3A_58] : memref<32x80x128xi32, #tpu.memory_space<hbm>> -> memref<1x40x128xi32, #tpu.memory_space<hbm>>
      %dma_wait3A_60 = tpu.memref_squeeze %dma_wait3A_59 : memref<1x40x128xi32, #tpu.memory_space<hbm>> -> memref<40x128xi32, #tpu.memory_space<hbm>>
      tpu.wait_dma2 semaphore(%run_scoped3A : memref<!tpu.dma_semaphore, #tpu.memory_space<semaphore_mem>>) src(%dma_wait3A_60 : memref<40x128xi32, #tpu.memory_space<hbm>>) dst(%arg8 : memref<40x128xi32, #tpu.memory_space<vmem>>)
      tpu.yield
    }) : () -> ()
    %dma_start3A_21 = arith.constant 0 : i32
    %dma_start3A_22 = arith.constant 0 : i32
    %dma_start3A_23 = tpu.memref_slice %arg7[%dma_start3A_21, %dma_start3A_22] : memref<40x128xi32, #tpu.memory_space<vmem>> -> memref<1x128xi32, #tpu.memory_space<vmem>>
    %dma_start3A_24 = tpu.memref_squeeze %dma_start3A_23 : memref<1x128xi32, #tpu.memory_space<vmem>> -> memref<128xi32, #tpu.memory_space<vmem>>
    %dma_start3A_25 = arith.constant 0 : i32
    %dma_start3A_26 = arith.constant 0 : i32
    %dma_start3A_27 = tpu.memref_slice %arg2[%dma_start3A_25, %dma_start3A_26] : memref<10240x128xf32, #tpu.memory_space<hbm>> -> memref<10240x128xf32, #tpu.memory_space<hbm>>
    tpu.enqueue_indirect_dma source(%dma_start3A_27 : memref<10240x128xf32, #tpu.memory_space<hbm>>) target(%arg9 : memref<128x128xf32, #tpu.memory_space<vmem>>) offsets(%dma_start3A_24 : memref<128xi32, #tpu.memory_space<vmem>>) semaphore(%arg11 : memref<!tpu.dma_semaphore, #tpu.memory_space<semaphore_mem>>)
    %dma_start3A_28 = arith.constant 1 : i32
    %dma_start3A_29 = arith.constant 0 : i32
    %dma_start3A_30 = tpu.memref_slice %arg7[%dma_start3A_28, %dma_start3A_29] : memref<40x128xi32, #tpu.memory_space<vmem>> -> memref<1x128xi32, #tpu.memory_space<vmem>>
    %dma_start3A_31 = tpu.memref_squeeze %dma_start3A_30 : memref<1x128xi32, #tpu.memory_space<vmem>> -> memref<128xi32, #tpu.memory_space<vmem>>
    %dma_start3A_32 = arith.constant 0 : i32
    %dma_start3A_33 = arith.constant 0 : i32
    %dma_start3A_34 = tpu.memref_slice %arg2[%dma_start3A_32, %dma_start3A_33] : memref<10240x128xf32, #tpu.memory_space<hbm>> -> memref<10240x128xf32, #tpu.memory_space<hbm>>
    tpu.enqueue_indirect_dma source(%dma_start3A_34 : memref<10240x128xf32, #tpu.memory_space<hbm>>) target(%arg10 : memref<128x128xf32, #tpu.memory_space<vmem>>) offsets(%dma_start3A_31 : memref<128xi32, #tpu.memory_space<vmem>>) semaphore(%arg12 : memref<!tpu.dma_semaphore, #tpu.memory_space<semaphore_mem>>)
    %scan3A_35 = arith.constant 0 : i32
    %scan3A_36 = arith.constant 0 : i32
    %scan3A_37 = arith.constant 20 : i32
    %scan3A_38 = arith.addi %scan3A_36, %scan3A_37 : i32
    %scan3A_39 = arith.constant 1 : i32
    scf.for %scan3A_46 = %scan3A_36 to %scan3A_38 step %scan3A_39  : i32 {
      %mul3A_47 = arith.constant 2 : i32
      %mul3A_48 = arith.muli %mul3A_47, %scan3A_46 : i32
      %add3A_49 = arith.constant 1 : i32
      %add3A_50 = arith.addi %mul3A_48, %add3A_49 : i32
      %dma_wait3A = arith.constant 0 : i32
      %dma_wait3A_51 = tpu.memref_slice %arg7[%mul3A_48, %dma_wait3A] : memref<40x128xi32, #tpu.memory_space<vmem>> -> memref<1x128xi32, #tpu.memory_space<vmem>>
      %dma_wait3A_52 = tpu.memref_squeeze %dma_wait3A_51 : memref<1x128xi32, #tpu.memory_space<vmem>> -> memref<128xi32, #tpu.memory_space<vmem>>
      %dma_wait3A_53 = arith.constant 0 : i32
      %dma_wait3A_54 = arith.constant 0 : i32
      %dma_wait3A_55 = tpu.memref_slice %arg2[%dma_wait3A_53, %dma_wait3A_54] : memref<10240x128xf32, #tpu.memory_space<hbm>> -> memref<10240x128xf32, #tpu.memory_space<hbm>>
      tpu.wait_indirect_dma semaphore(%arg11 : memref<!tpu.dma_semaphore, #tpu.memory_space<semaphore_mem>>) src(%dma_wait3A_55 : memref<10240x128xf32, #tpu.memory_space<hbm>>) dst(%arg9 : memref<128x128xf32, #tpu.memory_space<vmem>>)
      "tpu.region"() ({
        %run_scoped3A = tpu.sem_alloc : memref<!tpu.dma_semaphore, #tpu.memory_space<semaphore_mem>>
        %dma_start3A_73 = arith.constant 0 : i32
        %dma_start3A_74 = tpu.memref_slice %arg8[%mul3A_48, %dma_start3A_73] : memref<40x128xi32, #tpu.memory_space<vmem>> -> memref<1x128xi32, #tpu.memory_space<vmem>>
        %dma_start3A_75 = tpu.memref_squeeze %dma_start3A_74 : memref<1x128xi32, #tpu.memory_space<vmem>> -> memref<128xi32, #tpu.memory_space<vmem>>
        %dma_start3A_76 = arith.constant 0 : i32
        %dma_start3A_77 = arith.constant 0 : i32
        %dma_start3A_78 = tpu.memref_slice %arg13[%dma_start3A_76, %dma_start3A_77] : memref<10240x128xf32, #tpu.memory_space<vmem_shared>> -> memref<10240x128xf32, #tpu.memory_space<vmem_shared>>
        tpu.enqueue_indirect_dma source(%arg9 : memref<128x128xf32, #tpu.memory_space<vmem>>) target(%dma_start3A_78 : memref<10240x128xf32, #tpu.memory_space<vmem_shared>>) offsets(%dma_start3A_75 : memref<128xi32, #tpu.memory_space<vmem>>) semaphore(%run_scoped3A : memref<!tpu.dma_semaphore, #tpu.memory_space<semaphore_mem>>) {add = true}
        %dma_wait3A_79 = arith.constant 0 : i32
        %dma_wait3A_80 = tpu.memref_slice %arg8[%mul3A_48, %dma_wait3A_79] : memref<40x128xi32, #tpu.memory_space<vmem>> -> memref<1x128xi32, #tpu.memory_space<vmem>>
        %dma_wait3A_81 = tpu.memref_squeeze %dma_wait3A_80 : memref<1x128xi32, #tpu.memory_space<vmem>> -> memref<128xi32, #tpu.memory_space<vmem>>
        %dma_wait3A_82 = arith.constant 0 : i32
        %dma_wait3A_83 = arith.constant 0 : i32
        %dma_wait3A_84 = tpu.memref_slice %arg13[%dma_wait3A_82, %dma_wait3A_83] : memref<10240x128xf32, #tpu.memory_space<vmem_shared>> -> memref<10240x128xf32, #tpu.memory_space<vmem_shared>>
        tpu.wait_indirect_dma semaphore(%run_scoped3A : memref<!tpu.dma_semaphore, #tpu.memory_space<semaphore_mem>>) src(%arg9 : memref<128x128xf32, #tpu.memory_space<vmem>>) dst(%dma_wait3A_84 : memref<10240x128xf32, #tpu.memory_space<vmem_shared>>)
        tpu.yield
      }) : () -> ()
      %add3A_56 = arith.constant 1 : i32
      %add3A_57 = arith.addi %add3A_50, %add3A_56 : i32
      %lt3A = arith.constant 40 : i32
      %lt3A_58 = arith.cmpi slt, %add3A_57, %lt3A : i32
      %convert_element_type3A = arith.extui %lt3A_58 : i1 to i32
      %cond3A = arith.constant 0 : i32
      %cond3A_59 = arith.cmpi ne, %convert_element_type3A, %cond3A : i32
      scf.if %cond3A_59 {
        %add3A_73 = arith.constant 1 : i32
        %add3A_74 = arith.addi %add3A_50, %add3A_73 : i32
        %dma_start3A_75 = arith.constant 0 : i32
        %dma_start3A_76 = tpu.memref_slice %arg7[%add3A_74, %dma_start3A_75] : memref<40x128xi32, #tpu.memory_space<vmem>> -> memref<1x128xi32, #tpu.memory_space<vmem>>
        %dma_start3A_77 = tpu.memref_squeeze %dma_start3A_76 : memref<1x128xi32, #tpu.memory_space<vmem>> -> memref<128xi32, #tpu.memory_space<vmem>>
        %dma_start3A_78 = arith.constant 0 : i32
        %dma_start3A_79 = arith.constant 0 : i32
        %dma_start3A_80 = tpu.memref_slice %arg2[%dma_start3A_78, %dma_start3A_79] : memref<10240x128xf32, #tpu.memory_space<hbm>> -> memref<10240x128xf32, #tpu.memory_space<hbm>>
        tpu.enqueue_indirect_dma source(%dma_start3A_80 : memref<10240x128xf32, #tpu.memory_space<hbm>>) target(%arg9 : memref<128x128xf32, #tpu.memory_space<vmem>>) offsets(%dma_start3A_77 : memref<128xi32, #tpu.memory_space<vmem>>) semaphore(%arg11 : memref<!tpu.dma_semaphore, #tpu.memory_space<semaphore_mem>>)
      } else {
      }
      %dma_wait3A_60 = arith.constant 0 : i32
      %dma_wait3A_61 = tpu.memref_slice %arg7[%add3A_50, %dma_wait3A_60] : memref<40x128xi32, #tpu.memory_space<vmem>> -> memref<1x128xi32, #tpu.memory_space<vmem>>
      %dma_wait3A_62 = tpu.memref_squeeze %dma_wait3A_61 : memref<1x128xi32, #tpu.memory_space<vmem>> -> memref<128xi32, #tpu.memory_space<vmem>>
      %dma_wait3A_63 = arith.constant 0 : i32
      %dma_wait3A_64 = arith.constant 0 : i32
      %dma_wait3A_65 = tpu.memref_slice %arg2[%dma_wait3A_63, %dma_wait3A_64] : memref<10240x128xf32, #tpu.memory_space<hbm>> -> memref<10240x128xf32, #tpu.memory_space<hbm>>
      tpu.wait_indirect_dma semaphore(%arg12 : memref<!tpu.dma_semaphore, #tpu.memory_space<semaphore_mem>>) src(%dma_wait3A_65 : memref<10240x128xf32, #tpu.memory_space<hbm>>) dst(%arg10 : memref<128x128xf32, #tpu.memory_space<vmem>>)
      "tpu.region"() ({
        %run_scoped3A = tpu.sem_alloc : memref<!tpu.dma_semaphore, #tpu.memory_space<semaphore_mem>>
        %dma_start3A_73 = arith.constant 0 : i32
        %dma_start3A_74 = tpu.memref_slice %arg8[%add3A_50, %dma_start3A_73] : memref<40x128xi32, #tpu.memory_space<vmem>> -> memref<1x128xi32, #tpu.memory_space<vmem>>
        %dma_start3A_75 = tpu.memref_squeeze %dma_start3A_74 : memref<1x128xi32, #tpu.memory_space<vmem>> -> memref<128xi32, #tpu.memory_space<vmem>>
        %dma_start3A_76 = arith.constant 0 : i32
        %dma_start3A_77 = arith.constant 0 : i32
        %dma_start3A_78 = tpu.memref_slice %arg13[%dma_start3A_76, %dma_start3A_77] : memref<10240x128xf32, #tpu.memory_space<vmem_shared>> -> memref<10240x128xf32, #tpu.memory_space<vmem_shared>>
        tpu.enqueue_indirect_dma source(%arg10 : memref<128x128xf32, #tpu.memory_space<vmem>>) target(%dma_start3A_78 : memref<10240x128xf32, #tpu.memory_space<vmem_shared>>) offsets(%dma_start3A_75 : memref<128xi32, #tpu.memory_space<vmem>>) semaphore(%run_scoped3A : memref<!tpu.dma_semaphore, #tpu.memory_space<semaphore_mem>>) {add = true}
        %dma_wait3A_79 = arith.constant 0 : i32
        %dma_wait3A_80 = tpu.memref_slice %arg8[%add3A_50, %dma_wait3A_79] : memref<40x128xi32, #tpu.memory_space<vmem>> -> memref<1x128xi32, #tpu.memory_space<vmem>>
        %dma_wait3A_81 = tpu.memref_squeeze %dma_wait3A_80 : memref<1x128xi32, #tpu.memory_space<vmem>> -> memref<128xi32, #tpu.memory_space<vmem>>
        %dma_wait3A_82 = arith.constant 0 : i32
        %dma_wait3A_83 = arith.constant 0 : i32
        %dma_wait3A_84 = tpu.memref_slice %arg13[%dma_wait3A_82, %dma_wait3A_83] : memref<10240x128xf32, #tpu.memory_space<vmem_shared>> -> memref<10240x128xf32, #tpu.memory_space<vmem_shared>>
        tpu.wait_indirect_dma semaphore(%run_scoped3A : memref<!tpu.dma_semaphore, #tpu.memory_space<semaphore_mem>>) src(%arg10 : memref<128x128xf32, #tpu.memory_space<vmem>>) dst(%dma_wait3A_84 : memref<10240x128xf32, #tpu.memory_space<vmem_shared>>)
        tpu.yield
      }) : () -> ()
      %add3A_66 = arith.constant 2 : i32
      %add3A_67 = arith.addi %add3A_50, %add3A_66 : i32
      %lt3A_68 = arith.constant 40 : i32
      %lt3A_69 = arith.cmpi slt, %add3A_67, %lt3A_68 : i32
      %convert_element_type3A_70 = arith.extui %lt3A_69 : i1 to i32
      %cond3A_71 = arith.constant 0 : i32
      %cond3A_72 = arith.cmpi ne, %convert_element_type3A_70, %cond3A_71 : i32
      scf.if %cond3A_72 {
        %add3A_73 = arith.constant 2 : i32
        %add3A_74 = arith.addi %add3A_50, %add3A_73 : i32
        %dma_start3A_75 = arith.constant 0 : i32
        %dma_start3A_76 = tpu.memref_slice %arg7[%add3A_74, %dma_start3A_75] : memref<40x128xi32, #tpu.memory_space<vmem>> -> memref<1x128xi32, #tpu.memory_space<vmem>>
        %dma_start3A_77 = tpu.memref_squeeze %dma_start3A_76 : memref<1x128xi32, #tpu.memory_space<vmem>> -> memref<128xi32, #tpu.memory_space<vmem>>
        %dma_start3A_78 = arith.constant 0 : i32
        %dma_start3A_79 = arith.constant 0 : i32
        %dma_start3A_80 = tpu.memref_slice %arg2[%dma_start3A_78, %dma_start3A_79] : memref<10240x128xf32, #tpu.memory_space<hbm>> -> memref<10240x128xf32, #tpu.memory_space<hbm>>
        tpu.enqueue_indirect_dma source(%dma_start3A_80 : memref<10240x128xf32, #tpu.memory_space<hbm>>) target(%arg10 : memref<128x128xf32, #tpu.memory_space<vmem>>) offsets(%dma_start3A_77 : memref<128xi32, #tpu.memory_space<vmem>>) semaphore(%arg12 : memref<!tpu.dma_semaphore, #tpu.memory_space<semaphore_mem>>)
      } else {
      }
    }
    %scan3A_40 = arith.constant 20 : i32
    %barrier3A_41 = arith.constant 0 : index
    tpu.barrier barrier_id(%barrier3A_41)
    %mul3A_42 = arith.constant 640 : i32
    %mul3A_43 = arith.muli %arg1, %mul3A_42 : i32
    %mul3A_44 = arith.constant 640 : i32
    %mul3A_45 = arith.muli %arg1, %mul3A_44 : i32
    "tpu.region"() ({
      %run_scoped3A = tpu.sem_alloc : memref<!tpu.dma_semaphore, #tpu.memory_space<semaphore_mem>>
      %dma_start3A_46 = arith.constant 0 : i32
      %dma_start3A_47 = tpu.memref_slice %arg6[%arg0, %mul3A_45, %dma_start3A_46] : memref<2x10240x128xf32, #tpu.memory_space<hbm>> -> memref<1x640x128xf32, #tpu.memory_space<hbm>>
      %dma_start3A_48 = tpu.memref_squeeze %dma_start3A_47 : memref<1x640x128xf32, #tpu.memory_space<hbm>> -> memref<640x128xf32, #tpu.memory_space<hbm>>
      %dma_start3A_49 = arith.constant 0 : i32
      %dma_start3A_50 = tpu.memref_slice %arg13[%mul3A_43, %dma_start3A_49] : memref<10240x128xf32, #tpu.memory_space<vmem_shared>> -> memref<640x128xf32, #tpu.memory_space<vmem_shared>>
      tpu.enqueue_dma source(%dma_start3A_50 : memref<640x128xf32, #tpu.memory_space<vmem_shared>>) target(%dma_start3A_48 : memref<640x128xf32, #tpu.memory_space<hbm>>) target_semaphore(%run_scoped3A : memref<!tpu.dma_semaphore, #tpu.memory_space<semaphore_mem>>)
      %dma_wait3A = arith.constant 0 : i32
      %dma_wait3A_51 = tpu.memref_slice %arg6[%arg0, %mul3A_45, %dma_wait3A] : memref<2x10240x128xf32, #tpu.memory_space<hbm>> -> memref<1x640x128xf32, #tpu.memory_space<hbm>>
      %dma_wait3A_52 = tpu.memref_squeeze %dma_wait3A_51 : memref<1x640x128xf32, #tpu.memory_space<hbm>> -> memref<640x128xf32, #tpu.memory_space<hbm>>
      %dma_wait3A_53 = arith.constant 0 : i32
      %dma_wait3A_54 = tpu.memref_slice %arg13[%mul3A_43, %dma_wait3A_53] : memref<10240x128xf32, #tpu.memory_space<vmem_shared>> -> memref<640x128xf32, #tpu.memory_space<vmem_shared>>
      tpu.wait_dma2 semaphore(%run_scoped3A : memref<!tpu.dma_semaphore, #tpu.memory_space<semaphore_mem>>) src(%dma_wait3A_54 : memref<640x128xf32, #tpu.memory_space<vmem_shared>>) dst(%dma_wait3A_52 : memref<640x128xf32, #tpu.memory_space<hbm>>)
      tpu.yield
    }) : () -> ()
    return
  }
}

#map = affine_map<(d0, d1) -> (0, 0)>
#map1 = affine_map<(d0, d1) -> (0, 0, 0)>
module attributes {stable_mosaic.version = 14 : i64} {
  func.func @_sc_scatter_body(%arg0: i32, %arg1: i32, %arg2: memref<10240x128xf32, #tpu.memory_space<hbm>>, %arg3: memref<32x80x128xi32, #tpu.memory_space<hbm>>, %arg4: memref<32x80x128xi32, #tpu.memory_space<hbm>>, %arg5: memref<640x128xf32, #tpu.memory_space<hbm>>, %arg6: memref<2x10240x128xf32, #tpu.memory_space<hbm>>, %arg7: memref<40x128xi32, #tpu.memory_space<vmem>>, %arg8: memref<40x128xi32, #tpu.memory_space<vmem>>, %arg9: memref<128x128xf32, #tpu.memory_space<vmem>>, %arg10: memref<128x128xf32, #tpu.memory_space<vmem>>, %arg11: memref<!tpu.dma_semaphore, #tpu.memory_space<semaphore_mem>>, %arg12: memref<!tpu.dma_semaphore, #tpu.memory_space<semaphore_mem>>, %arg13: memref<10240x128xf32, #tpu.memory_space<vmem_shared>>) attributes {dimension_semantics = [#tpu.dimension_semantics<core_parallel>, #tpu.dimension_semantics<subcore_parallel>], iteration_bounds = array<i64: 2, 16>, scalar_prefetch = 0 : i64, scratch_operands = 7 : i64, tpu.core_type = #tpu.core_type<sc_vector_subcore>, window_params = [{transform_indices = #map}, {transform_indices = #map1}, {transform_indices = #map1}, {transform_indices = #map}, {transform_indices = #map1}]} {
    %mul3A = arith.constant 16 : i32
    %mul3A_0 = arith.muli %arg0, %mul3A : i32
    %add3A = arith.addi %mul3A_0, %arg1 : i32
    %mul3A_1 = arith.constant 640 : i32
    %mul3A_2 = arith.muli %arg1, %mul3A_1 : i32
    "tpu.region"() ({
      %run_scoped3A = tpu.sem_alloc : memref<!tpu.dma_semaphore, #tpu.memory_space<semaphore_mem>>
      %dma_start3A_46 = arith.constant 0 : i32
      %dma_start3A_47 = tpu.memref_slice %arg13[%mul3A_2, %dma_start3A_46] : memref<10240x128xf32, #tpu.memory_space<vmem_shared>> -> memref<640x128xf32, #tpu.memory_space<vmem_shared>>
      tpu.enqueue_dma source(%arg5 : memref<640x128xf32, #tpu.memory_space<hbm>>) target(%dma_start3A_47 : memref<640x128xf32, #tpu.memory_space<vmem_shared>>) target_semaphore(%run_scoped3A : memref<!tpu.dma_semaphore, #tpu.memory_space<semaphore_mem>>)
      %dma_wait3A = arith.constant 0 : i32
      %dma_wait3A_48 = tpu.memref_slice %arg13[%mul3A_2, %dma_wait3A] : memref<10240x128xf32, #tpu.memory_space<vmem_shared>> -> memref<640x128xf32, #tpu.memory_space<vmem_shared>>
      tpu.wait_dma2 semaphore(%run_scoped3A : memref<!tpu.dma_semaphore, #tpu.memory_space<semaphore_mem>>) src(%arg5 : memref<640x128xf32, #tpu.memory_space<hbm>>) dst(%dma_wait3A_48 : memref<640x128xf32, #tpu.memory_space<vmem_shared>>)
      tpu.yield
    }) : () -> ()
    %barrier3A = arith.constant 0 : index
    tpu.barrier barrier_id(%barrier3A)
    "tpu.region"() ({
      %run_scoped3A = tpu.sem_alloc : memref<!tpu.dma_semaphore, #tpu.memory_space<semaphore_mem>>
      %dma_start3A_46 = arith.constant 0 : i32
      %dma_start3A_47 = arith.constant 0 : i32
      %dma_start3A_48 = tpu.memref_slice %arg3[%add3A, %dma_start3A_46, %dma_start3A_47] : memref<32x80x128xi32, #tpu.memory_space<hbm>> -> memref<1x40x128xi32, #tpu.memory_space<hbm>>
      %dma_start3A_49 = tpu.memref_squeeze %dma_start3A_48 : memref<1x40x128xi32, #tpu.memory_space<hbm>> -> memref<40x128xi32, #tpu.memory_space<hbm>>
      %dma_start3A_50 = arith.constant 0 : i32
      %dma_start3A_51 = arith.constant 0 : i32
      %dma_start3A_52 = tpu.memref_slice %arg3[%add3A, %dma_start3A_50, %dma_start3A_51] : memref<32x80x128xi32, #tpu.memory_space<hbm>> -> memref<1x40x128xi32, #tpu.memory_space<hbm>>
      %dma_start3A_53 = tpu.memref_squeeze %dma_start3A_52 : memref<1x40x128xi32, #tpu.memory_space<hbm>> -> memref<40x128xi32, #tpu.memory_space<hbm>>
      tpu.enqueue_dma source(%dma_start3A_53 : memref<40x128xi32, #tpu.memory_space<hbm>>) target(%arg7 : memref<40x128xi32, #tpu.memory_space<vmem>>) target_semaphore(%run_scoped3A : memref<!tpu.dma_semaphore, #tpu.memory_space<semaphore_mem>>)
      %dma_wait3A = arith.constant 0 : i32
      %dma_wait3A_54 = arith.constant 0 : i32
      %dma_wait3A_55 = tpu.memref_slice %arg3[%add3A, %dma_wait3A, %dma_wait3A_54] : memref<32x80x128xi32, #tpu.memory_space<hbm>> -> memref<1x40x128xi32, #tpu.memory_space<hbm>>
      %dma_wait3A_56 = tpu.memref_squeeze %dma_wait3A_55 : memref<1x40x128xi32, #tpu.memory_space<hbm>> -> memref<40x128xi32, #tpu.memory_space<hbm>>
      %dma_wait3A_57 = arith.constant 0 : i32
      %dma_wait3A_58 = arith.constant 0 : i32
      %dma_wait3A_59 = tpu.memref_slice %arg3[%add3A, %dma_wait3A_57, %dma_wait3A_58] : memref<32x80x128xi32, #tpu.memory_space<hbm>> -> memref<1x40x128xi32, #tpu.memory_space<hbm>>
      %dma_wait3A_60 = tpu.memref_squeeze %dma_wait3A_59 : memref<1x40x128xi32, #tpu.memory_space<hbm>> -> memref<40x128xi32, #tpu.memory_space<hbm>>
      tpu.wait_dma2 semaphore(%run_scoped3A : memref<!tpu.dma_semaphore, #tpu.memory_space<semaphore_mem>>) src(%dma_wait3A_60 : memref<40x128xi32, #tpu.memory_space<hbm>>) dst(%arg7 : memref<40x128xi32, #tpu.memory_space<vmem>>)
      tpu.yield
    }) : () -> ()
    "tpu.region"() ({
      %run_scoped3A = tpu.sem_alloc : memref<!tpu.dma_semaphore, #tpu.memory_space<semaphore_mem>>
      %dma_start3A_46 = arith.constant 0 : i32
      %dma_start3A_47 = arith.constant 0 : i32
      %dma_start3A_48 = tpu.memref_slice %arg4[%add3A, %dma_start3A_46, %dma_start3A_47] : memref<32x80x128xi32, #tpu.memory_space<hbm>> -> memref<1x40x128xi32, #tpu.memory_space<hbm>>
      %dma_start3A_49 = tpu.memref_squeeze %dma_start3A_48 : memref<1x40x128xi32, #tpu.memory_space<hbm>> -> memref<40x128xi32, #tpu.memory_space<hbm>>
      %dma_start3A_50 = arith.constant 0 : i32
      %dma_start3A_51 = arith.constant 0 : i32
      %dma_start3A_52 = tpu.memref_slice %arg4[%add3A, %dma_start3A_50, %dma_start3A_51] : memref<32x80x128xi32, #tpu.memory_space<hbm>> -> memref<1x40x128xi32, #tpu.memory_space<hbm>>
      %dma_start3A_53 = tpu.memref_squeeze %dma_start3A_52 : memref<1x40x128xi32, #tpu.memory_space<hbm>> -> memref<40x128xi32, #tpu.memory_space<hbm>>
      tpu.enqueue_dma source(%dma_start3A_53 : memref<40x128xi32, #tpu.memory_space<hbm>>) target(%arg8 : memref<40x128xi32, #tpu.memory_space<vmem>>) target_semaphore(%run_scoped3A : memref<!tpu.dma_semaphore, #tpu.memory_space<semaphore_mem>>)
      %dma_wait3A = arith.constant 0 : i32
      %dma_wait3A_54 = arith.constant 0 : i32
      %dma_wait3A_55 = tpu.memref_slice %arg4[%add3A, %dma_wait3A, %dma_wait3A_54] : memref<32x80x128xi32, #tpu.memory_space<hbm>> -> memref<1x40x128xi32, #tpu.memory_space<hbm>>
      %dma_wait3A_56 = tpu.memref_squeeze %dma_wait3A_55 : memref<1x40x128xi32, #tpu.memory_space<hbm>> -> memref<40x128xi32, #tpu.memory_space<hbm>>
      %dma_wait3A_57 = arith.constant 0 : i32
      %dma_wait3A_58 = arith.constant 0 : i32
      %dma_wait3A_59 = tpu.memref_slice %arg4[%add3A, %dma_wait3A_57, %dma_wait3A_58] : memref<32x80x128xi32, #tpu.memory_space<hbm>> -> memref<1x40x128xi32, #tpu.memory_space<hbm>>
      %dma_wait3A_60 = tpu.memref_squeeze %dma_wait3A_59 : memref<1x40x128xi32, #tpu.memory_space<hbm>> -> memref<40x128xi32, #tpu.memory_space<hbm>>
      tpu.wait_dma2 semaphore(%run_scoped3A : memref<!tpu.dma_semaphore, #tpu.memory_space<semaphore_mem>>) src(%dma_wait3A_60 : memref<40x128xi32, #tpu.memory_space<hbm>>) dst(%arg8 : memref<40x128xi32, #tpu.memory_space<vmem>>)
      tpu.yield
    }) : () -> ()
    %dma_start3A = arith.constant 0 : i32
    %dma_start3A_3 = arith.constant 0 : i32
    %dma_start3A_4 = tpu.memref_slice %arg7[%dma_start3A, %dma_start3A_3] : memref<40x128xi32, #tpu.memory_space<vmem>> -> memref<1x128xi32, #tpu.memory_space<vmem>>
    %dma_start3A_5 = tpu.memref_squeeze %dma_start3A_4 : memref<1x128xi32, #tpu.memory_space<vmem>> -> memref<128xi32, #tpu.memory_space<vmem>>
    %dma_start3A_6 = arith.constant 0 : i32
    %dma_start3A_7 = arith.constant 0 : i32
    %dma_start3A_8 = tpu.memref_slice %arg2[%dma_start3A_6, %dma_start3A_7] : memref<10240x128xf32, #tpu.memory_space<hbm>> -> memref<10240x128xf32, #tpu.memory_space<hbm>>
    tpu.enqueue_indirect_dma source(%dma_start3A_8 : memref<10240x128xf32, #tpu.memory_space<hbm>>) target(%arg9 : memref<128x128xf32, #tpu.memory_space<vmem>>) offsets(%dma_start3A_5 : memref<128xi32, #tpu.memory_space<vmem>>) semaphore(%arg11 : memref<!tpu.dma_semaphore, #tpu.memory_space<semaphore_mem>>)
    %dma_start3A_9 = arith.constant 1 : i32
    %dma_start3A_10 = arith.constant 0 : i32
    %dma_start3A_11 = tpu.memref_slice %arg7[%dma_start3A_9, %dma_start3A_10] : memref<40x128xi32, #tpu.memory_space<vmem>> -> memref<1x128xi32, #tpu.memory_space<vmem>>
    %dma_start3A_12 = tpu.memref_squeeze %dma_start3A_11 : memref<1x128xi32, #tpu.memory_space<vmem>> -> memref<128xi32, #tpu.memory_space<vmem>>
    %dma_start3A_13 = arith.constant 0 : i32
    %dma_start3A_14 = arith.constant 0 : i32
    %dma_start3A_15 = tpu.memref_slice %arg2[%dma_start3A_13, %dma_start3A_14] : memref<10240x128xf32, #tpu.memory_space<hbm>> -> memref<10240x128xf32, #tpu.memory_space<hbm>>
    tpu.enqueue_indirect_dma source(%dma_start3A_15 : memref<10240x128xf32, #tpu.memory_space<hbm>>) target(%arg10 : memref<128x128xf32, #tpu.memory_space<vmem>>) offsets(%dma_start3A_12 : memref<128xi32, #tpu.memory_space<vmem>>) semaphore(%arg12 : memref<!tpu.dma_semaphore, #tpu.memory_space<semaphore_mem>>)
    %scan3A = arith.constant 0 : i32
    %scan3A_16 = arith.constant 0 : i32
    %scan3A_17 = arith.constant 20 : i32
    %scan3A_18 = arith.addi %scan3A_16, %scan3A_17 : i32
    %scan3A_19 = arith.constant 1 : i32
    scf.for %scan3A_46 = %scan3A_16 to %scan3A_18 step %scan3A_19  : i32 {
      %mul3A_47 = arith.constant 2 : i32
      %mul3A_48 = arith.muli %mul3A_47, %scan3A_46 : i32
      %add3A_49 = arith.constant 1 : i32
      %add3A_50 = arith.addi %mul3A_48, %add3A_49 : i32
      %dma_wait3A = arith.constant 0 : i32
      %dma_wait3A_51 = tpu.memref_slice %arg7[%mul3A_48, %dma_wait3A] : memref<40x128xi32, #tpu.memory_space<vmem>> -> memref<1x128xi32, #tpu.memory_space<vmem>>
      %dma_wait3A_52 = tpu.memref_squeeze %dma_wait3A_51 : memref<1x128xi32, #tpu.memory_space<vmem>> -> memref<128xi32, #tpu.memory_space<vmem>>
      %dma_wait3A_53 = arith.constant 0 : i32
      %dma_wait3A_54 = arith.constant 0 : i32
      %dma_wait3A_55 = tpu.memref_slice %arg2[%dma_wait3A_53, %dma_wait3A_54] : memref<10240x128xf32, #tpu.memory_space<hbm>> -> memref<10240x128xf32, #tpu.memory_space<hbm>>
      tpu.wait_indirect_dma semaphore(%arg11 : memref<!tpu.dma_semaphore, #tpu.memory_space<semaphore_mem>>) src(%dma_wait3A_55 : memref<10240x128xf32, #tpu.memory_space<hbm>>) dst(%arg9 : memref<128x128xf32, #tpu.memory_space<vmem>>)
      "tpu.region"() ({
        %run_scoped3A = tpu.sem_alloc : memref<!tpu.dma_semaphore, #tpu.memory_space<semaphore_mem>>
        %dma_start3A_73 = arith.constant 0 : i32
        %dma_start3A_74 = tpu.memref_slice %arg8[%mul3A_48, %dma_start3A_73] : memref<40x128xi32, #tpu.memory_space<vmem>> -> memref<1x128xi32, #tpu.memory_space<vmem>>
        %dma_start3A_75 = tpu.memref_squeeze %dma_start3A_74 : memref<1x128xi32, #tpu.memory_space<vmem>> -> memref<128xi32, #tpu.memory_space<vmem>>
        %dma_start3A_76 = arith.constant 0 : i32
        %dma_start3A_77 = arith.constant 0 : i32
        %dma_start3A_78 = tpu.memref_slice %arg13[%dma_start3A_76, %dma_start3A_77] : memref<10240x128xf32, #tpu.memory_space<vmem_shared>> -> memref<10240x128xf32, #tpu.memory_space<vmem_shared>>
        tpu.enqueue_indirect_dma source(%arg9 : memref<128x128xf32, #tpu.memory_space<vmem>>) target(%dma_start3A_78 : memref<10240x128xf32, #tpu.memory_space<vmem_shared>>) offsets(%dma_start3A_75 : memref<128xi32, #tpu.memory_space<vmem>>) semaphore(%run_scoped3A : memref<!tpu.dma_semaphore, #tpu.memory_space<semaphore_mem>>) {add = true}
        %dma_wait3A_79 = arith.constant 0 : i32
        %dma_wait3A_80 = tpu.memref_slice %arg8[%mul3A_48, %dma_wait3A_79] : memref<40x128xi32, #tpu.memory_space<vmem>> -> memref<1x128xi32, #tpu.memory_space<vmem>>
        %dma_wait3A_81 = tpu.memref_squeeze %dma_wait3A_80 : memref<1x128xi32, #tpu.memory_space<vmem>> -> memref<128xi32, #tpu.memory_space<vmem>>
        %dma_wait3A_82 = arith.constant 0 : i32
        %dma_wait3A_83 = arith.constant 0 : i32
        %dma_wait3A_84 = tpu.memref_slice %arg13[%dma_wait3A_82, %dma_wait3A_83] : memref<10240x128xf32, #tpu.memory_space<vmem_shared>> -> memref<10240x128xf32, #tpu.memory_space<vmem_shared>>
        tpu.wait_indirect_dma semaphore(%run_scoped3A : memref<!tpu.dma_semaphore, #tpu.memory_space<semaphore_mem>>) src(%arg9 : memref<128x128xf32, #tpu.memory_space<vmem>>) dst(%dma_wait3A_84 : memref<10240x128xf32, #tpu.memory_space<vmem_shared>>)
        tpu.yield
      }) : () -> ()
      %add3A_56 = arith.constant 1 : i32
      %add3A_57 = arith.addi %add3A_50, %add3A_56 : i32
      %lt3A = arith.constant 40 : i32
      %lt3A_58 = arith.cmpi slt, %add3A_57, %lt3A : i32
      %convert_element_type3A = arith.extui %lt3A_58 : i1 to i32
      %cond3A = arith.constant 0 : i32
      %cond3A_59 = arith.cmpi ne, %convert_element_type3A, %cond3A : i32
      scf.if %cond3A_59 {
        %add3A_73 = arith.constant 1 : i32
        %add3A_74 = arith.addi %add3A_50, %add3A_73 : i32
        %dma_start3A_75 = arith.constant 0 : i32
        %dma_start3A_76 = tpu.memref_slice %arg7[%add3A_74, %dma_start3A_75] : memref<40x128xi32, #tpu.memory_space<vmem>> -> memref<1x128xi32, #tpu.memory_space<vmem>>
        %dma_start3A_77 = tpu.memref_squeeze %dma_start3A_76 : memref<1x128xi32, #tpu.memory_space<vmem>> -> memref<128xi32, #tpu.memory_space<vmem>>
        %dma_start3A_78 = arith.constant 0 : i32
        %dma_start3A_79 = arith.constant 0 : i32
        %dma_start3A_80 = tpu.memref_slice %arg2[%dma_start3A_78, %dma_start3A_79] : memref<10240x128xf32, #tpu.memory_space<hbm>> -> memref<10240x128xf32, #tpu.memory_space<hbm>>
        tpu.enqueue_indirect_dma source(%dma_start3A_80 : memref<10240x128xf32, #tpu.memory_space<hbm>>) target(%arg9 : memref<128x128xf32, #tpu.memory_space<vmem>>) offsets(%dma_start3A_77 : memref<128xi32, #tpu.memory_space<vmem>>) semaphore(%arg11 : memref<!tpu.dma_semaphore, #tpu.memory_space<semaphore_mem>>)
      } else {
      }
      %dma_wait3A_60 = arith.constant 0 : i32
      %dma_wait3A_61 = tpu.memref_slice %arg7[%add3A_50, %dma_wait3A_60] : memref<40x128xi32, #tpu.memory_space<vmem>> -> memref<1x128xi32, #tpu.memory_space<vmem>>
      %dma_wait3A_62 = tpu.memref_squeeze %dma_wait3A_61 : memref<1x128xi32, #tpu.memory_space<vmem>> -> memref<128xi32, #tpu.memory_space<vmem>>
      %dma_wait3A_63 = arith.constant 0 : i32
      %dma_wait3A_64 = arith.constant 0 : i32
      %dma_wait3A_65 = tpu.memref_slice %arg2[%dma_wait3A_63, %dma_wait3A_64] : memref<10240x128xf32, #tpu.memory_space<hbm>> -> memref<10240x128xf32, #tpu.memory_space<hbm>>
      tpu.wait_indirect_dma semaphore(%arg12 : memref<!tpu.dma_semaphore, #tpu.memory_space<semaphore_mem>>) src(%dma_wait3A_65 : memref<10240x128xf32, #tpu.memory_space<hbm>>) dst(%arg10 : memref<128x128xf32, #tpu.memory_space<vmem>>)
      "tpu.region"() ({
        %run_scoped3A = tpu.sem_alloc : memref<!tpu.dma_semaphore, #tpu.memory_space<semaphore_mem>>
        %dma_start3A_73 = arith.constant 0 : i32
        %dma_start3A_74 = tpu.memref_slice %arg8[%add3A_50, %dma_start3A_73] : memref<40x128xi32, #tpu.memory_space<vmem>> -> memref<1x128xi32, #tpu.memory_space<vmem>>
        %dma_start3A_75 = tpu.memref_squeeze %dma_start3A_74 : memref<1x128xi32, #tpu.memory_space<vmem>> -> memref<128xi32, #tpu.memory_space<vmem>>
        %dma_start3A_76 = arith.constant 0 : i32
        %dma_start3A_77 = arith.constant 0 : i32
        %dma_start3A_78 = tpu.memref_slice %arg13[%dma_start3A_76, %dma_start3A_77] : memref<10240x128xf32, #tpu.memory_space<vmem_shared>> -> memref<10240x128xf32, #tpu.memory_space<vmem_shared>>
        tpu.enqueue_indirect_dma source(%arg10 : memref<128x128xf32, #tpu.memory_space<vmem>>) target(%dma_start3A_78 : memref<10240x128xf32, #tpu.memory_space<vmem_shared>>) offsets(%dma_start3A_75 : memref<128xi32, #tpu.memory_space<vmem>>) semaphore(%run_scoped3A : memref<!tpu.dma_semaphore, #tpu.memory_space<semaphore_mem>>) {add = true}
        %dma_wait3A_79 = arith.constant 0 : i32
        %dma_wait3A_80 = tpu.memref_slice %arg8[%add3A_50, %dma_wait3A_79] : memref<40x128xi32, #tpu.memory_space<vmem>> -> memref<1x128xi32, #tpu.memory_space<vmem>>
        %dma_wait3A_81 = tpu.memref_squeeze %dma_wait3A_80 : memref<1x128xi32, #tpu.memory_space<vmem>> -> memref<128xi32, #tpu.memory_space<vmem>>
        %dma_wait3A_82 = arith.constant 0 : i32
        %dma_wait3A_83 = arith.constant 0 : i32
        %dma_wait3A_84 = tpu.memref_slice %arg13[%dma_wait3A_82, %dma_wait3A_83] : memref<10240x128xf32, #tpu.memory_space<vmem_shared>> -> memref<10240x128xf32, #tpu.memory_space<vmem_shared>>
        tpu.wait_indirect_dma semaphore(%run_scoped3A : memref<!tpu.dma_semaphore, #tpu.memory_space<semaphore_mem>>) src(%arg10 : memref<128x128xf32, #tpu.memory_space<vmem>>) dst(%dma_wait3A_84 : memref<10240x128xf32, #tpu.memory_space<vmem_shared>>)
        tpu.yield
      }) : () -> ()
      %add3A_66 = arith.constant 2 : i32
      %add3A_67 = arith.addi %add3A_50, %add3A_66 : i32
      %lt3A_68 = arith.constant 40 : i32
      %lt3A_69 = arith.cmpi slt, %add3A_67, %lt3A_68 : i32
      %convert_element_type3A_70 = arith.extui %lt3A_69 : i1 to i32
      %cond3A_71 = arith.constant 0 : i32
      %cond3A_72 = arith.cmpi ne, %convert_element_type3A_70, %cond3A_71 : i32
      scf.if %cond3A_72 {
        %add3A_73 = arith.constant 2 : i32
        %add3A_74 = arith.addi %add3A_50, %add3A_73 : i32
        %dma_start3A_75 = arith.constant 0 : i32
        %dma_start3A_76 = tpu.memref_slice %arg7[%add3A_74, %dma_start3A_75] : memref<40x128xi32, #tpu.memory_space<vmem>> -> memref<1x128xi32, #tpu.memory_space<vmem>>
        %dma_start3A_77 = tpu.memref_squeeze %dma_start3A_76 : memref<1x128xi32, #tpu.memory_space<vmem>> -> memref<128xi32, #tpu.memory_space<vmem>>
        %dma_start3A_78 = arith.constant 0 : i32
        %dma_start3A_79 = arith.constant 0 : i32
        %dma_start3A_80 = tpu.memref_slice %arg2[%dma_start3A_78, %dma_start3A_79] : memref<10240x128xf32, #tpu.memory_space<hbm>> -> memref<10240x128xf32, #tpu.memory_space<hbm>>
        tpu.enqueue_indirect_dma source(%dma_start3A_80 : memref<10240x128xf32, #tpu.memory_space<hbm>>) target(%arg10 : memref<128x128xf32, #tpu.memory_space<vmem>>) offsets(%dma_start3A_77 : memref<128xi32, #tpu.memory_space<vmem>>) semaphore(%arg12 : memref<!tpu.dma_semaphore, #tpu.memory_space<semaphore_mem>>)
      } else {
      }
    }
    %scan3A_20 = arith.constant 20 : i32
    "tpu.region"() ({
      %run_scoped3A = tpu.sem_alloc : memref<!tpu.dma_semaphore, #tpu.memory_space<semaphore_mem>>
      %dma_start3A_46 = arith.constant 40 : i32
      %dma_start3A_47 = arith.constant 0 : i32
      %dma_start3A_48 = tpu.memref_slice %arg3[%add3A, %dma_start3A_46, %dma_start3A_47] : memref<32x80x128xi32, #tpu.memory_space<hbm>> -> memref<1x40x128xi32, #tpu.memory_space<hbm>>
      %dma_start3A_49 = tpu.memref_squeeze %dma_start3A_48 : memref<1x40x128xi32, #tpu.memory_space<hbm>> -> memref<40x128xi32, #tpu.memory_space<hbm>>
      %dma_start3A_50 = arith.constant 40 : i32
      %dma_start3A_51 = arith.constant 0 : i32
      %dma_start3A_52 = tpu.memref_slice %arg3[%add3A, %dma_start3A_50, %dma_start3A_51] : memref<32x80x128xi32, #tpu.memory_space<hbm>> -> memref<1x40x128xi32, #tpu.memory_space<hbm>>
      %dma_start3A_53 = tpu.memref_squeeze %dma_start3A_52 : memref<1x40x128xi32, #tpu.memory_space<hbm>> -> memref<40x128xi32, #tpu.memory_space<hbm>>
      tpu.enqueue_dma source(%dma_start3A_53 : memref<40x128xi32, #tpu.memory_space<hbm>>) target(%arg7 : memref<40x128xi32, #tpu.memory_space<vmem>>) target_semaphore(%run_scoped3A : memref<!tpu.dma_semaphore, #tpu.memory_space<semaphore_mem>>)
      %dma_wait3A = arith.constant 40 : i32
      %dma_wait3A_54 = arith.constant 0 : i32
      %dma_wait3A_55 = tpu.memref_slice %arg3[%add3A, %dma_wait3A, %dma_wait3A_54] : memref<32x80x128xi32, #tpu.memory_space<hbm>> -> memref<1x40x128xi32, #tpu.memory_space<hbm>>
      %dma_wait3A_56 = tpu.memref_squeeze %dma_wait3A_55 : memref<1x40x128xi32, #tpu.memory_space<hbm>> -> memref<40x128xi32, #tpu.memory_space<hbm>>
      %dma_wait3A_57 = arith.constant 40 : i32
      %dma_wait3A_58 = arith.constant 0 : i32
      %dma_wait3A_59 = tpu.memref_slice %arg3[%add3A, %dma_wait3A_57, %dma_wait3A_58] : memref<32x80x128xi32, #tpu.memory_space<hbm>> -> memref<1x40x128xi32, #tpu.memory_space<hbm>>
      %dma_wait3A_60 = tpu.memref_squeeze %dma_wait3A_59 : memref<1x40x128xi32, #tpu.memory_space<hbm>> -> memref<40x128xi32, #tpu.memory_space<hbm>>
      tpu.wait_dma2 semaphore(%run_scoped3A : memref<!tpu.dma_semaphore, #tpu.memory_space<semaphore_mem>>) src(%dma_wait3A_60 : memref<40x128xi32, #tpu.memory_space<hbm>>) dst(%arg7 : memref<40x128xi32, #tpu.memory_space<vmem>>)
      tpu.yield
    }) : () -> ()
    "tpu.region"() ({
      %run_scoped3A = tpu.sem_alloc : memref<!tpu.dma_semaphore, #tpu.memory_space<semaphore_mem>>
      %dma_start3A_46 = arith.constant 40 : i32
      %dma_start3A_47 = arith.constant 0 : i32
      %dma_start3A_48 = tpu.memref_slice %arg4[%add3A, %dma_start3A_46, %dma_start3A_47] : memref<32x80x128xi32, #tpu.memory_space<hbm>> -> memref<1x40x128xi32, #tpu.memory_space<hbm>>
      %dma_start3A_49 = tpu.memref_squeeze %dma_start3A_48 : memref<1x40x128xi32, #tpu.memory_space<hbm>> -> memref<40x128xi32, #tpu.memory_space<hbm>>
      %dma_start3A_50 = arith.constant 40 : i32
      %dma_start3A_51 = arith.constant 0 : i32
      %dma_start3A_52 = tpu.memref_slice %arg4[%add3A, %dma_start3A_50, %dma_start3A_51] : memref<32x80x128xi32, #tpu.memory_space<hbm>> -> memref<1x40x128xi32, #tpu.memory_space<hbm>>
      %dma_start3A_53 = tpu.memref_squeeze %dma_start3A_52 : memref<1x40x128xi32, #tpu.memory_space<hbm>> -> memref<40x128xi32, #tpu.memory_space<hbm>>
      tpu.enqueue_dma source(%dma_start3A_53 : memref<40x128xi32, #tpu.memory_space<hbm>>) target(%arg8 : memref<40x128xi32, #tpu.memory_space<vmem>>) target_semaphore(%run_scoped3A : memref<!tpu.dma_semaphore, #tpu.memory_space<semaphore_mem>>)
      %dma_wait3A = arith.constant 40 : i32
      %dma_wait3A_54 = arith.constant 0 : i32
      %dma_wait3A_55 = tpu.memref_slice %arg4[%add3A, %dma_wait3A, %dma_wait3A_54] : memref<32x80x128xi32, #tpu.memory_space<hbm>> -> memref<1x40x128xi32, #tpu.memory_space<hbm>>
      %dma_wait3A_56 = tpu.memref_squeeze %dma_wait3A_55 : memref<1x40x128xi32, #tpu.memory_space<hbm>> -> memref<40x128xi32, #tpu.memory_space<hbm>>
      %dma_wait3A_57 = arith.constant 40 : i32
      %dma_wait3A_58 = arith.constant 0 : i32
      %dma_wait3A_59 = tpu.memref_slice %arg4[%add3A, %dma_wait3A_57, %dma_wait3A_58] : memref<32x80x128xi32, #tpu.memory_space<hbm>> -> memref<1x40x128xi32, #tpu.memory_space<hbm>>
      %dma_wait3A_60 = tpu.memref_squeeze %dma_wait3A_59 : memref<1x40x128xi32, #tpu.memory_space<hbm>> -> memref<40x128xi32, #tpu.memory_space<hbm>>
      tpu.wait_dma2 semaphore(%run_scoped3A : memref<!tpu.dma_semaphore, #tpu.memory_space<semaphore_mem>>) src(%dma_wait3A_60 : memref<40x128xi32, #tpu.memory_space<hbm>>) dst(%arg8 : memref<40x128xi32, #tpu.memory_space<vmem>>)
      tpu.yield
    }) : () -> ()
    %dma_start3A_21 = arith.constant 0 : i32
    %dma_start3A_22 = arith.constant 0 : i32
    %dma_start3A_23 = tpu.memref_slice %arg7[%dma_start3A_21, %dma_start3A_22] : memref<40x128xi32, #tpu.memory_space<vmem>> -> memref<1x128xi32, #tpu.memory_space<vmem>>
    %dma_start3A_24 = tpu.memref_squeeze %dma_start3A_23 : memref<1x128xi32, #tpu.memory_space<vmem>> -> memref<128xi32, #tpu.memory_space<vmem>>
    %dma_start3A_25 = arith.constant 0 : i32
    %dma_start3A_26 = arith.constant 0 : i32
    %dma_start3A_27 = tpu.memref_slice %arg2[%dma_start3A_25, %dma_start3A_26] : memref<10240x128xf32, #tpu.memory_space<hbm>> -> memref<10240x128xf32, #tpu.memory_space<hbm>>
    tpu.enqueue_indirect_dma source(%dma_start3A_27 : memref<10240x128xf32, #tpu.memory_space<hbm>>) target(%arg9 : memref<128x128xf32, #tpu.memory_space<vmem>>) offsets(%dma_start3A_24 : memref<128xi32, #tpu.memory_space<vmem>>) semaphore(%arg11 : memref<!tpu.dma_semaphore, #tpu.memory_space<semaphore_mem>>)
    %dma_start3A_28 = arith.constant 1 : i32
    %dma_start3A_29 = arith.constant 0 : i32
    %dma_start3A_30 = tpu.memref_slice %arg7[%dma_start3A_28, %dma_start3A_29] : memref<40x128xi32, #tpu.memory_space<vmem>> -> memref<1x128xi32, #tpu.memory_space<vmem>>
    %dma_start3A_31 = tpu.memref_squeeze %dma_start3A_30 : memref<1x128xi32, #tpu.memory_space<vmem>> -> memref<128xi32, #tpu.memory_space<vmem>>
    %dma_start3A_32 = arith.constant 0 : i32
    %dma_start3A_33 = arith.constant 0 : i32
    %dma_start3A_34 = tpu.memref_slice %arg2[%dma_start3A_32, %dma_start3A_33] : memref<10240x128xf32, #tpu.memory_space<hbm>> -> memref<10240x128xf32, #tpu.memory_space<hbm>>
    tpu.enqueue_indirect_dma source(%dma_start3A_34 : memref<10240x128xf32, #tpu.memory_space<hbm>>) target(%arg10 : memref<128x128xf32, #tpu.memory_space<vmem>>) offsets(%dma_start3A_31 : memref<128xi32, #tpu.memory_space<vmem>>) semaphore(%arg12 : memref<!tpu.dma_semaphore, #tpu.memory_space<semaphore_mem>>)
    %scan3A_35 = arith.constant 0 : i32
    %scan3A_36 = arith.constant 0 : i32
    %scan3A_37 = arith.constant 20 : i32
    %scan3A_38 = arith.addi %scan3A_36, %scan3A_37 : i32
    %scan3A_39 = arith.constant 1 : i32
    scf.for %scan3A_46 = %scan3A_36 to %scan3A_38 step %scan3A_39  : i32 {
      %mul3A_47 = arith.constant 2 : i32
      %mul3A_48 = arith.muli %mul3A_47, %scan3A_46 : i32
      %add3A_49 = arith.constant 1 : i32
      %add3A_50 = arith.addi %mul3A_48, %add3A_49 : i32
      %dma_wait3A = arith.constant 0 : i32
      %dma_wait3A_51 = tpu.memref_slice %arg7[%mul3A_48, %dma_wait3A] : memref<40x128xi32, #tpu.memory_space<vmem>> -> memref<1x128xi32, #tpu.memory_space<vmem>>
      %dma_wait3A_52 = tpu.memref_squeeze %dma_wait3A_51 : memref<1x128xi32, #tpu.memory_space<vmem>> -> memref<128xi32, #tpu.memory_space<vmem>>
      %dma_wait3A_53 = arith.constant 0 : i32
      %dma_wait3A_54 = arith.constant 0 : i32
      %dma_wait3A_55 = tpu.memref_slice %arg2[%dma_wait3A_53, %dma_wait3A_54] : memref<10240x128xf32, #tpu.memory_space<hbm>> -> memref<10240x128xf32, #tpu.memory_space<hbm>>
      tpu.wait_indirect_dma semaphore(%arg11 : memref<!tpu.dma_semaphore, #tpu.memory_space<semaphore_mem>>) src(%dma_wait3A_55 : memref<10240x128xf32, #tpu.memory_space<hbm>>) dst(%arg9 : memref<128x128xf32, #tpu.memory_space<vmem>>)
      "tpu.region"() ({
        %run_scoped3A = tpu.sem_alloc : memref<!tpu.dma_semaphore, #tpu.memory_space<semaphore_mem>>
        %dma_start3A_73 = arith.constant 0 : i32
        %dma_start3A_74 = tpu.memref_slice %arg8[%mul3A_48, %dma_start3A_73] : memref<40x128xi32, #tpu.memory_space<vmem>> -> memref<1x128xi32, #tpu.memory_space<vmem>>
        %dma_start3A_75 = tpu.memref_squeeze %dma_start3A_74 : memref<1x128xi32, #tpu.memory_space<vmem>> -> memref<128xi32, #tpu.memory_space<vmem>>
        %dma_start3A_76 = arith.constant 0 : i32
        %dma_start3A_77 = arith.constant 0 : i32
        %dma_start3A_78 = tpu.memref_slice %arg13[%dma_start3A_76, %dma_start3A_77] : memref<10240x128xf32, #tpu.memory_space<vmem_shared>> -> memref<10240x128xf32, #tpu.memory_space<vmem_shared>>
        tpu.enqueue_indirect_dma source(%arg9 : memref<128x128xf32, #tpu.memory_space<vmem>>) target(%dma_start3A_78 : memref<10240x128xf32, #tpu.memory_space<vmem_shared>>) offsets(%dma_start3A_75 : memref<128xi32, #tpu.memory_space<vmem>>) semaphore(%run_scoped3A : memref<!tpu.dma_semaphore, #tpu.memory_space<semaphore_mem>>) {add = true}
        %dma_wait3A_79 = arith.constant 0 : i32
        %dma_wait3A_80 = tpu.memref_slice %arg8[%mul3A_48, %dma_wait3A_79] : memref<40x128xi32, #tpu.memory_space<vmem>> -> memref<1x128xi32, #tpu.memory_space<vmem>>
        %dma_wait3A_81 = tpu.memref_squeeze %dma_wait3A_80 : memref<1x128xi32, #tpu.memory_space<vmem>> -> memref<128xi32, #tpu.memory_space<vmem>>
        %dma_wait3A_82 = arith.constant 0 : i32
        %dma_wait3A_83 = arith.constant 0 : i32
        %dma_wait3A_84 = tpu.memref_slice %arg13[%dma_wait3A_82, %dma_wait3A_83] : memref<10240x128xf32, #tpu.memory_space<vmem_shared>> -> memref<10240x128xf32, #tpu.memory_space<vmem_shared>>
        tpu.wait_indirect_dma semaphore(%run_scoped3A : memref<!tpu.dma_semaphore, #tpu.memory_space<semaphore_mem>>) src(%arg9 : memref<128x128xf32, #tpu.memory_space<vmem>>) dst(%dma_wait3A_84 : memref<10240x128xf32, #tpu.memory_space<vmem_shared>>)
        tpu.yield
      }) : () -> ()
      %add3A_56 = arith.constant 1 : i32
      %add3A_57 = arith.addi %add3A_50, %add3A_56 : i32
      %lt3A = arith.constant 40 : i32
      %lt3A_58 = arith.cmpi slt, %add3A_57, %lt3A : i32
      %convert_element_type3A = arith.extui %lt3A_58 : i1 to i32
      %cond3A = arith.constant 0 : i32
      %cond3A_59 = arith.cmpi ne, %convert_element_type3A, %cond3A : i32
      scf.if %cond3A_59 {
        %add3A_73 = arith.constant 1 : i32
        %add3A_74 = arith.addi %add3A_50, %add3A_73 : i32
        %dma_start3A_75 = arith.constant 0 : i32
        %dma_start3A_76 = tpu.memref_slice %arg7[%add3A_74, %dma_start3A_75] : memref<40x128xi32, #tpu.memory_space<vmem>> -> memref<1x128xi32, #tpu.memory_space<vmem>>
        %dma_start3A_77 = tpu.memref_squeeze %dma_start3A_76 : memref<1x128xi32, #tpu.memory_space<vmem>> -> memref<128xi32, #tpu.memory_space<vmem>>
        %dma_start3A_78 = arith.constant 0 : i32
        %dma_start3A_79 = arith.constant 0 : i32
        %dma_start3A_80 = tpu.memref_slice %arg2[%dma_start3A_78, %dma_start3A_79] : memref<10240x128xf32, #tpu.memory_space<hbm>> -> memref<10240x128xf32, #tpu.memory_space<hbm>>
        tpu.enqueue_indirect_dma source(%dma_start3A_80 : memref<10240x128xf32, #tpu.memory_space<hbm>>) target(%arg9 : memref<128x128xf32, #tpu.memory_space<vmem>>) offsets(%dma_start3A_77 : memref<128xi32, #tpu.memory_space<vmem>>) semaphore(%arg11 : memref<!tpu.dma_semaphore, #tpu.memory_space<semaphore_mem>>)
      } else {
      }
      %dma_wait3A_60 = arith.constant 0 : i32
      %dma_wait3A_61 = tpu.memref_slice %arg7[%add3A_50, %dma_wait3A_60] : memref<40x128xi32, #tpu.memory_space<vmem>> -> memref<1x128xi32, #tpu.memory_space<vmem>>
      %dma_wait3A_62 = tpu.memref_squeeze %dma_wait3A_61 : memref<1x128xi32, #tpu.memory_space<vmem>> -> memref<128xi32, #tpu.memory_space<vmem>>
      %dma_wait3A_63 = arith.constant 0 : i32
      %dma_wait3A_64 = arith.constant 0 : i32
      %dma_wait3A_65 = tpu.memref_slice %arg2[%dma_wait3A_63, %dma_wait3A_64] : memref<10240x128xf32, #tpu.memory_space<hbm>> -> memref<10240x128xf32, #tpu.memory_space<hbm>>
      tpu.wait_indirect_dma semaphore(%arg12 : memref<!tpu.dma_semaphore, #tpu.memory_space<semaphore_mem>>) src(%dma_wait3A_65 : memref<10240x128xf32, #tpu.memory_space<hbm>>) dst(%arg10 : memref<128x128xf32, #tpu.memory_space<vmem>>)
      "tpu.region"() ({
        %run_scoped3A = tpu.sem_alloc : memref<!tpu.dma_semaphore, #tpu.memory_space<semaphore_mem>>
        %dma_start3A_73 = arith.constant 0 : i32
        %dma_start3A_74 = tpu.memref_slice %arg8[%add3A_50, %dma_start3A_73] : memref<40x128xi32, #tpu.memory_space<vmem>> -> memref<1x128xi32, #tpu.memory_space<vmem>>
        %dma_start3A_75 = tpu.memref_squeeze %dma_start3A_74 : memref<1x128xi32, #tpu.memory_space<vmem>> -> memref<128xi32, #tpu.memory_space<vmem>>
        %dma_start3A_76 = arith.constant 0 : i32
        %dma_start3A_77 = arith.constant 0 : i32
        %dma_start3A_78 = tpu.memref_slice %arg13[%dma_start3A_76, %dma_start3A_77] : memref<10240x128xf32, #tpu.memory_space<vmem_shared>> -> memref<10240x128xf32, #tpu.memory_space<vmem_shared>>
        tpu.enqueue_indirect_dma source(%arg10 : memref<128x128xf32, #tpu.memory_space<vmem>>) target(%dma_start3A_78 : memref<10240x128xf32, #tpu.memory_space<vmem_shared>>) offsets(%dma_start3A_75 : memref<128xi32, #tpu.memory_space<vmem>>) semaphore(%run_scoped3A : memref<!tpu.dma_semaphore, #tpu.memory_space<semaphore_mem>>) {add = true}
        %dma_wait3A_79 = arith.constant 0 : i32
        %dma_wait3A_80 = tpu.memref_slice %arg8[%add3A_50, %dma_wait3A_79] : memref<40x128xi32, #tpu.memory_space<vmem>> -> memref<1x128xi32, #tpu.memory_space<vmem>>
        %dma_wait3A_81 = tpu.memref_squeeze %dma_wait3A_80 : memref<1x128xi32, #tpu.memory_space<vmem>> -> memref<128xi32, #tpu.memory_space<vmem>>
        %dma_wait3A_82 = arith.constant 0 : i32
        %dma_wait3A_83 = arith.constant 0 : i32
        %dma_wait3A_84 = tpu.memref_slice %arg13[%dma_wait3A_82, %dma_wait3A_83] : memref<10240x128xf32, #tpu.memory_space<vmem_shared>> -> memref<10240x128xf32, #tpu.memory_space<vmem_shared>>
        tpu.wait_indirect_dma semaphore(%run_scoped3A : memref<!tpu.dma_semaphore, #tpu.memory_space<semaphore_mem>>) src(%arg10 : memref<128x128xf32, #tpu.memory_space<vmem>>) dst(%dma_wait3A_84 : memref<10240x128xf32, #tpu.memory_space<vmem_shared>>)
        tpu.yield
      }) : () -> ()
      %add3A_66 = arith.constant 2 : i32
      %add3A_67 = arith.addi %add3A_50, %add3A_66 : i32
      %lt3A_68 = arith.constant 40 : i32
      %lt3A_69 = arith.cmpi slt, %add3A_67, %lt3A_68 : i32
      %convert_element_type3A_70 = arith.extui %lt3A_69 : i1 to i32
      %cond3A_71 = arith.constant 0 : i32
      %cond3A_72 = arith.cmpi ne, %convert_element_type3A_70, %cond3A_71 : i32
      scf.if %cond3A_72 {
        %add3A_73 = arith.constant 2 : i32
        %add3A_74 = arith.addi %add3A_50, %add3A_73 : i32
        %dma_start3A_75 = arith.constant 0 : i32
        %dma_start3A_76 = tpu.memref_slice %arg7[%add3A_74, %dma_start3A_75] : memref<40x128xi32, #tpu.memory_space<vmem>> -> memref<1x128xi32, #tpu.memory_space<vmem>>
        %dma_start3A_77 = tpu.memref_squeeze %dma_start3A_76 : memref<1x128xi32, #tpu.memory_space<vmem>> -> memref<128xi32, #tpu.memory_space<vmem>>
        %dma_start3A_78 = arith.constant 0 : i32
        %dma_start3A_79 = arith.constant 0 : i32
        %dma_start3A_80 = tpu.memref_slice %arg2[%dma_start3A_78, %dma_start3A_79] : memref<10240x128xf32, #tpu.memory_space<hbm>> -> memref<10240x128xf32, #tpu.memory_space<hbm>>
        tpu.enqueue_indirect_dma source(%dma_start3A_80 : memref<10240x128xf32, #tpu.memory_space<hbm>>) target(%arg10 : memref<128x128xf32, #tpu.memory_space<vmem>>) offsets(%dma_start3A_77 : memref<128xi32, #tpu.memory_space<vmem>>) semaphore(%arg12 : memref<!tpu.dma_semaphore, #tpu.memory_space<semaphore_mem>>)
      } else {
      }
    }
    %scan3A_40 = arith.constant 20 : i32
    %barrier3A_41 = arith.constant 0 : index
    tpu.barrier barrier_id(%barrier3A_41)
    %mul3A_42 = arith.constant 640 : i32
    %mul3A_43 = arith.muli %arg1, %mul3A_42 : i32
    %mul3A_44 = arith.constant 640 : i32
    %mul3A_45 = arith.muli %arg1, %mul3A_44 : i32
    "tpu.region"() ({
      %run_scoped3A = tpu.sem_alloc : memref<!tpu.dma_semaphore, #tpu.memory_space<semaphore_mem>>
      %dma_start3A_46 = arith.constant 0 : i32
      %dma_start3A_47 = tpu.memref_slice %arg6[%arg0, %mul3A_45, %dma_start3A_46] : memref<2x10240x128xf32, #tpu.memory_space<hbm>> -> memref<1x640x128xf32, #tpu.memory_space<hbm>>
      %dma_start3A_48 = tpu.memref_squeeze %dma_start3A_47 : memref<1x640x128xf32, #tpu.memory_space<hbm>> -> memref<640x128xf32, #tpu.memory_space<hbm>>
      %dma_start3A_49 = arith.constant 0 : i32
      %dma_start3A_50 = tpu.memref_slice %arg13[%mul3A_43, %dma_start3A_49] : memref<10240x128xf32, #tpu.memory_space<vmem_shared>> -> memref<640x128xf32, #tpu.memory_space<vmem_shared>>
      tpu.enqueue_dma source(%dma_start3A_50 : memref<640x128xf32, #tpu.memory_space<vmem_shared>>) target(%dma_start3A_48 : memref<640x128xf32, #tpu.memory_space<hbm>>) target_semaphore(%run_scoped3A : memref<!tpu.dma_semaphore, #tpu.memory_space<semaphore_mem>>)
      %dma_wait3A = arith.constant 0 : i32
      %dma_wait3A_51 = tpu.memref_slice %arg6[%arg0, %mul3A_45, %dma_wait3A] : memref<2x10240x128xf32, #tpu.memory_space<hbm>> -> memref<1x640x128xf32, #tpu.memory_space<hbm>>
      %dma_wait3A_52 = tpu.memref_squeeze %dma_wait3A_51 : memref<1x640x128xf32, #tpu.memory_space<hbm>> -> memref<640x128xf32, #tpu.memory_space<hbm>>
      %dma_wait3A_53 = arith.constant 0 : i32
      %dma_wait3A_54 = tpu.memref_slice %arg13[%mul3A_43, %dma_wait3A_53] : memref<10240x128xf32, #tpu.memory_space<vmem_shared>> -> memref<640x128xf32, #tpu.memory_space<vmem_shared>>
      tpu.wait_dma2 semaphore(%run_scoped3A : memref<!tpu.dma_semaphore, #tpu.memory_space<semaphore_mem>>) src(%dma_wait3A_54 : memref<640x128xf32, #tpu.memory_space<vmem_shared>>) dst(%dma_wait3A_52 : memref<640x128xf32, #tpu.memory_space<hbm>>)
      tpu.yield
    }) : () -> ()
    return
  }
}

module attributes {stable_mosaic.version = 14 : i64} {
  func.func @_tc_first_body(%arg0: i32, %arg1: memref<1024x128xf32, #tpu.memory_space<vmem>>, %arg2: memref<128x128xf32, #tpu.memory_space<vmem>>, %arg3: memref<2x1024x128xf32, #tpu.memory_space<vmem>>, %arg4: memref<1024x128xf32, #tpu.memory_space<vmem>>, %arg5: memref<1024x16xf32, #tpu.memory_space<vmem>>) attributes {dimension_semantics = [#tpu.dimension_semantics<arbitrary>], iteration_bounds = array<i64: 10>, scalar_prefetch = 0 : i64, scratch_operands = 0 : i64, tpu.core_type = #tpu.core_type<tc>, window_params = [{transform_indices = @transform_0, window_bounds = array<i64: 1024, 128>}, {pipeline_mode = #tpu.pipeline_mode<synchronous>, transform_indices = @transform_1, window_bounds = array<i64: 128, 128>}, {transform_indices = @transform_2, window_bounds = array<i64: 2, 1024, 128>}, {transform_indices = @transform_3, window_bounds = array<i64: 1024, 128>}, {transform_indices = @transform_4, window_bounds = array<i64: 1024, 16>}]} {
    %get3A = arith.constant 0 : index
    %get3A_0 = arith.constant 0 : index
    %get3A_1 = arith.constant 0 : index
    %get3A_2 = vector.load %arg3[%get3A, %get3A_0, %get3A_1] : memref<2x1024x128xf32, #tpu.memory_space<vmem>>, vector<2x1024x128xf32>
    %slice3A = vector.extract_strided_slice %get3A_2 {offsets = [0, 0, 0], sizes = [1, 1024, 128], strides = [1, 1, 1]} : vector<2x1024x128xf32> to vector<1x1024x128xf32>
    %squeeze3A = vector.shape_cast %slice3A : vector<1x1024x128xf32> to vector<1024x128xf32>
    %slice3A_3 = vector.extract_strided_slice %get3A_2 {offsets = [1, 0, 0], sizes = [1, 1024, 128], strides = [1, 1, 1]} : vector<2x1024x128xf32> to vector<1x1024x128xf32>
    %squeeze3A_4 = vector.shape_cast %slice3A_3 : vector<1x1024x128xf32> to vector<1024x128xf32>
    %add3A = arith.addf %squeeze3A, %squeeze3A_4 : vector<1024x128xf32>
    %add3A_5 = arith.constant 1.000000e+00 : f32
    %add3A_6 = vector.broadcast %add3A_5 : f32 to vector<1024x128xf32>
    %add3A_7 = arith.addf %add3A, %add3A_6 : vector<1024x128xf32>
    %rsqrt3A = math.rsqrt %add3A_7 : vector<1024x128xf32>
    %slice3A_8 = vector.extract_strided_slice %rsqrt3A {offsets = [0, 0], sizes = [1024, 16], strides = [1, 1]} : vector<1024x128xf32> to vector<1024x16xf32>
    %swap3A = arith.constant 0 : index
    %swap3A_9 = arith.constant 0 : index
    %swap3A_10 = vector.load %arg5[%swap3A, %swap3A_9] : memref<1024x16xf32, #tpu.memory_space<vmem>>, vector<1024x16xf32>
    tpu.vector_store %arg5[%swap3A, %swap3A_9], %slice3A_8 {strides = array<i32>} : memref<1024x16xf32, #tpu.memory_space<vmem>>, vector<1024x16xf32>,
    %get3A_11 = arith.constant 0 : index
    %get3A_12 = arith.constant 0 : index
    %get3A_13 = vector.load %arg1[%get3A_11, %get3A_12] : memref<1024x128xf32, #tpu.memory_space<vmem>>, vector<1024x128xf32>
    %get3A_14 = arith.constant 0 : index
    %get3A_15 = arith.constant 0 : index
    %get3A_16 = vector.load %arg2[%get3A_14, %get3A_15] : memref<128x128xf32, #tpu.memory_space<vmem>>, vector<128x128xf32>
    %dot_general3A = arith.constant dense<0.000000e+00> : vector<1024x128xf32>
    %dot_general3A_17 = tpu.matmul %get3A_13, %get3A_16, %dot_general3A {dimension_numbers = #tpu.dot_dimension_numbers<[1], [0], [0], [1], [0, 0, 1, 1], [], []>, transpose_lhs_hint = false} : vector<1024x128xf32>, vector<128x128xf32>, vector<1024x128xf32> -> vector<1024x128xf32>
    %slice3A_18 = vector.extract_strided_slice %rsqrt3A {offsets = [0, 0], sizes = [1024, 1], strides = [1, 1]} : vector<1024x128xf32> to vector<1024x1xf32>
    %mul3A = vector.broadcast %slice3A_18 : vector<1024x1xf32> to vector<1024x128xf32>
    %mul3A_19 = arith.mulf %dot_general3A_17, %mul3A : vector<1024x128xf32>
    %swap3A_20 = arith.constant 0 : index
    %swap3A_21 = arith.constant 0 : index
    %swap3A_22 = vector.load %arg4[%swap3A_20, %swap3A_21] : memref<1024x128xf32, #tpu.memory_space<vmem>>, vector<1024x128xf32>
    tpu.vector_store %arg4[%swap3A_20, %swap3A_21], %mul3A_19 {strides = array<i32>} : memref<1024x128xf32, #tpu.memory_space<vmem>>, vector<1024x128xf32>,
    return
  }
  func.func @transform_0(%arg0: i32) -> (i32, i32) {
    %c0_i32 = arith.constant 0 : i32
    %c0_i32_0 = arith.constant 0 : i32
    return %arg0, %c0_i32 : i32, i32
  }
  func.func @transform_1(%arg0: i32) -> (i32, i32) {
    %c0_i32 = arith.constant 0 : i32
    %c0_i32_0 = arith.constant 0 : i32
    %c0_i32_1 = arith.constant 0 : i32
    return %c0_i32, %c0_i32_0 : i32, i32
  }
  func.func @transform_2(%arg0: i32) -> (i32, i32, i32) {
    %c0_i32 = arith.constant 0 : i32
    %c0_i32_0 = arith.constant 0 : i32
    %c0_i32_1 = arith.constant 0 : i32
    return %c0_i32, %arg0, %c0_i32_0 : i32, i32, i32
  }
  func.func @transform_3(%arg0: i32) -> (i32, i32) {
    %c0_i32 = arith.constant 0 : i32
    %c0_i32_0 = arith.constant 0 : i32
    return %arg0, %c0_i32 : i32, i32
  }
  func.func @transform_4(%arg0: i32) -> (i32, i32) {
    %c0_i32 = arith.constant 0 : i32
    %c0_i32_0 = arith.constant 0 : i32
    return %arg0, %c0_i32 : i32, i32
  }
}

module attributes {stable_mosaic.version = 14 : i64} {
  func.func @_tc_mid_body(%arg0: i32, %arg1: memref<2x1024x128xf32, #tpu.memory_space<vmem>>, %arg2: memref<1024x128xf32, #tpu.memory_space<vmem>>, %arg3: memref<1024x16xf32, #tpu.memory_space<vmem>>, %arg4: memref<1x128xf32, #tpu.memory_space<vmem>>, %arg5: memref<128x128xf32, #tpu.memory_space<vmem>>, %arg6: memref<1024x128xf32, #tpu.memory_space<vmem>>) attributes {dimension_semantics = [#tpu.dimension_semantics<arbitrary>], iteration_bounds = array<i64: 10>, scalar_prefetch = 0 : i64, scratch_operands = 0 : i64, tpu.core_type = #tpu.core_type<tc>, window_params = [{transform_indices = @transform_0, window_bounds = array<i64: 2, 1024, 128>}, {transform_indices = @transform_1, window_bounds = array<i64: 1024, 128>}, {transform_indices = @transform_2, window_bounds = array<i64: 1024, 16>}, {pipeline_mode = #tpu.pipeline_mode<synchronous>, transform_indices = @transform_3, window_bounds = array<i64: 1, 128>}, {pipeline_mode = #tpu.pipeline_mode<synchronous>, transform_indices = @transform_4, window_bounds = array<i64: 128, 128>}, {transform_indices = @transform_5, window_bounds = array<i64: 1024, 128>}]} {
    %get3A = arith.constant 0 : index
    %get3A_0 = arith.constant 0 : index
    %get3A_1 = arith.constant 0 : index
    %get3A_2 = vector.load %arg1[%get3A, %get3A_0, %get3A_1] : memref<2x1024x128xf32, #tpu.memory_space<vmem>>, vector<2x1024x128xf32>
    %get3A_3 = arith.constant 0 : index
    %get3A_4 = arith.constant 0 : index
    %get3A_5 = vector.load %arg3[%get3A_3, %get3A_4] : memref<1024x16xf32, #tpu.memory_space<vmem>>, vector<1024x1xf32>
    %slice3A = vector.extract_strided_slice %get3A_2 {offsets = [0, 0, 0], sizes = [1, 1024, 128], strides = [1, 1, 1]} : vector<2x1024x128xf32> to vector<1x1024x128xf32>
    %squeeze3A = vector.shape_cast %slice3A : vector<1x1024x128xf32> to vector<1024x128xf32>
    %slice3A_6 = vector.extract_strided_slice %get3A_2 {offsets = [1, 0, 0], sizes = [1, 1024, 128], strides = [1, 1, 1]} : vector<2x1024x128xf32> to vector<1x1024x128xf32>
    %squeeze3A_7 = vector.shape_cast %slice3A_6 : vector<1x1024x128xf32> to vector<1024x128xf32>
    %add3A = arith.addf %squeeze3A, %squeeze3A_7 : vector<1024x128xf32>
    %get3A_8 = arith.constant 0 : index
    %get3A_9 = arith.constant 0 : index
    %get3A_10 = vector.load %arg2[%get3A_8, %get3A_9] : memref<1024x128xf32, #tpu.memory_space<vmem>>, vector<1024x128xf32>
    %add3A_11 = arith.addf %add3A, %get3A_10 : vector<1024x128xf32>
    %mul3A = vector.broadcast %get3A_5 : vector<1024x1xf32> to vector<1024x128xf32>
    %mul3A_12 = arith.mulf %add3A_11, %mul3A : vector<1024x128xf32>
    %get3A_13 = arith.constant 0 : index
    %get3A_14 = arith.constant 0 : index
    %get3A_15 = vector.load %arg4[%get3A_13, %get3A_14] : memref<1x128xf32, #tpu.memory_space<vmem>>, vector<1x128xf32>
    %add3A_16 = vector.broadcast %get3A_15 : vector<1x128xf32> to vector<1024x128xf32>
    %add3A_17 = arith.addf %mul3A_12, %add3A_16 : vector<1024x128xf32>
    %get3A_18 = arith.constant 0 : index
    %get3A_19 = arith.constant 0 : index
    %get3A_20 = vector.load %arg5[%get3A_18, %get3A_19] : memref<128x128xf32, #tpu.memory_space<vmem>>, vector<128x128xf32>
    %dot_general3A = arith.constant dense<0.000000e+00> : vector<1024x128xf32>
    %dot_general3A_21 = tpu.matmul %add3A_17, %get3A_20, %dot_general3A {dimension_numbers = #tpu.dot_dimension_numbers<[1], [0], [0], [1], [0, 0, 1, 1], [], []>, transpose_lhs_hint = false} : vector<1024x128xf32>, vector<128x128xf32>, vector<1024x128xf32> -> vector<1024x128xf32>
    %mul3A_22 = vector.broadcast %get3A_5 : vector<1024x1xf32> to vector<1024x128xf32>
    %mul3A_23 = arith.mulf %dot_general3A_21, %mul3A_22 : vector<1024x128xf32>
    %swap3A = arith.constant 0 : index
    %swap3A_24 = arith.constant 0 : index
    %swap3A_25 = vector.load %arg6[%swap3A, %swap3A_24] : memref<1024x128xf32, #tpu.memory_space<vmem>>, vector<1024x128xf32>
    tpu.vector_store %arg6[%swap3A, %swap3A_24], %mul3A_23 {strides = array<i32>} : memref<1024x128xf32, #tpu.memory_space<vmem>>, vector<1024x128xf32>,
    return
  }
  func.func @transform_0(%arg0: i32) -> (i32, i32, i32) {
    %c0_i32 = arith.constant 0 : i32
    %c0_i32_0 = arith.constant 0 : i32
    %c0_i32_1 = arith.constant 0 : i32
    return %c0_i32, %arg0, %c0_i32_0 : i32, i32, i32
  }
  func.func @transform_1(%arg0: i32) -> (i32, i32) {
    %c0_i32 = arith.constant 0 : i32
    %c0_i32_0 = arith.constant 0 : i32
    return %arg0, %c0_i32 : i32, i32
  }
  func.func @transform_2(%arg0: i32) -> (i32, i32) {
    %c0_i32 = arith.constant 0 : i32
    %c0_i32_0 = arith.constant 0 : i32
    return %arg0, %c0_i32 : i32, i32
  }
  func.func @transform_3(%arg0: i32) -> (i32, i32) {
    %c0_i32 = arith.constant 0 : i32
    %c0_i32_0 = arith.constant 0 : i32
    %c0_i32_1 = arith.constant 0 : i32
    return %c0_i32, %c0_i32_0 : i32, i32
  }
  func.func @transform_4(%arg0: i32) -> (i32, i32) {
    %c0_i32 = arith.constant 0 : i32
    %c0_i32_0 = arith.constant 0 : i32
    %c0_i32_1 = arith.constant 0 : i32
    return %c0_i32, %c0_i32_0 : i32, i32
  }
  func.func @transform_5(%arg0: i32) -> (i32, i32) {
    %c0_i32 = arith.constant 0 : i32
    %c0_i32_0 = arith.constant 0 : i32
    return %arg0, %c0_i32 : i32, i32
  }
}

module attributes {stable_mosaic.version = 14 : i64} {
  func.func @_tc_final_body(%arg0: i32, %arg1: memref<2x1024x128xf32, #tpu.memory_space<vmem>>, %arg2: memref<1024x128xf32, #tpu.memory_space<vmem>>, %arg3: memref<1024x16xf32, #tpu.memory_space<vmem>>, %arg4: memref<1x128xf32, #tpu.memory_space<vmem>>, %arg5: memref<1024x1xi32, #tpu.memory_space<vmem>>, %arg6: memref<128x10xf32, #tpu.memory_space<vmem>>, %arg7: memref<1x10xf32, #tpu.memory_space<vmem>>, %arg8: memref<64x10xf32, #tpu.memory_space<vmem>>, %arg9: memref<64x128xf32, #tpu.memory_space<vmem>>, %arg10: memref<64x128xf32, #tpu.memory_space<vmem>>) attributes {dimension_semantics = [#tpu.dimension_semantics<arbitrary>], iteration_bounds = array<i64: 10>, scalar_prefetch = 0 : i64, scratch_operands = 2 : i64, tpu.core_type = #tpu.core_type<tc>, window_params = [{transform_indices = @transform_0, window_bounds = array<i64: 2, 1024, 128>}, {transform_indices = @transform_1, window_bounds = array<i64: 1024, 128>}, {transform_indices = @transform_2, window_bounds = array<i64: 1024, 16>}, {pipeline_mode = #tpu.pipeline_mode<synchronous>, transform_indices = @transform_3, window_bounds = array<i64: 1, 128>}, {transform_indices = @transform_4, window_bounds = array<i64: 1024, 1>}, {pipeline_mode = #tpu.pipeline_mode<synchronous>, transform_indices = @transform_5, window_bounds = array<i64: 128, 10>}, {pipeline_mode = #tpu.pipeline_mode<synchronous>, transform_indices = @transform_6, window_bounds = array<i64: 1, 10>}, {pipeline_mode = #tpu.pipeline_mode<synchronous>, transform_indices = @transform_7, window_bounds = array<i64: 64, 10>}]} {
    %eq3A = arith.constant 0 : i32
    %eq3A_0 = arith.cmpi eq, %arg0, %eq3A : i32
    %convert_element_type3A = arith.extui %eq3A_0 : i1 to i32
    %cond3A = arith.constant 0 : i32
    %cond3A_1 = arith.cmpi ne, %convert_element_type3A, %cond3A : i32
    scf.if %cond3A_1 {
      %broadcast_in_dim3A_49 = arith.constant 0.000000e+00 : f32
      %broadcast_in_dim3A_50 = vector.broadcast %broadcast_in_dim3A_49 : f32 to vector<64x128xf32>
      %swap3A_51 = arith.constant 0 : index
      %swap3A_52 = arith.constant 0 : index
      %swap3A_53 = vector.load %arg9[%swap3A_51, %swap3A_52] : memref<64x128xf32, #tpu.memory_space<vmem>>, vector<64x128xf32>
      tpu.vector_store %arg9[%swap3A_51, %swap3A_52], %broadcast_in_dim3A_50 {strides = array<i32>} : memref<64x128xf32, #tpu.memory_space<vmem>>, vector<64x128xf32>,
      %broadcast_in_dim3A_54 = arith.constant 0.000000e+00 : f32
      %broadcast_in_dim3A_55 = vector.broadcast %broadcast_in_dim3A_54 : f32 to vector<64x128xf32>
      %swap3A_56 = arith.constant 0 : index
      %swap3A_57 = arith.constant 0 : index
      %swap3A_58 = vector.load %arg10[%swap3A_56, %swap3A_57] : memref<64x128xf32, #tpu.memory_space<vmem>>, vector<64x128xf32>
      tpu.vector_store %arg10[%swap3A_56, %swap3A_57], %broadcast_in_dim3A_55 {strides = array<i32>} : memref<64x128xf32, #tpu.memory_space<vmem>>, vector<64x128xf32>,
    } else {
    }
    %get3A = arith.constant 0 : index
    %get3A_2 = arith.constant 0 : index
    %get3A_3 = arith.constant 0 : index
    %get3A_4 = vector.load %arg1[%get3A, %get3A_2, %get3A_3] : memref<2x1024x128xf32, #tpu.memory_space<vmem>>, vector<2x1024x128xf32>
    %get3A_5 = arith.constant 0 : index
    %get3A_6 = arith.constant 0 : index
    %get3A_7 = vector.load %arg3[%get3A_5, %get3A_6] : memref<1024x16xf32, #tpu.memory_space<vmem>>, vector<1024x1xf32>
    %slice3A = vector.extract_strided_slice %get3A_4 {offsets = [0, 0, 0], sizes = [1, 1024, 128], strides = [1, 1, 1]} : vector<2x1024x128xf32> to vector<1x1024x128xf32>
    %squeeze3A = vector.shape_cast %slice3A : vector<1x1024x128xf32> to vector<1024x128xf32>
    %slice3A_8 = vector.extract_strided_slice %get3A_4 {offsets = [1, 0, 0], sizes = [1, 1024, 128], strides = [1, 1, 1]} : vector<2x1024x128xf32> to vector<1x1024x128xf32>
    %squeeze3A_9 = vector.shape_cast %slice3A_8 : vector<1x1024x128xf32> to vector<1024x128xf32>
    %add3A = arith.addf %squeeze3A, %squeeze3A_9 : vector<1024x128xf32>
    %get3A_10 = arith.constant 0 : index
    %get3A_11 = arith.constant 0 : index
    %get3A_12 = vector.load %arg2[%get3A_10, %get3A_11] : memref<1024x128xf32, #tpu.memory_space<vmem>>, vector<1024x128xf32>
    %add3A_13 = arith.addf %add3A, %get3A_12 : vector<1024x128xf32>
    %mul3A = vector.broadcast %get3A_7 : vector<1024x1xf32> to vector<1024x128xf32>
    %mul3A_14 = arith.mulf %add3A_13, %mul3A : vector<1024x128xf32>
    %get3A_15 = arith.constant 0 : index
    %get3A_16 = arith.constant 0 : index
    %get3A_17 = vector.load %arg4[%get3A_15, %get3A_16] : memref<1x128xf32, #tpu.memory_space<vmem>>, vector<1x128xf32>
    %add3A_18 = vector.broadcast %get3A_17 : vector<1x128xf32> to vector<1024x128xf32>
    %add3A_19 = arith.addf %mul3A_14, %add3A_18 : vector<1024x128xf32>
    %get3A_20 = arith.constant 0 : index
    %get3A_21 = arith.constant 0 : index
    %get3A_22 = vector.load %arg5[%get3A_20, %get3A_21] : memref<1024x1xi32, #tpu.memory_space<vmem>>, vector<1024x1xi32>
    %iota3A = tpu.iota {dimensions = array<i32: 1>} : vector<1024x64xi32>
    %eq3A_23 = vector.broadcast %get3A_22 : vector<1024x1xi32> to vector<1024x64xi32>
    %eq3A_24 = arith.cmpi eq, %eq3A_23, %iota3A : vector<1024x64xi32>
    %convert_element_type3A_25 = arith.extui %eq3A_24 : vector<1024x64xi1> to vector<1024x64xi32>
    %convert_element_type3A_26 = arith.sitofp %convert_element_type3A_25 : vector<1024x64xi32> to vector<1024x64xf32>
    %get3A_27 = arith.constant 0 : index
    %get3A_28 = arith.constant 0 : index
    %get3A_29 = vector.load %arg9[%get3A_27, %get3A_28] : memref<64x128xf32, #tpu.memory_space<vmem>>, vector<64x128xf32>
    %dot_general3A = arith.constant dense<0.000000e+00> : vector<64x128xf32>
    %dot_general3A_30 = tpu.matmul %convert_element_type3A_26, %add3A_19, %dot_general3A {dimension_numbers = #tpu.dot_dimension_numbers<[0], [0], [1], [1], [0, 1, 1, 1], [], []>, transpose_lhs_hint = false} : vector<1024x64xf32>, vector<1024x128xf32>, vector<64x128xf32> -> vector<64x128xf32>
    %add3A_31 = arith.addf %get3A_29, %dot_general3A_30 : vector<64x128xf32>
    %swap3A = arith.constant 0 : index
    %swap3A_32 = arith.constant 0 : index
    %swap3A_33 = vector.load %arg9[%swap3A, %swap3A_32] : memref<64x128xf32, #tpu.memory_space<vmem>>, vector<64x128xf32>
    tpu.vector_store %arg9[%swap3A, %swap3A_32], %add3A_31 {strides = array<i32>} : memref<64x128xf32, #tpu.memory_space<vmem>>, vector<64x128xf32>,
    %get3A_34 = arith.constant 0 : index
    %get3A_35 = arith.constant 0 : index
    %get3A_36 = vector.load %arg10[%get3A_34, %get3A_35] : memref<64x128xf32, #tpu.memory_space<vmem>>, vector<64x128xf32>
    %broadcast_in_dim3A = arith.constant 1.000000e+00 : f32
    %broadcast_in_dim3A_37 = vector.broadcast %broadcast_in_dim3A : f32 to vector<1024x128xf32>
    %dot_general3A_38 = arith.constant dense<0.000000e+00> : vector<64x128xf32>
    %dot_general3A_39 = tpu.matmul %convert_element_type3A_26, %broadcast_in_dim3A_37, %dot_general3A_38 {dimension_numbers = #tpu.dot_dimension_numbers<[0], [0], [1], [1], [0, 1, 1, 1], [], []>, transpose_lhs_hint = false} : vector<1024x64xf32>, vector<1024x128xf32>, vector<64x128xf32> -> vector<64x128xf32>
    %add3A_40 = arith.addf %get3A_36, %dot_general3A_39 : vector<64x128xf32>
    %swap3A_41 = arith.constant 0 : index
    %swap3A_42 = arith.constant 0 : index
    %swap3A_43 = vector.load %arg10[%swap3A_41, %swap3A_42] : memref<64x128xf32, #tpu.memory_space<vmem>>, vector<64x128xf32>
    tpu.vector_store %arg10[%swap3A_41, %swap3A_42], %add3A_40 {strides = array<i32>} : memref<64x128xf32, #tpu.memory_space<vmem>>, vector<64x128xf32>,
    %eq3A_44 = arith.constant 9 : i32
    %eq3A_45 = arith.cmpi eq, %arg0, %eq3A_44 : i32
    %convert_element_type3A_46 = arith.extui %eq3A_45 : i1 to i32
    %cond3A_47 = arith.constant 0 : i32
    %cond3A_48 = arith.cmpi ne, %convert_element_type3A_46, %cond3A_47 : i32
    scf.if %cond3A_48 {
      %get3A_49 = arith.constant 0 : index
      %get3A_50 = arith.constant 0 : index
      %get3A_51 = vector.load %arg9[%get3A_49, %get3A_50] : memref<64x128xf32, #tpu.memory_space<vmem>>, vector<64x128xf32>
      %get3A_52 = arith.constant 0 : index
      %get3A_53 = arith.constant 0 : index
      %get3A_54 = vector.load %arg10[%get3A_52, %get3A_53] : memref<64x128xf32, #tpu.memory_space<vmem>>, vector<64x128xf32>
      %max3A = arith.constant 1.000000e+00 : f32
      %max3A_55 = vector.broadcast %max3A : f32 to vector<64x128xf32>
      %max3A_56 = arith.maximumf %get3A_54, %max3A_55 : vector<64x128xf32>
      %div3A = arith.divf %get3A_51, %max3A_56 : vector<64x128xf32>
      %get3A_57 = arith.constant 0 : index
      %get3A_58 = arith.constant 0 : index
      %get3A_59 = vector.load %arg6[%get3A_57, %get3A_58] : memref<128x10xf32, #tpu.memory_space<vmem>>, vector<128x10xf32>
      %dot_general3A_60 = arith.constant dense<0.000000e+00> : vector<64x10xf32>
      %dot_general3A_61 = tpu.matmul %div3A, %get3A_59, %dot_general3A_60 {dimension_numbers = #tpu.dot_dimension_numbers<[1], [0], [0], [1], [0, 0, 1, 1], [], []>, transpose_lhs_hint = false} : vector<64x128xf32>, vector<128x10xf32>, vector<64x10xf32> -> vector<64x10xf32>
      %get3A_62 = arith.constant 0 : index
      %get3A_63 = arith.constant 0 : index
      %get3A_64 = vector.load %arg7[%get3A_62, %get3A_63] : memref<1x10xf32, #tpu.memory_space<vmem>>, vector<1x10xf32>
      %add3A_65 = vector.broadcast %get3A_64 : vector<1x10xf32> to vector<64x10xf32>
      %add3A_66 = arith.addf %dot_general3A_61, %add3A_65 : vector<64x10xf32>
      %swap3A_67 = arith.constant 0 : index
      %swap3A_68 = arith.constant 0 : index
      %swap3A_69 = vector.load %arg8[%swap3A_67, %swap3A_68] : memref<64x10xf32, #tpu.memory_space<vmem>>, vector<64x10xf32>
      tpu.vector_store %arg8[%swap3A_67, %swap3A_68], %add3A_66 {strides = array<i32>} : memref<64x10xf32, #tpu.memory_space<vmem>>, vector<64x10xf32>,
    } else {
    }
    return
  }
  func.func @transform_0(%arg0: i32) -> (i32, i32, i32) {
    %c0_i32 = arith.constant 0 : i32
    %c0_i32_0 = arith.constant 0 : i32
    %c0_i32_1 = arith.constant 0 : i32
    return %c0_i32, %arg0, %c0_i32_0 : i32, i32, i32
  }
  func.func @transform_1(%arg0: i32) -> (i32, i32) {
    %c0_i32 = arith.constant 0 : i32
    %c0_i32_0 = arith.constant 0 : i32
    return %arg0, %c0_i32 : i32, i32
  }
  func.func @transform_2(%arg0: i32) -> (i32, i32) {
    %c0_i32 = arith.constant 0 : i32
    %c0_i32_0 = arith.constant 0 : i32
    return %arg0, %c0_i32 : i32, i32
  }
  func.func @transform_3(%arg0: i32) -> (i32, i32) {
    %c0_i32 = arith.constant 0 : i32
    %c0_i32_0 = arith.constant 0 : i32
    %c0_i32_1 = arith.constant 0 : i32
    return %c0_i32, %c0_i32_0 : i32, i32
  }
  func.func @transform_4(%arg0: i32) -> (i32, i32) {
    %c0_i32 = arith.constant 0 : i32
    %c0_i32_0 = arith.constant 0 : i32
    return %arg0, %c0_i32 : i32, i32
  }
  func.func @transform_5(%arg0: i32) -> (i32, i32) {
    %c0_i32 = arith.constant 0 : i32
    %c0_i32_0 = arith.constant 0 : i32
    %c0_i32_1 = arith.constant 0 : i32
    return %c0_i32, %c0_i32_0 : i32, i32
  }
  func.func @transform_6(%arg0: i32) -> (i32, i32) {
    %c0_i32 = arith.constant 0 : i32
    %c0_i32_0 = arith.constant 0 : i32
    %c0_i32_1 = arith.constant 0 : i32
    return %c0_i32, %c0_i32_0 : i32, i32
  }
  func.func @transform_7(%arg0: i32) -> (i32, i32) {
    %c0_i32 = arith.constant 0 : i32
    %c0_i32_0 = arith.constant 0 : i32
    %c0_i32_1 = arith.constant 0 : i32
    return %c0_i32, %c0_i32_0 : i32, i32
  }
}

</mosaic_0001>

<sc_bundles>
// kernel: kernel.14.cloned.1.call-start
scs
__scs_entry_jumppad:
0x0: {  	(pc) =	sbr.rel $0x88, $3  }
0x1: {  	(tag) =	ssettag $0x0;
	lr =	simm.s32 $0x1  }
0x2: {  	[smem:$0x3F92] =	sst lr;
	_ =	strace $0xD0000000  }
0x3: {  	_ = 	snop  }
0x4: {  	_ = 	snop  }
0x5: {  	_ = 	snop  }
0x6: {  	_ = 	snop  }
0x7: {  	_ = 	snop  }
__scs_overlays_trampoline_lowered:
0x8: {  	[smem:$0x3FA1] =	sst s0  }
0x9: {  	[smem:$0x3FA2] =	sst s1  }
0xa: {  	[smem:$0x3FA3] =	sst s2  }
0xb: {  	[smem:$0x3FA4] =	sst s3  }
0xc: {  	[smem:$0x3FA5] =	sst s4  }
0xd: {  	[smem:$0x3FA6] =	sst s5  }
0xe: {  	[smem:$0x3FA7] =	sst s6  }
0xf: {  	[smem:$0x3FA8] =	sst s7  }
0x10: {  	[smem:$0x3FA9] =	sst s8  }
0x11: {  	[smem:$0x3FAA] =	sst s9;
	s0 =	simm.s32 @!p0 $0x0  }
0x12: {  	s1 =	sld [smem:$0x3F90];
	s0 =	simm.s32 @p0 $0x1  }
0x13: {  	[smem:$0x3FAB] =	sst s0;
	s0 =	simm.s32 @!p1 $0x0  }
0x14: {  	s2 =	sld [smem:$0x3F8F];
	s0 =	simm.s32 @p1 $0x1  }
0x15: {  	[smem:$0x3FAC] =	sst s0;
	s0 =	simm.s32 @!p2 $0x0  }
0x16: {  	s3 =	sld [smem:$0x3FDB];
	s0 =	simm.s32 @p2 $0x1  }
0x17: {  	s4 =	simm.s32 $0x1BF5;
	[smem:$0x3FAE] =	sst s0  }
0x18: {  	s0 =	sld [smem:$0x3F91];
	_ =	swait.ge [sflag:s4], $0x0  }
0x19: {  	s7 =	sld [smem:$0x3F92]  }
0x1a: {  	s8 =	sadd.s32 $0xFFFFE003, lr  }
0x1b: {  	s9 =	sadd.s32 $0xFFFFFEF7, lr;
	s5 =	simm.s32 $0xFFFFFFFF;
	p2 =	slt.u32 s8, $0xFFFFF086  }
0x1c: {  	p1 =	slt.u32 s9, $0xF7A;
	s5 =	simm.s32 @!p2 $0x0  }
0x1d: {  	s5 =	simm.s32 @p1 $0x1;
	p0 =	seq.s32 s7, s2  }
0x1e: {  	s7 =	smul.u32 @!p0 $0xF7A, s2;
	p2 =	seq.s32 @!p0 s5, $0x0  }
0x1f: {  	s9 =	smul.u32 $0xF7A, s1;
	s8 =	simm.s32 @!p0 $0x1BF5;
	p2 =	por !p2, p0  }
0x20: {  	[sflag:s8] =	ssyncset.s32 @!p0 $0xFFFFF086;
	s6 =	sadd.s32 @!p0 s3, s7;
	s7 =	simm.s32 @!p0 $0x108  }
0x21: {  	s3 =	sadd.s32 s3, s9;
	s6 =	sadd.s32 @!p0 $0x88, s6;
	s7 =	simm.s32 @p2 $0x1082  }
0x22: {  	[simem:s7], [sflag:s8] =	dma.local @!p0 [hbm:s6], $0xF7A  }
0x23: {  	s9 =	sor.u32 $0xD0000000, s2;
	s6 =	simm.s32 $0x108;
	_ =	swait.ge @!p0 [sflag:s8], $0x0  }
0x24: {  	s3 =	sadd.s32 $0x88, s3;
	s6 =	simm.s32 @!p1 $0x1082;
	[sflag:s4] =	ssyncset.s32 $0xFFFFF086  }
0x25: {  	[simem:s6], [sflag:s4] =	dma.local [hbm:s3], $0xF7A  }
0x26: {  	[smem:$0x3F92] =	sst s1;
	(tag) =	ssettag s2;
	_ =	strace s9  }
0x27: {  	s1 =	sld [smem:$0x3FA2]  }
0x28: {  	s2 =	sld [smem:$0x3FA3]  }
0x29: {  	s4 =	sld [smem:$0x3FA5]  }
0x2a: {  	p0 =	seq.s32 s5, $0x0;
	s5 =	sld [smem:$0x3FA6]  }
0x2b: {  	s6 =	sld [smem:$0x3FA7]  }
0x2c: {  	s7 =	sld [smem:$0x3FA8]  }
0x2d: {  	s3 =	simm.s32 $0x108;
	s8 =	sld [smem:$0x3FA9]  }
0x2e: {  	s3 =	simm.s32 @!p0 $0x1082;
	s9 =	sld [smem:$0x3FAA]  }
0x2f: {  	lr =	sadd.s32 s0, s3;
	s0 =	sld [smem:$0x3FA1]  }
0x30: {  	s3 =	sld [smem:$0x3FA4]  }
0x31: {  	[smem:$0x3FAD] =	sst s10  }
0x32: {  	s10 =	sld [smem:$0x3FAB];
	_ =	sdelay $0x3  }
0x33: {  	p0 =	seq.s32 s10, $0x1;
	s10 =	sld [smem:$0x3FAD];
	_ =	sdelay $0x3  }
0x34: {  	[smem:$0x3FAD] =	sst s10  }
0x35: {  	s10 =	sld [smem:$0x3FAC];
	_ =	sdelay $0x3  }
0x36: {  	p1 =	seq.s32 s10, $0x1;
	s10 =	sld [smem:$0x3FAD];
	_ =	sdelay $0x3  }
0x37: {  	[smem:$0x3FAD] =	sst s10  }
0x38: {  	s10 =	sld [smem:$0x3FAE]  }
0x39: {  	_ = 	snop;
	(pc) =	sbr.ind lr, $3  }
0x3a: {  	_ = 	snop  }
0x3b: {  	_ = 	snop  }
0x3c: {  	p2 =	seq.s32 s10, $0x1;
	s10 =	sld [smem:$0x3FAD]  }
0x3d: {  	_ =	shalt  }
0x3e: {  	_ =	shalt  }
0x3f: {  	_ =	shalt  }
0x40: {  	_ =	shalt  }
0x41: {  	_ =	shalt  }
0x42: {  	_ =	shalt  }
0x43: {  	_ =	shalt  }
0x44: {  	_ =	shalt  }
0x45: {  	_ =	shalt  }
0x46: {  	_ =	shalt  }
0x47: {  	_ =	shalt  }
0x48: {  	_ =	shalt  }
0x49: {  	_ =	shalt  }
0x4a: {  	_ =	shalt  }
0x4b: {  	_ =	shalt  }
0x4c: {  	_ =	shalt  }
0x4d: {  	_ =	shalt  }
0x4e: {  	_ =	shalt  }
0x4f: {  	_ =	shalt  }
0x50: {  	_ =	shalt  }
0x51: {  	_ =	shalt  }
0x52: {  	_ =	shalt  }
0x53: {  	_ =	shalt  }
0x54: {  	_ =	shalt  }
0x55: {  	_ =	shalt  }
0x56: {  	_ =	shalt  }
0x57: {  	_ =	shalt  }
0x58: {  	_ =	shalt  }
0x59: {  	_ =	shalt  }
0x5a: {  	_ =	shalt  }
0x5b: {  	_ =	shalt  }
0x5c: {  	_ =	shalt  }
0x5d: {  	_ =	shalt  }
0x5e: {  	_ =	shalt  }
0x5f: {  	_ =	shalt  }
0x60: {  	_ =	shalt  }
0x61: {  	_ =	shalt  }
0x62: {  	_ =	shalt  }
0x63: {  	_ =	shalt  }
0x64: {  	_ =	shalt  }
0x65: {  	_ =	shalt  }
0x66: {  	_ =	shalt  }
0x67: {  	_ =	shalt  }
0x68: {  	_ =	shalt  }
0x69: {  	_ =	shalt  }
0x6a: {  	_ =	shalt  }
0x6b: {  	_ =	shalt  }
0x6c: {  	_ =	shalt  }
0x6d: {  	_ =	shalt  }
0x6e: {  	_ =	shalt  }
0x6f: {  	_ =	shalt  }
0x70: {  	_ =	shalt  }
0x71: {  	_ =	shalt  }
0x72: {  	_ =	shalt  }
0x73: {  	_ =	shalt  }
0x74: {  	_ =	shalt  }
0x75: {  	_ =	shalt  }
0x76: {  	_ =	shalt  }
0x77: {  	_ =	shalt  }
0x78: {  	_ =	shalt  }
0x79: {  	_ =	shalt  }
0x7a: {  	_ =	shalt  }
0x7b: {  	_ =	shalt  }
0x7c: {  	_ =	shalt  }
0x7d: {  	_ =	shalt  }
0x7e: {  	_ =	shalt  }
0x7f: {  	_ =	shalt  }
0x80: {  	_ =	shalt  }
0x81: {  	_ =	shalt  }
0x82: {  	_ =	shalt  }
0x83: {  	_ =	shalt  }
0x84: {  	_ =	shalt  }
0x85: {  	_ =	shalt  }
0x86: {  	_ =	shalt  }
0x87: {  	_ =	shalt  }
.Lfunc_end0:
.L_simem_size_0:
called_computation_lowered:
.L_overlay_start_0:
0x88: {  	s2 =	sld [smem:$0x3FD9]  }
0x89: {  	s3 =	sld [smem:$0x3FFE];
	_ =	sdelay $0x1  }
0x8a: {  	s1 =	srdreg.scid  }
0x8b: {  	s0 =	sand.u32 $0x1, s1  }
0x8c: {  	s16 =	sshll.u32 s0, $0xA;
	s2 =	sadd.s32 s3, s2  }
0x8d: {  	s2 =	sadd.s32 s2, s16  }
0x8e: {  	[smem:$0x3FB9] =	sst s2  }
0x8f: {  	_ = 	snop  }
0x90: {  	(tm) =	ssettm $0x1  }
0x91: {  	s17 =	sld [smem:$0x3FFB];
	_ =	sdelay $0x3  }
0x92: {  	_ =	strace s17  }
0x93: {  	s2 =	sld [smem:$0x3FFC];
	_ =	sdelay $0x3  }
0x94: {  	_ =	strace s2  }
0x95: {  	s2 =	sld [smem:$0x3FFD];
	_ =	sdelay $0x3  }
0x96: {  	_ =	strace s2  }
0x97: {  	_ =	strace $0x8FFFFFFF  }
0x98: {  	s18 =	sld [smem:$0x3FDB];
	_ =	sdelay $0x1  }
0x99: {  	s19 =	simm.s32 $_scs_section_size  }
0x9a: {  	s4 =	simm.s32 $_size__tile_overlayer_lowered;
	s5 =	simm.s32 $_tile_overlayer_lowered  }
0x9b: {  	s22 =	simm.s32 $0x1BFF;
	s21 =	sshll.u32 s5, $0x1;
	s2 =	sadd.s32 s19, s18  }
0x9c: {  	s6 =	simm.s32 $0x0;
	s20 =	sshll.u32 s4, $0x1;
	s4 =	sadd.s32 s21, s2  }
0x9d: {  	[timem:s6], [sflag:s22] =	dma.local [hbm:s4], s20  }
0x9e: {  	_ =	swait.ge [sflag:s22], s20  }
0x9f: {  	s3 =	ssub.s32 $0x0, s20;
	[sflag:s22] =	ssyncset.done $0x0  }
0xa0: {  	[sflag:s22] =	ssyncadd.s32 s3;
	_ =	sdelay $0x1  }
0xa1: {  	s23 =	simm.s32 $0x1B8B  }
0xa2: {  	_ =	swait.ge [sflag:s23], $0x1  }
0xa3: {  	[sflag:s23] =	ssyncset.done $0x0  }
0xa4: {  	s25 =	simm.s32 $0x1B8E;
	s24 =	sld [smem:$0x3FFE];
	[sflag:s23] =	ssyncadd.s32 $0xFFFFFFFF  }
0xa5: {  	s26 =	simm.s32 $execute0_lowered;
	[smem:$0x3FD2] =	sst s25  }
0xa6: {  	s4 =	sshll.u32 s26, $0x1;
	_ =	strace $0x80000046;
	[dreg:$0x1] =	wrdreg $0xFFFFFFFF  }
0xa7: {  	s28 =	simm.s32 $_size_execute0_lowered;
	s2 =	sadd.s32 s2, s4;
	[dreg:$0x0] =	wrdreg $0x0  }
0xa8: {  	s4 =	sshll.u32 s28, $0x1;
	[dreg:$0x2] =	wrdreg s2  }
0xa9: {  	[dreg:$0x3] =	wrdreg s4  }
0xaa: {  	[dreg:$0x4] =	wrdreg $0xC0  }
0xab: {  	_ =	task [dreg:s6], $0x5FFFF  }
0xac: {  	[dreg:$0x1] =	wrdreg $0xFFFFFFFF  }
0xad: {  	[dreg:$0x0] =	wrdreg $0x60  }
0xae: {  	[dreg:$0x2] =	wrdreg s24  }
0xaf: {  	[dreg:$0x3] =	wrdreg $0x68000  }
0xb0: {  	[dreg:$0x4] =	wrdreg $0x9  }
0xb1: {  	_ =	task.clear_ibuf [dreg:s6], $0x5FFFF;
	_ =	strace $0x90000046  }
0xb2: {  	s29 =	simm.s32 $0x9;
	_ =	strace $0x80000048  }
0xb3: {  	_ =	swait.ge [sflag:s29], $0x1  }
0xb4: {  	[sflag:s29] =	ssyncadd.s32 $0xFFFFFFFF  }
0xb5: {  	_ =	strace $0x90000048  }
0xb6: {  	_ =	sfence  }
0xb7: {  	s30 =	sld [smem:$0x0];
	_ =	sdelay $0x2  }
0xb8: {  	s31 =	sshll.u32 s1, $0xD;
	s1 =	sshrl.u32 s1, $0x2  }
0xb9: {  	s3 =	sand.u32 $0x4000, s31;
	s1 =	sadd.s32 s1, s30  }
0xba: {  	s0 =	sor.u32 s3, s0;
	s1 =	sshll.u32 s1, $0x11  }
0xbb: {  	s0 =	sor.u32 s1, s0  }
0xbc: {  	s0 =	sadd.s32 $0x8F2B, s0  }
0xbd: {  	[sflag:s0] =	ssyncadd.remote.s32 $0x1  }
0xbe: {  	_ =	sfence.sel $0xFFFF  }
0xbf: {  	[dreg:$0x0] =	wrdreg $0xFFFFFFFF;
	(pc) =	sbr.abs _section_cstart, $3  }
0xc0: {  	[dreg:$0x1] =	wrdreg $0xFFFFFFFF  }
0xc1: {  	_ =	task.clear_ibuf [dreg:s6], $0x2FFFF;
	_ =	strace $0x9FFFFFFF  }
0xc2: {  	(tm) =	ssettm $0x7FFFFFFF  }
0xc3: {  	_ =	shalt  }
tec
execute0_lowered:
.L_overlay_start_1:
0x0: {  	(tag) =	ssettag $0x1  }
0x1: {  	s7 =	rddreg [dreg:$0x0]  }
0x2: {  	s0 =	srdreg.scid;
	s2 =	rddreg [dreg:$0x1]  }
0x3: {  	s3 =	simm.s32 $0x0;
	s12 =	simm.s32 $0x2800;
	s6 =	sand.u32 $0x1, s0  }
0x4: {  	s13 =	simm.s32 $0x80;
	s0 =	stileid.u32;
	s5 =	smul.u32 $0x140000, s6  }
0x5: {  	s14 =	simm.s32 $0x0;
	[smem:$0x7FF] =	sst s3;
	s8 =	smul.u32 $0x14000, s0  }
0x6: {  	s1 =	sshll.u32 s6, $0x4;
	s10 =	smul.u32 $0x50000, s0;
	s6 =	ssub.s32 $0x2, s6  }
0x7: {  	s31 =	sshll.u32 s0, $0x6;
	s1 =	sor.u32 s0, s1;
	s30 =	sshrl.u32 s6, $0x1  }
0x8: {  	s4 =	smul.u32 $0x500, s1;
	s1 =	rddreg [dreg:$0x2];
	_ =	strace $0x80000047  }
0x9: {  	s8 =	sadd.s32 s8, s5;
	s5 =	sadd.s32 $0xF600, s7;
	s10 =	sshrl.u32 s10, $0x2  }
0xa: {  	s11 =	ssub.s32 s6, s30;
	s6 =	sor.u32 $0x1C01, s31;
	s8 =	sshrl.u32 s8, $0x3  }
0xb: {  	s10 =	sadd.s32 s10, s2;
	s9 =	sadd.s32 s4, s7;
	s4 =	sadd.s32 $0x11E00, s7  }
0xc: {  	s8 =	sadd.s32 s8, s7;
	s10 =	sshrl.u32 s10, $0x3;
	s7 =	sadd.s32 $0x5600, s9  }
0xd: {  	s8 =	sadd.s32 $0x12600, s8;
	s9 =	smax.u32 s11, $0x1;
	s11 =	simm.s32 $0x1  }
.LBB2_1:
0xe: {  	[spmem:s10], [sflag:s6] =	dma.local [hbm:s5], $0x2800  }
0xf: {  	_ =	swait.ge [sflag:s11], $0x2800  }
0x10: {  	[sflag:s11] =	ssyncset.done $0x0  }
0x11: {  	[sflag:s11] =	ssyncadd.s32 $0xFFFFD800  }
0x12: {  	[tilespmem:s3], [sflag:$0x1] =	stream.linear.gather [hbm4b:s7+s3], $0x2800, $0x38;
	[tilespmem:$0x1A800] =	vst v63  }
0x13: {  	_ =	swait.ge [sflag:s11], $0x2800  }
0x14: {  	[sflag:s11] =	ssyncset.done $0x0  }
0x15: {  	[sflag:s11] =	ssyncadd.s32 $0xFFFFD800  }
0x16: {  	[tilespmem:s12], [sflag:$0x1] =	stream.linear.gather [hbm4b:s4+s3], $0x4000, $0x38;
	[tilespmem:$0x1A800] =	vst v63  }
0x17: {  	_ =	swait.ge [sflag:s11], $0x4000  }
0x18: {  	[sflag:s11] =	ssyncset.done $0x0  }
0x19: {  	[sflag:s11] =	ssyncadd.s32 $0xFFFFC000  }
0x1a: {  	s15 =	simm.s32 $0x0;
	[bflag:$0x0] =	sbarrier.arrive $0xFFFF  }
0x1b: {  	[spmem:s2] =	stream.indirect.scatter.add.f32 [tilespmem:s12], [sflag:$0x1], $0x80, s15, s13, $0xb8;
	[tilespmem:$0x1A800] =	vst v63  }
0x1c: {  	_ =	swait.ge [sflag:s11], $0x4000  }
0x1d: {  	s15 =	simm.s32 $0x200;
	[sflag:s11] =	ssyncset.done $0x0  }
.LBB2_2:
0x1e: {  	s16 =	sshra.s32 s15, $0x2;
	[sflag:s11] =	ssyncadd.s32 $0xFFFFC000;
	p0 =	sne.s32 s15, $0x9E00  }
0x1f: {  	[spmem:s2] =	stream.indirect.scatter.add.f32 [tilespmem:s12], [sflag:$0x1], $0x80, s16, s13, $0xb8;
	[tilespmem:$0x1A800] =	vst v63  }
.Ltmp0:
0x20: {  	_ = 	snop;
	(pc) =	sbr.rel @p0 .LBB2_2-.Ltmp0, $4  }
0x21: {  	_ = 	snop  }
0x22: {  	s15 =	sadd.s32 $0x200, s15  }
0x23: {  	_ =	swait.ge [sflag:s11], $0x4000  }
0x24: {  	[sflag:s11] =	ssyncset.done $0x0  }
0x25: {  	s14 =	sadd.s32 $0x1, s14  }
0x26: {  	[sflag:s11] =	ssyncadd.s32 $0xFFFFC000;
	p0 =	sne.s32 s14, s9  }
.Ltmp1:
0x27: {  	[bflag:$0x0] =	sbarrier.arrive $0xFFFF;
	(pc) =	sbr.rel @p0 .LBB2_1-.Ltmp1, $4  }
0x28: {  	[hbm:s8], [sflag:s6] =	dma.local [spmem:s10], $0x2800  }
0x29: {  	_ =	swait.ge [sflag:s11], $0x2800  }
0x2a: {  	[sflag:s11] =	ssyncset.done $0x0  }
0x2b: {  	[sflag:s11] =	ssyncadd.s32 $0xFFFFD800  }
0x2c: {  	_ =	sfence.sel $0x180000  }
0x2d: {  	[bflag:$0x0] =	sbarrier.arrive $0xFFFF  }
0x2e: {  	p0 =	sne.s32 s0, $0x0;
	_ =	strace $0x90000047  }
0x2f: {  	s0 =	sadd.s32 @!p0 $0x100000, s1;
	[bflag:$0x2] =	sbarrier.arrive $0xFFFF  }
0x30: {  	[sflag:s0] =	ssyncadd.tile.s32 @!p0 $0x1;
	_ =	shalt  }
.Lfunc_end2:
_tile_overlayer_lowered:
.L_overlay_start_2:
0x31: {  	(tag) =	ssettag $0x2  }
0x32: {  	s0 =	rddreg [dreg:$0x0];
	s2 =	stileid.u32  }
0x33: {  	s1 =	rddreg [dreg:$0x1];
	p0 =	sne.s32 s2, $0x0  }
0x34: {  	s3 =	rddreg [dreg:$0x2];
	[bflag:$0x3] =	sbarrier.arrive $0xFFFF;
	s2 =	simm.s32 @!p0 $0x1C01  }
0x35: {  	[timem:s3], [sflag:s2] =	dma.local @!p0 [hbm:s0], s1  }
0x36: {  	s0 =	simm.s32 @!p0 $0x1  }
0x37: {  	_ =	swait.ge @!p0 [sflag:s0], s1  }
0x38: {  	s1 =	ssub.s32 @!p0 $0x0, s1;
	[sflag:s0] =	ssyncset.done @!p0 $0x0  }
0x39: {  	[sflag:s0] =	ssyncadd.s32 @!p0 s1  }
0x3a: {  	[bflag:$0x3] =	sbarrier.arrive $0xFFFF  }
0x3b: {  	_ =	shalt  }

// kernel: kernel.17.cloned.1.call-start
scs
__scs_entry_jumppad:
0x0: {  	(pc) =	sbr.rel $0x88, $3  }
0x1: {  	(tag) =	ssettag $0x0;
	lr =	simm.s32 $0x1  }
0x2: {  	[smem:$0x3F92] =	sst lr;
	_ =	strace $0xD0000000  }
0x3: {  	_ = 	snop  }
0x4: {  	_ = 	snop  }
0x5: {  	_ = 	snop  }
0x6: {  	_ = 	snop  }
0x7: {  	_ = 	snop  }
__scs_overlays_trampoline_lowered:
0x8: {  	[smem:$0x3FA1] =	sst s0  }
0x9: {  	[smem:$0x3FA2] =	sst s1  }
0xa: {  	[smem:$0x3FA3] =	sst s2  }
0xb: {  	[smem:$0x3FA4] =	sst s3  }
0xc: {  	[smem:$0x3FA5] =	sst s4  }
0xd: {  	[smem:$0x3FA6] =	sst s5  }
0xe: {  	[smem:$0x3FA7] =	sst s6  }
0xf: {  	[smem:$0x3FA8] =	sst s7  }
0x10: {  	[smem:$0x3FA9] =	sst s8  }
0x11: {  	[smem:$0x3FAA] =	sst s9;
	s0 =	simm.s32 @!p0 $0x0  }
0x12: {  	s1 =	sld [smem:$0x3F90];
	s0 =	simm.s32 @p0 $0x1  }
0x13: {  	[smem:$0x3FAB] =	sst s0;
	s0 =	simm.s32 @!p1 $0x0  }
0x14: {  	s2 =	sld [smem:$0x3F8F];
	s0 =	simm.s32 @p1 $0x1  }
0x15: {  	[smem:$0x3FAC] =	sst s0;
	s0 =	simm.s32 @!p2 $0x0  }
0x16: {  	s3 =	sld [smem:$0x3FDB];
	s0 =	simm.s32 @p2 $0x1  }
0x17: {  	s4 =	simm.s32 $0x1BF5;
	[smem:$0x3FAE] =	sst s0  }
0x18: {  	s0 =	sld [smem:$0x3F91];
	_ =	swait.ge [sflag:s4], $0x0  }
0x19: {  	s7 =	sld [smem:$0x3F92]  }
0x1a: {  	s8 =	sadd.s32 $0xFFFFE003, lr  }
0x1b: {  	s9 =	sadd.s32 $0xFFFFFEF7, lr;
	s5 =	simm.s32 $0xFFFFFFFF;
	p2 =	slt.u32 s8, $0xFFFFF086  }
0x1c: {  	p1 =	slt.u32 s9, $0xF7A;
	s5 =	simm.s32 @!p2 $0x0  }
0x1d: {  	s5 =	simm.s32 @p1 $0x1;
	p0 =	seq.s32 s7, s2  }
0x1e: {  	s7 =	smul.u32 @!p0 $0xF7A, s2;
	p2 =	seq.s32 @!p0 s5, $0x0  }
0x1f: {  	s9 =	smul.u32 $0xF7A, s1;
	s8 =	simm.s32 @!p0 $0x1BF5;
	p2 =	por !p2, p0  }
0x20: {  	[sflag:s8] =	ssyncset.s32 @!p0 $0xFFFFF086;
	s6 =	sadd.s32 @!p0 s3, s7;
	s7 =	simm.s32 @!p0 $0x108  }
0x21: {  	s3 =	sadd.s32 s3, s9;
	s6 =	sadd.s32 @!p0 $0x88, s6;
	s7 =	simm.s32 @p2 $0x1082  }
0x22: {  	[simem:s7], [sflag:s8] =	dma.local @!p0 [hbm:s6], $0xF7A  }
0x23: {  	s9 =	sor.u32 $0xD0000000, s2;
	s6 =	simm.s32 $0x108;
	_ =	swait.ge @!p0 [sflag:s8], $0x0  }
0x24: {  	s3 =	sadd.s32 $0x88, s3;
	s6 =	simm.s32 @!p1 $0x1082;
	[sflag:s4] =	ssyncset.s32 $0xFFFFF086  }
0x25: {  	[simem:s6], [sflag:s4] =	dma.local [hbm:s3], $0xF7A  }
0x26: {  	[smem:$0x3F92] =	sst s1;
	(tag) =	ssettag s2;
	_ =	strace s9  }
0x27: {  	s1 =	sld [smem:$0x3FA2]  }
0x28: {  	s2 =	sld [smem:$0x3FA3]  }
0x29: {  	s4 =	sld [smem:$0x3FA5]  }
0x2a: {  	p0 =	seq.s32 s5, $0x0;
	s5 =	sld [smem:$0x3FA6]  }
0x2b: {  	s6 =	sld [smem:$0x3FA7]  }
0x2c: {  	s7 =	sld [smem:$0x3FA8]  }
0x2d: {  	s3 =	simm.s32 $0x108;
	s8 =	sld [smem:$0x3FA9]  }
0x2e: {  	s3 =	simm.s32 @!p0 $0x1082;
	s9 =	sld [smem:$0x3FAA]  }
0x2f: {  	lr =	sadd.s32 s0, s3;
	s0 =	sld [smem:$0x3FA1]  }
0x30: {  	s3 =	sld [smem:$0x3FA4]  }
0x31: {  	[smem:$0x3FAD] =	sst s10  }
0x32: {  	s10 =	sld [smem:$0x3FAB];
	_ =	sdelay $0x3  }
0x33: {  	p0 =	seq.s32 s10, $0x1;
	s10 =	sld [smem:$0x3FAD];
	_ =	sdelay $0x3  }
0x34: {  	[smem:$0x3FAD] =	sst s10  }
0x35: {  	s10 =	sld [smem:$0x3FAC];
	_ =	sdelay $0x3  }
0x36: {  	p1 =	seq.s32 s10, $0x1;
	s10 =	sld [smem:$0x3FAD];
	_ =	sdelay $0x3  }
0x37: {  	[smem:$0x3FAD] =	sst s10  }
0x38: {  	s10 =	sld [smem:$0x3FAE]  }
0x39: {  	_ = 	snop;
	(pc) =	sbr.ind lr, $3  }
0x3a: {  	_ = 	snop  }
0x3b: {  	_ = 	snop  }
0x3c: {  	p2 =	seq.s32 s10, $0x1;
	s10 =	sld [smem:$0x3FAD]  }
0x3d: {  	_ =	shalt  }
0x3e: {  	_ =	shalt  }
0x3f: {  	_ =	shalt  }
0x40: {  	_ =	shalt  }
0x41: {  	_ =	shalt  }
0x42: {  	_ =	shalt  }
0x43: {  	_ =	shalt  }
0x44: {  	_ =	shalt  }
0x45: {  	_ =	shalt  }
0x46: {  	_ =	shalt  }
0x47: {  	_ =	shalt  }
0x48: {  	_ =	shalt  }
0x49: {  	_ =	shalt  }
0x4a: {  	_ =	shalt  }
0x4b: {  	_ =	shalt  }
0x4c: {  	_ =	shalt  }
0x4d: {  	_ =	shalt  }
0x4e: {  	_ =	shalt  }
0x4f: {  	_ =	shalt  }
0x50: {  	_ =	shalt  }
0x51: {  	_ =	shalt  }
0x52: {  	_ =	shalt  }
0x53: {  	_ =	shalt  }
0x54: {  	_ =	shalt  }
0x55: {  	_ =	shalt  }
0x56: {  	_ =	shalt  }
0x57: {  	_ =	shalt  }
0x58: {  	_ =	shalt  }
0x59: {  	_ =	shalt  }
0x5a: {  	_ =	shalt  }
0x5b: {  	_ =	shalt  }
0x5c: {  	_ =	shalt  }
0x5d: {  	_ =	shalt  }
0x5e: {  	_ =	shalt  }
0x5f: {  	_ =	shalt  }
0x60: {  	_ =	shalt  }
0x61: {  	_ =	shalt  }
0x62: {  	_ =	shalt  }
0x63: {  	_ =	shalt  }
0x64: {  	_ =	shalt  }
0x65: {  	_ =	shalt  }
0x66: {  	_ =	shalt  }
0x67: {  	_ =	shalt  }
0x68: {  	_ =	shalt  }
0x69: {  	_ =	shalt  }
0x6a: {  	_ =	shalt  }
0x6b: {  	_ =	shalt  }
0x6c: {  	_ =	shalt  }
0x6d: {  	_ =	shalt  }
0x6e: {  	_ =	shalt  }
0x6f: {  	_ =	shalt  }
0x70: {  	_ =	shalt  }
0x71: {  	_ =	shalt  }
0x72: {  	_ =	shalt  }
0x73: {  	_ =	shalt  }
0x74: {  	_ =	shalt  }
0x75: {  	_ =	shalt  }
0x76: {  	_ =	shalt  }
0x77: {  	_ =	shalt  }
0x78: {  	_ =	shalt  }
0x79: {  	_ =	shalt  }
0x7a: {  	_ =	shalt  }
0x7b: {  	_ =	shalt  }
0x7c: {  	_ =	shalt  }
0x7d: {  	_ =	shalt  }
0x7e: {  	_ =	shalt  }
0x7f: {  	_ =	shalt  }
0x80: {  	_ =	shalt  }
0x81: {  	_ =	shalt  }
0x82: {  	_ =	shalt  }
0x83: {  	_ =	shalt  }
0x84: {  	_ =	shalt  }
0x85: {  	_ =	shalt  }
0x86: {  	_ =	shalt  }
0x87: {  	_ =	shalt  }
.Lfunc_end0:
.L_simem_size_0:
called_computation.1_lowered:
.L_overlay_start_0:
0x88: {  	s2 =	sld [smem:$0x3FD9]  }
0x89: {  	s3 =	sld [smem:$0x3FFE];
	_ =	sdelay $0x1  }
0x8a: {  	s1 =	srdreg.scid  }
0x8b: {  	s0 =	sand.u32 $0x1, s1  }
0x8c: {  	s16 =	sshll.u32 s0, $0xA;
	s2 =	sadd.s32 s3, s2  }
0x8d: {  	s2 =	sadd.s32 s2, s16  }
0x8e: {  	[smem:$0x3FB9] =	sst s2  }
0x8f: {  	_ = 	snop  }
0x90: {  	(tm) =	ssettm $0x1  }
0x91: {  	s17 =	sld [smem:$0x3FFB];
	_ =	sdelay $0x3  }
0x92: {  	_ =	strace s17  }
0x93: {  	s2 =	sld [smem:$0x3FFC];
	_ =	sdelay $0x3  }
0x94: {  	_ =	strace s2  }
0x95: {  	s2 =	sld [smem:$0x3FFD];
	_ =	sdelay $0x3  }
0x96: {  	_ =	strace s2  }
0x97: {  	_ =	strace $0x8FFFFFFF  }
0x98: {  	s18 =	sld [smem:$0x3FDB];
	_ =	sdelay $0x1  }
0x99: {  	s19 =	simm.s32 $_scs_section_size  }
0x9a: {  	s4 =	simm.s32 $_size__tile_overlayer_lowered;
	s5 =	simm.s32 $_tile_overlayer_lowered  }
0x9b: {  	s22 =	simm.s32 $0x1BFF;
	s21 =	sshll.u32 s5, $0x1;
	s2 =	sadd.s32 s19, s18  }
0x9c: {  	s6 =	simm.s32 $0x0;
	s20 =	sshll.u32 s4, $0x1;
	s4 =	sadd.s32 s21, s2  }
0x9d: {  	[timem:s6], [sflag:s22] =	dma.local [hbm:s4], s20  }
0x9e: {  	_ =	swait.ge [sflag:s22], s20  }
0x9f: {  	s3 =	ssub.s32 $0x0, s20;
	[sflag:s22] =	ssyncset.done $0x0  }
0xa0: {  	[sflag:s22] =	ssyncadd.s32 s3;
	_ =	sdelay $0x1  }
0xa1: {  	s23 =	simm.s32 $0x1B8B  }
0xa2: {  	_ =	swait.ge [sflag:s23], $0x1  }
0xa3: {  	[sflag:s23] =	ssyncset.done $0x0  }
0xa4: {  	s25 =	simm.s32 $0x1B8E;
	s24 =	sld [smem:$0x3FFE];
	[sflag:s23] =	ssyncadd.s32 $0xFFFFFFFF  }
0xa5: {  	s26 =	simm.s32 $execute0_lowered;
	[smem:$0x3FD2] =	sst s25  }
0xa6: {  	s4 =	sshll.u32 s26, $0x1;
	_ =	strace $0x80000049;
	[dreg:$0x1] =	wrdreg $0xFFFFFFFF  }
0xa7: {  	s28 =	simm.s32 $_size_execute0_lowered;
	s2 =	sadd.s32 s2, s4;
	[dreg:$0x0] =	wrdreg $0x0  }
0xa8: {  	s4 =	sshll.u32 s28, $0x1;
	[dreg:$0x2] =	wrdreg s2  }
0xa9: {  	[dreg:$0x3] =	wrdreg s4  }
0xaa: {  	[dreg:$0x4] =	wrdreg $0xC0  }
0xab: {  	_ =	task [dreg:s6], $0x5FFFF  }
0xac: {  	[dreg:$0x1] =	wrdreg $0xFFFFFFFF  }
0xad: {  	[dreg:$0x0] =	wrdreg $0x60  }
0xae: {  	[dreg:$0x2] =	wrdreg s24  }
0xaf: {  	[dreg:$0x3] =	wrdreg $0xA8000  }
0xb0: {  	[dreg:$0x4] =	wrdreg $0x9  }
0xb1: {  	_ =	task.clear_ibuf [dreg:s6], $0x5FFFF;
	_ =	strace $0x90000049  }
0xb2: {  	s29 =	simm.s32 $0x9;
	_ =	strace $0x8000004B  }
0xb3: {  	_ =	swait.ge [sflag:s29], $0x1  }
0xb4: {  	[sflag:s29] =	ssyncadd.s32 $0xFFFFFFFF  }
0xb5: {  	_ =	strace $0x9000004B  }
0xb6: {  	_ =	sfence  }
0xb7: {  	s30 =	sld [smem:$0x0];
	_ =	sdelay $0x2  }
0xb8: {  	s31 =	sshll.u32 s1, $0xD;
	s1 =	sshrl.u32 s1, $0x2  }
0xb9: {  	s3 =	sand.u32 $0x4000, s31;
	s1 =	sadd.s32 s1, s30  }
0xba: {  	s0 =	sor.u32 s3, s0;
	s1 =	sshll.u32 s1, $0x11  }
0xbb: {  	s0 =	sor.u32 s1, s0  }
0xbc: {  	s0 =	sadd.s32 $0x8F2B, s0  }
0xbd: {  	[sflag:s0] =	ssyncadd.remote.s32 $0x1  }
0xbe: {  	_ =	sfence.sel $0xFFFF  }
0xbf: {  	[dreg:$0x0] =	wrdreg $0xFFFFFFFF;
	(pc) =	sbr.abs _section_cstart, $3  }
0xc0: {  	[dreg:$0x1] =	wrdreg $0xFFFFFFFF  }
0xc1: {  	_ =	task.clear_ibuf [dreg:s6], $0x2FFFF;
	_ =	strace $0x9FFFFFFF  }
0xc2: {  	(tm) =	ssettm $0x7FFFFFFF  }
0xc3: {  	_ =	shalt  }
tec
execute0_lowered:
.L_overlay_start_1:
0x0: {  	(tag) =	ssettag $0x1  }
0x1: {  	s6 =	rddreg [dreg:$0x0]  }
0x2: {  	s1 =	rddreg [dreg:$0x1];
	s2 =	srdreg.scid  }
0x3: {  	s0 =	rddreg [dreg:$0x2];
	s3 =	simm.s32 $0x0;
	s16 =	simm.s32 $0x80  }
0x4: {  	s17 =	simm.s32 $0x2800;
	s18 =	simm.s32 $0x6800;
	s19 =	simm.s32 $0x1  }
0x5: {  	s20 =	simm.s32 $0x2;
	s21 =	simm.s32 $0x2700;
	s22 =	simm.s32 $0x2780  }
0x6: {  	s23 =	simm.s32 $0x0;
	s7 =	sand.u32 $0x1, s2;
	s2 =	stileid.u32  }
0x7: {  	[smem:$0x7FF] =	sst s3;
	s4 =	sadd.s32 $0x11E00, s6;
	s5 =	smul.u32 $0x140000, s7  }
0x8: {  	s9 =	sadd.s32 $0x62600, s6;
	s10 =	sadd.s32 $0x5600, s6;
	s8 =	smul.u32 $0x14000, s2  }
0x9: {  	_ =	strace $0x8000004A;
	s11 =	sshll.u32 s7, $0x4;
	s7 =	ssub.s32 $0x2, s7  }
0xa: {  	s12 =	smul.u32 $0x50000, s2;
	s31 =	sshll.u32 s2, $0x6;
	s11 =	sor.u32 s2, s11  }
0xb: {  	s28 =	sshrl.u32 s7, $0x1;
	s8 =	sadd.s32 s8, s5;
	s5 =	sadd.s32 $0xF600, s6  }
0xc: {  	s29 =	smul.u32 $0x2800, s11;
	s14 =	ssub.s32 s7, s28;
	s30 =	sshrl.u32 s12, $0x2  }
0xd: {  	s8 =	sshrl.u32 s8, $0x3;
	s15 =	sadd.s32 s30, s1;
	s12 =	smax.u32 s14, $0x1  }
0xe: {  	s14 =	simm.s32 $0x3;
	s13 =	sadd.s32 s8, s6;
	s11 =	sshrl.u32 s29, $0x3  }
0xf: {  	s7 =	sadd.s32 s9, s11;
	s8 =	sadd.s32 s10, s11;
	s11 =	sadd.s32 $0x280, s11  }
0x10: {  	s6 =	sor.u32 $0x1C03, s31;
	s9 =	sadd.s32 s9, s11;
	s10 =	sadd.s32 s10, s11  }
0x11: {  	s11 =	sadd.s32 $0x6C600, s13;
	s13 =	sshrl.u32 s15, $0x3;
	s15 =	simm.s32 $0x1400  }
.LBB2_1:
0x12: {  	[spmem:s13], [sflag:s6] =	dma.local [hbm:s5], $0x2800  }
0x13: {  	_ =	swait.ge [sflag:s14], $0x2800  }
0x14: {  	[sflag:s14] =	ssyncset.done $0x0  }
0x15: {  	[sflag:s14] =	ssyncadd.s32 $0xFFFFD800  }
0x16: {  	[bflag:$0x0] =	sbarrier.arrive $0xFFFF  }
0x17: {  	[tilespmem:s3], [sflag:$0x3] =	stream.linear.gather [hbm4b:s7+s3], $0x1400, $0x38;
	[tilespmem:$0x1E800] =	vst v63  }
0x18: {  	_ =	swait.ge [sflag:s14], $0x1400  }
0x19: {  	[sflag:s14] =	ssyncset.done $0x0  }
0x1a: {  	[sflag:s14] =	ssyncadd.s32 $0xFFFFEC00  }
0x1b: {  	[tilespmem:s15], [sflag:$0x3] =	stream.linear.gather [hbm4b:s8+s3], $0x1400, $0x38;
	[tilespmem:$0x1E800] =	vst v63  }
0x1c: {  	_ =	swait.ge [sflag:s14], $0x1400  }
0x1d: {  	[sflag:s14] =	ssyncset.done $0x0  }
0x1e: {  	[sflag:s14] =	ssyncadd.s32 $0xFFFFEC00  }
0x1f: {  	[tilespmem:s17], [sflag:$0x1] =	stream.indirect.gather [hbm4b:s4+s16], $0x80, s3, s16, $0xb8;
	[tilespmem:$0x1E800] =	vst v63  }
0x20: {  	_ = 	snop  }
0x21: {  	[tilespmem:s18], [sflag:$0x2] =	stream.indirect.gather [hbm4b:s4+s16], $0x80, s16, s16, $0xb8;
	[tilespmem:$0x1E800] =	vst v63  }
0x22: {  	_ =	swait.ge [sflag:s19], $0x4000  }
0x23: {  	[sflag:s19] =	ssyncset.done $0x0  }
0x24: {  	s24 =	simm.s32 $0x1400;
	[sflag:s19] =	ssyncadd.s32 $0xFFFFC000  }
0x25: {  	[spmem:s1] =	stream.indirect.scatter.add.f32 [tilespmem:s17], [sflag:$0x3], $0x80, s24, s16, $0xb8;
	[tilespmem:$0x1E800] =	vst v63  }
0x26: {  	_ =	swait.ge [sflag:s14], $0x4000  }
0x27: {  	[sflag:s14] =	ssyncset.done $0x0  }
0x28: {  	s30 =	simm.s32 $0x100;
	[sflag:s14] =	ssyncadd.s32 $0xFFFFC000  }
0x29: {  	[tilespmem:s17], [sflag:$0x1] =	stream.indirect.gather [hbm4b:s4+s16], $0x80, s30, s16, $0xb8;
	[tilespmem:$0x1E800] =	vst v63  }
0x2a: {  	_ =	swait.ge [sflag:s20], $0x4000  }
0x2b: {  	[sflag:s20] =	ssyncset.done $0x0  }
0x2c: {  	s31 =	simm.s32 $0x1480;
	[sflag:s20] =	ssyncadd.s32 $0xFFFFC000  }
0x2d: {  	[spmem:s1] =	stream.indirect.scatter.add.f32 [tilespmem:s18], [sflag:$0x3], $0x80, s31, s16, $0xb8;
	[tilespmem:$0x1E800] =	vst v63  }
0x2e: {  	_ =	swait.ge [sflag:s14], $0x4000  }
0x2f: {  	[sflag:s14] =	ssyncset.done $0x0  }
0x30: {  	s25 =	simm.s32 $0x180;
	s24 =	simm.s32 $0x400;
	[sflag:s14] =	ssyncadd.s32 $0xFFFFC000  }
.LBB2_2:
0x31: {  	[tilespmem:s18], [sflag:$0x2] =	stream.indirect.gather [hbm4b:s4+s16], $0x80, s25, s16, $0xb8;
	[tilespmem:$0x1E800] =	vst v63  }
0x32: {  	s25 =	smov.u32 s24  }
0x33: {  	p0 =	sne.s32 s24, $0x4800;
	s24 =	sadd.s32 $0x400, s24;
	_ =	swait.ge [sflag:s19], $0x4000  }
0x34: {  	s25 =	sshra.s32 s25, $0x2;
	[sflag:s19] =	ssyncset.done $0x0  }
0x35: {  	s26 =	sadd.s32 $0x1400, s25;
	[sflag:s19] =	ssyncadd.s32 $0xFFFFC000  }
0x36: {  	[spmem:s1] =	stream.indirect.scatter.add.f32 [tilespmem:s17], [sflag:$0x3], $0x80, s26, s16, $0xb8;
	[tilespmem:$0x1E800] =	vst v63  }
0x37: {  	_ =	swait.ge [sflag:s14], $0x4000  }
0x38: {  	[sflag:s14] =	ssyncset.done $0x0  }
0x39: {  	s26 =	sadd.s32 $0x100, s25;
	[sflag:s14] =	ssyncadd.s32 $0xFFFFC000  }
0x3a: {  	[tilespmem:s17], [sflag:$0x1] =	stream.indirect.gather [hbm4b:s4+s16], $0x80, s26, s16, $0xb8;
	[tilespmem:$0x1E800] =	vst v63  }
0x3b: {  	_ =	swait.ge [sflag:s20], $0x4000  }
0x3c: {  	[sflag:s20] =	ssyncset.done $0x0  }
.Ltmp0:
0x3d: {  	s26 =	sadd.s32 $0x1480, s25;
	[sflag:s20] =	ssyncadd.s32 $0xFFFFC000;
	(pc) =	sbr.rel @p0 .LBB2_2-.Ltmp0, $4  }
0x3e: {  	[spmem:s1] =	stream.indirect.scatter.add.f32 [tilespmem:s18], [sflag:$0x3], $0x80, s26, s16, $0xb8;
	[tilespmem:$0x1E800] =	vst v63  }
0x3f: {  	_ =	swait.ge [sflag:s14], $0x4000  }
0x40: {  	[sflag:s14] =	ssyncset.done $0x0  }
0x41: {  	s25 =	sadd.s32 $0x180, s25;
	[sflag:s14] =	ssyncadd.s32 $0xFFFFC000  }
0x42: {  	[tilespmem:s18], [sflag:$0x2] =	stream.indirect.gather [hbm4b:s4+s16], $0x80, s25, s16, $0xb8;
	[tilespmem:$0x1E800] =	vst v63  }
0x43: {  	_ =	swait.ge [sflag:s19], $0x4000  }
0x44: {  	[sflag:s19] =	ssyncset.done $0x0  }
0x45: {  	[sflag:s19] =	ssyncadd.s32 $0xFFFFC000  }
0x46: {  	[spmem:s1] =	stream.indirect.scatter.add.f32 [tilespmem:s17], [sflag:$0x3], $0x80, s21, s16, $0xb8;
	[tilespmem:$0x1E800] =	vst v63  }
0x47: {  	_ =	swait.ge [sflag:s14], $0x4000  }
0x48: {  	[sflag:s14] =	ssyncset.done $0x0  }
0x49: {  	[sflag:s14] =	ssyncadd.s32 $0xFFFFC000  }
0x4a: {  	_ =	swait.ge [sflag:s20], $0x4000  }
0x4b: {  	[sflag:s20] =	ssyncset.done $0x0  }
0x4c: {  	[sflag:s20] =	ssyncadd.s32 $0xFFFFC000  }
0x4d: {  	[spmem:s1] =	stream.indirect.scatter.add.f32 [tilespmem:s18], [sflag:$0x3], $0x80, s22, s16, $0xb8;
	[tilespmem:$0x1E800] =	vst v63  }
0x4e: {  	_ =	swait.ge [sflag:s14], $0x4000  }
0x4f: {  	[sflag:s14] =	ssyncset.done $0x0  }
0x50: {  	s24 =	simm.s32 $0x0;
	[sflag:s14] =	ssyncadd.s32 $0xFFFFC000  }
0x51: {  	[tilespmem:s24], [sflag:$0x3] =	stream.linear.gather [hbm4b:s9+s24], $0x1400, $0x38;
	[tilespmem:$0x1E800] =	vst v63  }
0x52: {  	_ =	swait.ge [sflag:s14], $0x1400  }
0x53: {  	[sflag:s14] =	ssyncset.done $0x0  }
0x54: {  	[sflag:s14] =	ssyncadd.s32 $0xFFFFEC00  }
0x55: {  	[tilespmem:s15], [sflag:$0x3] =	stream.linear.gather [hbm4b:s10+s24], $0x1400, $0x38;
	[tilespmem:$0x1E800] =	vst v63  }
0x56: {  	_ =	swait.ge [sflag:s14], $0x1400  }
0x57: {  	[sflag:s14] =	ssyncset.done $0x0  }
0x58: {  	[sflag:s14] =	ssyncadd.s32 $0xFFFFEC00  }
0x59: {  	[tilespmem:s17], [sflag:$0x1] =	stream.indirect.gather [hbm4b:s4+s16], $0x80, s24, s16, $0xb8;
	[tilespmem:$0x1E800] =	vst v63  }
0x5a: {  	_ = 	snop  }
0x5b: {  	[tilespmem:s18], [sflag:$0x2] =	stream.indirect.gather [hbm4b:s4+s16], $0x80, s16, s16, $0xb8;
	[tilespmem:$0x1E800] =	vst v63  }
0x5c: {  	_ =	swait.ge [sflag:s19], $0x4000  }
0x5d: {  	[sflag:s19] =	ssyncset.done $0x0  }
0x5e: {  	s29 =	simm.s32 $0x1400;
	[sflag:s19] =	ssyncadd.s32 $0xFFFFC000  }
0x5f: {  	[spmem:s1] =	stream.indirect.scatter.add.f32 [tilespmem:s17], [sflag:$0x3], $0x80, s29, s16, $0xb8;
	[tilespmem:$0x1E800] =	vst v63  }
0x60: {  	_ =	swait.ge [sflag:s14], $0x4000  }
0x61: {  	[sflag:s14] =	ssyncset.done $0x0  }
0x62: {  	s30 =	simm.s32 $0x100;
	[sflag:s14] =	ssyncadd.s32 $0xFFFFC000  }
0x63: {  	[tilespmem:s17], [sflag:$0x1] =	stream.indirect.gather [hbm4b:s4+s16], $0x80, s30, s16, $0xb8;
	[tilespmem:$0x1E800] =	vst v63  }
0x64: {  	_ =	swait.ge [sflag:s20], $0x4000  }
0x65: {  	[sflag:s20] =	ssyncset.done $0x0  }
0x66: {  	s31 =	simm.s32 $0x1480;
	[sflag:s20] =	ssyncadd.s32 $0xFFFFC000  }
0x67: {  	[spmem:s1] =	stream.indirect.scatter.add.f32 [tilespmem:s18], [sflag:$0x3], $0x80, s31, s16, $0xb8;
	[tilespmem:$0x1E800] =	vst v63  }
0x68: {  	_ =	swait.ge [sflag:s14], $0x4000  }
0x69: {  	[sflag:s14] =	ssyncset.done $0x0  }
0x6a: {  	s25 =	simm.s32 $0x180;
	s24 =	simm.s32 $0x400;
	[sflag:s14] =	ssyncadd.s32 $0xFFFFC000  }
.LBB2_4:
0x6b: {  	[tilespmem:s18], [sflag:$0x2] =	stream.indirect.gather [hbm4b:s4+s16], $0x80, s25, s16, $0xb8;
	[tilespmem:$0x1E800] =	vst v63  }
0x6c: {  	s25 =	smov.u32 s24  }
0x6d: {  	p0 =	sne.s32 s24, $0x4800;
	s24 =	sadd.s32 $0x400, s24;
	_ =	swait.ge [sflag:s19], $0x4000  }
0x6e: {  	s25 =	sshra.s32 s25, $0x2;
	[sflag:s19] =	ssyncset.done $0x0  }
0x6f: {  	s26 =	sadd.s32 $0x1400, s25;
	[sflag:s19] =	ssyncadd.s32 $0xFFFFC000  }
0x70: {  	[spmem:s1] =	stream.indirect.scatter.add.f32 [tilespmem:s17], [sflag:$0x3], $0x80, s26, s16, $0xb8;
	[tilespmem:$0x1E800] =	vst v63  }
0x71: {  	_ =	swait.ge [sflag:s14], $0x4000  }
0x72: {  	[sflag:s14] =	ssyncset.done $0x0  }
0x73: {  	s26 =	sadd.s32 $0x100, s25;
	[sflag:s14] =	ssyncadd.s32 $0xFFFFC000  }
0x74: {  	[tilespmem:s17], [sflag:$0x1] =	stream.indirect.gather [hbm4b:s4+s16], $0x80, s26, s16, $0xb8;
	[tilespmem:$0x1E800] =	vst v63  }
0x75: {  	_ =	swait.ge [sflag:s20], $0x4000  }
0x76: {  	[sflag:s20] =	ssyncset.done $0x0  }
.Ltmp1:
0x77: {  	s26 =	sadd.s32 $0x1480, s25;
	[sflag:s20] =	ssyncadd.s32 $0xFFFFC000;
	(pc) =	sbr.rel @p0 .LBB2_4-.Ltmp1, $4  }
0x78: {  	[spmem:s1] =	stream.indirect.scatter.add.f32 [tilespmem:s18], [sflag:$0x3], $0x80, s26, s16, $0xb8;
	[tilespmem:$0x1E800] =	vst v63  }
0x79: {  	_ =	swait.ge [sflag:s14], $0x4000  }
0x7a: {  	[sflag:s14] =	ssyncset.done $0x0  }
0x7b: {  	s25 =	sadd.s32 $0x180, s25;
	[sflag:s14] =	ssyncadd.s32 $0xFFFFC000  }
0x7c: {  	[tilespmem:s18], [sflag:$0x2] =	stream.indirect.gather [hbm4b:s4+s16], $0x80, s25, s16, $0xb8;
	[tilespmem:$0x1E800] =	vst v63  }
0x7d: {  	_ =	swait.ge [sflag:s19], $0x4000  }
0x7e: {  	[sflag:s19] =	ssyncset.done $0x0  }
0x7f: {  	[sflag:s19] =	ssyncadd.s32 $0xFFFFC000  }
0x80: {  	[spmem:s1] =	stream.indirect.scatter.add.f32 [tilespmem:s17], [sflag:$0x3], $0x80, s21, s16, $0xb8;
	[tilespmem:$0x1E800] =	vst v63  }
0x81: {  	_ =	swait.ge [sflag:s14], $0x4000  }
0x82: {  	[sflag:s14] =	ssyncset.done $0x0  }
0x83: {  	[sflag:s14] =	ssyncadd.s32 $0xFFFFC000  }
0x84: {  	_ =	swait.ge [sflag:s20], $0x4000  }
0x85: {  	[sflag:s20] =	ssyncset.done $0x0  }
0x86: {  	[sflag:s20] =	ssyncadd.s32 $0xFFFFC000  }
0x87: {  	[spmem:s1] =	stream.indirect.scatter.add.f32 [tilespmem:s18], [sflag:$0x3], $0x80, s22, s16, $0xb8;
	[tilespmem:$0x1E800] =	vst v63  }
0x88: {  	_ =	swait.ge [sflag:s14], $0x4000  }
0x89: {  	s23 =	sadd.s32 $0x1, s23;
	[sflag:s14] =	ssyncset.done $0x0  }
0x8a: {  	p0 =	sne.s32 s23, s12;
	[sflag:s14] =	ssyncadd.s32 $0xFFFFC000  }
.Ltmp2:
0x8b: {  	[bflag:$0x0] =	sbarrier.arrive $0xFFFF;
	(pc) =	sbr.rel @p0 .LBB2_1-.Ltmp2, $4  }
0x8c: {  	[hbm:s11], [sflag:s6] =	dma.local [spmem:s13], $0x2800  }
0x8d: {  	_ =	swait.ge [sflag:s14], $0x2800  }
0x8e: {  	[sflag:s14] =	ssyncset.done $0x0  }
0x8f: {  	[sflag:s14] =	ssyncadd.s32 $0xFFFFD800  }
0x90: {  	_ =	sfence.sel $0x180000  }
0x91: {  	[bflag:$0x0] =	sbarrier.arrive $0xFFFF  }
0x92: {  	p0 =	sne.s32 s2, $0x0;
	_ =	strace $0x9000004A  }
0x93: {  	s0 =	sadd.s32 @!p0 $0x100000, s0;
	[bflag:$0x2] =	sbarrier.arrive $0xFFFF  }
0x94: {  	[sflag:s0] =	ssyncadd.tile.s32 @!p0 $0x1;
	_ =	shalt  }
.Lfunc_end2:
_tile_overlayer_lowered:
.L_overlay_start_2:
0x95: {  	(tag) =	ssettag $0x2  }
0x96: {  	s0 =	rddreg [dreg:$0x0];
	s2 =	stileid.u32  }
0x97: {  	s1 =	rddreg [dreg:$0x1];
	p0 =	sne.s32 s2, $0x0  }
0x98: {  	s3 =	rddreg [dreg:$0x2];
	[bflag:$0x3] =	sbarrier.arrive $0xFFFF;
	s2 =	simm.s32 @!p0 $0x1C03  }
0x99: {  	[timem:s3], [sflag:s2] =	dma.local @!p0 [hbm:s0], s1  }
0x9a: {  	s0 =	simm.s32 @!p0 $0x3  }
0x9b: {  	_ =	swait.ge @!p0 [sflag:s0], s1  }
0x9c: {  	s1 =	ssub.s32 @!p0 $0x0, s1;
	[sflag:s0] =	ssyncset.done @!p0 $0x0  }
0x9d: {  	[sflag:s0] =	ssyncadd.s32 @!p0 s1  }
0x9e: {  	[bflag:$0x3] =	sbarrier.arrive $0xFFFF  }
0x9f: {  	_ =	shalt  }

// kernel: kernel.20.cloned.1.call-start
scs
__scs_entry_jumppad:
0x0: {  	(pc) =	sbr.rel $0x88, $3  }
0x1: {  	(tag) =	ssettag $0x0;
	lr =	simm.s32 $0x1  }
0x2: {  	[smem:$0x3F92] =	sst lr;
	_ =	strace $0xD0000000  }
0x3: {  	_ = 	snop  }
0x4: {  	_ = 	snop  }
0x5: {  	_ = 	snop  }
0x6: {  	_ = 	snop  }
0x7: {  	_ = 	snop  }
__scs_overlays_trampoline_lowered:
0x8: {  	[smem:$0x3FA1] =	sst s0  }
0x9: {  	[smem:$0x3FA2] =	sst s1  }
0xa: {  	[smem:$0x3FA3] =	sst s2  }
0xb: {  	[smem:$0x3FA4] =	sst s3  }
0xc: {  	[smem:$0x3FA5] =	sst s4  }
0xd: {  	[smem:$0x3FA6] =	sst s5  }
0xe: {  	[smem:$0x3FA7] =	sst s6  }
0xf: {  	[smem:$0x3FA8] =	sst s7  }
0x10: {  	[smem:$0x3FA9] =	sst s8  }
0x11: {  	[smem:$0x3FAA] =	sst s9;
	s0 =	simm.s32 @!p0 $0x0  }
0x12: {  	s1 =	sld [smem:$0x3F90];
	s0 =	simm.s32 @p0 $0x1  }
0x13: {  	[smem:$0x3FAB] =	sst s0;
	s0 =	simm.s32 @!p1 $0x0  }
0x14: {  	s2 =	sld [smem:$0x3F8F];
	s0 =	simm.s32 @p1 $0x1  }
0x15: {  	[smem:$0x3FAC] =	sst s0;
	s0 =	simm.s32 @!p2 $0x0  }
0x16: {  	s3 =	sld [smem:$0x3FDB];
	s0 =	simm.s32 @p2 $0x1  }
0x17: {  	s4 =	simm.s32 $0x1BF5;
	[smem:$0x3FAE] =	sst s0  }
0x18: {  	s0 =	sld [smem:$0x3F91];
	_ =	swait.ge [sflag:s4], $0x0  }
0x19: {  	s7 =	sld [smem:$0x3F92]  }
0x1a: {  	s8 =	sadd.s32 $0xFFFFE003, lr  }
0x1b: {  	s9 =	sadd.s32 $0xFFFFFEF7, lr;
	s5 =	simm.s32 $0xFFFFFFFF;
	p2 =	slt.u32 s8, $0xFFFFF086  }
0x1c: {  	p1 =	slt.u32 s9, $0xF7A;
	s5 =	simm.s32 @!p2 $0x0  }
0x1d: {  	s5 =	simm.s32 @p1 $0x1;
	p0 =	seq.s32 s7, s2  }
0x1e: {  	s7 =	smul.u32 @!p0 $0xF7A, s2;
	p2 =	seq.s32 @!p0 s5, $0x0  }
0x1f: {  	s9 =	smul.u32 $0xF7A, s1;
	s8 =	simm.s32 @!p0 $0x1BF5;
	p2 =	por !p2, p0  }
0x20: {  	[sflag:s8] =	ssyncset.s32 @!p0 $0xFFFFF086;
	s6 =	sadd.s32 @!p0 s3, s7;
	s7 =	simm.s32 @!p0 $0x108  }
0x21: {  	s3 =	sadd.s32 s3, s9;
	s6 =	sadd.s32 @!p0 $0x88, s6;
	s7 =	simm.s32 @p2 $0x1082  }
0x22: {  	[simem:s7], [sflag:s8] =	dma.local @!p0 [hbm:s6], $0xF7A  }
0x23: {  	s9 =	sor.u32 $0xD0000000, s2;
	s6 =	simm.s32 $0x108;
	_ =	swait.ge @!p0 [sflag:s8], $0x0  }
0x24: {  	s3 =	sadd.s32 $0x88, s3;
	s6 =	simm.s32 @!p1 $0x1082;
	[sflag:s4] =	ssyncset.s32 $0xFFFFF086  }
0x25: {  	[simem:s6], [sflag:s4] =	dma.local [hbm:s3], $0xF7A  }
0x26: {  	[smem:$0x3F92] =	sst s1;
	(tag) =	ssettag s2;
	_ =	strace s9  }
0x27: {  	s1 =	sld [smem:$0x3FA2]  }
0x28: {  	s2 =	sld [smem:$0x3FA3]  }
0x29: {  	s4 =	sld [smem:$0x3FA5]  }
0x2a: {  	p0 =	seq.s32 s5, $0x0;
	s5 =	sld [smem:$0x3FA6]  }
0x2b: {  	s6 =	sld [smem:$0x3FA7]  }
0x2c: {  	s7 =	sld [smem:$0x3FA8]  }
0x2d: {  	s3 =	simm.s32 $0x108;
	s8 =	sld [smem:$0x3FA9]  }
0x2e: {  	s3 =	simm.s32 @!p0 $0x1082;
	s9 =	sld [smem:$0x3FAA]  }
0x2f: {  	lr =	sadd.s32 s0, s3;
	s0 =	sld [smem:$0x3FA1]  }
0x30: {  	s3 =	sld [smem:$0x3FA4]  }
0x31: {  	[smem:$0x3FAD] =	sst s10  }
0x32: {  	s10 =	sld [smem:$0x3FAB];
	_ =	sdelay $0x3  }
0x33: {  	p0 =	seq.s32 s10, $0x1;
	s10 =	sld [smem:$0x3FAD];
	_ =	sdelay $0x3  }
0x34: {  	[smem:$0x3FAD] =	sst s10  }
0x35: {  	s10 =	sld [smem:$0x3FAC];
	_ =	sdelay $0x3  }
0x36: {  	p1 =	seq.s32 s10, $0x1;
	s10 =	sld [smem:$0x3FAD];
	_ =	sdelay $0x3  }
0x37: {  	[smem:$0x3FAD] =	sst s10  }
0x38: {  	s10 =	sld [smem:$0x3FAE]  }
0x39: {  	_ = 	snop;
	(pc) =	sbr.ind lr, $3  }
0x3a: {  	_ = 	snop  }
0x3b: {  	_ = 	snop  }
0x3c: {  	p2 =	seq.s32 s10, $0x1;
	s10 =	sld [smem:$0x3FAD]  }
0x3d: {  	_ =	shalt  }
0x3e: {  	_ =	shalt  }
0x3f: {  	_ =	shalt  }
0x40: {  	_ =	shalt  }
0x41: {  	_ =	shalt  }
0x42: {  	_ =	shalt  }
0x43: {  	_ =	shalt  }
0x44: {  	_ =	shalt  }
0x45: {  	_ =	shalt  }
0x46: {  	_ =	shalt  }
0x47: {  	_ =	shalt  }
0x48: {  	_ =	shalt  }
0x49: {  	_ =	shalt  }
0x4a: {  	_ =	shalt  }
0x4b: {  	_ =	shalt  }
0x4c: {  	_ =	shalt  }
0x4d: {  	_ =	shalt  }
0x4e: {  	_ =	shalt  }
0x4f: {  	_ =	shalt  }
0x50: {  	_ =	shalt  }
0x51: {  	_ =	shalt  }
0x52: {  	_ =	shalt  }
0x53: {  	_ =	shalt  }
0x54: {  	_ =	shalt  }
0x55: {  	_ =	shalt  }
0x56: {  	_ =	shalt  }
0x57: {  	_ =	shalt  }
0x58: {  	_ =	shalt  }
0x59: {  	_ =	shalt  }
0x5a: {  	_ =	shalt  }
0x5b: {  	_ =	shalt  }
0x5c: {  	_ =	shalt  }
0x5d: {  	_ =	shalt  }
0x5e: {  	_ =	shalt  }
0x5f: {  	_ =	shalt  }
0x60: {  	_ =	shalt  }
0x61: {  	_ =	shalt  }
0x62: {  	_ =	shalt  }
0x63: {  	_ =	shalt  }
0x64: {  	_ =	shalt  }
0x65: {  	_ =	shalt  }
0x66: {  	_ =	shalt  }
0x67: {  	_ =	shalt  }
0x68: {  	_ =	shalt  }
0x69: {  	_ =	shalt  }
0x6a: {  	_ =	shalt  }
0x6b: {  	_ =	shalt  }
0x6c: {  	_ =	shalt  }
0x6d: {  	_ =	shalt  }
0x6e: {  	_ =	shalt  }
0x6f: {  	_ =	shalt  }
0x70: {  	_ =	shalt  }
0x71: {  	_ =	shalt  }
0x72: {  	_ =	shalt  }
0x73: {  	_ =	shalt  }
0x74: {  	_ =	shalt  }
0x75: {  	_ =	shalt  }
0x76: {  	_ =	shalt  }
0x77: {  	_ =	shalt  }
0x78: {  	_ =	shalt  }
0x79: {  	_ =	shalt  }
0x7a: {  	_ =	shalt  }
0x7b: {  	_ =	shalt  }
0x7c: {  	_ =	shalt  }
0x7d: {  	_ =	shalt  }
0x7e: {  	_ =	shalt  }
0x7f: {  	_ =	shalt  }
0x80: {  	_ =	shalt  }
0x81: {  	_ =	shalt  }
0x82: {  	_ =	shalt  }
0x83: {  	_ =	shalt  }
0x84: {  	_ =	shalt  }
0x85: {  	_ =	shalt  }
0x86: {  	_ =	shalt  }
0x87: {  	_ =	shalt  }
.Lfunc_end0:
.L_simem_size_0:
called_computation.2_lowered:
.L_overlay_start_0:
0x88: {  	s2 =	sld [smem:$0x3FD9]  }
0x89: {  	s3 =	sld [smem:$0x3FFE];
	_ =	sdelay $0x1  }
0x8a: {  	s1 =	srdreg.scid  }
0x8b: {  	s0 =	sand.u32 $0x1, s1  }
0x8c: {  	s16 =	sshll.u32 s0, $0xA;
	s2 =	sadd.s32 s3, s2  }
0x8d: {  	s2 =	sadd.s32 s2, s16  }
0x8e: {  	[smem:$0x3FB9] =	sst s2  }
0x8f: {  	_ = 	snop  }
0x90: {  	(tm) =	ssettm $0x1  }
0x91: {  	s17 =	sld [smem:$0x3FFB];
	_ =	sdelay $0x3  }
0x92: {  	_ =	strace s17  }
0x93: {  	s2 =	sld [smem:$0x3FFC];
	_ =	sdelay $0x3  }
0x94: {  	_ =	strace s2  }
0x95: {  	s2 =	sld [smem:$0x3FFD];
	_ =	sdelay $0x3  }
0x96: {  	_ =	strace s2  }
0x97: {  	_ =	strace $0x8FFFFFFF  }
0x98: {  	s18 =	sld [smem:$0x3FDB];
	_ =	sdelay $0x1  }
0x99: {  	s19 =	simm.s32 $_scs_section_size  }
0x9a: {  	s4 =	simm.s32 $_size__tile_overlayer_lowered;
	s5 =	simm.s32 $_tile_overlayer_lowered  }
0x9b: {  	s22 =	simm.s32 $0x1BFF;
	s21 =	sshll.u32 s5, $0x1;
	s2 =	sadd.s32 s19, s18  }
0x9c: {  	s6 =	simm.s32 $0x0;
	s20 =	sshll.u32 s4, $0x1;
	s4 =	sadd.s32 s21, s2  }
0x9d: {  	[timem:s6], [sflag:s22] =	dma.local [hbm:s4], s20  }
0x9e: {  	_ =	swait.ge [sflag:s22], s20  }
0x9f: {  	s3 =	ssub.s32 $0x0, s20;
	[sflag:s22] =	ssyncset.done $0x0  }
0xa0: {  	[sflag:s22] =	ssyncadd.s32 s3;
	_ =	sdelay $0x1  }
0xa1: {  	s23 =	simm.s32 $0x1B8B  }
0xa2: {  	_ =	swait.ge [sflag:s23], $0x1  }
0xa3: {  	[sflag:s23] =	ssyncset.done $0x0  }
0xa4: {  	s25 =	simm.s32 $0x1B8E;
	s24 =	sld [smem:$0x3FFE];
	[sflag:s23] =	ssyncadd.s32 $0xFFFFFFFF  }
0xa5: {  	s26 =	simm.s32 $execute0_lowered;
	[smem:$0x3FD2] =	sst s25  }
0xa6: {  	s4 =	sshll.u32 s26, $0x1;
	_ =	strace $0x8000004C;
	[dreg:$0x1] =	wrdreg $0xFFFFFFFF  }
0xa7: {  	s28 =	simm.s32 $_size_execute0_lowered;
	s2 =	sadd.s32 s2, s4;
	[dreg:$0x0] =	wrdreg $0x0  }
0xa8: {  	s4 =	sshll.u32 s28, $0x1;
	[dreg:$0x2] =	wrdreg s2  }
0xa9: {  	[dreg:$0x3] =	wrdreg s4  }
0xaa: {  	[dreg:$0x4] =	wrdreg $0xC0  }
0xab: {  	_ =	task [dreg:s6], $0x5FFFF  }
0xac: {  	[dreg:$0x1] =	wrdreg $0xFFFFFFFF  }
0xad: {  	[dreg:$0x0] =	wrdreg $0x60  }
0xae: {  	[dreg:$0x2] =	wrdreg s24  }
0xaf: {  	[dreg:$0x3] =	wrdreg $0xA8000  }
0xb0: {  	[dreg:$0x4] =	wrdreg $0x9  }
0xb1: {  	_ =	task.clear_ibuf [dreg:s6], $0x5FFFF;
	_ =	strace $0x9000004C  }
0xb2: {  	s29 =	simm.s32 $0x9;
	_ =	strace $0x8000004E  }
0xb3: {  	_ =	swait.ge [sflag:s29], $0x1  }
0xb4: {  	[sflag:s29] =	ssyncadd.s32 $0xFFFFFFFF  }
0xb5: {  	_ =	strace $0x9000004E  }
0xb6: {  	_ =	sfence  }
0xb7: {  	s30 =	sld [smem:$0x0];
	_ =	sdelay $0x2  }
0xb8: {  	s31 =	sshll.u32 s1, $0xD;
	s1 =	sshrl.u32 s1, $0x2  }
0xb9: {  	s3 =	sand.u32 $0x4000, s31;
	s1 =	sadd.s32 s1, s30  }
0xba: {  	s0 =	sor.u32 s3, s0;
	s1 =	sshll.u32 s1, $0x11  }
0xbb: {  	s0 =	sor.u32 s1, s0  }
0xbc: {  	s0 =	sadd.s32 $0x8F2B, s0  }
0xbd: {  	[sflag:s0] =	ssyncadd.remote.s32 $0x1  }
0xbe: {  	_ =	sfence.sel $0xFFFF  }
0xbf: {  	[dreg:$0x0] =	wrdreg $0xFFFFFFFF;
	(pc) =	sbr.abs _section_cstart, $3  }
0xc0: {  	[dreg:$0x1] =	wrdreg $0xFFFFFFFF  }
0xc1: {  	_ =	task.clear_ibuf [dreg:s6], $0x2FFFF;
	_ =	strace $0x9FFFFFFF  }
0xc2: {  	(tm) =	ssettm $0x7FFFFFFF  }
0xc3: {  	_ =	shalt  }
tec
execute0_lowered:
.L_overlay_start_1:
0x0: {  	(tag) =	ssettag $0x1  }
0x1: {  	s6 =	rddreg [dreg:$0x0]  }
0x2: {  	s1 =	rddreg [dreg:$0x1];
	s2 =	srdreg.scid  }
0x3: {  	s0 =	rddreg [dreg:$0x2];
	s3 =	simm.s32 $0x0;
	s16 =	simm.s32 $0x80  }
0x4: {  	s17 =	simm.s32 $0x2800;
	s18 =	simm.s32 $0x6800;
	s19 =	simm.s32 $0x1  }
0x5: {  	s20 =	simm.s32 $0x2;
	s21 =	simm.s32 $0x2700;
	s22 =	simm.s32 $0x2780  }
0x6: {  	s23 =	simm.s32 $0x0;
	s7 =	sand.u32 $0x1, s2;
	s2 =	stileid.u32  }
0x7: {  	[smem:$0x7FF] =	sst s3;
	s4 =	sadd.s32 $0x11E00, s6;
	s5 =	smul.u32 $0x140000, s7  }
0x8: {  	s9 =	sadd.s32 $0x62600, s6;
	s10 =	sadd.s32 $0x5600, s6;
	s8 =	smul.u32 $0x14000, s2  }
0x9: {  	_ =	strace $0x8000004D;
	s11 =	sshll.u32 s7, $0x4;
	s7 =	ssub.s32 $0x2, s7  }
0xa: {  	s12 =	smul.u32 $0x50000, s2;
	s31 =	sshll.u32 s2, $0x6;
	s11 =	sor.u32 s2, s11  }
0xb: {  	s28 =	sshrl.u32 s7, $0x1;
	s8 =	sadd.s32 s8, s5;
	s5 =	sadd.s32 $0xF600, s6  }
0xc: {  	s29 =	smul.u32 $0x2800, s11;
	s14 =	ssub.s32 s7, s28;
	s30 =	sshrl.u32 s12, $0x2  }
0xd: {  	s8 =	sshrl.u32 s8, $0x3;
	s15 =	sadd.s32 s30, s1;
	s12 =	smax.u32 s14, $0x1  }
0xe: {  	s14 =	simm.s32 $0x3;
	s13 =	sadd.s32 s8, s6;
	s11 =	sshrl.u32 s29, $0x3  }
0xf: {  	s7 =	sadd.s32 s9, s11;
	s8 =	sadd.s32 s10, s11;
	s11 =	sadd.s32 $0x280, s11  }
0x10: {  	s6 =	sor.u32 $0x1C03, s31;
	s9 =	sadd.s32 s9, s11;
	s10 =	sadd.s32 s10, s11  }
0x11: {  	s11 =	sadd.s32 $0x6C600, s13;
	s13 =	sshrl.u32 s15, $0x3;
	s15 =	simm.s32 $0x1400  }
.LBB2_1:
0x12: {  	[spmem:s13], [sflag:s6] =	dma.local [hbm:s5], $0x2800  }
0x13: {  	_ =	swait.ge [sflag:s14], $0x2800  }
0x14: {  	[sflag:s14] =	ssyncset.done $0x0  }
0x15: {  	[sflag:s14] =	ssyncadd.s32 $0xFFFFD800  }
0x16: {  	[bflag:$0x0] =	sbarrier.arrive $0xFFFF  }
0x17: {  	[tilespmem:s3], [sflag:$0x3] =	stream.linear.gather [hbm4b:s7+s3], $0x1400, $0x38;
	[tilespmem:$0x1E800] =	vst v63  }
0x18: {  	_ =	swait.ge [sflag:s14], $0x1400  }
0x19: {  	[sflag:s14] =	ssyncset.done $0x0  }
0x1a: {  	[sflag:s14] =	ssyncadd.s32 $0xFFFFEC00  }
0x1b: {  	[tilespmem:s15], [sflag:$0x3] =	stream.linear.gather [hbm4b:s8+s3], $0x1400, $0x38;
	[tilespmem:$0x1E800] =	vst v63  }
0x1c: {  	_ =	swait.ge [sflag:s14], $0x1400  }
0x1d: {  	[sflag:s14] =	ssyncset.done $0x0  }
0x1e: {  	[sflag:s14] =	ssyncadd.s32 $0xFFFFEC00  }
0x1f: {  	[tilespmem:s17], [sflag:$0x1] =	stream.indirect.gather [hbm4b:s4+s16], $0x80, s3, s16, $0xb8;
	[tilespmem:$0x1E800] =	vst v63  }
0x20: {  	_ = 	snop  }
0x21: {  	[tilespmem:s18], [sflag:$0x2] =	stream.indirect.gather [hbm4b:s4+s16], $0x80, s16, s16, $0xb8;
	[tilespmem:$0x1E800] =	vst v63  }
0x22: {  	_ =	swait.ge [sflag:s19], $0x4000  }
0x23: {  	[sflag:s19] =	ssyncset.done $0x0  }
0x24: {  	s24 =	simm.s32 $0x1400;
	[sflag:s19] =	ssyncadd.s32 $0xFFFFC000  }
0x25: {  	[spmem:s1] =	stream.indirect.scatter.add.f32 [tilespmem:s17], [sflag:$0x3], $0x80, s24, s16, $0xb8;
	[tilespmem:$0x1E800] =	vst v63  }
0x26: {  	_ =	swait.ge [sflag:s14], $0x4000  }
0x27: {  	[sflag:s14] =	ssyncset.done $0x0  }
0x28: {  	s30 =	simm.s32 $0x100;
	[sflag:s14] =	ssyncadd.s32 $0xFFFFC000  }
0x29: {  	[tilespmem:s17], [sflag:$0x1] =	stream.indirect.gather [hbm4b:s4+s16], $0x80, s30, s16, $0xb8;
	[tilespmem:$0x1E800] =	vst v63  }
0x2a: {  	_ =	swait.ge [sflag:s20], $0x4000  }
0x2b: {  	[sflag:s20] =	ssyncset.done $0x0  }
0x2c: {  	s31 =	simm.s32 $0x1480;
	[sflag:s20] =	ssyncadd.s32 $0xFFFFC000  }
0x2d: {  	[spmem:s1] =	stream.indirect.scatter.add.f32 [tilespmem:s18], [sflag:$0x3], $0x80, s31, s16, $0xb8;
	[tilespmem:$0x1E800] =	vst v63  }
0x2e: {  	_ =	swait.ge [sflag:s14], $0x4000  }
0x2f: {  	[sflag:s14] =	ssyncset.done $0x0  }
0x30: {  	s25 =	simm.s32 $0x180;
	s24 =	simm.s32 $0x400;
	[sflag:s14] =	ssyncadd.s32 $0xFFFFC000  }
.LBB2_2:
0x31: {  	[tilespmem:s18], [sflag:$0x2] =	stream.indirect.gather [hbm4b:s4+s16], $0x80, s25, s16, $0xb8;
	[tilespmem:$0x1E800] =	vst v63  }
0x32: {  	s25 =	smov.u32 s24  }
0x33: {  	p0 =	sne.s32 s24, $0x4800;
	s24 =	sadd.s32 $0x400, s24;
	_ =	swait.ge [sflag:s19], $0x4000  }
0x34: {  	s25 =	sshra.s32 s25, $0x2;
	[sflag:s19] =	ssyncset.done $0x0  }
0x35: {  	s26 =	sadd.s32 $0x1400, s25;
	[sflag:s19] =	ssyncadd.s32 $0xFFFFC000  }
0x36: {  	[spmem:s1] =	stream.indirect.scatter.add.f32 [tilespmem:s17], [sflag:$0x3], $0x80, s26, s16, $0xb8;
	[tilespmem:$0x1E800] =	vst v63  }
0x37: {  	_ =	swait.ge [sflag:s14], $0x4000  }
0x38: {  	[sflag:s14] =	ssyncset.done $0x0  }
0x39: {  	s26 =	sadd.s32 $0x100, s25;
	[sflag:s14] =	ssyncadd.s32 $0xFFFFC000  }
0x3a: {  	[tilespmem:s17], [sflag:$0x1] =	stream.indirect.gather [hbm4b:s4+s16], $0x80, s26, s16, $0xb8;
	[tilespmem:$0x1E800] =	vst v63  }
0x3b: {  	_ =	swait.ge [sflag:s20], $0x4000  }
0x3c: {  	[sflag:s20] =	ssyncset.done $0x0  }
.Ltmp0:
0x3d: {  	s26 =	sadd.s32 $0x1480, s25;
	[sflag:s20] =	ssyncadd.s32 $0xFFFFC000;
	(pc) =	sbr.rel @p0 .LBB2_2-.Ltmp0, $4  }
0x3e: {  	[spmem:s1] =	stream.indirect.scatter.add.f32 [tilespmem:s18], [sflag:$0x3], $0x80, s26, s16, $0xb8;
	[tilespmem:$0x1E800] =	vst v63  }
0x3f: {  	_ =	swait.ge [sflag:s14], $0x4000  }
0x40: {  	[sflag:s14] =	ssyncset.done $0x0  }
0x41: {  	s25 =	sadd.s32 $0x180, s25;
	[sflag:s14] =	ssyncadd.s32 $0xFFFFC000  }
0x42: {  	[tilespmem:s18], [sflag:$0x2] =	stream.indirect.gather [hbm4b:s4+s16], $0x80, s25, s16, $0xb8;
	[tilespmem:$0x1E800] =	vst v63  }
0x43: {  	_ =	swait.ge [sflag:s19], $0x4000  }
0x44: {  	[sflag:s19] =	ssyncset.done $0x0  }
0x45: {  	[sflag:s19] =	ssyncadd.s32 $0xFFFFC000  }
0x46: {  	[spmem:s1] =	stream.indirect.scatter.add.f32 [tilespmem:s17], [sflag:$0x3], $0x80, s21, s16, $0xb8;
	[tilespmem:$0x1E800] =	vst v63  }
0x47: {  	_ =	swait.ge [sflag:s14], $0x4000  }
0x48: {  	[sflag:s14] =	ssyncset.done $0x0  }
0x49: {  	[sflag:s14] =	ssyncadd.s32 $0xFFFFC000  }
0x4a: {  	_ =	swait.ge [sflag:s20], $0x4000  }
0x4b: {  	[sflag:s20] =	ssyncset.done $0x0  }
0x4c: {  	[sflag:s20] =	ssyncadd.s32 $0xFFFFC000  }
0x4d: {  	[spmem:s1] =	stream.indirect.scatter.add.f32 [tilespmem:s18], [sflag:$0x3], $0x80, s22, s16, $0xb8;
	[tilespmem:$0x1E800] =	vst v63  }
0x4e: {  	_ =	swait.ge [sflag:s14], $0x4000  }
0x4f: {  	[sflag:s14] =	ssyncset.done $0x0  }
0x50: {  	s24 =	simm.s32 $0x0;
	[sflag:s14] =	ssyncadd.s32 $0xFFFFC000  }
0x51: {  	[tilespmem:s24], [sflag:$0x3] =	stream.linear.gather [hbm4b:s9+s24], $0x1400, $0x38;
	[tilespmem:$0x1E800] =	vst v63  }
0x52: {  	_ =	swait.ge [sflag:s14], $0x1400  }
0x53: {  	[sflag:s14] =	ssyncset.done $0x0  }
0x54: {  	[sflag:s14] =	ssyncadd.s32 $0xFFFFEC00  }
0x55: {  	[tilespmem:s15], [sflag:$0x3] =	stream.linear.gather [hbm4b:s10+s24], $0x1400, $0x38;
	[tilespmem:$0x1E800] =	vst v63  }
0x56: {  	_ =	swait.ge [sflag:s14], $0x1400  }
0x57: {  	[sflag:s14] =	ssyncset.done $0x0  }
0x58: {  	[sflag:s14] =	ssyncadd.s32 $0xFFFFEC00  }
0x59: {  	[tilespmem:s17], [sflag:$0x1] =	stream.indirect.gather [hbm4b:s4+s16], $0x80, s24, s16, $0xb8;
	[tilespmem:$0x1E800] =	vst v63  }
0x5a: {  	_ = 	snop  }
0x5b: {  	[tilespmem:s18], [sflag:$0x2] =	stream.indirect.gather [hbm4b:s4+s16], $0x80, s16, s16, $0xb8;
	[tilespmem:$0x1E800] =	vst v63  }
0x5c: {  	_ =	swait.ge [sflag:s19], $0x4000  }
0x5d: {  	[sflag:s19] =	ssyncset.done $0x0  }
0x5e: {  	s29 =	simm.s32 $0x1400;
	[sflag:s19] =	ssyncadd.s32 $0xFFFFC000  }
0x5f: {  	[spmem:s1] =	stream.indirect.scatter.add.f32 [tilespmem:s17], [sflag:$0x3], $0x80, s29, s16, $0xb8;
	[tilespmem:$0x1E800] =	vst v63  }
0x60: {  	_ =	swait.ge [sflag:s14], $0x4000  }
0x61: {  	[sflag:s14] =	ssyncset.done $0x0  }
0x62: {  	s30 =	simm.s32 $0x100;
	[sflag:s14] =	ssyncadd.s32 $0xFFFFC000  }
0x63: {  	[tilespmem:s17], [sflag:$0x1] =	stream.indirect.gather [hbm4b:s4+s16], $0x80, s30, s16, $0xb8;
	[tilespmem:$0x1E800] =	vst v63  }
0x64: {  	_ =	swait.ge [sflag:s20], $0x4000  }
0x65: {  	[sflag:s20] =	ssyncset.done $0x0  }
0x66: {  	s31 =	simm.s32 $0x1480;
	[sflag:s20] =	ssyncadd.s32 $0xFFFFC000  }
0x67: {  	[spmem:s1] =	stream.indirect.scatter.add.f32 [tilespmem:s18], [sflag:$0x3], $0x80, s31, s16, $0xb8;
	[tilespmem:$0x1E800] =	vst v63  }
0x68: {  	_ =	swait.ge [sflag:s14], $0x4000  }
0x69: {  	[sflag:s14] =	ssyncset.done $0x0  }
0x6a: {  	s25 =	simm.s32 $0x180;
	s24 =	simm.s32 $0x400;
	[sflag:s14] =	ssyncadd.s32 $0xFFFFC000  }
.LBB2_4:
0x6b: {  	[tilespmem:s18], [sflag:$0x2] =	stream.indirect.gather [hbm4b:s4+s16], $0x80, s25, s16, $0xb8;
	[tilespmem:$0x1E800] =	vst v63  }
0x6c: {  	s25 =	smov.u32 s24  }
0x6d: {  	p0 =	sne.s32 s24, $0x4800;
	s24 =	sadd.s32 $0x400, s24;
	_ =	swait.ge [sflag:s19], $0x4000  }
0x6e: {  	s25 =	sshra.s32 s25, $0x2;
	[sflag:s19] =	ssyncset.done $0x0  }
0x6f: {  	s26 =	sadd.s32 $0x1400, s25;
	[sflag:s19] =	ssyncadd.s32 $0xFFFFC000  }
0x70: {  	[spmem:s1] =	stream.indirect.scatter.add.f32 [tilespmem:s17], [sflag:$0x3], $0x80, s26, s16, $0xb8;
	[tilespmem:$0x1E800] =	vst v63  }
0x71: {  	_ =	swait.ge [sflag:s14], $0x4000  }
0x72: {  	[sflag:s14] =	ssyncset.done $0x0  }
0x73: {  	s26 =	sadd.s32 $0x100, s25;
	[sflag:s14] =	ssyncadd.s32 $0xFFFFC000  }
0x74: {  	[tilespmem:s17], [sflag:$0x1] =	stream.indirect.gather [hbm4b:s4+s16], $0x80, s26, s16, $0xb8;
	[tilespmem:$0x1E800] =	vst v63  }
0x75: {  	_ =	swait.ge [sflag:s20], $0x4000  }
0x76: {  	[sflag:s20] =	ssyncset.done $0x0  }
.Ltmp1:
0x77: {  	s26 =	sadd.s32 $0x1480, s25;
	[sflag:s20] =	ssyncadd.s32 $0xFFFFC000;
	(pc) =	sbr.rel @p0 .LBB2_4-.Ltmp1, $4  }
0x78: {  	[spmem:s1] =	stream.indirect.scatter.add.f32 [tilespmem:s18], [sflag:$0x3], $0x80, s26, s16, $0xb8;
	[tilespmem:$0x1E800] =	vst v63  }
0x79: {  	_ =	swait.ge [sflag:s14], $0x4000  }
0x7a: {  	[sflag:s14] =	ssyncset.done $0x0  }
0x7b: {  	s25 =	sadd.s32 $0x180, s25;
	[sflag:s14] =	ssyncadd.s32 $0xFFFFC000  }
0x7c: {  	[tilespmem:s18], [sflag:$0x2] =	stream.indirect.gather [hbm4b:s4+s16], $0x80, s25, s16, $0xb8;
	[tilespmem:$0x1E800] =	vst v63  }
0x7d: {  	_ =	swait.ge [sflag:s19], $0x4000  }
0x7e: {  	[sflag:s19] =	ssyncset.done $0x0  }
0x7f: {  	[sflag:s19] =	ssyncadd.s32 $0xFFFFC000  }
0x80: {  	[spmem:s1] =	stream.indirect.scatter.add.f32 [tilespmem:s17], [sflag:$0x3], $0x80, s21, s16, $0xb8;
	[tilespmem:$0x1E800] =	vst v63  }
0x81: {  	_ =	swait.ge [sflag:s14], $0x4000  }
0x82: {  	[sflag:s14] =	ssyncset.done $0x0  }
0x83: {  	[sflag:s14] =	ssyncadd.s32 $0xFFFFC000  }
0x84: {  	_ =	swait.ge [sflag:s20], $0x4000  }
0x85: {  	[sflag:s20] =	ssyncset.done $0x0  }
0x86: {  	[sflag:s20] =	ssyncadd.s32 $0xFFFFC000  }
0x87: {  	[spmem:s1] =	stream.indirect.scatter.add.f32 [tilespmem:s18], [sflag:$0x3], $0x80, s22, s16, $0xb8;
	[tilespmem:$0x1E800] =	vst v63  }
0x88: {  	_ =	swait.ge [sflag:s14], $0x4000  }
0x89: {  	s23 =	sadd.s32 $0x1, s23;
	[sflag:s14] =	ssyncset.done $0x0  }
0x8a: {  	p0 =	sne.s32 s23, s12;
	[sflag:s14] =	ssyncadd.s32 $0xFFFFC000  }
.Ltmp2:
0x8b: {  	[bflag:$0x0] =	sbarrier.arrive $0xFFFF;
	(pc) =	sbr.rel @p0 .LBB2_1-.Ltmp2, $4  }
0x8c: {  	[hbm:s11], [sflag:s6] =	dma.local [spmem:s13], $0x2800  }
0x8d: {  	_ =	swait.ge [sflag:s14], $0x2800  }
0x8e: {  	[sflag:s14] =	ssyncset.done $0x0  }
0x8f: {  	[sflag:s14] =	ssyncadd.s32 $0xFFFFD800  }
0x90: {  	_ =	sfence.sel $0x180000  }
0x91: {  	[bflag:$0x0] =	sbarrier.arrive $0xFFFF  }
0x92: {  	p0 =	sne.s32 s2, $0x0;
	_ =	strace $0x9000004D  }
0x93: {  	s0 =	sadd.s32 @!p0 $0x100000, s0;
	[bflag:$0x2] =	sbarrier.arrive $0xFFFF  }
0x94: {  	[sflag:s0] =	ssyncadd.tile.s32 @!p0 $0x1;
	_ =	shalt  }
.Lfunc_end2:
_tile_overlayer_lowered:
.L_overlay_start_2:
0x95: {  	(tag) =	ssettag $0x2  }
0x96: {  	s0 =	rddreg [dreg:$0x0];
	s2 =	stileid.u32  }
0x97: {  	s1 =	rddreg [dreg:$0x1];
	p0 =	sne.s32 s2, $0x0  }
0x98: {  	s3 =	rddreg [dreg:$0x2];
	[bflag:$0x3] =	sbarrier.arrive $0xFFFF;
	s2 =	simm.s32 @!p0 $0x1C03  }
0x99: {  	[timem:s3], [sflag:s2] =	dma.local @!p0 [hbm:s0], s1  }
0x9a: {  	s0 =	simm.s32 @!p0 $0x3  }
0x9b: {  	_ =	swait.ge @!p0 [sflag:s0], s1  }
0x9c: {  	s1 =	ssub.s32 @!p0 $0x0, s1;
	[sflag:s0] =	ssyncset.done @!p0 $0x0  }
0x9d: {  	[sflag:s0] =	ssyncadd.s32 @!p0 s1  }
0x9e: {  	[bflag:$0x3] =	sbarrier.arrive $0xFFFF  }
0x9f: {  	_ =	shalt  }

// kernel: kernel.23.cloned.1.call-start
scs
__scs_entry_jumppad:
0x0: {  	(pc) =	sbr.rel $0x88, $3  }
0x1: {  	(tag) =	ssettag $0x0;
	lr =	simm.s32 $0x1  }
0x2: {  	[smem:$0x3F92] =	sst lr;
	_ =	strace $0xD0000000  }
0x3: {  	_ = 	snop  }
0x4: {  	_ = 	snop  }
0x5: {  	_ = 	snop  }
0x6: {  	_ = 	snop  }
0x7: {  	_ = 	snop  }
__scs_overlays_trampoline_lowered:
0x8: {  	[smem:$0x3FA1] =	sst s0  }
0x9: {  	[smem:$0x3FA2] =	sst s1  }
0xa: {  	[smem:$0x3FA3] =	sst s2  }
0xb: {  	[smem:$0x3FA4] =	sst s3  }
0xc: {  	[smem:$0x3FA5] =	sst s4  }
0xd: {  	[smem:$0x3FA6] =	sst s5  }
0xe: {  	[smem:$0x3FA7] =	sst s6  }
0xf: {  	[smem:$0x3FA8] =	sst s7  }
0x10: {  	[smem:$0x3FA9] =	sst s8  }
0x11: {  	[smem:$0x3FAA] =	sst s9;
	s0 =	simm.s32 @!p0 $0x0  }
0x12: {  	s1 =	sld [smem:$0x3F90];
	s0 =	simm.s32 @p0 $0x1  }
0x13: {  	[smem:$0x3FAB] =	sst s0;
	s0 =	simm.s32 @!p1 $0x0  }
0x14: {  	s2 =	sld [smem:$0x3F8F];
	s0 =	simm.s32 @p1 $0x1  }
0x15: {  	[smem:$0x3FAC] =	sst s0;
	s0 =	simm.s32 @!p2 $0x0  }
0x16: {  	s3 =	sld [smem:$0x3FDB];
	s0 =	simm.s32 @p2 $0x1  }
0x17: {  	s4 =	simm.s32 $0x1BF5;
	[smem:$0x3FAE] =	sst s0  }
0x18: {  	s0 =	sld [smem:$0x3F91];
	_ =	swait.ge [sflag:s4], $0x0  }
0x19: {  	s7 =	sld [smem:$0x3F92]  }
0x1a: {  	s8 =	sadd.s32 $0xFFFFE003, lr  }
0x1b: {  	s9 =	sadd.s32 $0xFFFFFEF7, lr;
	s5 =	simm.s32 $0xFFFFFFFF;
	p2 =	slt.u32 s8, $0xFFFFF086  }
0x1c: {  	p1 =	slt.u32 s9, $0xF7A;
	s5 =	simm.s32 @!p2 $0x0  }
0x1d: {  	s5 =	simm.s32 @p1 $0x1;
	p0 =	seq.s32 s7, s2  }
0x1e: {  	s7 =	smul.u32 @!p0 $0xF7A, s2;
	p2 =	seq.s32 @!p0 s5, $0x0  }
0x1f: {  	s9 =	smul.u32 $0xF7A, s1;
	s8 =	simm.s32 @!p0 $0x1BF5;
	p2 =	por !p2, p0  }
0x20: {  	[sflag:s8] =	ssyncset.s32 @!p0 $0xFFFFF086;
	s6 =	sadd.s32 @!p0 s3, s7;
	s7 =	simm.s32 @!p0 $0x108  }
0x21: {  	s3 =	sadd.s32 s3, s9;
	s6 =	sadd.s32 @!p0 $0x88, s6;
	s7 =	simm.s32 @p2 $0x1082  }
0x22: {  	[simem:s7], [sflag:s8] =	dma.local @!p0 [hbm:s6], $0xF7A  }
0x23: {  	s9 =	sor.u32 $0xD0000000, s2;
	s6 =	simm.s32 $0x108;
	_ =	swait.ge @!p0 [sflag:s8], $0x0  }
0x24: {  	s3 =	sadd.s32 $0x88, s3;
	s6 =	simm.s32 @!p1 $0x1082;
	[sflag:s4] =	ssyncset.s32 $0xFFFFF086  }
0x25: {  	[simem:s6], [sflag:s4] =	dma.local [hbm:s3], $0xF7A  }
0x26: {  	[smem:$0x3F92] =	sst s1;
	(tag) =	ssettag s2;
	_ =	strace s9  }
0x27: {  	s1 =	sld [smem:$0x3FA2]  }
0x28: {  	s2 =	sld [smem:$0x3FA3]  }
0x29: {  	s4 =	sld [smem:$0x3FA5]  }
0x2a: {  	p0 =	seq.s32 s5, $0x0;
	s5 =	sld [smem:$0x3FA6]  }
0x2b: {  	s6 =	sld [smem:$0x3FA7]  }
0x2c: {  	s7 =	sld [smem:$0x3FA8]  }
0x2d: {  	s3 =	simm.s32 $0x108;
	s8 =	sld [smem:$0x3FA9]  }
0x2e: {  	s3 =	simm.s32 @!p0 $0x1082;
	s9 =	sld [smem:$0x3FAA]  }
0x2f: {  	lr =	sadd.s32 s0, s3;
	s0 =	sld [smem:$0x3FA1]  }
0x30: {  	s3 =	sld [smem:$0x3FA4]  }
0x31: {  	[smem:$0x3FAD] =	sst s10  }
0x32: {  	s10 =	sld [smem:$0x3FAB];
	_ =	sdelay $0x3  }
0x33: {  	p0 =	seq.s32 s10, $0x1;
	s10 =	sld [smem:$0x3FAD];
	_ =	sdelay $0x3  }
0x34: {  	[smem:$0x3FAD] =	sst s10  }
0x35: {  	s10 =	sld [smem:$0x3FAC];
	_ =	sdelay $0x3  }
0x36: {  	p1 =	seq.s32 s10, $0x1;
	s10 =	sld [smem:$0x3FAD];
	_ =	sdelay $0x3  }
0x37: {  	[smem:$0x3FAD] =	sst s10  }
0x38: {  	s10 =	sld [smem:$0x3FAE]  }
0x39: {  	_ = 	snop;
	(pc) =	sbr.ind lr, $3  }
0x3a: {  	_ = 	snop  }
0x3b: {  	_ = 	snop  }
0x3c: {  	p2 =	seq.s32 s10, $0x1;
	s10 =	sld [smem:$0x3FAD]  }
0x3d: {  	_ =	shalt  }
0x3e: {  	_ =	shalt  }
0x3f: {  	_ =	shalt  }
0x40: {  	_ =	shalt  }
0x41: {  	_ =	shalt  }
0x42: {  	_ =	shalt  }
0x43: {  	_ =	shalt  }
0x44: {  	_ =	shalt  }
0x45: {  	_ =	shalt  }
0x46: {  	_ =	shalt  }
0x47: {  	_ =	shalt  }
0x48: {  	_ =	shalt  }
0x49: {  	_ =	shalt  }
0x4a: {  	_ =	shalt  }
0x4b: {  	_ =	shalt  }
0x4c: {  	_ =	shalt  }
0x4d: {  	_ =	shalt  }
0x4e: {  	_ =	shalt  }
0x4f: {  	_ =	shalt  }
0x50: {  	_ =	shalt  }
0x51: {  	_ =	shalt  }
0x52: {  	_ =	shalt  }
0x53: {  	_ =	shalt  }
0x54: {  	_ =	shalt  }
0x55: {  	_ =	shalt  }
0x56: {  	_ =	shalt  }
0x57: {  	_ =	shalt  }
0x58: {  	_ =	shalt  }
0x59: {  	_ =	shalt  }
0x5a: {  	_ =	shalt  }
0x5b: {  	_ =	shalt  }
0x5c: {  	_ =	shalt  }
0x5d: {  	_ =	shalt  }
0x5e: {  	_ =	shalt  }
0x5f: {  	_ =	shalt  }
0x60: {  	_ =	shalt  }
0x61: {  	_ =	shalt  }
0x62: {  	_ =	shalt  }
0x63: {  	_ =	shalt  }
0x64: {  	_ =	shalt  }
0x65: {  	_ =	shalt  }
0x66: {  	_ =	shalt  }
0x67: {  	_ =	shalt  }
0x68: {  	_ =	shalt  }
0x69: {  	_ =	shalt  }
0x6a: {  	_ =	shalt  }
0x6b: {  	_ =	shalt  }
0x6c: {  	_ =	shalt  }
0x6d: {  	_ =	shalt  }
0x6e: {  	_ =	shalt  }
0x6f: {  	_ =	shalt  }
0x70: {  	_ =	shalt  }
0x71: {  	_ =	shalt  }
0x72: {  	_ =	shalt  }
0x73: {  	_ =	shalt  }
0x74: {  	_ =	shalt  }
0x75: {  	_ =	shalt  }
0x76: {  	_ =	shalt  }
0x77: {  	_ =	shalt  }
0x78: {  	_ =	shalt  }
0x79: {  	_ =	shalt  }
0x7a: {  	_ =	shalt  }
0x7b: {  	_ =	shalt  }
0x7c: {  	_ =	shalt  }
0x7d: {  	_ =	shalt  }
0x7e: {  	_ =	shalt  }
0x7f: {  	_ =	shalt  }
0x80: {  	_ =	shalt  }
0x81: {  	_ =	shalt  }
0x82: {  	_ =	shalt  }
0x83: {  	_ =	shalt  }
0x84: {  	_ =	shalt  }
0x85: {  	_ =	shalt  }
0x86: {  	_ =	shalt  }
0x87: {  	_ =	shalt  }
.Lfunc_end0:
.L_simem_size_0:
called_computation.3_lowered:
.L_overlay_start_0:
0x88: {  	s2 =	sld [smem:$0x3FD9]  }
0x89: {  	s3 =	sld [smem:$0x3FFE];
	_ =	sdelay $0x1  }
0x8a: {  	s1 =	srdreg.scid  }
0x8b: {  	s0 =	sand.u32 $0x1, s1  }
0x8c: {  	s16 =	sshll.u32 s0, $0xA;
	s2 =	sadd.s32 s3, s2  }
0x8d: {  	s2 =	sadd.s32 s2, s16  }
0x8e: {  	[smem:$0x3FB9] =	sst s2  }
0x8f: {  	_ = 	snop  }
0x90: {  	(tm) =	ssettm $0x1  }
0x91: {  	s17 =	sld [smem:$0x3FFB];
	_ =	sdelay $0x3  }
0x92: {  	_ =	strace s17  }
0x93: {  	s2 =	sld [smem:$0x3FFC];
	_ =	sdelay $0x3  }
0x94: {  	_ =	strace s2  }
0x95: {  	s2 =	sld [smem:$0x3FFD];
	_ =	sdelay $0x3  }
0x96: {  	_ =	strace s2  }
0x97: {  	_ =	strace $0x8FFFFFFF  }
0x98: {  	s18 =	sld [smem:$0x3FDB];
	_ =	sdelay $0x1  }
0x99: {  	s19 =	simm.s32 $_scs_section_size  }
0x9a: {  	s4 =	simm.s32 $_size__tile_overlayer_lowered;
	s5 =	simm.s32 $_tile_overlayer_lowered  }
0x9b: {  	s22 =	simm.s32 $0x1BFF;
	s21 =	sshll.u32 s5, $0x1;
	s2 =	sadd.s32 s19, s18  }
0x9c: {  	s6 =	simm.s32 $0x0;
	s20 =	sshll.u32 s4, $0x1;
	s4 =	sadd.s32 s21, s2  }
0x9d: {  	[timem:s6], [sflag:s22] =	dma.local [hbm:s4], s20  }
0x9e: {  	_ =	swait.ge [sflag:s22], s20  }
0x9f: {  	s3 =	ssub.s32 $0x0, s20;
	[sflag:s22] =	ssyncset.done $0x0  }
0xa0: {  	[sflag:s22] =	ssyncadd.s32 s3;
	_ =	sdelay $0x1  }
0xa1: {  	s23 =	simm.s32 $0x1B8B  }
0xa2: {  	_ =	swait.ge [sflag:s23], $0x1  }
0xa3: {  	[sflag:s23] =	ssyncset.done $0x0  }
0xa4: {  	s25 =	simm.s32 $0x1B8E;
	s24 =	sld [smem:$0x3FFE];
	[sflag:s23] =	ssyncadd.s32 $0xFFFFFFFF  }
0xa5: {  	s26 =	simm.s32 $execute0_lowered;
	[smem:$0x3FD2] =	sst s25  }
0xa6: {  	s4 =	sshll.u32 s26, $0x1;
	_ =	strace $0x8000004F;
	[dreg:$0x1] =	wrdreg $0xFFFFFFFF  }
0xa7: {  	s28 =	simm.s32 $_size_execute0_lowered;
	s2 =	sadd.s32 s2, s4;
	[dreg:$0x0] =	wrdreg $0x0  }
0xa8: {  	s4 =	sshll.u32 s28, $0x1;
	[dreg:$0x2] =	wrdreg s2  }
0xa9: {  	[dreg:$0x3] =	wrdreg s4  }
0xaa: {  	[dreg:$0x4] =	wrdreg $0xC0  }
0xab: {  	_ =	task [dreg:s6], $0x5FFFF  }
0xac: {  	[dreg:$0x1] =	wrdreg $0xFFFFFFFF  }
0xad: {  	[dreg:$0x0] =	wrdreg $0x60  }
0xae: {  	[dreg:$0x2] =	wrdreg s24  }
0xaf: {  	[dreg:$0x3] =	wrdreg $0xA8000  }
0xb0: {  	[dreg:$0x4] =	wrdreg $0x9  }
0xb1: {  	_ =	task.clear_ibuf [dreg:s6], $0x5FFFF;
	_ =	strace $0x9000004F  }
0xb2: {  	s29 =	simm.s32 $0x9;
	_ =	strace $0x80000051  }
0xb3: {  	_ =	swait.ge [sflag:s29], $0x1  }
0xb4: {  	[sflag:s29] =	ssyncadd.s32 $0xFFFFFFFF  }
0xb5: {  	_ =	strace $0x90000051  }
0xb6: {  	_ =	sfence  }
0xb7: {  	s30 =	sld [smem:$0x0];
	_ =	sdelay $0x2  }
0xb8: {  	s31 =	sshll.u32 s1, $0xD;
	s1 =	sshrl.u32 s1, $0x2  }
0xb9: {  	s3 =	sand.u32 $0x4000, s31;
	s1 =	sadd.s32 s1, s30  }
0xba: {  	s0 =	sor.u32 s3, s0;
	s1 =	sshll.u32 s1, $0x11  }
0xbb: {  	s0 =	sor.u32 s1, s0  }
0xbc: {  	s0 =	sadd.s32 $0x8F2B, s0  }
0xbd: {  	[sflag:s0] =	ssyncadd.remote.s32 $0x1  }
0xbe: {  	_ =	sfence.sel $0xFFFF  }
0xbf: {  	[dreg:$0x0] =	wrdreg $0xFFFFFFFF;
	(pc) =	sbr.abs _section_cstart, $3  }
0xc0: {  	[dreg:$0x1] =	wrdreg $0xFFFFFFFF  }
0xc1: {  	_ =	task.clear_ibuf [dreg:s6], $0x2FFFF;
	_ =	strace $0x9FFFFFFF  }
0xc2: {  	(tm) =	ssettm $0x7FFFFFFF  }
0xc3: {  	_ =	shalt  }
tec
execute0_lowered:
.L_overlay_start_1:
0x0: {  	(tag) =	ssettag $0x1  }
0x1: {  	s6 =	rddreg [dreg:$0x0]  }
0x2: {  	s1 =	rddreg [dreg:$0x1];
	s2 =	srdreg.scid  }
0x3: {  	s0 =	rddreg [dreg:$0x2];
	s3 =	simm.s32 $0x0;
	s16 =	simm.s32 $0x80  }
0x4: {  	s17 =	simm.s32 $0x2800;
	s18 =	simm.s32 $0x6800;
	s19 =	simm.s32 $0x1  }
0x5: {  	s20 =	simm.s32 $0x2;
	s21 =	simm.s32 $0x2700;
	s22 =	simm.s32 $0x2780  }
0x6: {  	s23 =	simm.s32 $0x0;
	s7 =	sand.u32 $0x1, s2;
	s2 =	stileid.u32  }
0x7: {  	[smem:$0x7FF] =	sst s3;
	s4 =	sadd.s32 $0x11E00, s6;
	s5 =	smul.u32 $0x140000, s7  }
0x8: {  	s9 =	sadd.s32 $0x62600, s6;
	s10 =	sadd.s32 $0x5600, s6;
	s8 =	smul.u32 $0x14000, s2  }
0x9: {  	_ =	strace $0x80000050;
	s11 =	sshll.u32 s7, $0x4;
	s7 =	ssub.s32 $0x2, s7  }
0xa: {  	s12 =	smul.u32 $0x50000, s2;
	s31 =	sshll.u32 s2, $0x6;
	s11 =	sor.u32 s2, s11  }
0xb: {  	s28 =	sshrl.u32 s7, $0x1;
	s8 =	sadd.s32 s8, s5;
	s5 =	sadd.s32 $0xF600, s6  }
0xc: {  	s29 =	smul.u32 $0x2800, s11;
	s14 =	ssub.s32 s7, s28;
	s30 =	sshrl.u32 s12, $0x2  }
0xd: {  	s8 =	sshrl.u32 s8, $0x3;
	s15 =	sadd.s32 s30, s1;
	s12 =	smax.u32 s14, $0x1  }
0xe: {  	s14 =	simm.s32 $0x3;
	s13 =	sadd.s32 s8, s6;
	s11 =	sshrl.u32 s29, $0x3  }
0xf: {  	s7 =	sadd.s32 s9, s11;
	s8 =	sadd.s32 s10, s11;
	s11 =	sadd.s32 $0x280, s11  }
0x10: {  	s6 =	sor.u32 $0x1C03, s31;
	s9 =	sadd.s32 s9, s11;
	s10 =	sadd.s32 s10, s11  }
0x11: {  	s11 =	sadd.s32 $0x6C600, s13;
	s13 =	sshrl.u32 s15, $0x3;
	s15 =	simm.s32 $0x1400  }
.LBB2_1:
0x12: {  	[spmem:s13], [sflag:s6] =	dma.local [hbm:s5], $0x2800  }
0x13: {  	_ =	swait.ge [sflag:s14], $0x2800  }
0x14: {  	[sflag:s14] =	ssyncset.done $0x0  }
0x15: {  	[sflag:s14] =	ssyncadd.s32 $0xFFFFD800  }
0x16: {  	[bflag:$0x0] =	sbarrier.arrive $0xFFFF  }
0x17: {  	[tilespmem:s3], [sflag:$0x3] =	stream.linear.gather [hbm4b:s7+s3], $0x1400, $0x38;
	[tilespmem:$0x1E800] =	vst v63  }
0x18: {  	_ =	swait.ge [sflag:s14], $0x1400  }
0x19: {  	[sflag:s14] =	ssyncset.done $0x0  }
0x1a: {  	[sflag:s14] =	ssyncadd.s32 $0xFFFFEC00  }
0x1b: {  	[tilespmem:s15], [sflag:$0x3] =	stream.linear.gather [hbm4b:s8+s3], $0x1400, $0x38;
	[tilespmem:$0x1E800] =	vst v63  }
0x1c: {  	_ =	swait.ge [sflag:s14], $0x1400  }
0x1d: {  	[sflag:s14] =	ssyncset.done $0x0  }
0x1e: {  	[sflag:s14] =	ssyncadd.s32 $0xFFFFEC00  }
0x1f: {  	[tilespmem:s17], [sflag:$0x1] =	stream.indirect.gather [hbm4b:s4+s16], $0x80, s3, s16, $0xb8;
	[tilespmem:$0x1E800] =	vst v63  }
0x20: {  	_ = 	snop  }
0x21: {  	[tilespmem:s18], [sflag:$0x2] =	stream.indirect.gather [hbm4b:s4+s16], $0x80, s16, s16, $0xb8;
	[tilespmem:$0x1E800] =	vst v63  }
0x22: {  	_ =	swait.ge [sflag:s19], $0x4000  }
0x23: {  	[sflag:s19] =	ssyncset.done $0x0  }
0x24: {  	s24 =	simm.s32 $0x1400;
	[sflag:s19] =	ssyncadd.s32 $0xFFFFC000  }
0x25: {  	[spmem:s1] =	stream.indirect.scatter.add.f32 [tilespmem:s17], [sflag:$0x3], $0x80, s24, s16, $0xb8;
	[tilespmem:$0x1E800] =	vst v63  }
0x26: {  	_ =	swait.ge [sflag:s14], $0x4000  }
0x27: {  	[sflag:s14] =	ssyncset.done $0x0  }
0x28: {  	s30 =	simm.s32 $0x100;
	[sflag:s14] =	ssyncadd.s32 $0xFFFFC000  }
0x29: {  	[tilespmem:s17], [sflag:$0x1] =	stream.indirect.gather [hbm4b:s4+s16], $0x80, s30, s16, $0xb8;
	[tilespmem:$0x1E800] =	vst v63  }
0x2a: {  	_ =	swait.ge [sflag:s20], $0x4000  }
0x2b: {  	[sflag:s20] =	ssyncset.done $0x0  }
0x2c: {  	s31 =	simm.s32 $0x1480;
	[sflag:s20] =	ssyncadd.s32 $0xFFFFC000  }
0x2d: {  	[spmem:s1] =	stream.indirect.scatter.add.f32 [tilespmem:s18], [sflag:$0x3], $0x80, s31, s16, $0xb8;
	[tilespmem:$0x1E800] =	vst v63  }
0x2e: {  	_ =	swait.ge [sflag:s14], $0x4000  }
0x2f: {  	[sflag:s14] =	ssyncset.done $0x0  }
0x30: {  	s25 =	simm.s32 $0x180;
	s24 =	simm.s32 $0x400;
	[sflag:s14] =	ssyncadd.s32 $0xFFFFC000  }
.LBB2_2:
0x31: {  	[tilespmem:s18], [sflag:$0x2] =	stream.indirect.gather [hbm4b:s4+s16], $0x80, s25, s16, $0xb8;
	[tilespmem:$0x1E800] =	vst v63  }
0x32: {  	s25 =	smov.u32 s24  }
0x33: {  	p0 =	sne.s32 s24, $0x4800;
	s24 =	sadd.s32 $0x400, s24;
	_ =	swait.ge [sflag:s19], $0x4000  }
0x34: {  	s25 =	sshra.s32 s25, $0x2;
	[sflag:s19] =	ssyncset.done $0x0  }
0x35: {  	s26 =	sadd.s32 $0x1400, s25;
	[sflag:s19] =	ssyncadd.s32 $0xFFFFC000  }
0x36: {  	[spmem:s1] =	stream.indirect.scatter.add.f32 [tilespmem:s17], [sflag:$0x3], $0x80, s26, s16, $0xb8;
	[tilespmem:$0x1E800] =	vst v63  }
0x37: {  	_ =	swait.ge [sflag:s14], $0x4000  }
0x38: {  	[sflag:s14] =	ssyncset.done $0x0  }
0x39: {  	s26 =	sadd.s32 $0x100, s25;
	[sflag:s14] =	ssyncadd.s32 $0xFFFFC000  }
0x3a: {  	[tilespmem:s17], [sflag:$0x1] =	stream.indirect.gather [hbm4b:s4+s16], $0x80, s26, s16, $0xb8;
	[tilespmem:$0x1E800] =	vst v63  }
0x3b: {  	_ =	swait.ge [sflag:s20], $0x4000  }
0x3c: {  	[sflag:s20] =	ssyncset.done $0x0  }
.Ltmp0:
0x3d: {  	s26 =	sadd.s32 $0x1480, s25;
	[sflag:s20] =	ssyncadd.s32 $0xFFFFC000;
	(pc) =	sbr.rel @p0 .LBB2_2-.Ltmp0, $4  }
0x3e: {  	[spmem:s1] =	stream.indirect.scatter.add.f32 [tilespmem:s18], [sflag:$0x3], $0x80, s26, s16, $0xb8;
	[tilespmem:$0x1E800] =	vst v63  }
0x3f: {  	_ =	swait.ge [sflag:s14], $0x4000  }
0x40: {  	[sflag:s14] =	ssyncset.done $0x0  }
0x41: {  	s25 =	sadd.s32 $0x180, s25;
	[sflag:s14] =	ssyncadd.s32 $0xFFFFC000  }
0x42: {  	[tilespmem:s18], [sflag:$0x2] =	stream.indirect.gather [hbm4b:s4+s16], $0x80, s25, s16, $0xb8;
	[tilespmem:$0x1E800] =	vst v63  }
0x43: {  	_ =	swait.ge [sflag:s19], $0x4000  }
0x44: {  	[sflag:s19] =	ssyncset.done $0x0  }
0x45: {  	[sflag:s19] =	ssyncadd.s32 $0xFFFFC000  }
0x46: {  	[spmem:s1] =	stream.indirect.scatter.add.f32 [tilespmem:s17], [sflag:$0x3], $0x80, s21, s16, $0xb8;
	[tilespmem:$0x1E800] =	vst v63  }
0x47: {  	_ =	swait.ge [sflag:s14], $0x4000  }
0x48: {  	[sflag:s14] =	ssyncset.done $0x0  }
0x49: {  	[sflag:s14] =	ssyncadd.s32 $0xFFFFC000  }
0x4a: {  	_ =	swait.ge [sflag:s20], $0x4000  }
0x4b: {  	[sflag:s20] =	ssyncset.done $0x0  }
0x4c: {  	[sflag:s20] =	ssyncadd.s32 $0xFFFFC000  }
0x4d: {  	[spmem:s1] =	stream.indirect.scatter.add.f32 [tilespmem:s18], [sflag:$0x3], $0x80, s22, s16, $0xb8;
	[tilespmem:$0x1E800] =	vst v63  }
0x4e: {  	_ =	swait.ge [sflag:s14], $0x4000  }
0x4f: {  	[sflag:s14] =	ssyncset.done $0x0  }
0x50: {  	s24 =	simm.s32 $0x0;
	[sflag:s14] =	ssyncadd.s32 $0xFFFFC000  }
0x51: {  	[tilespmem:s24], [sflag:$0x3] =	stream.linear.gather [hbm4b:s9+s24], $0x1400, $0x38;
	[tilespmem:$0x1E800] =	vst v63  }
0x52: {  	_ =	swait.ge [sflag:s14], $0x1400  }
0x53: {  	[sflag:s14] =	ssyncset.done $0x0  }
0x54: {  	[sflag:s14] =	ssyncadd.s32 $0xFFFFEC00  }
0x55: {  	[tilespmem:s15], [sflag:$0x3] =	stream.linear.gather [hbm4b:s10+s24], $0x1400, $0x38;
	[tilespmem:$0x1E800] =	vst v63  }
0x56: {  	_ =	swait.ge [sflag:s14], $0x1400  }
0x57: {  	[sflag:s14] =	ssyncset.done $0x0  }
0x58: {  	[sflag:s14] =	ssyncadd.s32 $0xFFFFEC00  }
0x59: {  	[tilespmem:s17], [sflag:$0x1] =	stream.indirect.gather [hbm4b:s4+s16], $0x80, s24, s16, $0xb8;
	[tilespmem:$0x1E800] =	vst v63  }
0x5a: {  	_ = 	snop  }
0x5b: {  	[tilespmem:s18], [sflag:$0x2] =	stream.indirect.gather [hbm4b:s4+s16], $0x80, s16, s16, $0xb8;
	[tilespmem:$0x1E800] =	vst v63  }
0x5c: {  	_ =	swait.ge [sflag:s19], $0x4000  }
0x5d: {  	[sflag:s19] =	ssyncset.done $0x0  }
0x5e: {  	s29 =	simm.s32 $0x1400;
	[sflag:s19] =	ssyncadd.s32 $0xFFFFC000  }
0x5f: {  	[spmem:s1] =	stream.indirect.scatter.add.f32 [tilespmem:s17], [sflag:$0x3], $0x80, s29, s16, $0xb8;
	[tilespmem:$0x1E800] =	vst v63  }
0x60: {  	_ =	swait.ge [sflag:s14], $0x4000  }
0x61: {  	[sflag:s14] =	ssyncset.done $0x0  }
0x62: {  	s30 =	simm.s32 $0x100;
	[sflag:s14] =	ssyncadd.s32 $0xFFFFC000  }
0x63: {  	[tilespmem:s17], [sflag:$0x1] =	stream.indirect.gather [hbm4b:s4+s16], $0x80, s30, s16, $0xb8;
	[tilespmem:$0x1E800] =	vst v63  }
0x64: {  	_ =	swait.ge [sflag:s20], $0x4000  }
0x65: {  	[sflag:s20] =	ssyncset.done $0x0  }
0x66: {  	s31 =	simm.s32 $0x1480;
	[sflag:s20] =	ssyncadd.s32 $0xFFFFC000  }
0x67: {  	[spmem:s1] =	stream.indirect.scatter.add.f32 [tilespmem:s18], [sflag:$0x3], $0x80, s31, s16, $0xb8;
	[tilespmem:$0x1E800] =	vst v63  }
0x68: {  	_ =	swait.ge [sflag:s14], $0x4000  }
0x69: {  	[sflag:s14] =	ssyncset.done $0x0  }
0x6a: {  	s25 =	simm.s32 $0x180;
	s24 =	simm.s32 $0x400;
	[sflag:s14] =	ssyncadd.s32 $0xFFFFC000  }
.LBB2_4:
0x6b: {  	[tilespmem:s18], [sflag:$0x2] =	stream.indirect.gather [hbm4b:s4+s16], $0x80, s25, s16, $0xb8;
	[tilespmem:$0x1E800] =	vst v63  }
0x6c: {  	s25 =	smov.u32 s24  }
0x6d: {  	p0 =	sne.s32 s24, $0x4800;
	s24 =	sadd.s32 $0x400, s24;
	_ =	swait.ge [sflag:s19], $0x4000  }
0x6e: {  	s25 =	sshra.s32 s25, $0x2;
	[sflag:s19] =	ssyncset.done $0x0  }
0x6f: {  	s26 =	sadd.s32 $0x1400, s25;
	[sflag:s19] =	ssyncadd.s32 $0xFFFFC000  }
0x70: {  	[spmem:s1] =	stream.indirect.scatter.add.f32 [tilespmem:s17], [sflag:$0x3], $0x80, s26, s16, $0xb8;
	[tilespmem:$0x1E800] =	vst v63  }
0x71: {  	_ =	swait.ge [sflag:s14], $0x4000  }
0x72: {  	[sflag:s14] =	ssyncset.done $0x0  }
0x73: {  	s26 =	sadd.s32 $0x100, s25;
	[sflag:s14] =	ssyncadd.s32 $0xFFFFC000  }
0x74: {  	[tilespmem:s17], [sflag:$0x1] =	stream.indirect.gather [hbm4b:s4+s16], $0x80, s26, s16, $0xb8;
	[tilespmem:$0x1E800] =	vst v63  }
0x75: {  	_ =	swait.ge [sflag:s20], $0x4000  }
0x76: {  	[sflag:s20] =	ssyncset.done $0x0  }
.Ltmp1:
0x77: {  	s26 =	sadd.s32 $0x1480, s25;
	[sflag:s20] =	ssyncadd.s32 $0xFFFFC000;
	(pc) =	sbr.rel @p0 .LBB2_4-.Ltmp1, $4  }
0x78: {  	[spmem:s1] =	stream.indirect.scatter.add.f32 [tilespmem:s18], [sflag:$0x3], $0x80, s26, s16, $0xb8;
	[tilespmem:$0x1E800] =	vst v63  }
0x79: {  	_ =	swait.ge [sflag:s14], $0x4000  }
0x7a: {  	[sflag:s14] =	ssyncset.done $0x0  }
0x7b: {  	s25 =	sadd.s32 $0x180, s25;
	[sflag:s14] =	ssyncadd.s32 $0xFFFFC000  }
0x7c: {  	[tilespmem:s18], [sflag:$0x2] =	stream.indirect.gather [hbm4b:s4+s16], $0x80, s25, s16, $0xb8;
	[tilespmem:$0x1E800] =	vst v63  }
0x7d: {  	_ =	swait.ge [sflag:s19], $0x4000  }
0x7e: {  	[sflag:s19] =	ssyncset.done $0x0  }
0x7f: {  	[sflag:s19] =	ssyncadd.s32 $0xFFFFC000  }
0x80: {  	[spmem:s1] =	stream.indirect.scatter.add.f32 [tilespmem:s17], [sflag:$0x3], $0x80, s21, s16, $0xb8;
	[tilespmem:$0x1E800] =	vst v63  }
0x81: {  	_ =	swait.ge [sflag:s14], $0x4000  }
0x82: {  	[sflag:s14] =	ssyncset.done $0x0  }
0x83: {  	[sflag:s14] =	ssyncadd.s32 $0xFFFFC000  }
0x84: {  	_ =	swait.ge [sflag:s20], $0x4000  }
0x85: {  	[sflag:s20] =	ssyncset.done $0x0  }
0x86: {  	[sflag:s20] =	ssyncadd.s32 $0xFFFFC000  }
0x87: {  	[spmem:s1] =	stream.indirect.scatter.add.f32 [tilespmem:s18], [sflag:$0x3], $0x80, s22, s16, $0xb8;
	[tilespmem:$0x1E800] =	vst v63  }
0x88: {  	_ =	swait.ge [sflag:s14], $0x4000  }
0x89: {  	s23 =	sadd.s32 $0x1, s23;
	[sflag:s14] =	ssyncset.done $0x0  }
0x8a: {  	p0 =	sne.s32 s23, s12;
	[sflag:s14] =	ssyncadd.s32 $0xFFFFC000  }
.Ltmp2:
0x8b: {  	[bflag:$0x0] =	sbarrier.arrive $0xFFFF;
	(pc) =	sbr.rel @p0 .LBB2_1-.Ltmp2, $4  }
0x8c: {  	[hbm:s11], [sflag:s6] =	dma.local [spmem:s13], $0x2800  }
0x8d: {  	_ =	swait.ge [sflag:s14], $0x2800  }
0x8e: {  	[sflag:s14] =	ssyncset.done $0x0  }
0x8f: {  	[sflag:s14] =	ssyncadd.s32 $0xFFFFD800  }
0x90: {  	_ =	sfence.sel $0x180000  }
0x91: {  	[bflag:$0x0] =	sbarrier.arrive $0xFFFF  }
0x92: {  	p0 =	sne.s32 s2, $0x0;
	_ =	strace $0x90000050  }
0x93: {  	s0 =	sadd.s32 @!p0 $0x100000, s0;
	[bflag:$0x2] =	sbarrier.arrive $0xFFFF  }
0x94: {  	[sflag:s0] =	ssyncadd.tile.s32 @!p0 $0x1;
	_ =	shalt  }
.Lfunc_end2:
_tile_overlayer_lowered:
.L_overlay_start_2:
0x95: {  	(tag) =	ssettag $0x2  }
0x96: {  	s0 =	rddreg [dreg:$0x0];
	s2 =	stileid.u32  }
0x97: {  	s1 =	rddreg [dreg:$0x1];
	p0 =	sne.s32 s2, $0x0  }
0x98: {  	s3 =	rddreg [dreg:$0x2];
	[bflag:$0x3] =	sbarrier.arrive $0xFFFF;
	s2 =	simm.s32 @!p0 $0x1C03  }
0x99: {  	[timem:s3], [sflag:s2] =	dma.local @!p0 [hbm:s0], s1  }
0x9a: {  	s0 =	simm.s32 @!p0 $0x3  }
0x9b: {  	_ =	swait.ge @!p0 [sflag:s0], s1  }
0x9c: {  	s1 =	ssub.s32 @!p0 $0x0, s1;
	[sflag:s0] =	ssyncset.done @!p0 $0x0  }
0x9d: {  	[sflag:s0] =	ssyncadd.s32 @!p0 s1  }
0x9e: {  	[bflag:$0x3] =	sbarrier.arrive $0xFFFF  }
0x9f: {  	_ =	shalt  }

// kernel: kernel.26.cloned.1.call-start
scs
__scs_entry_jumppad:
0x0: {  	(pc) =	sbr.rel $0x88, $3  }
0x1: {  	(tag) =	ssettag $0x0;
	lr =	simm.s32 $0x1  }
0x2: {  	[smem:$0x3F92] =	sst lr;
	_ =	strace $0xD0000000  }
0x3: {  	_ = 	snop  }
0x4: {  	_ = 	snop  }
0x5: {  	_ = 	snop  }
0x6: {  	_ = 	snop  }
0x7: {  	_ = 	snop  }
__scs_overlays_trampoline_lowered:
0x8: {  	[smem:$0x3FA1] =	sst s0  }
0x9: {  	[smem:$0x3FA2] =	sst s1  }
0xa: {  	[smem:$0x3FA3] =	sst s2  }
0xb: {  	[smem:$0x3FA4] =	sst s3  }
0xc: {  	[smem:$0x3FA5] =	sst s4  }
0xd: {  	[smem:$0x3FA6] =	sst s5  }
0xe: {  	[smem:$0x3FA7] =	sst s6  }
0xf: {  	[smem:$0x3FA8] =	sst s7  }
0x10: {  	[smem:$0x3FA9] =	sst s8  }
0x11: {  	[smem:$0x3FAA] =	sst s9;
	s0 =	simm.s32 @!p0 $0x0  }
0x12: {  	s1 =	sld [smem:$0x3F90];
	s0 =	simm.s32 @p0 $0x1  }
0x13: {  	[smem:$0x3FAB] =	sst s0;
	s0 =	simm.s32 @!p1 $0x0  }
0x14: {  	s2 =	sld [smem:$0x3F8F];
	s0 =	simm.s32 @p1 $0x1  }
0x15: {  	[smem:$0x3FAC] =	sst s0;
	s0 =	simm.s32 @!p2 $0x0  }
0x16: {  	s3 =	sld [smem:$0x3FDB];
	s0 =	simm.s32 @p2 $0x1  }
0x17: {  	s4 =	simm.s32 $0x1BF5;
	[smem:$0x3FAE] =	sst s0  }
0x18: {  	s0 =	sld [smem:$0x3F91];
	_ =	swait.ge [sflag:s4], $0x0  }
0x19: {  	s7 =	sld [smem:$0x3F92]  }
0x1a: {  	s8 =	sadd.s32 $0xFFFFE003, lr  }
0x1b: {  	s9 =	sadd.s32 $0xFFFFFEF7, lr;
	s5 =	simm.s32 $0xFFFFFFFF;
	p2 =	slt.u32 s8, $0xFFFFF086  }
0x1c: {  	p1 =	slt.u32 s9, $0xF7A;
	s5 =	simm.s32 @!p2 $0x0  }
0x1d: {  	s5 =	simm.s32 @p1 $0x1;
	p0 =	seq.s32 s7, s2  }
0x1e: {  	s7 =	smul.u32 @!p0 $0xF7A, s2;
	p2 =	seq.s32 @!p0 s5, $0x0  }
0x1f: {  	s9 =	smul.u32 $0xF7A, s1;
	s8 =	simm.s32 @!p0 $0x1BF5;
	p2 =	por !p2, p0  }
0x20: {  	[sflag:s8] =	ssyncset.s32 @!p0 $0xFFFFF086;
	s6 =	sadd.s32 @!p0 s3, s7;
	s7 =	simm.s32 @!p0 $0x108  }
0x21: {  	s3 =	sadd.s32 s3, s9;
	s6 =	sadd.s32 @!p0 $0x88, s6;
	s7 =	simm.s32 @p2 $0x1082  }
0x22: {  	[simem:s7], [sflag:s8] =	dma.local @!p0 [hbm:s6], $0xF7A  }
0x23: {  	s9 =	sor.u32 $0xD0000000, s2;
	s6 =	simm.s32 $0x108;
	_ =	swait.ge @!p0 [sflag:s8], $0x0  }
0x24: {  	s3 =	sadd.s32 $0x88, s3;
	s6 =	simm.s32 @!p1 $0x1082;
	[sflag:s4] =	ssyncset.s32 $0xFFFFF086  }
0x25: {  	[simem:s6], [sflag:s4] =	dma.local [hbm:s3], $0xF7A  }
0x26: {  	[smem:$0x3F92] =	sst s1;
	(tag) =	ssettag s2;
	_ =	strace s9  }
0x27: {  	s1 =	sld [smem:$0x3FA2]  }
0x28: {  	s2 =	sld [smem:$0x3FA3]  }
0x29: {  	s4 =	sld [smem:$0x3FA5]  }
0x2a: {  	p0 =	seq.s32 s5, $0x0;
	s5 =	sld [smem:$0x3FA6]  }
0x2b: {  	s6 =	sld [smem:$0x3FA7]  }
0x2c: {  	s7 =	sld [smem:$0x3FA8]  }
0x2d: {  	s3 =	simm.s32 $0x108;
	s8 =	sld [smem:$0x3FA9]  }
0x2e: {  	s3 =	simm.s32 @!p0 $0x1082;
	s9 =	sld [smem:$0x3FAA]  }
0x2f: {  	lr =	sadd.s32 s0, s3;
	s0 =	sld [smem:$0x3FA1]  }
0x30: {  	s3 =	sld [smem:$0x3FA4]  }
0x31: {  	[smem:$0x3FAD] =	sst s10  }
0x32: {  	s10 =	sld [smem:$0x3FAB];
	_ =	sdelay $0x3  }
0x33: {  	p0 =	seq.s32 s10, $0x1;
	s10 =	sld [smem:$0x3FAD];
	_ =	sdelay $0x3  }
0x34: {  	[smem:$0x3FAD] =	sst s10  }
0x35: {  	s10 =	sld [smem:$0x3FAC];
	_ =	sdelay $0x3  }
0x36: {  	p1 =	seq.s32 s10, $0x1;
	s10 =	sld [smem:$0x3FAD];
	_ =	sdelay $0x3  }
0x37: {  	[smem:$0x3FAD] =	sst s10  }
0x38: {  	s10 =	sld [smem:$0x3FAE]  }
0x39: {  	_ = 	snop;
	(pc) =	sbr.ind lr, $3  }
0x3a: {  	_ = 	snop  }
0x3b: {  	_ = 	snop  }
0x3c: {  	p2 =	seq.s32 s10, $0x1;
	s10 =	sld [smem:$0x3FAD]  }
0x3d: {  	_ =	shalt  }
0x3e: {  	_ =	shalt  }
0x3f: {  	_ =	shalt  }
0x40: {  	_ =	shalt  }
0x41: {  	_ =	shalt  }
0x42: {  	_ =	shalt  }
0x43: {  	_ =	shalt  }
0x44: {  	_ =	shalt  }
0x45: {  	_ =	shalt  }
0x46: {  	_ =	shalt  }
0x47: {  	_ =	shalt  }
0x48: {  	_ =	shalt  }
0x49: {  	_ =	shalt  }
0x4a: {  	_ =	shalt  }
0x4b: {  	_ =	shalt  }
0x4c: {  	_ =	shalt  }
0x4d: {  	_ =	shalt  }
0x4e: {  	_ =	shalt  }
0x4f: {  	_ =	shalt  }
0x50: {  	_ =	shalt  }
0x51: {  	_ =	shalt  }
0x52: {  	_ =	shalt  }
0x53: {  	_ =	shalt  }
0x54: {  	_ =	shalt  }
0x55: {  	_ =	shalt  }
0x56: {  	_ =	shalt  }
0x57: {  	_ =	shalt  }
0x58: {  	_ =	shalt  }
0x59: {  	_ =	shalt  }
0x5a: {  	_ =	shalt  }
0x5b: {  	_ =	shalt  }
0x5c: {  	_ =	shalt  }
0x5d: {  	_ =	shalt  }
0x5e: {  	_ =	shalt  }
0x5f: {  	_ =	shalt  }
0x60: {  	_ =	shalt  }
0x61: {  	_ =	shalt  }
0x62: {  	_ =	shalt  }
0x63: {  	_ =	shalt  }
0x64: {  	_ =	shalt  }
0x65: {  	_ =	shalt  }
0x66: {  	_ =	shalt  }
0x67: {  	_ =	shalt  }
0x68: {  	_ =	shalt  }
0x69: {  	_ =	shalt  }
0x6a: {  	_ =	shalt  }
0x6b: {  	_ =	shalt  }
0x6c: {  	_ =	shalt  }
0x6d: {  	_ =	shalt  }
0x6e: {  	_ =	shalt  }
0x6f: {  	_ =	shalt  }
0x70: {  	_ =	shalt  }
0x71: {  	_ =	shalt  }
0x72: {  	_ =	shalt  }
0x73: {  	_ =	shalt  }
0x74: {  	_ =	shalt  }
0x75: {  	_ =	shalt  }
0x76: {  	_ =	shalt  }
0x77: {  	_ =	shalt  }
0x78: {  	_ =	shalt  }
0x79: {  	_ =	shalt  }
0x7a: {  	_ =	shalt  }
0x7b: {  	_ =	shalt  }
0x7c: {  	_ =	shalt  }
0x7d: {  	_ =	shalt  }
0x7e: {  	_ =	shalt  }
0x7f: {  	_ =	shalt  }
0x80: {  	_ =	shalt  }
0x81: {  	_ =	shalt  }
0x82: {  	_ =	shalt  }
0x83: {  	_ =	shalt  }
0x84: {  	_ =	shalt  }
0x85: {  	_ =	shalt  }
0x86: {  	_ =	shalt  }
0x87: {  	_ =	shalt  }
.Lfunc_end0:
.L_simem_size_0:
called_computation.4_lowered:
.L_overlay_start_0:
0x88: {  	s2 =	sld [smem:$0x3FD9]  }
0x89: {  	s3 =	sld [smem:$0x3FFE];
	_ =	sdelay $0x1  }
0x8a: {  	s1 =	srdreg.scid  }
0x8b: {  	s0 =	sand.u32 $0x1, s1  }
0x8c: {  	s16 =	sshll.u32 s0, $0xA;
	s2 =	sadd.s32 s3, s2  }
0x8d: {  	s2 =	sadd.s32 s2, s16  }
0x8e: {  	[smem:$0x3FB9] =	sst s2  }
0x8f: {  	_ = 	snop  }
0x90: {  	(tm) =	ssettm $0x1  }
0x91: {  	s17 =	sld [smem:$0x3FFB];
	_ =	sdelay $0x3  }
0x92: {  	_ =	strace s17  }
0x93: {  	s2 =	sld [smem:$0x3FFC];
	_ =	sdelay $0x3  }
0x94: {  	_ =	strace s2  }
0x95: {  	s2 =	sld [smem:$0x3FFD];
	_ =	sdelay $0x3  }
0x96: {  	_ =	strace s2  }
0x97: {  	_ =	strace $0x8FFFFFFF  }
0x98: {  	s18 =	sld [smem:$0x3FDB];
	_ =	sdelay $0x1  }
0x99: {  	s19 =	simm.s32 $_scs_section_size  }
0x9a: {  	s4 =	simm.s32 $_size__tile_overlayer_lowered;
	s5 =	simm.s32 $_tile_overlayer_lowered  }
0x9b: {  	s22 =	simm.s32 $0x1BFF;
	s21 =	sshll.u32 s5, $0x1;
	s2 =	sadd.s32 s19, s18  }
0x9c: {  	s6 =	simm.s32 $0x0;
	s20 =	sshll.u32 s4, $0x1;
	s4 =	sadd.s32 s21, s2  }
0x9d: {  	[timem:s6], [sflag:s22] =	dma.local [hbm:s4], s20  }
0x9e: {  	_ =	swait.ge [sflag:s22], s20  }
0x9f: {  	s3 =	ssub.s32 $0x0, s20;
	[sflag:s22] =	ssyncset.done $0x0  }
0xa0: {  	[sflag:s22] =	ssyncadd.s32 s3;
	_ =	sdelay $0x1  }
0xa1: {  	s23 =	simm.s32 $0x1B8B  }
0xa2: {  	_ =	swait.ge [sflag:s23], $0x1  }
0xa3: {  	[sflag:s23] =	ssyncset.done $0x0  }
0xa4: {  	s25 =	simm.s32 $0x1B8E;
	s24 =	sld [smem:$0x3FFE];
	[sflag:s23] =	ssyncadd.s32 $0xFFFFFFFF  }
0xa5: {  	s26 =	simm.s32 $execute0_lowered;
	[smem:$0x3FD2] =	sst s25  }
0xa6: {  	s4 =	sshll.u32 s26, $0x1;
	_ =	strace $0x80000052;
	[dreg:$0x1] =	wrdreg $0xFFFFFFFF  }
0xa7: {  	s28 =	simm.s32 $_size_execute0_lowered;
	s2 =	sadd.s32 s2, s4;
	[dreg:$0x0] =	wrdreg $0x0  }
0xa8: {  	s4 =	sshll.u32 s28, $0x1;
	[dreg:$0x2] =	wrdreg s2  }
0xa9: {  	[dreg:$0x3] =	wrdreg s4  }
0xaa: {  	[dreg:$0x4] =	wrdreg $0xC0  }
0xab: {  	_ =	task [dreg:s6], $0x5FFFF  }
0xac: {  	[dreg:$0x1] =	wrdreg $0xFFFFFFFF  }
0xad: {  	[dreg:$0x0] =	wrdreg $0x60  }
0xae: {  	[dreg:$0x2] =	wrdreg s24  }
0xaf: {  	[dreg:$0x3] =	wrdreg $0xA8000  }
0xb0: {  	[dreg:$0x4] =	wrdreg $0x9  }
0xb1: {  	_ =	task.clear_ibuf [dreg:s6], $0x5FFFF;
	_ =	strace $0x90000052  }
0xb2: {  	s29 =	simm.s32 $0x9;
	_ =	strace $0x80000054  }
0xb3: {  	_ =	swait.ge [sflag:s29], $0x1  }
0xb4: {  	[sflag:s29] =	ssyncadd.s32 $0xFFFFFFFF  }
0xb5: {  	_ =	strace $0x90000054  }
0xb6: {  	_ =	sfence  }
0xb7: {  	s30 =	sld [smem:$0x0];
	_ =	sdelay $0x2  }
0xb8: {  	s31 =	sshll.u32 s1, $0xD;
	s1 =	sshrl.u32 s1, $0x2  }
0xb9: {  	s3 =	sand.u32 $0x4000, s31;
	s1 =	sadd.s32 s1, s30  }
0xba: {  	s0 =	sor.u32 s3, s0;
	s1 =	sshll.u32 s1, $0x11  }
0xbb: {  	s0 =	sor.u32 s1, s0  }
0xbc: {  	s0 =	sadd.s32 $0x8F2B, s0  }
0xbd: {  	[sflag:s0] =	ssyncadd.remote.s32 $0x1  }
0xbe: {  	_ =	sfence.sel $0xFFFF  }
0xbf: {  	[dreg:$0x0] =	wrdreg $0xFFFFFFFF;
	(pc) =	sbr.abs _section_cstart, $3  }
0xc0: {  	[dreg:$0x1] =	wrdreg $0xFFFFFFFF  }
0xc1: {  	_ =	task.clear_ibuf [dreg:s6], $0x2FFFF;
	_ =	strace $0x9FFFFFFF  }
0xc2: {  	(tm) =	ssettm $0x7FFFFFFF  }
0xc3: {  	_ =	shalt  }
tec
execute0_lowered:
.L_overlay_start_1:
0x0: {  	(tag) =	ssettag $0x1  }
0x1: {  	s6 =	rddreg [dreg:$0x0]  }
0x2: {  	s1 =	rddreg [dreg:$0x1];
	s2 =	srdreg.scid  }
0x3: {  	s0 =	rddreg [dreg:$0x2];
	s3 =	simm.s32 $0x0;
	s16 =	simm.s32 $0x80  }
0x4: {  	s17 =	simm.s32 $0x2800;
	s18 =	simm.s32 $0x6800;
	s19 =	simm.s32 $0x1  }
0x5: {  	s20 =	simm.s32 $0x2;
	s21 =	simm.s32 $0x2700;
	s22 =	simm.s32 $0x2780  }
0x6: {  	s23 =	simm.s32 $0x0;
	s7 =	sand.u32 $0x1, s2;
	s2 =	stileid.u32  }
0x7: {  	[smem:$0x7FF] =	sst s3;
	s4 =	sadd.s32 $0x11E00, s6;
	s5 =	smul.u32 $0x140000, s7  }
0x8: {  	s9 =	sadd.s32 $0x62600, s6;
	s10 =	sadd.s32 $0x5600, s6;
	s8 =	smul.u32 $0x14000, s2  }
0x9: {  	_ =	strace $0x80000053;
	s11 =	sshll.u32 s7, $0x4;
	s7 =	ssub.s32 $0x2, s7  }
0xa: {  	s12 =	smul.u32 $0x50000, s2;
	s31 =	sshll.u32 s2, $0x6;
	s11 =	sor.u32 s2, s11  }
0xb: {  	s28 =	sshrl.u32 s7, $0x1;
	s8 =	sadd.s32 s8, s5;
	s5 =	sadd.s32 $0xF600, s6  }
0xc: {  	s29 =	smul.u32 $0x2800, s11;
	s14 =	ssub.s32 s7, s28;
	s30 =	sshrl.u32 s12, $0x2  }
0xd: {  	s8 =	sshrl.u32 s8, $0x3;
	s15 =	sadd.s32 s30, s1;
	s12 =	smax.u32 s14, $0x1  }
0xe: {  	s14 =	simm.s32 $0x3;
	s13 =	sadd.s32 s8, s6;
	s11 =	sshrl.u32 s29, $0x3  }
0xf: {  	s7 =	sadd.s32 s9, s11;
	s8 =	sadd.s32 s10, s11;
	s11 =	sadd.s32 $0x280, s11  }
0x10: {  	s6 =	sor.u32 $0x1C03, s31;
	s9 =	sadd.s32 s9, s11;
	s10 =	sadd.s32 s10, s11  }
0x11: {  	s11 =	sadd.s32 $0x6C600, s13;
	s13 =	sshrl.u32 s15, $0x3;
	s15 =	simm.s32 $0x1400  }
.LBB2_1:
0x12: {  	[spmem:s13], [sflag:s6] =	dma.local [hbm:s5], $0x2800  }
0x13: {  	_ =	swait.ge [sflag:s14], $0x2800  }
0x14: {  	[sflag:s14] =	ssyncset.done $0x0  }
0x15: {  	[sflag:s14] =	ssyncadd.s32 $0xFFFFD800  }
0x16: {  	[bflag:$0x0] =	sbarrier.arrive $0xFFFF  }
0x17: {  	[tilespmem:s3], [sflag:$0x3] =	stream.linear.gather [hbm4b:s7+s3], $0x1400, $0x38;
	[tilespmem:$0x1E800] =	vst v63  }
0x18: {  	_ =	swait.ge [sflag:s14], $0x1400  }
0x19: {  	[sflag:s14] =	ssyncset.done $0x0  }
0x1a: {  	[sflag:s14] =	ssyncadd.s32 $0xFFFFEC00  }
0x1b: {  	[tilespmem:s15], [sflag:$0x3] =	stream.linear.gather [hbm4b:s8+s3], $0x1400, $0x38;
	[tilespmem:$0x1E800] =	vst v63  }
0x1c: {  	_ =	swait.ge [sflag:s14], $0x1400  }
0x1d: {  	[sflag:s14] =	ssyncset.done $0x0  }
0x1e: {  	[sflag:s14] =	ssyncadd.s32 $0xFFFFEC00  }
0x1f: {  	[tilespmem:s17], [sflag:$0x1] =	stream.indirect.gather [hbm4b:s4+s16], $0x80, s3, s16, $0xb8;
	[tilespmem:$0x1E800] =	vst v63  }
0x20: {  	_ = 	snop  }
0x21: {  	[tilespmem:s18], [sflag:$0x2] =	stream.indirect.gather [hbm4b:s4+s16], $0x80, s16, s16, $0xb8;
	[tilespmem:$0x1E800] =	vst v63  }
0x22: {  	_ =	swait.ge [sflag:s19], $0x4000  }
0x23: {  	[sflag:s19] =	ssyncset.done $0x0  }
0x24: {  	s24 =	simm.s32 $0x1400;
	[sflag:s19] =	ssyncadd.s32 $0xFFFFC000  }
0x25: {  	[spmem:s1] =	stream.indirect.scatter.add.f32 [tilespmem:s17], [sflag:$0x3], $0x80, s24, s16, $0xb8;
	[tilespmem:$0x1E800] =	vst v63  }
0x26: {  	_ =	swait.ge [sflag:s14], $0x4000  }
0x27: {  	[sflag:s14] =	ssyncset.done $0x0  }
0x28: {  	s30 =	simm.s32 $0x100;
	[sflag:s14] =	ssyncadd.s32 $0xFFFFC000  }
0x29: {  	[tilespmem:s17], [sflag:$0x1] =	stream.indirect.gather [hbm4b:s4+s16], $0x80, s30, s16, $0xb8;
	[tilespmem:$0x1E800] =	vst v63  }
0x2a: {  	_ =	swait.ge [sflag:s20], $0x4000  }
0x2b: {  	[sflag:s20] =	ssyncset.done $0x0  }
0x2c: {  	s31 =	simm.s32 $0x1480;
	[sflag:s20] =	ssyncadd.s32 $0xFFFFC000  }
0x2d: {  	[spmem:s1] =	stream.indirect.scatter.add.f32 [tilespmem:s18], [sflag:$0x3], $0x80, s31, s16, $0xb8;
	[tilespmem:$0x1E800] =	vst v63  }
0x2e: {  	_ =	swait.ge [sflag:s14], $0x4000  }
0x2f: {  	[sflag:s14] =	ssyncset.done $0x0  }
0x30: {  	s25 =	simm.s32 $0x180;
	s24 =	simm.s32 $0x400;
	[sflag:s14] =	ssyncadd.s32 $0xFFFFC000  }
.LBB2_2:
0x31: {  	[tilespmem:s18], [sflag:$0x2] =	stream.indirect.gather [hbm4b:s4+s16], $0x80, s25, s16, $0xb8;
	[tilespmem:$0x1E800] =	vst v63  }
0x32: {  	s25 =	smov.u32 s24  }
0x33: {  	p0 =	sne.s32 s24, $0x4800;
	s24 =	sadd.s32 $0x400, s24;
	_ =	swait.ge [sflag:s19], $0x4000  }
0x34: {  	s25 =	sshra.s32 s25, $0x2;
	[sflag:s19] =	ssyncset.done $0x0  }
0x35: {  	s26 =	sadd.s32 $0x1400, s25;
	[sflag:s19] =	ssyncadd.s32 $0xFFFFC000  }
0x36: {  	[spmem:s1] =	stream.indirect.scatter.add.f32 [tilespmem:s17], [sflag:$0x3], $0x80, s26, s16, $0xb8;
	[tilespmem:$0x1E800] =	vst v63  }
0x37: {  	_ =	swait.ge [sflag:s14], $0x4000  }
0x38: {  	[sflag:s14] =	ssyncset.done $0x0  }
0x39: {  	s26 =	sadd.s32 $0x100, s25;
	[sflag:s14] =	ssyncadd.s32 $0xFFFFC000  }
0x3a: {  	[tilespmem:s17], [sflag:$0x1] =	stream.indirect.gather [hbm4b:s4+s16], $0x80, s26, s16, $0xb8;
	[tilespmem:$0x1E800] =	vst v63  }
0x3b: {  	_ =	swait.ge [sflag:s20], $0x4000  }
0x3c: {  	[sflag:s20] =	ssyncset.done $0x0  }
.Ltmp0:
0x3d: {  	s26 =	sadd.s32 $0x1480, s25;
	[sflag:s20] =	ssyncadd.s32 $0xFFFFC000;
	(pc) =	sbr.rel @p0 .LBB2_2-.Ltmp0, $4  }
0x3e: {  	[spmem:s1] =	stream.indirect.scatter.add.f32 [tilespmem:s18], [sflag:$0x3], $0x80, s26, s16, $0xb8;
	[tilespmem:$0x1E800] =	vst v63  }
0x3f: {  	_ =	swait.ge [sflag:s14], $0x4000  }
0x40: {  	[sflag:s14] =	ssyncset.done $0x0  }
0x41: {  	s25 =	sadd.s32 $0x180, s25;
	[sflag:s14] =	ssyncadd.s32 $0xFFFFC000  }
0x42: {  	[tilespmem:s18], [sflag:$0x2] =	stream.indirect.gather [hbm4b:s4+s16], $0x80, s25, s16, $0xb8;
	[tilespmem:$0x1E800] =	vst v63  }
0x43: {  	_ =	swait.ge [sflag:s19], $0x4000  }
0x44: {  	[sflag:s19] =	ssyncset.done $0x0  }
0x45: {  	[sflag:s19] =	ssyncadd.s32 $0xFFFFC000  }
0x46: {  	[spmem:s1] =	stream.indirect.scatter.add.f32 [tilespmem:s17], [sflag:$0x3], $0x80, s21, s16, $0xb8;
	[tilespmem:$0x1E800] =	vst v63  }
0x47: {  	_ =	swait.ge [sflag:s14], $0x4000  }
0x48: {  	[sflag:s14] =	ssyncset.done $0x0  }
0x49: {  	[sflag:s14] =	ssyncadd.s32 $0xFFFFC000  }
0x4a: {  	_ =	swait.ge [sflag:s20], $0x4000  }
0x4b: {  	[sflag:s20] =	ssyncset.done $0x0  }
0x4c: {  	[sflag:s20] =	ssyncadd.s32 $0xFFFFC000  }
0x4d: {  	[spmem:s1] =	stream.indirect.scatter.add.f32 [tilespmem:s18], [sflag:$0x3], $0x80, s22, s16, $0xb8;
	[tilespmem:$0x1E800] =	vst v63  }
0x4e: {  	_ =	swait.ge [sflag:s14], $0x4000  }
0x4f: {  	[sflag:s14] =	ssyncset.done $0x0  }
0x50: {  	s24 =	simm.s32 $0x0;
	[sflag:s14] =	ssyncadd.s32 $0xFFFFC000  }
0x51: {  	[tilespmem:s24], [sflag:$0x3] =	stream.linear.gather [hbm4b:s9+s24], $0x1400, $0x38;
	[tilespmem:$0x1E800] =	vst v63  }
0x52: {  	_ =	swait.ge [sflag:s14], $0x1400  }
0x53: {  	[sflag:s14] =	ssyncset.done $0x0  }
0x54: {  	[sflag:s14] =	ssyncadd.s32 $0xFFFFEC00  }
0x55: {  	[tilespmem:s15], [sflag:$0x3] =	stream.linear.gather [hbm4b:s10+s24], $0x1400, $0x38;
	[tilespmem:$0x1E800] =	vst v63  }
0x56: {  	_ =	swait.ge [sflag:s14], $0x1400  }
0x57: {  	[sflag:s14] =	ssyncset.done $0x0  }
0x58: {  	[sflag:s14] =	ssyncadd.s32 $0xFFFFEC00  }
0x59: {  	[tilespmem:s17], [sflag:$0x1] =	stream.indirect.gather [hbm4b:s4+s16], $0x80, s24, s16, $0xb8;
	[tilespmem:$0x1E800] =	vst v63  }
0x5a: {  	_ = 	snop  }
0x5b: {  	[tilespmem:s18], [sflag:$0x2] =	stream.indirect.gather [hbm4b:s4+s16], $0x80, s16, s16, $0xb8;
	[tilespmem:$0x1E800] =	vst v63  }
0x5c: {  	_ =	swait.ge [sflag:s19], $0x4000  }
0x5d: {  	[sflag:s19] =	ssyncset.done $0x0  }
0x5e: {  	s29 =	simm.s32 $0x1400;
	[sflag:s19] =	ssyncadd.s32 $0xFFFFC000  }
0x5f: {  	[spmem:s1] =	stream.indirect.scatter.add.f32 [tilespmem:s17], [sflag:$0x3], $0x80, s29, s16, $0xb8;
	[tilespmem:$0x1E800] =	vst v63  }
0x60: {  	_ =	swait.ge [sflag:s14], $0x4000  }
0x61: {  	[sflag:s14] =	ssyncset.done $0x0  }
0x62: {  	s30 =	simm.s32 $0x100;
	[sflag:s14] =	ssyncadd.s32 $0xFFFFC000  }
0x63: {  	[tilespmem:s17], [sflag:$0x1] =	stream.indirect.gather [hbm4b:s4+s16], $0x80, s30, s16, $0xb8;
	[tilespmem:$0x1E800] =	vst v63  }
0x64: {  	_ =	swait.ge [sflag:s20], $0x4000  }
0x65: {  	[sflag:s20] =	ssyncset.done $0x0  }
0x66: {  	s31 =	simm.s32 $0x1480;
	[sflag:s20] =	ssyncadd.s32 $0xFFFFC000  }
0x67: {  	[spmem:s1] =	stream.indirect.scatter.add.f32 [tilespmem:s18], [sflag:$0x3], $0x80, s31, s16, $0xb8;
	[tilespmem:$0x1E800] =	vst v63  }
0x68: {  	_ =	swait.ge [sflag:s14], $0x4000  }
0x69: {  	[sflag:s14] =	ssyncset.done $0x0  }
0x6a: {  	s25 =	simm.s32 $0x180;
	s24 =	simm.s32 $0x400;
	[sflag:s14] =	ssyncadd.s32 $0xFFFFC000  }
.LBB2_4:
0x6b: {  	[tilespmem:s18], [sflag:$0x2] =	stream.indirect.gather [hbm4b:s4+s16], $0x80, s25, s16, $0xb8;
	[tilespmem:$0x1E800] =	vst v63  }
0x6c: {  	s25 =	smov.u32 s24  }
0x6d: {  	p0 =	sne.s32 s24, $0x4800;
	s24 =	sadd.s32 $0x400, s24;
	_ =	swait.ge [sflag:s19], $0x4000  }
0x6e: {  	s25 =	sshra.s32 s25, $0x2;
	[sflag:s19] =	ssyncset.done $0x0  }
0x6f: {  	s26 =	sadd.s32 $0x1400, s25;
	[sflag:s19] =	ssyncadd.s32 $0xFFFFC000  }
0x70: {  	[spmem:s1] =	stream.indirect.scatter.add.f32 [tilespmem:s17], [sflag:$0x3], $0x80, s26, s16, $0xb8;
	[tilespmem:$0x1E800] =	vst v63  }
0x71: {  	_ =	swait.ge [sflag:s14], $0x4000  }
0x72: {  	[sflag:s14] =	ssyncset.done $0x0  }
0x73: {  	s26 =	sadd.s32 $0x100, s25;
	[sflag:s14] =	ssyncadd.s32 $0xFFFFC000  }
0x74: {  	[tilespmem:s17], [sflag:$0x1] =	stream.indirect.gather [hbm4b:s4+s16], $0x80, s26, s16, $0xb8;
	[tilespmem:$0x1E800] =	vst v63  }
0x75: {  	_ =	swait.ge [sflag:s20], $0x4000  }
0x76: {  	[sflag:s20] =	ssyncset.done $0x0  }
.Ltmp1:
0x77: {  	s26 =	sadd.s32 $0x1480, s25;
	[sflag:s20] =	ssyncadd.s32 $0xFFFFC000;
	(pc) =	sbr.rel @p0 .LBB2_4-.Ltmp1, $4  }
0x78: {  	[spmem:s1] =	stream.indirect.scatter.add.f32 [tilespmem:s18], [sflag:$0x3], $0x80, s26, s16, $0xb8;
	[tilespmem:$0x1E800] =	vst v63  }
0x79: {  	_ =	swait.ge [sflag:s14], $0x4000  }
0x7a: {  	[sflag:s14] =	ssyncset.done $0x0  }
0x7b: {  	s25 =	sadd.s32 $0x180, s25;
	[sflag:s14] =	ssyncadd.s32 $0xFFFFC000  }
0x7c: {  	[tilespmem:s18], [sflag:$0x2] =	stream.indirect.gather [hbm4b:s4+s16], $0x80, s25, s16, $0xb8;
	[tilespmem:$0x1E800] =	vst v63  }
0x7d: {  	_ =	swait.ge [sflag:s19], $0x4000  }
0x7e: {  	[sflag:s19] =	ssyncset.done $0x0  }
0x7f: {  	[sflag:s19] =	ssyncadd.s32 $0xFFFFC000  }
0x80: {  	[spmem:s1] =	stream.indirect.scatter.add.f32 [tilespmem:s17], [sflag:$0x3], $0x80, s21, s16, $0xb8;
	[tilespmem:$0x1E800] =	vst v63  }
0x81: {  	_ =	swait.ge [sflag:s14], $0x4000  }
0x82: {  	[sflag:s14] =	ssyncset.done $0x0  }
0x83: {  	[sflag:s14] =	ssyncadd.s32 $0xFFFFC000  }
0x84: {  	_ =	swait.ge [sflag:s20], $0x4000  }
0x85: {  	[sflag:s20] =	ssyncset.done $0x0  }
0x86: {  	[sflag:s20] =	ssyncadd.s32 $0xFFFFC000  }
0x87: {  	[spmem:s1] =	stream.indirect.scatter.add.f32 [tilespmem:s18], [sflag:$0x3], $0x80, s22, s16, $0xb8;
	[tilespmem:$0x1E800] =	vst v63  }
0x88: {  	_ =	swait.ge [sflag:s14], $0x4000  }
0x89: {  	s23 =	sadd.s32 $0x1, s23;
	[sflag:s14] =	ssyncset.done $0x0  }
0x8a: {  	p0 =	sne.s32 s23, s12;
	[sflag:s14] =	ssyncadd.s32 $0xFFFFC000  }
.Ltmp2:
0x8b: {  	[bflag:$0x0] =	sbarrier.arrive $0xFFFF;
	(pc) =	sbr.rel @p0 .LBB2_1-.Ltmp2, $4  }
0x8c: {  	[hbm:s11], [sflag:s6] =	dma.local [spmem:s13], $0x2800  }
0x8d: {  	_ =	swait.ge [sflag:s14], $0x2800  }
0x8e: {  	[sflag:s14] =	ssyncset.done $0x0  }
0x8f: {  	[sflag:s14] =	ssyncadd.s32 $0xFFFFD800  }
0x90: {  	_ =	sfence.sel $0x180000  }
0x91: {  	[bflag:$0x0] =	sbarrier.arrive $0xFFFF  }
0x92: {  	p0 =	sne.s32 s2, $0x0;
	_ =	strace $0x90000053  }
0x93: {  	s0 =	sadd.s32 @!p0 $0x100000, s0;
	[bflag:$0x2] =	sbarrier.arrive $0xFFFF  }
0x94: {  	[sflag:s0] =	ssyncadd.tile.s32 @!p0 $0x1;
	_ =	shalt  }
.Lfunc_end2:
_tile_overlayer_lowered:
.L_overlay_start_2:
0x95: {  	(tag) =	ssettag $0x2  }
0x96: {  	s0 =	rddreg [dreg:$0x0];
	s2 =	stileid.u32  }
0x97: {  	s1 =	rddreg [dreg:$0x1];
	p0 =	sne.s32 s2, $0x0  }
0x98: {  	s3 =	rddreg [dreg:$0x2];
	[bflag:$0x3] =	sbarrier.arrive $0xFFFF;
	s2 =	simm.s32 @!p0 $0x1C03  }
0x99: {  	[timem:s3], [sflag:s2] =	dma.local @!p0 [hbm:s0], s1  }
0x9a: {  	s0 =	simm.s32 @!p0 $0x3  }
0x9b: {  	_ =	swait.ge @!p0 [sflag:s0], s1  }
0x9c: {  	s1 =	ssub.s32 @!p0 $0x0, s1;
	[sflag:s0] =	ssyncset.done @!p0 $0x0  }
0x9d: {  	[sflag:s0] =	ssyncadd.s32 @!p0 s1  }
0x9e: {  	[bflag:$0x3] =	sbarrier.arrive $0xFFFF  }
0x9f: {  	_ =	shalt  }

// kernel: kernel.29.cloned.1.call-start
scs
__scs_entry_jumppad:
0x0: {  	(pc) =	sbr.rel $0x88, $3  }
0x1: {  	(tag) =	ssettag $0x0;
	lr =	simm.s32 $0x1  }
0x2: {  	[smem:$0x3F92] =	sst lr;
	_ =	strace $0xD0000000  }
0x3: {  	_ = 	snop  }
0x4: {  	_ = 	snop  }
0x5: {  	_ = 	snop  }
0x6: {  	_ = 	snop  }
0x7: {  	_ = 	snop  }
__scs_overlays_trampoline_lowered:
0x8: {  	[smem:$0x3FA1] =	sst s0  }
0x9: {  	[smem:$0x3FA2] =	sst s1  }
0xa: {  	[smem:$0x3FA3] =	sst s2  }
0xb: {  	[smem:$0x3FA4] =	sst s3  }
0xc: {  	[smem:$0x3FA5] =	sst s4  }
0xd: {  	[smem:$0x3FA6] =	sst s5  }
0xe: {  	[smem:$0x3FA7] =	sst s6  }
0xf: {  	[smem:$0x3FA8] =	sst s7  }
0x10: {  	[smem:$0x3FA9] =	sst s8  }
0x11: {  	[smem:$0x3FAA] =	sst s9;
	s0 =	simm.s32 @!p0 $0x0  }
0x12: {  	s1 =	sld [smem:$0x3F90];
	s0 =	simm.s32 @p0 $0x1  }
0x13: {  	[smem:$0x3FAB] =	sst s0;
	s0 =	simm.s32 @!p1 $0x0  }
0x14: {  	s2 =	sld [smem:$0x3F8F];
	s0 =	simm.s32 @p1 $0x1  }
0x15: {  	[smem:$0x3FAC] =	sst s0;
	s0 =	simm.s32 @!p2 $0x0  }
0x16: {  	s3 =	sld [smem:$0x3FDB];
	s0 =	simm.s32 @p2 $0x1  }
0x17: {  	s4 =	simm.s32 $0x1BF5;
	[smem:$0x3FAE] =	sst s0  }
0x18: {  	s0 =	sld [smem:$0x3F91];
	_ =	swait.ge [sflag:s4], $0x0  }
0x19: {  	s7 =	sld [smem:$0x3F92]  }
0x1a: {  	s8 =	sadd.s32 $0xFFFFE003, lr  }
0x1b: {  	s9 =	sadd.s32 $0xFFFFFEF7, lr;
	s5 =	simm.s32 $0xFFFFFFFF;
	p2 =	slt.u32 s8, $0xFFFFF086  }
0x1c: {  	p1 =	slt.u32 s9, $0xF7A;
	s5 =	simm.s32 @!p2 $0x0  }
0x1d: {  	s5 =	simm.s32 @p1 $0x1;
	p0 =	seq.s32 s7, s2  }
0x1e: {  	s7 =	smul.u32 @!p0 $0xF7A, s2;
	p2 =	seq.s32 @!p0 s5, $0x0  }
0x1f: {  	s9 =	smul.u32 $0xF7A, s1;
	s8 =	simm.s32 @!p0 $0x1BF5;
	p2 =	por !p2, p0  }
0x20: {  	[sflag:s8] =	ssyncset.s32 @!p0 $0xFFFFF086;
	s6 =	sadd.s32 @!p0 s3, s7;
	s7 =	simm.s32 @!p0 $0x108  }
0x21: {  	s3 =	sadd.s32 s3, s9;
	s6 =	sadd.s32 @!p0 $0x88, s6;
	s7 =	simm.s32 @p2 $0x1082  }
0x22: {  	[simem:s7], [sflag:s8] =	dma.local @!p0 [hbm:s6], $0xF7A  }
0x23: {  	s9 =	sor.u32 $0xD0000000, s2;
	s6 =	simm.s32 $0x108;
	_ =	swait.ge @!p0 [sflag:s8], $0x0  }
0x24: {  	s3 =	sadd.s32 $0x88, s3;
	s6 =	simm.s32 @!p1 $0x1082;
	[sflag:s4] =	ssyncset.s32 $0xFFFFF086  }
0x25: {  	[simem:s6], [sflag:s4] =	dma.local [hbm:s3], $0xF7A  }
0x26: {  	[smem:$0x3F92] =	sst s1;
	(tag) =	ssettag s2;
	_ =	strace s9  }
0x27: {  	s1 =	sld [smem:$0x3FA2]  }
0x28: {  	s2 =	sld [smem:$0x3FA3]  }
0x29: {  	s4 =	sld [smem:$0x3FA5]  }
0x2a: {  	p0 =	seq.s32 s5, $0x0;
	s5 =	sld [smem:$0x3FA6]  }
0x2b: {  	s6 =	sld [smem:$0x3FA7]  }
0x2c: {  	s7 =	sld [smem:$0x3FA8]  }
0x2d: {  	s3 =	simm.s32 $0x108;
	s8 =	sld [smem:$0x3FA9]  }
0x2e: {  	s3 =	simm.s32 @!p0 $0x1082;
	s9 =	sld [smem:$0x3FAA]  }
0x2f: {  	lr =	sadd.s32 s0, s3;
	s0 =	sld [smem:$0x3FA1]  }
0x30: {  	s3 =	sld [smem:$0x3FA4]  }
0x31: {  	[smem:$0x3FAD] =	sst s10  }
0x32: {  	s10 =	sld [smem:$0x3FAB];
	_ =	sdelay $0x3  }
0x33: {  	p0 =	seq.s32 s10, $0x1;
	s10 =	sld [smem:$0x3FAD];
	_ =	sdelay $0x3  }
0x34: {  	[smem:$0x3FAD] =	sst s10  }
0x35: {  	s10 =	sld [smem:$0x3FAC];
	_ =	sdelay $0x3  }
0x36: {  	p1 =	seq.s32 s10, $0x1;
	s10 =	sld [smem:$0x3FAD];
	_ =	sdelay $0x3  }
0x37: {  	[smem:$0x3FAD] =	sst s10  }
0x38: {  	s10 =	sld [smem:$0x3FAE]  }
0x39: {  	_ = 	snop;
	(pc) =	sbr.ind lr, $3  }
0x3a: {  	_ = 	snop  }
0x3b: {  	_ = 	snop  }
0x3c: {  	p2 =	seq.s32 s10, $0x1;
	s10 =	sld [smem:$0x3FAD]  }
0x3d: {  	_ =	shalt  }
0x3e: {  	_ =	shalt  }
0x3f: {  	_ =	shalt  }
0x40: {  	_ =	shalt  }
0x41: {  	_ =	shalt  }
0x42: {  	_ =	shalt  }
0x43: {  	_ =	shalt  }
0x44: {  	_ =	shalt  }
0x45: {  	_ =	shalt  }
0x46: {  	_ =	shalt  }
0x47: {  	_ =	shalt  }
0x48: {  	_ =	shalt  }
0x49: {  	_ =	shalt  }
0x4a: {  	_ =	shalt  }
0x4b: {  	_ =	shalt  }
0x4c: {  	_ =	shalt  }
0x4d: {  	_ =	shalt  }
0x4e: {  	_ =	shalt  }
0x4f: {  	_ =	shalt  }
0x50: {  	_ =	shalt  }
0x51: {  	_ =	shalt  }
0x52: {  	_ =	shalt  }
0x53: {  	_ =	shalt  }
0x54: {  	_ =	shalt  }
0x55: {  	_ =	shalt  }
0x56: {  	_ =	shalt  }
0x57: {  	_ =	shalt  }
0x58: {  	_ =	shalt  }
0x59: {  	_ =	shalt  }
0x5a: {  	_ =	shalt  }
0x5b: {  	_ =	shalt  }
0x5c: {  	_ =	shalt  }
0x5d: {  	_ =	shalt  }
0x5e: {  	_ =	shalt  }
0x5f: {  	_ =	shalt  }
0x60: {  	_ =	shalt  }
0x61: {  	_ =	shalt  }
0x62: {  	_ =	shalt  }
0x63: {  	_ =	shalt  }
0x64: {  	_ =	shalt  }
0x65: {  	_ =	shalt  }
0x66: {  	_ =	shalt  }
0x67: {  	_ =	shalt  }
0x68: {  	_ =	shalt  }
0x69: {  	_ =	shalt  }
0x6a: {  	_ =	shalt  }
0x6b: {  	_ =	shalt  }
0x6c: {  	_ =	shalt  }
0x6d: {  	_ =	shalt  }
0x6e: {  	_ =	shalt  }
0x6f: {  	_ =	shalt  }
0x70: {  	_ =	shalt  }
0x71: {  	_ =	shalt  }
0x72: {  	_ =	shalt  }
0x73: {  	_ =	shalt  }
0x74: {  	_ =	shalt  }
0x75: {  	_ =	shalt  }
0x76: {  	_ =	shalt  }
0x77: {  	_ =	shalt  }
0x78: {  	_ =	shalt  }
0x79: {  	_ =	shalt  }
0x7a: {  	_ =	shalt  }
0x7b: {  	_ =	shalt  }
0x7c: {  	_ =	shalt  }
0x7d: {  	_ =	shalt  }
0x7e: {  	_ =	shalt  }
0x7f: {  	_ =	shalt  }
0x80: {  	_ =	shalt  }
0x81: {  	_ =	shalt  }
0x82: {  	_ =	shalt  }
0x83: {  	_ =	shalt  }
0x84: {  	_ =	shalt  }
0x85: {  	_ =	shalt  }
0x86: {  	_ =	shalt  }
0x87: {  	_ =	shalt  }
.Lfunc_end0:
.L_simem_size_0:
called_computation.5_lowered:
.L_overlay_start_0:
0x88: {  	s2 =	sld [smem:$0x3FD9]  }
0x89: {  	s3 =	sld [smem:$0x3FFE];
	_ =	sdelay $0x1  }
0x8a: {  	s1 =	srdreg.scid  }
0x8b: {  	s0 =	sand.u32 $0x1, s1  }
0x8c: {  	s16 =	sshll.u32 s0, $0xA;
	s2 =	sadd.s32 s3, s2  }
0x8d: {  	s2 =	sadd.s32 s2, s16  }
0x8e: {  	[smem:$0x3FB9] =	sst s2  }
0x8f: {  	_ = 	snop  }
0x90: {  	(tm) =	ssettm $0x1  }
0x91: {  	s17 =	sld [smem:$0x3FFB];
	_ =	sdelay $0x3  }
0x92: {  	_ =	strace s17  }
0x93: {  	s2 =	sld [smem:$0x3FFC];
	_ =	sdelay $0x3  }
0x94: {  	_ =	strace s2  }
0x95: {  	s2 =	sld [smem:$0x3FFD];
	_ =	sdelay $0x3  }
0x96: {  	_ =	strace s2  }
0x97: {  	_ =	strace $0x8FFFFFFF  }
0x98: {  	s18 =	sld [smem:$0x3FDB];
	_ =	sdelay $0x1  }
0x99: {  	s19 =	simm.s32 $_scs_section_size  }
0x9a: {  	s4 =	simm.s32 $_size__tile_overlayer_lowered;
	s5 =	simm.s32 $_tile_overlayer_lowered  }
0x9b: {  	s22 =	simm.s32 $0x1BFF;
	s21 =	sshll.u32 s5, $0x1;
	s2 =	sadd.s32 s19, s18  }
0x9c: {  	s6 =	simm.s32 $0x0;
	s20 =	sshll.u32 s4, $0x1;
	s4 =	sadd.s32 s21, s2  }
0x9d: {  	[timem:s6], [sflag:s22] =	dma.local [hbm:s4], s20  }
0x9e: {  	_ =	swait.ge [sflag:s22], s20  }
0x9f: {  	s3 =	ssub.s32 $0x0, s20;
	[sflag:s22] =	ssyncset.done $0x0  }
0xa0: {  	[sflag:s22] =	ssyncadd.s32 s3;
	_ =	sdelay $0x1  }
0xa1: {  	s23 =	simm.s32 $0x1B8B  }
0xa2: {  	_ =	swait.ge [sflag:s23], $0x1  }
0xa3: {  	[sflag:s23] =	ssyncset.done $0x0  }
0xa4: {  	s25 =	simm.s32 $0x1B8E;
	s24 =	sld [smem:$0x3FFE];
	[sflag:s23] =	ssyncadd.s32 $0xFFFFFFFF  }
0xa5: {  	s26 =	simm.s32 $execute0_lowered;
	[smem:$0x3FD2] =	sst s25  }
0xa6: {  	s4 =	sshll.u32 s26, $0x1;
	_ =	strace $0x80000055;
	[dreg:$0x1] =	wrdreg $0xFFFFFFFF  }
0xa7: {  	s28 =	simm.s32 $_size_execute0_lowered;
	s2 =	sadd.s32 s2, s4;
	[dreg:$0x0] =	wrdreg $0x0  }
0xa8: {  	s4 =	sshll.u32 s28, $0x1;
	[dreg:$0x2] =	wrdreg s2  }
0xa9: {  	[dreg:$0x3] =	wrdreg s4  }
0xaa: {  	[dreg:$0x4] =	wrdreg $0xC0  }
0xab: {  	_ =	task [dreg:s6], $0x5FFFF  }
0xac: {  	[dreg:$0x1] =	wrdreg $0xFFFFFFFF  }
0xad: {  	[dreg:$0x0] =	wrdreg $0x60  }
0xae: {  	[dreg:$0x2] =	wrdreg s24  }
0xaf: {  	[dreg:$0x3] =	wrdreg $0xA8000  }
0xb0: {  	[dreg:$0x4] =	wrdreg $0x9  }
0xb1: {  	_ =	task.clear_ibuf [dreg:s6], $0x5FFFF;
	_ =	strace $0x90000055  }
0xb2: {  	s29 =	simm.s32 $0x9;
	_ =	strace $0x80000057  }
0xb3: {  	_ =	swait.ge [sflag:s29], $0x1  }
0xb4: {  	[sflag:s29] =	ssyncadd.s32 $0xFFFFFFFF  }
0xb5: {  	_ =	strace $0x90000057  }
0xb6: {  	_ =	sfence  }
0xb7: {  	s30 =	sld [smem:$0x0];
	_ =	sdelay $0x2  }
0xb8: {  	s31 =	sshll.u32 s1, $0xD;
	s1 =	sshrl.u32 s1, $0x2  }
0xb9: {  	s3 =	sand.u32 $0x4000, s31;
	s1 =	sadd.s32 s1, s30  }
0xba: {  	s0 =	sor.u32 s3, s0;
	s1 =	sshll.u32 s1, $0x11  }
0xbb: {  	s0 =	sor.u32 s1, s0  }
0xbc: {  	s0 =	sadd.s32 $0x8F2B, s0  }
0xbd: {  	[sflag:s0] =	ssyncadd.remote.s32 $0x1  }
0xbe: {  	_ =	sfence.sel $0xFFFF  }
0xbf: {  	[dreg:$0x0] =	wrdreg $0xFFFFFFFF;
	(pc) =	sbr.abs _section_cstart, $3  }
0xc0: {  	[dreg:$0x1] =	wrdreg $0xFFFFFFFF  }
0xc1: {  	_ =	task.clear_ibuf [dreg:s6], $0x2FFFF;
	_ =	strace $0x9FFFFFFF  }
0xc2: {  	(tm) =	ssettm $0x7FFFFFFF  }
0xc3: {  	_ =	shalt  }
tec
execute0_lowered:
.L_overlay_start_1:
0x0: {  	(tag) =	ssettag $0x1  }
0x1: {  	s6 =	rddreg [dreg:$0x0]  }
0x2: {  	s1 =	rddreg [dreg:$0x1];
	s2 =	srdreg.scid  }
0x3: {  	s0 =	rddreg [dreg:$0x2];
	s3 =	simm.s32 $0x0;
	s16 =	simm.s32 $0x80  }
0x4: {  	s17 =	simm.s32 $0x2800;
	s18 =	simm.s32 $0x6800;
	s19 =	simm.s32 $0x1  }
0x5: {  	s20 =	simm.s32 $0x2;
	s21 =	simm.s32 $0x2700;
	s22 =	simm.s32 $0x2780  }
0x6: {  	s23 =	simm.s32 $0x0;
	s7 =	sand.u32 $0x1, s2;
	s2 =	stileid.u32  }
0x7: {  	[smem:$0x7FF] =	sst s3;
	s4 =	sadd.s32 $0x11E00, s6;
	s5 =	smul.u32 $0x140000, s7  }
0x8: {  	s9 =	sadd.s32 $0x62600, s6;
	s10 =	sadd.s32 $0x5600, s6;
	s8 =	smul.u32 $0x14000, s2  }
0x9: {  	_ =	strace $0x80000056;
	s11 =	sshll.u32 s7, $0x4;
	s7 =	ssub.s32 $0x2, s7  }
0xa: {  	s12 =	smul.u32 $0x50000, s2;
	s31 =	sshll.u32 s2, $0x6;
	s11 =	sor.u32 s2, s11  }
0xb: {  	s28 =	sshrl.u32 s7, $0x1;
	s8 =	sadd.s32 s8, s5;
	s5 =	sadd.s32 $0xF600, s6  }
0xc: {  	s29 =	smul.u32 $0x2800, s11;
	s14 =	ssub.s32 s7, s28;
	s30 =	sshrl.u32 s12, $0x2  }
0xd: {  	s8 =	sshrl.u32 s8, $0x3;
	s15 =	sadd.s32 s30, s1;
	s12 =	smax.u32 s14, $0x1  }
0xe: {  	s14 =	simm.s32 $0x3;
	s13 =	sadd.s32 s8, s6;
	s11 =	sshrl.u32 s29, $0x3  }
0xf: {  	s7 =	sadd.s32 s9, s11;
	s8 =	sadd.s32 s10, s11;
	s11 =	sadd.s32 $0x280, s11  }
0x10: {  	s6 =	sor.u32 $0x1C03, s31;
	s9 =	sadd.s32 s9, s11;
	s10 =	sadd.s32 s10, s11  }
0x11: {  	s11 =	sadd.s32 $0x6C600, s13;
	s13 =	sshrl.u32 s15, $0x3;
	s15 =	simm.s32 $0x1400  }
.LBB2_1:
0x12: {  	[spmem:s13], [sflag:s6] =	dma.local [hbm:s5], $0x2800  }
0x13: {  	_ =	swait.ge [sflag:s14], $0x2800  }
0x14: {  	[sflag:s14] =	ssyncset.done $0x0  }
0x15: {  	[sflag:s14] =	ssyncadd.s32 $0xFFFFD800  }
0x16: {  	[bflag:$0x0] =	sbarrier.arrive $0xFFFF  }
0x17: {  	[tilespmem:s3], [sflag:$0x3] =	stream.linear.gather [hbm4b:s7+s3], $0x1400, $0x38;
	[tilespmem:$0x1E800] =	vst v63  }
0x18: {  	_ =	swait.ge [sflag:s14], $0x1400  }
0x19: {  	[sflag:s14] =	ssyncset.done $0x0  }
0x1a: {  	[sflag:s14] =	ssyncadd.s32 $0xFFFFEC00  }
0x1b: {  	[tilespmem:s15], [sflag:$0x3] =	stream.linear.gather [hbm4b:s8+s3], $0x1400, $0x38;
	[tilespmem:$0x1E800] =	vst v63  }
0x1c: {  	_ =	swait.ge [sflag:s14], $0x1400  }
0x1d: {  	[sflag:s14] =	ssyncset.done $0x0  }
0x1e: {  	[sflag:s14] =	ssyncadd.s32 $0xFFFFEC00  }
0x1f: {  	[tilespmem:s17], [sflag:$0x1] =	stream.indirect.gather [hbm4b:s4+s16], $0x80, s3, s16, $0xb8;
	[tilespmem:$0x1E800] =	vst v63  }
0x20: {  	_ = 	snop  }
0x21: {  	[tilespmem:s18], [sflag:$0x2] =	stream.indirect.gather [hbm4b:s4+s16], $0x80, s16, s16, $0xb8;
	[tilespmem:$0x1E800] =	vst v63  }
0x22: {  	_ =	swait.ge [sflag:s19], $0x4000  }
0x23: {  	[sflag:s19] =	ssyncset.done $0x0  }
0x24: {  	s24 =	simm.s32 $0x1400;
	[sflag:s19] =	ssyncadd.s32 $0xFFFFC000  }
0x25: {  	[spmem:s1] =	stream.indirect.scatter.add.f32 [tilespmem:s17], [sflag:$0x3], $0x80, s24, s16, $0xb8;
	[tilespmem:$0x1E800] =	vst v63  }
0x26: {  	_ =	swait.ge [sflag:s14], $0x4000  }
0x27: {  	[sflag:s14] =	ssyncset.done $0x0  }
0x28: {  	s30 =	simm.s32 $0x100;
	[sflag:s14] =	ssyncadd.s32 $0xFFFFC000  }
0x29: {  	[tilespmem:s17], [sflag:$0x1] =	stream.indirect.gather [hbm4b:s4+s16], $0x80, s30, s16, $0xb8;
	[tilespmem:$0x1E800] =	vst v63  }
0x2a: {  	_ =	swait.ge [sflag:s20], $0x4000  }
0x2b: {  	[sflag:s20] =	ssyncset.done $0x0  }
0x2c: {  	s31 =	simm.s32 $0x1480;
	[sflag:s20] =	ssyncadd.s32 $0xFFFFC000  }
0x2d: {  	[spmem:s1] =	stream.indirect.scatter.add.f32 [tilespmem:s18], [sflag:$0x3], $0x80, s31, s16, $0xb8;
	[tilespmem:$0x1E800] =	vst v63  }
0x2e: {  	_ =	swait.ge [sflag:s14], $0x4000  }
0x2f: {  	[sflag:s14] =	ssyncset.done $0x0  }
0x30: {  	s25 =	simm.s32 $0x180;
	s24 =	simm.s32 $0x400;
	[sflag:s14] =	ssyncadd.s32 $0xFFFFC000  }
.LBB2_2:
0x31: {  	[tilespmem:s18], [sflag:$0x2] =	stream.indirect.gather [hbm4b:s4+s16], $0x80, s25, s16, $0xb8;
	[tilespmem:$0x1E800] =	vst v63  }
0x32: {  	s25 =	smov.u32 s24  }
0x33: {  	p0 =	sne.s32 s24, $0x4800;
	s24 =	sadd.s32 $0x400, s24;
	_ =	swait.ge [sflag:s19], $0x4000  }
0x34: {  	s25 =	sshra.s32 s25, $0x2;
	[sflag:s19] =	ssyncset.done $0x0  }
0x35: {  	s26 =	sadd.s32 $0x1400, s25;
	[sflag:s19] =	ssyncadd.s32 $0xFFFFC000  }
0x36: {  	[spmem:s1] =	stream.indirect.scatter.add.f32 [tilespmem:s17], [sflag:$0x3], $0x80, s26, s16, $0xb8;
	[tilespmem:$0x1E800] =	vst v63  }
0x37: {  	_ =	swait.ge [sflag:s14], $0x4000  }
0x38: {  	[sflag:s14] =	ssyncset.done $0x0  }
0x39: {  	s26 =	sadd.s32 $0x100, s25;
	[sflag:s14] =	ssyncadd.s32 $0xFFFFC000  }
0x3a: {  	[tilespmem:s17], [sflag:$0x1] =	stream.indirect.gather [hbm4b:s4+s16], $0x80, s26, s16, $0xb8;
	[tilespmem:$0x1E800] =	vst v63  }
0x3b: {  	_ =	swait.ge [sflag:s20], $0x4000  }
0x3c: {  	[sflag:s20] =	ssyncset.done $0x0  }
.Ltmp0:
0x3d: {  	s26 =	sadd.s32 $0x1480, s25;
	[sflag:s20] =	ssyncadd.s32 $0xFFFFC000;
	(pc) =	sbr.rel @p0 .LBB2_2-.Ltmp0, $4  }
0x3e: {  	[spmem:s1] =	stream.indirect.scatter.add.f32 [tilespmem:s18], [sflag:$0x3], $0x80, s26, s16, $0xb8;
	[tilespmem:$0x1E800] =	vst v63  }
0x3f: {  	_ =	swait.ge [sflag:s14], $0x4000  }
0x40: {  	[sflag:s14] =	ssyncset.done $0x0  }
0x41: {  	s25 =	sadd.s32 $0x180, s25;
	[sflag:s14] =	ssyncadd.s32 $0xFFFFC000  }
0x42: {  	[tilespmem:s18], [sflag:$0x2] =	stream.indirect.gather [hbm4b:s4+s16], $0x80, s25, s16, $0xb8;
	[tilespmem:$0x1E800] =	vst v63  }
0x43: {  	_ =	swait.ge [sflag:s19], $0x4000  }
0x44: {  	[sflag:s19] =	ssyncset.done $0x0  }
0x45: {  	[sflag:s19] =	ssyncadd.s32 $0xFFFFC000  }
0x46: {  	[spmem:s1] =	stream.indirect.scatter.add.f32 [tilespmem:s17], [sflag:$0x3], $0x80, s21, s16, $0xb8;
	[tilespmem:$0x1E800] =	vst v63  }
0x47: {  	_ =	swait.ge [sflag:s14], $0x4000  }
0x48: {  	[sflag:s14] =	ssyncset.done $0x0  }
0x49: {  	[sflag:s14] =	ssyncadd.s32 $0xFFFFC000  }
0x4a: {  	_ =	swait.ge [sflag:s20], $0x4000  }
0x4b: {  	[sflag:s20] =	ssyncset.done $0x0  }
0x4c: {  	[sflag:s20] =	ssyncadd.s32 $0xFFFFC000  }
0x4d: {  	[spmem:s1] =	stream.indirect.scatter.add.f32 [tilespmem:s18], [sflag:$0x3], $0x80, s22, s16, $0xb8;
	[tilespmem:$0x1E800] =	vst v63  }
0x4e: {  	_ =	swait.ge [sflag:s14], $0x4000  }
0x4f: {  	[sflag:s14] =	ssyncset.done $0x0  }
0x50: {  	s24 =	simm.s32 $0x0;
	[sflag:s14] =	ssyncadd.s32 $0xFFFFC000  }
0x51: {  	[tilespmem:s24], [sflag:$0x3] =	stream.linear.gather [hbm4b:s9+s24], $0x1400, $0x38;
	[tilespmem:$0x1E800] =	vst v63  }
0x52: {  	_ =	swait.ge [sflag:s14], $0x1400  }
0x53: {  	[sflag:s14] =	ssyncset.done $0x0  }
0x54: {  	[sflag:s14] =	ssyncadd.s32 $0xFFFFEC00  }
0x55: {  	[tilespmem:s15], [sflag:$0x3] =	stream.linear.gather [hbm4b:s10+s24], $0x1400, $0x38;
	[tilespmem:$0x1E800] =	vst v63  }
0x56: {  	_ =	swait.ge [sflag:s14], $0x1400  }
0x57: {  	[sflag:s14] =	ssyncset.done $0x0  }
0x58: {  	[sflag:s14] =	ssyncadd.s32 $0xFFFFEC00  }
0x59: {  	[tilespmem:s17], [sflag:$0x1] =	stream.indirect.gather [hbm4b:s4+s16], $0x80, s24, s16, $0xb8;
	[tilespmem:$0x1E800] =	vst v63  }
0x5a: {  	_ = 	snop  }
0x5b: {  	[tilespmem:s18], [sflag:$0x2] =	stream.indirect.gather [hbm4b:s4+s16], $0x80, s16, s16, $0xb8;
	[tilespmem:$0x1E800] =	vst v63  }
0x5c: {  	_ =	swait.ge [sflag:s19], $0x4000  }
0x5d: {  	[sflag:s19] =	ssyncset.done $0x0  }
0x5e: {  	s29 =	simm.s32 $0x1400;
	[sflag:s19] =	ssyncadd.s32 $0xFFFFC000  }
0x5f: {  	[spmem:s1] =	stream.indirect.scatter.add.f32 [tilespmem:s17], [sflag:$0x3], $0x80, s29, s16, $0xb8;
	[tilespmem:$0x1E800] =	vst v63  }
0x60: {  	_ =	swait.ge [sflag:s14], $0x4000  }
0x61: {  	[sflag:s14] =	ssyncset.done $0x0  }
0x62: {  	s30 =	simm.s32 $0x100;
	[sflag:s14] =	ssyncadd.s32 $0xFFFFC000  }
0x63: {  	[tilespmem:s17], [sflag:$0x1] =	stream.indirect.gather [hbm4b:s4+s16], $0x80, s30, s16, $0xb8;
	[tilespmem:$0x1E800] =	vst v63  }
0x64: {  	_ =	swait.ge [sflag:s20], $0x4000  }
0x65: {  	[sflag:s20] =	ssyncset.done $0x0  }
0x66: {  	s31 =	simm.s32 $0x1480;
	[sflag:s20] =	ssyncadd.s32 $0xFFFFC000  }
0x67: {  	[spmem:s1] =	stream.indirect.scatter.add.f32 [tilespmem:s18], [sflag:$0x3], $0x80, s31, s16, $0xb8;
	[tilespmem:$0x1E800] =	vst v63  }
0x68: {  	_ =	swait.ge [sflag:s14], $0x4000  }
0x69: {  	[sflag:s14] =	ssyncset.done $0x0  }
0x6a: {  	s25 =	simm.s32 $0x180;
	s24 =	simm.s32 $0x400;
	[sflag:s14] =	ssyncadd.s32 $0xFFFFC000  }
.LBB2_4:
0x6b: {  	[tilespmem:s18], [sflag:$0x2] =	stream.indirect.gather [hbm4b:s4+s16], $0x80, s25, s16, $0xb8;
	[tilespmem:$0x1E800] =	vst v63  }
0x6c: {  	s25 =	smov.u32 s24  }
0x6d: {  	p0 =	sne.s32 s24, $0x4800;
	s24 =	sadd.s32 $0x400, s24;
	_ =	swait.ge [sflag:s19], $0x4000  }
0x6e: {  	s25 =	sshra.s32 s25, $0x2;
	[sflag:s19] =	ssyncset.done $0x0  }
0x6f: {  	s26 =	sadd.s32 $0x1400, s25;
	[sflag:s19] =	ssyncadd.s32 $0xFFFFC000  }
0x70: {  	[spmem:s1] =	stream.indirect.scatter.add.f32 [tilespmem:s17], [sflag:$0x3], $0x80, s26, s16, $0xb8;
	[tilespmem:$0x1E800] =	vst v63  }
0x71: {  	_ =	swait.ge [sflag:s14], $0x4000  }
0x72: {  	[sflag:s14] =	ssyncset.done $0x0  }
0x73: {  	s26 =	sadd.s32 $0x100, s25;
	[sflag:s14] =	ssyncadd.s32 $0xFFFFC000  }
0x74: {  	[tilespmem:s17], [sflag:$0x1] =	stream.indirect.gather [hbm4b:s4+s16], $0x80, s26, s16, $0xb8;
	[tilespmem:$0x1E800] =	vst v63  }
0x75: {  	_ =	swait.ge [sflag:s20], $0x4000  }
0x76: {  	[sflag:s20] =	ssyncset.done $0x0  }
.Ltmp1:
0x77: {  	s26 =	sadd.s32 $0x1480, s25;
	[sflag:s20] =	ssyncadd.s32 $0xFFFFC000;
	(pc) =	sbr.rel @p0 .LBB2_4-.Ltmp1, $4  }
0x78: {  	[spmem:s1] =	stream.indirect.scatter.add.f32 [tilespmem:s18], [sflag:$0x3], $0x80, s26, s16, $0xb8;
	[tilespmem:$0x1E800] =	vst v63  }
0x79: {  	_ =	swait.ge [sflag:s14], $0x4000  }
0x7a: {  	[sflag:s14] =	ssyncset.done $0x0  }
0x7b: {  	s25 =	sadd.s32 $0x180, s25;
	[sflag:s14] =	ssyncadd.s32 $0xFFFFC000  }
0x7c: {  	[tilespmem:s18], [sflag:$0x2] =	stream.indirect.gather [hbm4b:s4+s16], $0x80, s25, s16, $0xb8;
	[tilespmem:$0x1E800] =	vst v63  }
0x7d: {  	_ =	swait.ge [sflag:s19], $0x4000  }
0x7e: {  	[sflag:s19] =	ssyncset.done $0x0  }
0x7f: {  	[sflag:s19] =	ssyncadd.s32 $0xFFFFC000  }
0x80: {  	[spmem:s1] =	stream.indirect.scatter.add.f32 [tilespmem:s17], [sflag:$0x3], $0x80, s21, s16, $0xb8;
	[tilespmem:$0x1E800] =	vst v63  }
0x81: {  	_ =	swait.ge [sflag:s14], $0x4000  }
0x82: {  	[sflag:s14] =	ssyncset.done $0x0  }
0x83: {  	[sflag:s14] =	ssyncadd.s32 $0xFFFFC000  }
0x84: {  	_ =	swait.ge [sflag:s20], $0x4000  }
0x85: {  	[sflag:s20] =	ssyncset.done $0x0  }
0x86: {  	[sflag:s20] =	ssyncadd.s32 $0xFFFFC000  }
0x87: {  	[spmem:s1] =	stream.indirect.scatter.add.f32 [tilespmem:s18], [sflag:$0x3], $0x80, s22, s16, $0xb8;
	[tilespmem:$0x1E800] =	vst v63  }
0x88: {  	_ =	swait.ge [sflag:s14], $0x4000  }
0x89: {  	s23 =	sadd.s32 $0x1, s23;
	[sflag:s14] =	ssyncset.done $0x0  }
0x8a: {  	p0 =	sne.s32 s23, s12;
	[sflag:s14] =	ssyncadd.s32 $0xFFFFC000  }
.Ltmp2:
0x8b: {  	[bflag:$0x0] =	sbarrier.arrive $0xFFFF;
	(pc) =	sbr.rel @p0 .LBB2_1-.Ltmp2, $4  }
0x8c: {  	[hbm:s11], [sflag:s6] =	dma.local [spmem:s13], $0x2800  }
0x8d: {  	_ =	swait.ge [sflag:s14], $0x2800  }
0x8e: {  	[sflag:s14] =	ssyncset.done $0x0  }
0x8f: {  	[sflag:s14] =	ssyncadd.s32 $0xFFFFD800  }
0x90: {  	_ =	sfence.sel $0x180000  }
0x91: {  	[bflag:$0x0] =	sbarrier.arrive $0xFFFF  }
0x92: {  	p0 =	sne.s32 s2, $0x0;
	_ =	strace $0x90000056  }
0x93: {  	s0 =	sadd.s32 @!p0 $0x100000, s0;
	[bflag:$0x2] =	sbarrier.arrive $0xFFFF  }
0x94: {  	[sflag:s0] =	ssyncadd.tile.s32 @!p0 $0x1;
	_ =	shalt  }
.Lfunc_end2:
_tile_overlayer_lowered:
.L_overlay_start_2:
0x95: {  	(tag) =	ssettag $0x2  }
0x96: {  	s0 =	rddreg [dreg:$0x0];
	s2 =	stileid.u32  }
0x97: {  	s1 =	rddreg [dreg:$0x1];
	p0 =	sne.s32 s2, $0x0  }
0x98: {  	s3 =	rddreg [dreg:$0x2];
	[bflag:$0x3] =	sbarrier.arrive $0xFFFF;
	s2 =	simm.s32 @!p0 $0x1C03  }
0x99: {  	[timem:s3], [sflag:s2] =	dma.local @!p0 [hbm:s0], s1  }
0x9a: {  	s0 =	simm.s32 @!p0 $0x3  }
0x9b: {  	_ =	swait.ge @!p0 [sflag:s0], s1  }
0x9c: {  	s1 =	ssub.s32 @!p0 $0x0, s1;
	[sflag:s0] =	ssyncset.done @!p0 $0x0  }
0x9d: {  	[sflag:s0] =	ssyncadd.s32 @!p0 s1  }
0x9e: {  	[bflag:$0x3] =	sbarrier.arrive $0xFFFF  }
0x9f: {  	_ =	shalt  }

</sc_bundles>
